<compile_context>
chip_gen: v7x
topology: tpu7x:2x2x1
jax: 0.10.2.dev20260603
libtpu: 0.0.44.dev20260713+nightly
codegen_flags: <defaults>
</compile_context>

<pallas_src>
import functools

import numpy as np
import jax
import jax.numpy as jnp
from jax import lax
from jax.experimental import pallas as pl
from jax.experimental.pallas import tpu as pltpu
from jax.experimental.pallas import tpu_sc as plsc

HIDDEN = 1024
HHALF = HIDDEN // 2
TABLE_SIZE = 16384
NUM_TABLES = 4
NUM_LOOKUPS = 8
EPS = 1e-6
SCALE = 1.0 / (HIDDEN ** 0.5)

NUM_CORES = 2
NUM_SUBCORES = 16
NW = NUM_CORES * NUM_SUBCORES
CHUNK = 32
LANES = 16


def _build_sc_gather(B, S):
    TOK = B * S
    TPW = TOK // NW
    SPB = S // TPW
    PADS = S + 8
    ROWS_PW = TPW * NUM_LOOKUPS
    NCHUNK = ROWS_PW // CHUNK
    CPS = TPW // CHUNK

    mesh = plsc.VectorSubcoreMesh(core_axis_name="c", subcore_axis_name="s")

    @functools.partial(
        pl.kernel,
        mesh=mesh,
        out_type=jax.ShapeDtypeStruct((NUM_LOOKUPS * TOK, HHALF), jnp.int32),
        scratch_types=[
            pltpu.VMEM((TPW + 8,), jnp.int32),
            pltpu.VMEM((12, LANES), jnp.int32),
            pltpu.VMEM((ROWS_PW,), jnp.int32),
            pltpu.VMEM((CHUNK, HIDDEN), jnp.float32),
            pltpu.VMEM((CHUNK, HIDDEN), jnp.float32),
            pltpu.VMEM((CHUNK, HHALF), jnp.int32),
            pltpu.VMEM((CHUNK, HHALF), jnp.int32),
            pltpu.SemaphoreType.DMA,
            pltpu.SemaphoreType.DMA,
            pltpu.SemaphoreType.DMA,
            pltpu.SemaphoreType.DMA,
        ],
    )
    def sc_gather(tok_hbm, coef_hbm, table_hbm, eng_hbm,
                  tkn_v, coef_v, idx_v, fb0, fb1, pb0, pb1,
                  sg0, sg1, so0, so1):
        w = lax.axis_index("s") * NUM_CORES + lax.axis_index("c")
        w = w.astype(jnp.int32)
        spb = jnp.int32(SPB)
        bb = lax.div(w, spb)
        s0 = lax.rem(w, spb) * TPW
        off = bb * PADS + s0

        pltpu.sync_copy(tok_hbm.at[pl.ds(off, TPW + 8)], tkn_v)
        pltpu.sync_copy(coef_hbm, coef_v)

        csp = [[coef_v[k * 3 + j, :] for j in range(3)]
               for k in range(NUM_TABLES)]
        mvec = jnp.full((LANES,), TABLE_SIZE, jnp.int32)

        def hash_body(g, carry):
            base = g * LANES
            t0 = tkn_v[pl.ds(8 + base, LANES)]
            t1 = tkn_v[pl.ds(7 + base, LANES)]
            t2 = tkn_v[pl.ds(6 + base, LANES)]
            m0 = lax.rem(t0, mvec)
            m1 = lax.rem(t1, mvec)
            m2 = lax.rem(t2, mvec)
            for kk in range(NUM_LOOKUPS):
                if kk < NUM_TABLES:
                    k = kk
                    h = lax.rem(csp[k][0] * m1 + csp[k][1] * m0, mvec)
                else:
                    k = kk - NUM_TABLES
                    h = lax.rem(csp[k][0] * m2 + csp[k][1] * m1 + csp[k][2] * m0, mvec)
                idx_v[pl.ds(kk * TPW + base, LANES)] = h + kk * TABLE_SIZE
            return carry

        lax.fori_loop(jnp.int32(0), jnp.int32(TPW // LANES), hash_body,
                      jnp.int32(0))

        fbufs = (fb0, fb1)
        pbufs = (pb0, pb1)
        gsems = (sg0, sg1)
        osems = (so0, so1)

        def g_copy(it, p):
            it = jnp.asarray(it, jnp.int32)
            return pltpu.make_async_copy(
                table_hbm.at[idx_v.at[pl.ds(it * CHUNK, CHUNK)]],
                fbufs[p], gsems[p])

        def o_copy(it, p):
            it = jnp.asarray(it, jnp.int32)
            cps = jnp.int32(CPS)
            kk = lax.div(it, cps)
            c = lax.rem(it, cps)
            base_row = kk * TOK + w * TPW + c * CHUNK
            return pltpu.make_async_copy(
                pbufs[p], eng_hbm.at[pl.ds(base_row, CHUNK)], osems[p])

        rnd = jnp.full((LANES,), 0x8000, jnp.int32)
        hi_mask = jnp.full((LANES,), -65536, jnp.int32)
        sixteen = jnp.full((LANES,), 16, jnp.int32)

        def pack_chunk(p):
            fb = fbufs[p]
            pb = pbufs[p]

            @plsc.parallel_loop(jnp.int32(0), jnp.int32(CHUNK),
                                step=jnp.int32(1), unroll=4)
            def row_body(r):
                for v in range(HHALF // LANES):
                    a = fb[r, pl.ds(v * LANES, LANES)]
                    b = fb[r, pl.ds(HHALF + v * LANES, LANES)]
                    ia = lax.bitcast_convert_type(a, jnp.int32) + rnd
                    ib = lax.bitcast_convert_type(b, jnp.int32) + rnd
                    word = lax.shift_right_logical(ia, sixteen) | (ib & hi_mask)
                    pb[r, pl.ds(v * LANES, LANES)] = word

        g_copy(0, 0).start()

        def step(it, p):
            @pl.when(it + 1 <= NCHUNK - 1)
            def _():
                g_copy(it + 1, 1 - p).start()

            g_copy(it, p).wait()

            @pl.when(it >= 2)
            def _():
                o_copy(it - 2, p).wait()

            pack_chunk(p)
            o_copy(it, p).start()

        def pipe(kq, carry):
            it = kq * 2
            step(it, 0)
            step(it + 1, 1)
            return carry

        lax.fori_loop(jnp.int32(0), jnp.int32(NCHUNK // 2), pipe, jnp.int32(0))
        o_copy(NCHUNK - 2, 0).wait()
        o_copy(NCHUNK - 1, 1).wait()

    return sc_gather


def _build_tc_fuse(TOK):
    TB = 256
    grid = (TOK // TB,)

    def body(h_ref, e_ref, nh_ref, ne_ref, b_ref, o_ref):
        h = h_ref[...]
        e32 = e_ref[...]
        ea = lax.bitcast_convert_type(e32 << 16, jnp.float32)
        eb = lax.bitcast_convert_type(e32 & jnp.int32(-65536), jnp.float32)
        wprod = nh_ref[...] * ne_ref[...]
        var_h = jnp.mean(h * h, axis=-1, keepdims=True)
        a_t = lax.rsqrt(var_h + EPS) * SCALE
        q = h * wprod
        qa = q[:, :HHALF]
        qb = q[:, HHALF:]
        dots = (jnp.sum(qa[None, :, :] * ea, axis=-1)
                + jnp.sum(qb[None, :, :] * eb, axis=-1))
        sqs = (jnp.sum(ea * ea, axis=-1)
               + jnp.sum(eb * eb, axis=-1)) * (1.0 / HIDDEN)
        score = a_t[None, :, 0] * lax.rsqrt(sqs + EPS) * dots + b_ref[0, 0]
        alpha = jax.nn.sigmoid(score)
        ca = jnp.sum(alpha[:, :, None] * ea, axis=0)
        cb = jnp.sum(alpha[:, :, None] * eb, axis=0)
        o_ref[...] = h + jnp.concatenate([ca, cb], axis=-1)

    z = np.int32(0)
    return pl.pallas_call(
        body,
        grid=grid,
        in_specs=[
            pl.BlockSpec((TB, HIDDEN), lambda i: (i, z)),
            pl.BlockSpec((NUM_LOOKUPS, TB, HHALF), lambda i: (z, i, z)),
            pl.BlockSpec((1, HIDDEN), lambda i: (z, z)),
            pl.BlockSpec((1, HIDDEN), lambda i: (z, z)),
            pl.BlockSpec((1, 1), lambda i: (z, z)),
        ],
        out_specs=pl.BlockSpec((TB, HIDDEN), lambda i: (i, z)),
        out_shape=jax.ShapeDtypeStruct((TOK, HIDDEN), jnp.float32),
    )


def kernel(token_ids, hidden_states, table, coeffs, norm_h_w, norm_e_w, bias):
    B, S = token_ids.shape
    TOK = B * S
    tok_flat = jnp.pad(token_ids.astype(jnp.int32), ((0, 0), (8, 0))).reshape(-1)
    coef_splat = jnp.broadcast_to(
        coeffs.astype(jnp.int32).reshape(-1)[:, None], (12, LANES))

    eng = _build_sc_gather(B, S)(tok_flat, coef_splat, table.astype(jnp.float32))
    eng3 = eng.reshape(NUM_LOOKUPS, TOK, HHALF)

    out = _build_tc_fuse(TOK)(
        hidden_states.reshape(TOK, HIDDEN),
        eng3,
        norm_h_w.reshape(1, HIDDEN).astype(jnp.float32),
        norm_e_w.reshape(1, HIDDEN).astype(jnp.float32),
        bias.reshape(1, 1).astype(jnp.float32),
    )
    return out.reshape(B, S, HIDDEN)

# --- scband reference (transcript-rebuilt; emitter-appended) ---
"""Pipeline reference for scband-engram-module-72292889526408 (READ-ONLY COPY).

The authoritative reference and input builder live on the scoring server;
editing this copy changes nothing except your own understanding.
"""

import jax, jax.numpy as jnp
import numpy as np
jax.config.update('jax_enable_x64', True)

HIDDEN = 1024
TABLE_SIZE = 16384
NUM_TABLES = 4
NGRAM_SIZES = [2, 3]
VOCAB = 248320
GATE_BIAS = -1.0
EPS = 1e-6
NUM_LOOKUPS = NUM_TABLES * len(NGRAM_SIZES)
SCALE = 1.0 / float(np.sqrt(HIDDEN))
B, S = 4, 2048


def setup_inputs(seed: int = 0) -> dict:
    key = jax.random.key(seed)
    k1, k2, k3, k4 = jax.random.split(key, 4)
    token_ids = jax.random.randint(k1, (B, S), 0, VOCAB, dtype=jnp.int64)
    hidden_states = jax.random.normal(k2, (B, S, HIDDEN), dtype=jnp.float32)
    table = jax.random.normal(k3, (NUM_LOOKUPS * TABLE_SIZE, HIDDEN), dtype=jnp.float32) * 0.01
    coeffs = jax.random.randint(k4, (NUM_TABLES, max(NGRAM_SIZES)), 1, TABLE_SIZE, dtype=jnp.int64)
    norm_h_w = jnp.ones((HIDDEN,), dtype=jnp.float32)
    norm_e_w = jnp.ones((HIDDEN,), dtype=jnp.float32)
    bias = jnp.array(GATE_BIAS, dtype=jnp.float32)
    return {'token_ids': token_ids, 'hidden_states': hidden_states, 'table': table,
            'coeffs': coeffs, 'norm_h_w': norm_h_w, 'norm_e_w': norm_e_w, 'bias': bias}


def _hash_indices(token_ids, coeffs):
    all_idx = []
    for n in NGRAM_SIZES:
        padded = jnp.pad(token_ids, ((0, 0), (n - 1, 0)), constant_values=0)
        for k in range(NUM_TABLES):
            h = jnp.zeros((B, S), dtype=jnp.int64)
            for j in range(n):
                h = h + coeffs[k, j] * padded[:, j:j + S]
            all_idx.append(h % TABLE_SIZE)
    return jnp.stack(all_idx, axis=-1)  # [B, S, NUM_LOOKUPS]


def _rmsnorm(x, w):
    var = jnp.mean(x * x, axis=-1, keepdims=True)
    return x * jax.lax.rsqrt(var + EPS) * w


def reference(token_ids, hidden_states, table, coeffs, norm_h_w, norm_e_w, bias):
    indices = _hash_indices(token_ids, coeffs)
    offsets = jnp.arange(NUM_LOOKUPS, dtype=jnp.int64) * TABLE_SIZE
    offset_indices = indices + offsets[None, None, :]
    engrams = jnp.take(table, offset_indices, axis=0)  # [B, S, K, H]
    h_norm = _rmsnorm(hidden_states, norm_h_w)
    e_norm = _rmsnorm(engrams, norm_e_w)
    scores = jnp.einsum('bsh,bskh->bsk', h_norm, e_norm) * SCALE
    alphas = jax.nn.sigmoid(scores + bias)
    contribution = jnp.einsum('bsk,bskh->bsh', alphas, engrams)
    enriched = hidden_states + contribution
    return enriched

if __name__ == "__main__":
    import jax
    _d = setup_inputs()
    print(jax.jit(kernel)(*tuple(_d.values())))

</pallas_src>

<mosaic_0001>
#map = affine_map<(d0, d1) -> (0)>
#map1 = affine_map<(d0, d1) -> (0, 0)>
module attributes {stable_mosaic.version = 14 : i64} {
  func.func @sc_gather(%arg0: i32, %arg1: i32, %arg2: memref<8224xi32, #tpu.memory_space<hbm>>, %arg3: memref<12x16xi32, #tpu.memory_space<hbm>>, %arg4: memref<131072x1024xf32, #tpu.memory_space<hbm>>, %arg5: memref<65536x512xi32, #tpu.memory_space<hbm>>, %arg6: memref<264xi32, #tpu.memory_space<vmem>>, %arg7: memref<12x16xi32, #tpu.memory_space<vmem>>, %arg8: memref<2048xi32, #tpu.memory_space<vmem>>, %arg9: memref<32x1024xf32, #tpu.memory_space<vmem>>, %arg10: memref<32x1024xf32, #tpu.memory_space<vmem>>, %arg11: memref<32x512xi32, #tpu.memory_space<vmem>>, %arg12: memref<32x512xi32, #tpu.memory_space<vmem>>, %arg13: memref<!tpu.dma_semaphore, #tpu.memory_space<semaphore_mem>>, %arg14: memref<!tpu.dma_semaphore, #tpu.memory_space<semaphore_mem>>, %arg15: memref<!tpu.dma_semaphore, #tpu.memory_space<semaphore_mem>>, %arg16: memref<!tpu.dma_semaphore, #tpu.memory_space<semaphore_mem>>) attributes {dimension_semantics = [#tpu.dimension_semantics<core_parallel>, #tpu.dimension_semantics<subcore_parallel>], iteration_bounds = array<i64: 2, 16>, scalar_prefetch = 0 : i64, scratch_operands = 11 : i64, tpu.core_type = #tpu.core_type<sc_vector_subcore>, window_params = [{transform_indices = #map}, {transform_indices = #map1}, {transform_indices = #map1}, {transform_indices = #map1}]} {
    %mul3A = arith.constant 2 : i32
    %mul3A_0 = arith.muli %arg1, %mul3A : i32
    %add3A = arith.addi %mul3A_0, %arg0 : i32
    %div3A = arith.constant 8 : i32
    %div3A_1 = arith.divsi %add3A, %div3A : i32
    %rem3A = arith.constant 8 : i32
    %rem3A_2 = arith.remsi %add3A, %rem3A : i32
    %mul3A_3 = arith.constant 256 : i32
    %mul3A_4 = arith.muli %rem3A_2, %mul3A_3 : i32
    %mul3A_5 = arith.constant 2056 : i32
    %mul3A_6 = arith.muli %div3A_1, %mul3A_5 : i32
    %add3A_7 = arith.addi %mul3A_6, %mul3A_4 : i32
    "tpu.region"() ({
      %run_scoped3A = tpu.sem_alloc : memref<!tpu.dma_semaphore, #tpu.memory_space<semaphore_mem>>
      %dma_start3A_136 = tpu.memref_slice %arg2[%add3A_7] : memref<8224xi32, #tpu.memory_space<hbm>> -> memref<264xi32, #tpu.memory_space<hbm>>
      %dma_start3A_137 = tpu.memref_slice %arg2[%add3A_7] : memref<8224xi32, #tpu.memory_space<hbm>> -> memref<264xi32, #tpu.memory_space<hbm>>
      tpu.enqueue_dma source(%dma_start3A_137 : memref<264xi32, #tpu.memory_space<hbm>>) target(%arg6 : memref<264xi32, #tpu.memory_space<vmem>>) target_semaphore(%run_scoped3A : memref<!tpu.dma_semaphore, #tpu.memory_space<semaphore_mem>>)
      %dma_wait3A_138 = tpu.memref_slice %arg2[%add3A_7] : memref<8224xi32, #tpu.memory_space<hbm>> -> memref<264xi32, #tpu.memory_space<hbm>>
      %dma_wait3A_139 = tpu.memref_slice %arg2[%add3A_7] : memref<8224xi32, #tpu.memory_space<hbm>> -> memref<264xi32, #tpu.memory_space<hbm>>
      tpu.wait_dma2 semaphore(%run_scoped3A : memref<!tpu.dma_semaphore, #tpu.memory_space<semaphore_mem>>) src(%dma_wait3A_139 : memref<264xi32, #tpu.memory_space<hbm>>) dst(%arg6 : memref<264xi32, #tpu.memory_space<vmem>>)
      tpu.yield
    }) : () -> ()
    "tpu.region"() ({
      %run_scoped3A = tpu.sem_alloc : memref<!tpu.dma_semaphore, #tpu.memory_space<semaphore_mem>>
      tpu.enqueue_dma source(%arg3 : memref<12x16xi32, #tpu.memory_space<hbm>>) target(%arg7 : memref<12x16xi32, #tpu.memory_space<vmem>>) target_semaphore(%run_scoped3A : memref<!tpu.dma_semaphore, #tpu.memory_space<semaphore_mem>>)
      tpu.wait_dma2 semaphore(%run_scoped3A : memref<!tpu.dma_semaphore, #tpu.memory_space<semaphore_mem>>) src(%arg3 : memref<12x16xi32, #tpu.memory_space<hbm>>) dst(%arg7 : memref<12x16xi32, #tpu.memory_space<vmem>>)
      tpu.yield
    }) : () -> ()
    %get3A = arith.constant 0 : i64
    %get3A_8 = arith.index_cast %get3A : i64 to index
    %get3A_9 = arith.constant 0 : index
    %get3A_10 = tpu.vector_load %arg7[%get3A_8, %get3A_9] {strides = array<i32>} : memref<12x16xi32, #tpu.memory_space<vmem>>, vector<1x16xi32>,
    %get3A_11 = vector.shape_cast %get3A_10 : vector<1x16xi32> to vector<16xi32>
    %get3A_12 = arith.constant 1 : i64
    %get3A_13 = arith.index_cast %get3A_12 : i64 to index
    %get3A_14 = arith.constant 0 : index
    %get3A_15 = tpu.vector_load %arg7[%get3A_13, %get3A_14] {strides = array<i32>} : memref<12x16xi32, #tpu.memory_space<vmem>>, vector<1x16xi32>,
    %get3A_16 = vector.shape_cast %get3A_15 : vector<1x16xi32> to vector<16xi32>
    %get3A_17 = arith.constant 2 : i64
    %get3A_18 = arith.index_cast %get3A_17 : i64 to index
    %get3A_19 = arith.constant 0 : index
    %get3A_20 = tpu.vector_load %arg7[%get3A_18, %get3A_19] {strides = array<i32>} : memref<12x16xi32, #tpu.memory_space<vmem>>, vector<1x16xi32>,
    %get3A_21 = vector.shape_cast %get3A_20 : vector<1x16xi32> to vector<16xi32>
    %get3A_22 = arith.constant 3 : i64
    %get3A_23 = arith.index_cast %get3A_22 : i64 to index
    %get3A_24 = arith.constant 0 : index
    %get3A_25 = tpu.vector_load %arg7[%get3A_23, %get3A_24] {strides = array<i32>} : memref<12x16xi32, #tpu.memory_space<vmem>>, vector<1x16xi32>,
    %get3A_26 = vector.shape_cast %get3A_25 : vector<1x16xi32> to vector<16xi32>
    %get3A_27 = arith.constant 4 : i64
    %get3A_28 = arith.index_cast %get3A_27 : i64 to index
    %get3A_29 = arith.constant 0 : index
    %get3A_30 = tpu.vector_load %arg7[%get3A_28, %get3A_29] {strides = array<i32>} : memref<12x16xi32, #tpu.memory_space<vmem>>, vector<1x16xi32>,
    %get3A_31 = vector.shape_cast %get3A_30 : vector<1x16xi32> to vector<16xi32>
    %get3A_32 = arith.constant 5 : i64
    %get3A_33 = arith.index_cast %get3A_32 : i64 to index
    %get3A_34 = arith.constant 0 : index
    %get3A_35 = tpu.vector_load %arg7[%get3A_33, %get3A_34] {strides = array<i32>} : memref<12x16xi32, #tpu.memory_space<vmem>>, vector<1x16xi32>,
    %get3A_36 = vector.shape_cast %get3A_35 : vector<1x16xi32> to vector<16xi32>
    %get3A_37 = arith.constant 6 : i64
    %get3A_38 = arith.index_cast %get3A_37 : i64 to index
    %get3A_39 = arith.constant 0 : index
    %get3A_40 = tpu.vector_load %arg7[%get3A_38, %get3A_39] {strides = array<i32>} : memref<12x16xi32, #tpu.memory_space<vmem>>, vector<1x16xi32>,
    %get3A_41 = vector.shape_cast %get3A_40 : vector<1x16xi32> to vector<16xi32>
    %get3A_42 = arith.constant 7 : i64
    %get3A_43 = arith.index_cast %get3A_42 : i64 to index
    %get3A_44 = arith.constant 0 : index
    %get3A_45 = tpu.vector_load %arg7[%get3A_43, %get3A_44] {strides = array<i32>} : memref<12x16xi32, #tpu.memory_space<vmem>>, vector<1x16xi32>,
    %get3A_46 = vector.shape_cast %get3A_45 : vector<1x16xi32> to vector<16xi32>
    %get3A_47 = arith.constant 8 : i64
    %get3A_48 = arith.index_cast %get3A_47 : i64 to index
    %get3A_49 = arith.constant 0 : index
    %get3A_50 = tpu.vector_load %arg7[%get3A_48, %get3A_49] {strides = array<i32>} : memref<12x16xi32, #tpu.memory_space<vmem>>, vector<1x16xi32>,
    %get3A_51 = vector.shape_cast %get3A_50 : vector<1x16xi32> to vector<16xi32>
    %get3A_52 = arith.constant 9 : i64
    %get3A_53 = arith.index_cast %get3A_52 : i64 to index
    %get3A_54 = arith.constant 0 : index
    %get3A_55 = tpu.vector_load %arg7[%get3A_53, %get3A_54] {strides = array<i32>} : memref<12x16xi32, #tpu.memory_space<vmem>>, vector<1x16xi32>,
    %get3A_56 = vector.shape_cast %get3A_55 : vector<1x16xi32> to vector<16xi32>
    %get3A_57 = arith.constant 10 : i64
    %get3A_58 = arith.index_cast %get3A_57 : i64 to index
    %get3A_59 = arith.constant 0 : index
    %get3A_60 = tpu.vector_load %arg7[%get3A_58, %get3A_59] {strides = array<i32>} : memref<12x16xi32, #tpu.memory_space<vmem>>, vector<1x16xi32>,
    %get3A_61 = vector.shape_cast %get3A_60 : vector<1x16xi32> to vector<16xi32>
    %get3A_62 = arith.constant 11 : i64
    %get3A_63 = arith.index_cast %get3A_62 : i64 to index
    %get3A_64 = arith.constant 0 : index
    %get3A_65 = tpu.vector_load %arg7[%get3A_63, %get3A_64] {strides = array<i32>} : memref<12x16xi32, #tpu.memory_space<vmem>>, vector<1x16xi32>,
    %get3A_66 = vector.shape_cast %get3A_65 : vector<1x16xi32> to vector<16xi32>
    %broadcast_in_dim3A = arith.constant 16384 : i32
    %broadcast_in_dim3A_67 = vector.broadcast %broadcast_in_dim3A : i32 to vector<16xi32>
    %while3A = arith.constant 0 : i32
    %while3A_68 = arith.constant 0 : i32
    %while3A_69 = arith.constant 16 : i32
    %while3A_70 = arith.subi %while3A_69, %while3A_68 : i32
    %while3A_71 = arith.addi %while3A_68, %while3A_70 : i32
    %while3A_72 = arith.constant 1 : i32
    %while3A_73 = arith.divsi %while3A_70, %while3A_72 : i32
    %while3A_74 = arith.muli %while3A_73, %while3A_72 : i32
    %while3A_75 = arith.addi %while3A_68, %while3A_74 : i32
    %while3A_76 = arith.constant 1 : i32
    scf.for %while3A_136 = %while3A_68 to %while3A_75 step %while3A_76  : i32 {
      %mul3A_137 = arith.constant 16 : i32
      %mul3A_138 = arith.muli %while3A_136, %mul3A_137 : i32
      %add3A_139 = arith.constant 8 : i32
      %add3A_140 = arith.addi %add3A_139, %mul3A_138 : i32
      %get3A_141 = arith.index_cast %add3A_140 : i32 to index
      %get3A_142 = tpu.vector_load %arg6[%get3A_141] {strides = array<i32>} : memref<264xi32, #tpu.memory_space<vmem>>, vector<16xi32>,
      %get3A_143 = vector.shape_cast %get3A_142 : vector<16xi32> to vector<16xi32>
      %add3A_144 = arith.constant 7 : i32
      %add3A_145 = arith.addi %add3A_144, %mul3A_138 : i32
      %get3A_146 = arith.index_cast %add3A_145 : i32 to index
      %get3A_147 = tpu.vector_load %arg6[%get3A_146] {strides = array<i32>} : memref<264xi32, #tpu.memory_space<vmem>>, vector<16xi32>,
      %get3A_148 = vector.shape_cast %get3A_147 : vector<16xi32> to vector<16xi32>
      %add3A_149 = arith.constant 6 : i32
      %add3A_150 = arith.addi %add3A_149, %mul3A_138 : i32
      %get3A_151 = arith.index_cast %add3A_150 : i32 to index
      %get3A_152 = tpu.vector_load %arg6[%get3A_151] {strides = array<i32>} : memref<264xi32, #tpu.memory_space<vmem>>, vector<16xi32>,
      %get3A_153 = vector.shape_cast %get3A_152 : vector<16xi32> to vector<16xi32>
      %rem3A_154 = arith.remsi %get3A_143, %broadcast_in_dim3A_67 : vector<16xi32>
      %rem3A_155 = arith.remsi %get3A_148, %broadcast_in_dim3A_67 : vector<16xi32>
      %rem3A_156 = arith.remsi %get3A_153, %broadcast_in_dim3A_67 : vector<16xi32>
      %mul3A_157 = arith.muli %get3A_11, %rem3A_155 : vector<16xi32>
      %mul3A_158 = arith.muli %get3A_16, %rem3A_154 : vector<16xi32>
      %add3A_159 = arith.addi %mul3A_157, %mul3A_158 : vector<16xi32>
      %rem3A_160 = arith.remsi %add3A_159, %broadcast_in_dim3A_67 : vector<16xi32>
      %add3A_161 = arith.constant 0 : i32
      %add3A_162 = vector.broadcast %add3A_161 : i32 to vector<16xi32>
      %add3A_163 = arith.addi %rem3A_160, %add3A_162 : vector<16xi32>
      %add3A_164 = arith.constant 0 : i32
      %add3A_165 = arith.addi %add3A_164, %mul3A_138 : i32
      %swap3A = arith.index_cast %add3A_165 : i32 to index
      %swap3A_166 = tpu.vector_load %arg8[%swap3A] {strides = array<i32>} : memref<2048xi32, #tpu.memory_space<vmem>>, vector<16xi32>,
      %swap3A_167 = vector.shape_cast %swap3A_166 : vector<16xi32> to vector<16xi32>
      %swap3A_168 = vector.shape_cast %add3A_163 : vector<16xi32> to vector<16xi32>
      tpu.vector_store %arg8[%swap3A], %swap3A_168 {strides = array<i32>} : memref<2048xi32, #tpu.memory_space<vmem>>, vector<16xi32>,
      %mul3A_169 = arith.muli %get3A_26, %rem3A_155 : vector<16xi32>
      %mul3A_170 = arith.muli %get3A_31, %rem3A_154 : vector<16xi32>
      %add3A_171 = arith.addi %mul3A_169, %mul3A_170 : vector<16xi32>
      %rem3A_172 = arith.remsi %add3A_171, %broadcast_in_dim3A_67 : vector<16xi32>
      %add3A_173 = arith.constant 16384 : i32
      %add3A_174 = vector.broadcast %add3A_173 : i32 to vector<16xi32>
      %add3A_175 = arith.addi %rem3A_172, %add3A_174 : vector<16xi32>
      %add3A_176 = arith.constant 256 : i32
      %add3A_177 = arith.addi %add3A_176, %mul3A_138 : i32
      %swap3A_178 = arith.index_cast %add3A_177 : i32 to index
      %swap3A_179 = tpu.vector_load %arg8[%swap3A_178] {strides = array<i32>} : memref<2048xi32, #tpu.memory_space<vmem>>, vector<16xi32>,
      %swap3A_180 = vector.shape_cast %swap3A_179 : vector<16xi32> to vector<16xi32>
      %swap3A_181 = vector.shape_cast %add3A_175 : vector<16xi32> to vector<16xi32>
      tpu.vector_store %arg8[%swap3A_178], %swap3A_181 {strides = array<i32>} : memref<2048xi32, #tpu.memory_space<vmem>>, vector<16xi32>,
      %mul3A_182 = arith.muli %get3A_41, %rem3A_155 : vector<16xi32>
      %mul3A_183 = arith.muli %get3A_46, %rem3A_154 : vector<16xi32>
      %add3A_184 = arith.addi %mul3A_182, %mul3A_183 : vector<16xi32>
      %rem3A_185 = arith.remsi %add3A_184, %broadcast_in_dim3A_67 : vector<16xi32>
      %add3A_186 = arith.constant 32768 : i32
      %add3A_187 = vector.broadcast %add3A_186 : i32 to vector<16xi32>
      %add3A_188 = arith.addi %rem3A_185, %add3A_187 : vector<16xi32>
      %add3A_189 = arith.constant 512 : i32
      %add3A_190 = arith.addi %add3A_189, %mul3A_138 : i32
      %swap3A_191 = arith.index_cast %add3A_190 : i32 to index
      %swap3A_192 = tpu.vector_load %arg8[%swap3A_191] {strides = array<i32>} : memref<2048xi32, #tpu.memory_space<vmem>>, vector<16xi32>,
      %swap3A_193 = vector.shape_cast %swap3A_192 : vector<16xi32> to vector<16xi32>
      %swap3A_194 = vector.shape_cast %add3A_188 : vector<16xi32> to vector<16xi32>
      tpu.vector_store %arg8[%swap3A_191], %swap3A_194 {strides = array<i32>} : memref<2048xi32, #tpu.memory_space<vmem>>, vector<16xi32>,
      %mul3A_195 = arith.muli %get3A_56, %rem3A_155 : vector<16xi32>
      %mul3A_196 = arith.muli %get3A_61, %rem3A_154 : vector<16xi32>
      %add3A_197 = arith.addi %mul3A_195, %mul3A_196 : vector<16xi32>
      %rem3A_198 = arith.remsi %add3A_197, %broadcast_in_dim3A_67 : vector<16xi32>
      %add3A_199 = arith.constant 49152 : i32
      %add3A_200 = vector.broadcast %add3A_199 : i32 to vector<16xi32>
      %add3A_201 = arith.addi %rem3A_198, %add3A_200 : vector<16xi32>
      %add3A_202 = arith.constant 768 : i32
      %add3A_203 = arith.addi %add3A_202, %mul3A_138 : i32
      %swap3A_204 = arith.index_cast %add3A_203 : i32 to index
      %swap3A_205 = tpu.vector_load %arg8[%swap3A_204] {strides = array<i32>} : memref<2048xi32, #tpu.memory_space<vmem>>, vector<16xi32>,
      %swap3A_206 = vector.shape_cast %swap3A_205 : vector<16xi32> to vector<16xi32>
      %swap3A_207 = vector.shape_cast %add3A_201 : vector<16xi32> to vector<16xi32>
      tpu.vector_store %arg8[%swap3A_204], %swap3A_207 {strides = array<i32>} : memref<2048xi32, #tpu.memory_space<vmem>>, vector<16xi32>,
      %mul3A_208 = arith.muli %get3A_11, %rem3A_156 : vector<16xi32>
      %mul3A_209 = arith.muli %get3A_16, %rem3A_155 : vector<16xi32>
      %add3A_210 = arith.addi %mul3A_208, %mul3A_209 : vector<16xi32>
      %mul3A_211 = arith.muli %get3A_21, %rem3A_154 : vector<16xi32>
      %add3A_212 = arith.addi %add3A_210, %mul3A_211 : vector<16xi32>
      %rem3A_213 = arith.remsi %add3A_212, %broadcast_in_dim3A_67 : vector<16xi32>
      %add3A_214 = arith.constant 65536 : i32
      %add3A_215 = vector.broadcast %add3A_214 : i32 to vector<16xi32>
      %add3A_216 = arith.addi %rem3A_213, %add3A_215 : vector<16xi32>
      %add3A_217 = arith.constant 1024 : i32
      %add3A_218 = arith.addi %add3A_217, %mul3A_138 : i32
      %swap3A_219 = arith.index_cast %add3A_218 : i32 to index
      %swap3A_220 = tpu.vector_load %arg8[%swap3A_219] {strides = array<i32>} : memref<2048xi32, #tpu.memory_space<vmem>>, vector<16xi32>,
      %swap3A_221 = vector.shape_cast %swap3A_220 : vector<16xi32> to vector<16xi32>
      %swap3A_222 = vector.shape_cast %add3A_216 : vector<16xi32> to vector<16xi32>
      tpu.vector_store %arg8[%swap3A_219], %swap3A_222 {strides = array<i32>} : memref<2048xi32, #tpu.memory_space<vmem>>, vector<16xi32>,
      %mul3A_223 = arith.muli %get3A_26, %rem3A_156 : vector<16xi32>
      %mul3A_224 = arith.muli %get3A_31, %rem3A_155 : vector<16xi32>
      %add3A_225 = arith.addi %mul3A_223, %mul3A_224 : vector<16xi32>
      %mul3A_226 = arith.muli %get3A_36, %rem3A_154 : vector<16xi32>
      %add3A_227 = arith.addi %add3A_225, %mul3A_226 : vector<16xi32>
      %rem3A_228 = arith.remsi %add3A_227, %broadcast_in_dim3A_67 : vector<16xi32>
      %add3A_229 = arith.constant 81920 : i32
      %add3A_230 = vector.broadcast %add3A_229 : i32 to vector<16xi32>
      %add3A_231 = arith.addi %rem3A_228, %add3A_230 : vector<16xi32>
      %add3A_232 = arith.constant 1280 : i32
      %add3A_233 = arith.addi %add3A_232, %mul3A_138 : i32
      %swap3A_234 = arith.index_cast %add3A_233 : i32 to index
      %swap3A_235 = tpu.vector_load %arg8[%swap3A_234] {strides = array<i32>} : memref<2048xi32, #tpu.memory_space<vmem>>, vector<16xi32>,
      %swap3A_236 = vector.shape_cast %swap3A_235 : vector<16xi32> to vector<16xi32>
      %swap3A_237 = vector.shape_cast %add3A_231 : vector<16xi32> to vector<16xi32>
      tpu.vector_store %arg8[%swap3A_234], %swap3A_237 {strides = array<i32>} : memref<2048xi32, #tpu.memory_space<vmem>>, vector<16xi32>,
      %mul3A_238 = arith.muli %get3A_41, %rem3A_156 : vector<16xi32>
      %mul3A_239 = arith.muli %get3A_46, %rem3A_155 : vector<16xi32>
      %add3A_240 = arith.addi %mul3A_238, %mul3A_239 : vector<16xi32>
      %mul3A_241 = arith.muli %get3A_51, %rem3A_154 : vector<16xi32>
      %add3A_242 = arith.addi %add3A_240, %mul3A_241 : vector<16xi32>
      %rem3A_243 = arith.remsi %add3A_242, %broadcast_in_dim3A_67 : vector<16xi32>
      %add3A_244 = arith.constant 98304 : i32
      %add3A_245 = vector.broadcast %add3A_244 : i32 to vector<16xi32>
      %add3A_246 = arith.addi %rem3A_243, %add3A_245 : vector<16xi32>
      %add3A_247 = arith.constant 1536 : i32
      %add3A_248 = arith.addi %add3A_247, %mul3A_138 : i32
      %swap3A_249 = arith.index_cast %add3A_248 : i32 to index
      %swap3A_250 = tpu.vector_load %arg8[%swap3A_249] {strides = array<i32>} : memref<2048xi32, #tpu.memory_space<vmem>>, vector<16xi32>,
      %swap3A_251 = vector.shape_cast %swap3A_250 : vector<16xi32> to vector<16xi32>
      %swap3A_252 = vector.shape_cast %add3A_246 : vector<16xi32> to vector<16xi32>
      tpu.vector_store %arg8[%swap3A_249], %swap3A_252 {strides = array<i32>} : memref<2048xi32, #tpu.memory_space<vmem>>, vector<16xi32>,
      %mul3A_253 = arith.muli %get3A_56, %rem3A_156 : vector<16xi32>
      %mul3A_254 = arith.muli %get3A_61, %rem3A_155 : vector<16xi32>
      %add3A_255 = arith.addi %mul3A_253, %mul3A_254 : vector<16xi32>
      %mul3A_256 = arith.muli %get3A_66, %rem3A_154 : vector<16xi32>
      %add3A_257 = arith.addi %add3A_255, %mul3A_256 : vector<16xi32>
      %rem3A_258 = arith.remsi %add3A_257, %broadcast_in_dim3A_67 : vector<16xi32>
      %add3A_259 = arith.constant 114688 : i32
      %add3A_260 = vector.broadcast %add3A_259 : i32 to vector<16xi32>
      %add3A_261 = arith.addi %rem3A_258, %add3A_260 : vector<16xi32>
      %add3A_262 = arith.constant 1792 : i32
      %add3A_263 = arith.addi %add3A_262, %mul3A_138 : i32
      %swap3A_264 = arith.index_cast %add3A_263 : i32 to index
      %swap3A_265 = tpu.vector_load %arg8[%swap3A_264] {strides = array<i32>} : memref<2048xi32, #tpu.memory_space<vmem>>, vector<16xi32>,
      %swap3A_266 = vector.shape_cast %swap3A_265 : vector<16xi32> to vector<16xi32>
      %swap3A_267 = vector.shape_cast %add3A_261 : vector<16xi32> to vector<16xi32>
      tpu.vector_store %arg8[%swap3A_264], %swap3A_267 {strides = array<i32>} : memref<2048xi32, #tpu.memory_space<vmem>>, vector<16xi32>,
    }
    %while3A_77 = arith.constant 1 : i32
    scf.for %while3A_136 = %while3A_75 to %while3A_71 step %while3A_77  : i32 {
      %mul3A_137 = arith.constant 16 : i32
      %mul3A_138 = arith.muli %while3A_136, %mul3A_137 : i32
      %add3A_139 = arith.constant 8 : i32
      %add3A_140 = arith.addi %add3A_139, %mul3A_138 : i32
      %get3A_141 = arith.index_cast %add3A_140 : i32 to index
      %get3A_142 = tpu.vector_load %arg6[%get3A_141] {strides = array<i32>} : memref<264xi32, #tpu.memory_space<vmem>>, vector<16xi32>,
      %get3A_143 = vector.shape_cast %get3A_142 : vector<16xi32> to vector<16xi32>
      %add3A_144 = arith.constant 7 : i32
      %add3A_145 = arith.addi %add3A_144, %mul3A_138 : i32
      %get3A_146 = arith.index_cast %add3A_145 : i32 to index
      %get3A_147 = tpu.vector_load %arg6[%get3A_146] {strides = array<i32>} : memref<264xi32, #tpu.memory_space<vmem>>, vector<16xi32>,
      %get3A_148 = vector.shape_cast %get3A_147 : vector<16xi32> to vector<16xi32>
      %add3A_149 = arith.constant 6 : i32
      %add3A_150 = arith.addi %add3A_149, %mul3A_138 : i32
      %get3A_151 = arith.index_cast %add3A_150 : i32 to index
      %get3A_152 = tpu.vector_load %arg6[%get3A_151] {strides = array<i32>} : memref<264xi32, #tpu.memory_space<vmem>>, vector<16xi32>,
      %get3A_153 = vector.shape_cast %get3A_152 : vector<16xi32> to vector<16xi32>
      %rem3A_154 = arith.remsi %get3A_143, %broadcast_in_dim3A_67 : vector<16xi32>
      %rem3A_155 = arith.remsi %get3A_148, %broadcast_in_dim3A_67 : vector<16xi32>
      %rem3A_156 = arith.remsi %get3A_153, %broadcast_in_dim3A_67 : vector<16xi32>
      %mul3A_157 = arith.muli %get3A_11, %rem3A_155 : vector<16xi32>
      %mul3A_158 = arith.muli %get3A_16, %rem3A_154 : vector<16xi32>
      %add3A_159 = arith.addi %mul3A_157, %mul3A_158 : vector<16xi32>
      %rem3A_160 = arith.remsi %add3A_159, %broadcast_in_dim3A_67 : vector<16xi32>
      %add3A_161 = arith.constant 0 : i32
      %add3A_162 = vector.broadcast %add3A_161 : i32 to vector<16xi32>
      %add3A_163 = arith.addi %rem3A_160, %add3A_162 : vector<16xi32>
      %add3A_164 = arith.constant 0 : i32
      %add3A_165 = arith.addi %add3A_164, %mul3A_138 : i32
      %swap3A = arith.index_cast %add3A_165 : i32 to index
      %swap3A_166 = tpu.vector_load %arg8[%swap3A] {strides = array<i32>} : memref<2048xi32, #tpu.memory_space<vmem>>, vector<16xi32>,
      %swap3A_167 = vector.shape_cast %swap3A_166 : vector<16xi32> to vector<16xi32>
      %swap3A_168 = vector.shape_cast %add3A_163 : vector<16xi32> to vector<16xi32>
      tpu.vector_store %arg8[%swap3A], %swap3A_168 {strides = array<i32>} : memref<2048xi32, #tpu.memory_space<vmem>>, vector<16xi32>,
      %mul3A_169 = arith.muli %get3A_26, %rem3A_155 : vector<16xi32>
      %mul3A_170 = arith.muli %get3A_31, %rem3A_154 : vector<16xi32>
      %add3A_171 = arith.addi %mul3A_169, %mul3A_170 : vector<16xi32>
      %rem3A_172 = arith.remsi %add3A_171, %broadcast_in_dim3A_67 : vector<16xi32>
      %add3A_173 = arith.constant 16384 : i32
      %add3A_174 = vector.broadcast %add3A_173 : i32 to vector<16xi32>
      %add3A_175 = arith.addi %rem3A_172, %add3A_174 : vector<16xi32>
      %add3A_176 = arith.constant 256 : i32
      %add3A_177 = arith.addi %add3A_176, %mul3A_138 : i32
      %swap3A_178 = arith.index_cast %add3A_177 : i32 to index
      %swap3A_179 = tpu.vector_load %arg8[%swap3A_178] {strides = array<i32>} : memref<2048xi32, #tpu.memory_space<vmem>>, vector<16xi32>,
      %swap3A_180 = vector.shape_cast %swap3A_179 : vector<16xi32> to vector<16xi32>
      %swap3A_181 = vector.shape_cast %add3A_175 : vector<16xi32> to vector<16xi32>
      tpu.vector_store %arg8[%swap3A_178], %swap3A_181 {strides = array<i32>} : memref<2048xi32, #tpu.memory_space<vmem>>, vector<16xi32>,
      %mul3A_182 = arith.muli %get3A_41, %rem3A_155 : vector<16xi32>
      %mul3A_183 = arith.muli %get3A_46, %rem3A_154 : vector<16xi32>
      %add3A_184 = arith.addi %mul3A_182, %mul3A_183 : vector<16xi32>
      %rem3A_185 = arith.remsi %add3A_184, %broadcast_in_dim3A_67 : vector<16xi32>
      %add3A_186 = arith.constant 32768 : i32
      %add3A_187 = vector.broadcast %add3A_186 : i32 to vector<16xi32>
      %add3A_188 = arith.addi %rem3A_185, %add3A_187 : vector<16xi32>
      %add3A_189 = arith.constant 512 : i32
      %add3A_190 = arith.addi %add3A_189, %mul3A_138 : i32
      %swap3A_191 = arith.index_cast %add3A_190 : i32 to index
      %swap3A_192 = tpu.vector_load %arg8[%swap3A_191] {strides = array<i32>} : memref<2048xi32, #tpu.memory_space<vmem>>, vector<16xi32>,
      %swap3A_193 = vector.shape_cast %swap3A_192 : vector<16xi32> to vector<16xi32>
      %swap3A_194 = vector.shape_cast %add3A_188 : vector<16xi32> to vector<16xi32>
      tpu.vector_store %arg8[%swap3A_191], %swap3A_194 {strides = array<i32>} : memref<2048xi32, #tpu.memory_space<vmem>>, vector<16xi32>,
      %mul3A_195 = arith.muli %get3A_56, %rem3A_155 : vector<16xi32>
      %mul3A_196 = arith.muli %get3A_61, %rem3A_154 : vector<16xi32>
      %add3A_197 = arith.addi %mul3A_195, %mul3A_196 : vector<16xi32>
      %rem3A_198 = arith.remsi %add3A_197, %broadcast_in_dim3A_67 : vector<16xi32>
      %add3A_199 = arith.constant 49152 : i32
      %add3A_200 = vector.broadcast %add3A_199 : i32 to vector<16xi32>
      %add3A_201 = arith.addi %rem3A_198, %add3A_200 : vector<16xi32>
      %add3A_202 = arith.constant 768 : i32
      %add3A_203 = arith.addi %add3A_202, %mul3A_138 : i32
      %swap3A_204 = arith.index_cast %add3A_203 : i32 to index
      %swap3A_205 = tpu.vector_load %arg8[%swap3A_204] {strides = array<i32>} : memref<2048xi32, #tpu.memory_space<vmem>>, vector<16xi32>,
      %swap3A_206 = vector.shape_cast %swap3A_205 : vector<16xi32> to vector<16xi32>
      %swap3A_207 = vector.shape_cast %add3A_201 : vector<16xi32> to vector<16xi32>
      tpu.vector_store %arg8[%swap3A_204], %swap3A_207 {strides = array<i32>} : memref<2048xi32, #tpu.memory_space<vmem>>, vector<16xi32>,
      %mul3A_208 = arith.muli %get3A_11, %rem3A_156 : vector<16xi32>
      %mul3A_209 = arith.muli %get3A_16, %rem3A_155 : vector<16xi32>
      %add3A_210 = arith.addi %mul3A_208, %mul3A_209 : vector<16xi32>
      %mul3A_211 = arith.muli %get3A_21, %rem3A_154 : vector<16xi32>
      %add3A_212 = arith.addi %add3A_210, %mul3A_211 : vector<16xi32>
      %rem3A_213 = arith.remsi %add3A_212, %broadcast_in_dim3A_67 : vector<16xi32>
      %add3A_214 = arith.constant 65536 : i32
      %add3A_215 = vector.broadcast %add3A_214 : i32 to vector<16xi32>
      %add3A_216 = arith.addi %rem3A_213, %add3A_215 : vector<16xi32>
      %add3A_217 = arith.constant 1024 : i32
      %add3A_218 = arith.addi %add3A_217, %mul3A_138 : i32
      %swap3A_219 = arith.index_cast %add3A_218 : i32 to index
      %swap3A_220 = tpu.vector_load %arg8[%swap3A_219] {strides = array<i32>} : memref<2048xi32, #tpu.memory_space<vmem>>, vector<16xi32>,
      %swap3A_221 = vector.shape_cast %swap3A_220 : vector<16xi32> to vector<16xi32>
      %swap3A_222 = vector.shape_cast %add3A_216 : vector<16xi32> to vector<16xi32>
      tpu.vector_store %arg8[%swap3A_219], %swap3A_222 {strides = array<i32>} : memref<2048xi32, #tpu.memory_space<vmem>>, vector<16xi32>,
      %mul3A_223 = arith.muli %get3A_26, %rem3A_156 : vector<16xi32>
      %mul3A_224 = arith.muli %get3A_31, %rem3A_155 : vector<16xi32>
      %add3A_225 = arith.addi %mul3A_223, %mul3A_224 : vector<16xi32>
      %mul3A_226 = arith.muli %get3A_36, %rem3A_154 : vector<16xi32>
      %add3A_227 = arith.addi %add3A_225, %mul3A_226 : vector<16xi32>
      %rem3A_228 = arith.remsi %add3A_227, %broadcast_in_dim3A_67 : vector<16xi32>
      %add3A_229 = arith.constant 81920 : i32
      %add3A_230 = vector.broadcast %add3A_229 : i32 to vector<16xi32>
      %add3A_231 = arith.addi %rem3A_228, %add3A_230 : vector<16xi32>
      %add3A_232 = arith.constant 1280 : i32
      %add3A_233 = arith.addi %add3A_232, %mul3A_138 : i32
      %swap3A_234 = arith.index_cast %add3A_233 : i32 to index
      %swap3A_235 = tpu.vector_load %arg8[%swap3A_234] {strides = array<i32>} : memref<2048xi32, #tpu.memory_space<vmem>>, vector<16xi32>,
      %swap3A_236 = vector.shape_cast %swap3A_235 : vector<16xi32> to vector<16xi32>
      %swap3A_237 = vector.shape_cast %add3A_231 : vector<16xi32> to vector<16xi32>
      tpu.vector_store %arg8[%swap3A_234], %swap3A_237 {strides = array<i32>} : memref<2048xi32, #tpu.memory_space<vmem>>, vector<16xi32>,
      %mul3A_238 = arith.muli %get3A_41, %rem3A_156 : vector<16xi32>
      %mul3A_239 = arith.muli %get3A_46, %rem3A_155 : vector<16xi32>
      %add3A_240 = arith.addi %mul3A_238, %mul3A_239 : vector<16xi32>
      %mul3A_241 = arith.muli %get3A_51, %rem3A_154 : vector<16xi32>
      %add3A_242 = arith.addi %add3A_240, %mul3A_241 : vector<16xi32>
      %rem3A_243 = arith.remsi %add3A_242, %broadcast_in_dim3A_67 : vector<16xi32>
      %add3A_244 = arith.constant 98304 : i32
      %add3A_245 = vector.broadcast %add3A_244 : i32 to vector<16xi32>
      %add3A_246 = arith.addi %rem3A_243, %add3A_245 : vector<16xi32>
      %add3A_247 = arith.constant 1536 : i32
      %add3A_248 = arith.addi %add3A_247, %mul3A_138 : i32
      %swap3A_249 = arith.index_cast %add3A_248 : i32 to index
      %swap3A_250 = tpu.vector_load %arg8[%swap3A_249] {strides = array<i32>} : memref<2048xi32, #tpu.memory_space<vmem>>, vector<16xi32>,
      %swap3A_251 = vector.shape_cast %swap3A_250 : vector<16xi32> to vector<16xi32>
      %swap3A_252 = vector.shape_cast %add3A_246 : vector<16xi32> to vector<16xi32>
      tpu.vector_store %arg8[%swap3A_249], %swap3A_252 {strides = array<i32>} : memref<2048xi32, #tpu.memory_space<vmem>>, vector<16xi32>,
      %mul3A_253 = arith.muli %get3A_56, %rem3A_156 : vector<16xi32>
      %mul3A_254 = arith.muli %get3A_61, %rem3A_155 : vector<16xi32>
      %add3A_255 = arith.addi %mul3A_253, %mul3A_254 : vector<16xi32>
      %mul3A_256 = arith.muli %get3A_66, %rem3A_154 : vector<16xi32>
      %add3A_257 = arith.addi %add3A_255, %mul3A_256 : vector<16xi32>
      %rem3A_258 = arith.remsi %add3A_257, %broadcast_in_dim3A_67 : vector<16xi32>
      %add3A_259 = arith.constant 114688 : i32
      %add3A_260 = vector.broadcast %add3A_259 : i32 to vector<16xi32>
      %add3A_261 = arith.addi %rem3A_258, %add3A_260 : vector<16xi32>
      %add3A_262 = arith.constant 1792 : i32
      %add3A_263 = arith.addi %add3A_262, %mul3A_138 : i32
      %swap3A_264 = arith.index_cast %add3A_263 : i32 to index
      %swap3A_265 = tpu.vector_load %arg8[%swap3A_264] {strides = array<i32>} : memref<2048xi32, #tpu.memory_space<vmem>>, vector<16xi32>,
      %swap3A_266 = vector.shape_cast %swap3A_265 : vector<16xi32> to vector<16xi32>
      %swap3A_267 = vector.shape_cast %add3A_261 : vector<16xi32> to vector<16xi32>
      tpu.vector_store %arg8[%swap3A_264], %swap3A_267 {strides = array<i32>} : memref<2048xi32, #tpu.memory_space<vmem>>, vector<16xi32>,
    }
    %broadcast_in_dim3A_78 = arith.constant 32768 : i32
    %broadcast_in_dim3A_79 = vector.broadcast %broadcast_in_dim3A_78 : i32 to vector<16xi32>
    %broadcast_in_dim3A_80 = arith.constant -65536 : i32
    %broadcast_in_dim3A_81 = vector.broadcast %broadcast_in_dim3A_80 : i32 to vector<16xi32>
    %broadcast_in_dim3A_82 = arith.constant 16 : i32
    %broadcast_in_dim3A_83 = vector.broadcast %broadcast_in_dim3A_82 : i32 to vector<16xi32>
    %mul3A_84 = arith.constant 0 : i32
    %mul3A_85 = arith.constant 32 : i32
    %mul3A_86 = arith.muli %mul3A_84, %mul3A_85 : i32
    %dma_start3A = tpu.memref_slice %arg8[%mul3A_86] : memref<2048xi32, #tpu.memory_space<vmem>> -> memref<32xi32, #tpu.memory_space<vmem>>
    %dma_start3A_87 = arith.constant 0 : i32
    %dma_start3A_88 = arith.constant 0 : i32
    %dma_start3A_89 = tpu.memref_slice %arg4[%dma_start3A_87, %dma_start3A_88] : memref<131072x1024xf32, #tpu.memory_space<hbm>> -> memref<131072x1024xf32, #tpu.memory_space<hbm>>
    tpu.enqueue_indirect_dma source(%dma_start3A_89 : memref<131072x1024xf32, #tpu.memory_space<hbm>>) target(%arg9 : memref<32x1024xf32, #tpu.memory_space<vmem>>) offsets(%dma_start3A : memref<32xi32, #tpu.memory_space<vmem>>) semaphore(%arg13 : memref<!tpu.dma_semaphore, #tpu.memory_space<semaphore_mem>>)
    %while3A_90 = arith.constant 0 : i32
    %while3A_91 = arith.constant 0 : i32
    %while3A_92 = arith.constant 32 : i32
    %while3A_93 = arith.subi %while3A_92, %while3A_91 : i32
    %while3A_94 = arith.addi %while3A_91, %while3A_93 : i32
    %while3A_95 = arith.constant 1 : i32
    %while3A_96 = arith.divsi %while3A_93, %while3A_95 : i32
    %while3A_97 = arith.muli %while3A_96, %while3A_95 : i32
    %while3A_98 = arith.addi %while3A_91, %while3A_97 : i32
    %while3A_99 = arith.constant 1 : i32
    scf.for %while3A_136 = %while3A_91 to %while3A_98 step %while3A_99  : i32 {
      %mul3A_137 = arith.constant 2 : i32
      %mul3A_138 = arith.muli %while3A_136, %mul3A_137 : i32
      %add3A_139 = arith.constant 1 : i32
      %add3A_140 = arith.addi %mul3A_138, %add3A_139 : i32
      %le3A = arith.constant 63 : i32
      %le3A_141 = arith.cmpi sle, %add3A_140, %le3A : i32
      %convert_element_type3A = arith.extui %le3A_141 : i1 to i32
      %cond3A = arith.constant 0 : i32
      %cond3A_142 = arith.cmpi ne, %convert_element_type3A, %cond3A : i32
      scf.if %cond3A_142 {
        %add3A_210 = arith.constant 1 : i32
        %add3A_211 = arith.addi %mul3A_138, %add3A_210 : i32
        %mul3A_212 = arith.constant 32 : i32
        %mul3A_213 = arith.muli %add3A_211, %mul3A_212 : i32
        %dma_start3A_214 = tpu.memref_slice %arg8[%mul3A_213] : memref<2048xi32, #tpu.memory_space<vmem>> -> memref<32xi32, #tpu.memory_space<vmem>>
        %dma_start3A_215 = arith.constant 0 : i32
        %dma_start3A_216 = arith.constant 0 : i32
        %dma_start3A_217 = tpu.memref_slice %arg4[%dma_start3A_215, %dma_start3A_216] : memref<131072x1024xf32, #tpu.memory_space<hbm>> -> memref<131072x1024xf32, #tpu.memory_space<hbm>>
        tpu.enqueue_indirect_dma source(%dma_start3A_217 : memref<131072x1024xf32, #tpu.memory_space<hbm>>) target(%arg10 : memref<32x1024xf32, #tpu.memory_space<vmem>>) offsets(%dma_start3A_214 : memref<32xi32, #tpu.memory_space<vmem>>) semaphore(%arg14 : memref<!tpu.dma_semaphore, #tpu.memory_space<semaphore_mem>>)
      } else {
      }
      %mul3A_143 = arith.constant 32 : i32
      %mul3A_144 = arith.muli %mul3A_138, %mul3A_143 : i32
      %dma_wait3A_145 = tpu.memref_slice %arg8[%mul3A_144] : memref<2048xi32, #tpu.memory_space<vmem>> -> memref<32xi32, #tpu.memory_space<vmem>>
      %dma_wait3A_146 = arith.constant 0 : i32
      %dma_wait3A_147 = arith.constant 0 : i32
      %dma_wait3A_148 = tpu.memref_slice %arg4[%dma_wait3A_146, %dma_wait3A_147] : memref<131072x1024xf32, #tpu.memory_space<hbm>> -> memref<131072x1024xf32, #tpu.memory_space<hbm>>
      tpu.wait_indirect_dma semaphore(%arg13 : memref<!tpu.dma_semaphore, #tpu.memory_space<semaphore_mem>>) src(%dma_wait3A_148 : memref<131072x1024xf32, #tpu.memory_space<hbm>>) dst(%arg9 : memref<32x1024xf32, #tpu.memory_space<vmem>>)
      %ge3A = arith.constant 2 : i32
      %ge3A_149 = arith.cmpi sge, %mul3A_138, %ge3A : i32
      %convert_element_type3A_150 = arith.extui %ge3A_149 : i1 to i32
      %cond3A_151 = arith.constant 0 : i32
      %cond3A_152 = arith.cmpi ne, %convert_element_type3A_150, %cond3A_151 : i32
      scf.if %cond3A_152 {
        %sub3A = arith.constant 2 : i32
        %sub3A_210 = arith.subi %mul3A_138, %sub3A : i32
        %div3A_211 = arith.constant 8 : i32
        %div3A_212 = arith.divsi %sub3A_210, %div3A_211 : i32
        %rem3A_213 = arith.constant 8 : i32
        %rem3A_214 = arith.remsi %sub3A_210, %rem3A_213 : i32
        %mul3A_215 = arith.constant 8192 : i32
        %mul3A_216 = arith.muli %div3A_212, %mul3A_215 : i32
        %mul3A_217 = arith.constant 256 : i32
        %mul3A_218 = arith.muli %add3A, %mul3A_217 : i32
        %add3A_219 = arith.addi %mul3A_216, %mul3A_218 : i32
        %mul3A_220 = arith.constant 32 : i32
        %mul3A_221 = arith.muli %rem3A_214, %mul3A_220 : i32
        %add3A_222 = arith.addi %add3A_219, %mul3A_221 : i32
        %dma_wait3A_223 = arith.constant 0 : i32
        %dma_wait3A_224 = tpu.memref_slice %arg5[%add3A_222, %dma_wait3A_223] : memref<65536x512xi32, #tpu.memory_space<hbm>> -> memref<32x512xi32, #tpu.memory_space<hbm>>
        %dma_wait3A_225 = arith.constant 0 : i32
        %dma_wait3A_226 = tpu.memref_slice %arg5[%add3A_222, %dma_wait3A_225] : memref<65536x512xi32, #tpu.memory_space<hbm>> -> memref<32x512xi32, #tpu.memory_space<hbm>>
        tpu.wait_dma2 semaphore(%arg15 : memref<!tpu.dma_semaphore, #tpu.memory_space<semaphore_mem>>) src(%arg11 : memref<32x512xi32, #tpu.memory_space<vmem>>) dst(%dma_wait3A_226 : memref<32x512xi32, #tpu.memory_space<hbm>>)
      } else {
      }
      %parallel_loop3A = arith.constant 0 : i32
      %parallel_loop3A_153 = arith.constant 32 : i32
      %parallel_loop3A_154 = arith.constant 1 : i32
      scf.for %parallel_loop3A_210 = %parallel_loop3A to %parallel_loop3A_153 step %parallel_loop3A_154  : i32 {
        %parallel_loop3A_211 = arith.index_cast %parallel_loop3A_210 : i32 to index
        %parallel_loop3A_212 = arith.constant 0 : index
        %parallel_loop3A_213 = tpu.vector_load %arg9[%parallel_loop3A_211, %parallel_loop3A_212] {strides = array<i32>} : memref<32x1024xf32, #tpu.memory_space<vmem>>, vector<1x16xf32>,
        %parallel_loop3A_214 = vector.shape_cast %parallel_loop3A_213 : vector<1x16xf32> to vector<16xf32>
        %parallel_loop3A_215 = arith.index_cast %parallel_loop3A_210 : i32 to index
        %parallel_loop3A_216 = arith.constant 512 : index
        %parallel_loop3A_217 = tpu.vector_load %arg9[%parallel_loop3A_215, %parallel_loop3A_216] {strides = array<i32>} : memref<32x1024xf32, #tpu.memory_space<vmem>>, vector<1x16xf32>,
        %parallel_loop3A_218 = vector.shape_cast %parallel_loop3A_217 : vector<1x16xf32> to vector<16xf32>
        %parallel_loop3A_219 = tpu.bitcast %parallel_loop3A_214 : vector<16xf32> -> vector<16xi32>
        %parallel_loop3A_220 = arith.addi %parallel_loop3A_219, %broadcast_in_dim3A_79 : vector<16xi32>
        %parallel_loop3A_221 = tpu.bitcast %parallel_loop3A_218 : vector<16xf32> -> vector<16xi32>
        %parallel_loop3A_222 = arith.addi %parallel_loop3A_221, %broadcast_in_dim3A_79 : vector<16xi32>
        %parallel_loop3A_223 = arith.shrui %parallel_loop3A_220, %broadcast_in_dim3A_83 : vector<16xi32>
        %parallel_loop3A_224 = arith.andi %parallel_loop3A_222, %broadcast_in_dim3A_81 : vector<16xi32>
        %parallel_loop3A_225 = arith.ori %parallel_loop3A_223, %parallel_loop3A_224 : vector<16xi32>
        %parallel_loop3A_226 = arith.index_cast %parallel_loop3A_210 : i32 to index
        %parallel_loop3A_227 = arith.constant 0 : index
        %parallel_loop3A_228 = tpu.vector_load %arg11[%parallel_loop3A_226, %parallel_loop3A_227] {strides = array<i32>} : memref<32x512xi32, #tpu.memory_space<vmem>>, vector<1x16xi32>,
        %parallel_loop3A_229 = vector.shape_cast %parallel_loop3A_228 : vector<1x16xi32> to vector<16xi32>
        %parallel_loop3A_230 = vector.shape_cast %parallel_loop3A_225 : vector<16xi32> to vector<1x16xi32>
        tpu.vector_store %arg11[%parallel_loop3A_226, %parallel_loop3A_227], %parallel_loop3A_230 {strides = array<i32>} : memref<32x512xi32, #tpu.memory_space<vmem>>, vector<1x16xi32>,
        %parallel_loop3A_231 = arith.index_cast %parallel_loop3A_210 : i32 to index
        %parallel_loop3A_232 = arith.constant 16 : index
        %parallel_loop3A_233 = tpu.vector_load %arg9[%parallel_loop3A_231, %parallel_loop3A_232] {strides = array<i32>} : memref<32x1024xf32, #tpu.memory_space<vmem>>, vector<1x16xf32>,
        %parallel_loop3A_234 = vector.shape_cast %parallel_loop3A_233 : vector<1x16xf32> to vector<16xf32>
        %parallel_loop3A_235 = arith.index_cast %parallel_loop3A_210 : i32 to index
        %parallel_loop3A_236 = arith.constant 528 : index
        %parallel_loop3A_237 = tpu.vector_load %arg9[%parallel_loop3A_235, %parallel_loop3A_236] {strides = array<i32>} : memref<32x1024xf32, #tpu.memory_space<vmem>>, vector<1x16xf32>,
        %parallel_loop3A_238 = vector.shape_cast %parallel_loop3A_237 : vector<1x16xf32> to vector<16xf32>
        %parallel_loop3A_239 = tpu.bitcast %parallel_loop3A_234 : vector<16xf32> -> vector<16xi32>
        %parallel_loop3A_240 = arith.addi %parallel_loop3A_239, %broadcast_in_dim3A_79 : vector<16xi32>
        %parallel_loop3A_241 = tpu.bitcast %parallel_loop3A_238 : vector<16xf32> -> vector<16xi32>
        %parallel_loop3A_242 = arith.addi %parallel_loop3A_241, %broadcast_in_dim3A_79 : vector<16xi32>
        %parallel_loop3A_243 = arith.shrui %parallel_loop3A_240, %broadcast_in_dim3A_83 : vector<16xi32>
        %parallel_loop3A_244 = arith.andi %parallel_loop3A_242, %broadcast_in_dim3A_81 : vector<16xi32>
        %parallel_loop3A_245 = arith.ori %parallel_loop3A_243, %parallel_loop3A_244 : vector<16xi32>
        %parallel_loop3A_246 = arith.index_cast %parallel_loop3A_210 : i32 to index
        %parallel_loop3A_247 = arith.constant 16 : index
        %parallel_loop3A_248 = tpu.vector_load %arg11[%parallel_loop3A_246, %parallel_loop3A_247] {strides = array<i32>} : memref<32x512xi32, #tpu.memory_space<vmem>>, vector<1x16xi32>,
        %parallel_loop3A_249 = vector.shape_cast %parallel_loop3A_248 : vector<1x16xi32> to vector<16xi32>
        %parallel_loop3A_250 = vector.shape_cast %parallel_loop3A_245 : vector<16xi32> to vector<1x16xi32>
        tpu.vector_store %arg11[%parallel_loop3A_246, %parallel_loop3A_247], %parallel_loop3A_250 {strides = array<i32>} : memref<32x512xi32, #tpu.memory_space<vmem>>, vector<1x16xi32>,
        %parallel_loop3A_251 = arith.index_cast %parallel_loop3A_210 : i32 to index
        %parallel_loop3A_252 = arith.constant 32 : index
        %parallel_loop3A_253 = tpu.vector_load %arg9[%parallel_loop3A_251, %parallel_loop3A_252] {strides = array<i32>} : memref<32x1024xf32, #tpu.memory_space<vmem>>, vector<1x16xf32>,
        %parallel_loop3A_254 = vector.shape_cast %parallel_loop3A_253 : vector<1x16xf32> to vector<16xf32>
        %parallel_loop3A_255 = arith.index_cast %parallel_loop3A_210 : i32 to index
        %parallel_loop3A_256 = arith.constant 544 : index
        %parallel_loop3A_257 = tpu.vector_load %arg9[%parallel_loop3A_255, %parallel_loop3A_256] {strides = array<i32>} : memref<32x1024xf32, #tpu.memory_space<vmem>>, vector<1x16xf32>,
        %parallel_loop3A_258 = vector.shape_cast %parallel_loop3A_257 : vector<1x16xf32> to vector<16xf32>
        %parallel_loop3A_259 = tpu.bitcast %parallel_loop3A_254 : vector<16xf32> -> vector<16xi32>
        %parallel_loop3A_260 = arith.addi %parallel_loop3A_259, %broadcast_in_dim3A_79 : vector<16xi32>
        %parallel_loop3A_261 = tpu.bitcast %parallel_loop3A_258 : vector<16xf32> -> vector<16xi32>
        %parallel_loop3A_262 = arith.addi %parallel_loop3A_261, %broadcast_in_dim3A_79 : vector<16xi32>
        %parallel_loop3A_263 = arith.shrui %parallel_loop3A_260, %broadcast_in_dim3A_83 : vector<16xi32>
        %parallel_loop3A_264 = arith.andi %parallel_loop3A_262, %broadcast_in_dim3A_81 : vector<16xi32>
        %parallel_loop3A_265 = arith.ori %parallel_loop3A_263, %parallel_loop3A_264 : vector<16xi32>
        %parallel_loop3A_266 = arith.index_cast %parallel_loop3A_210 : i32 to index
        %parallel_loop3A_267 = arith.constant 32 : index
        %parallel_loop3A_268 = tpu.vector_load %arg11[%parallel_loop3A_266, %parallel_loop3A_267] {strides = array<i32>} : memref<32x512xi32, #tpu.memory_space<vmem>>, vector<1x16xi32>,
        %parallel_loop3A_269 = vector.shape_cast %parallel_loop3A_268 : vector<1x16xi32> to vector<16xi32>
        %parallel_loop3A_270 = vector.shape_cast %parallel_loop3A_265 : vector<16xi32> to vector<1x16xi32>
        tpu.vector_store %arg11[%parallel_loop3A_266, %parallel_loop3A_267], %parallel_loop3A_270 {strides = array<i32>} : memref<32x512xi32, #tpu.memory_space<vmem>>, vector<1x16xi32>,
        %parallel_loop3A_271 = arith.index_cast %parallel_loop3A_210 : i32 to index
        %parallel_loop3A_272 = arith.constant 48 : index
        %parallel_loop3A_273 = tpu.vector_load %arg9[%parallel_loop3A_271, %parallel_loop3A_272] {strides = array<i32>} : memref<32x1024xf32, #tpu.memory_space<vmem>>, vector<1x16xf32>,
        %parallel_loop3A_274 = vector.shape_cast %parallel_loop3A_273 : vector<1x16xf32> to vector<16xf32>
        %parallel_loop3A_275 = arith.index_cast %parallel_loop3A_210 : i32 to index
        %parallel_loop3A_276 = arith.constant 560 : index
        %parallel_loop3A_277 = tpu.vector_load %arg9[%parallel_loop3A_275, %parallel_loop3A_276] {strides = array<i32>} : memref<32x1024xf32, #tpu.memory_space<vmem>>, vector<1x16xf32>,
        %parallel_loop3A_278 = vector.shape_cast %parallel_loop3A_277 : vector<1x16xf32> to vector<16xf32>
        %parallel_loop3A_279 = tpu.bitcast %parallel_loop3A_274 : vector<16xf32> -> vector<16xi32>
        %parallel_loop3A_280 = arith.addi %parallel_loop3A_279, %broadcast_in_dim3A_79 : vector<16xi32>
        %parallel_loop3A_281 = tpu.bitcast %parallel_loop3A_278 : vector<16xf32> -> vector<16xi32>
        %parallel_loop3A_282 = arith.addi %parallel_loop3A_281, %broadcast_in_dim3A_79 : vector<16xi32>
        %parallel_loop3A_283 = arith.shrui %parallel_loop3A_280, %broadcast_in_dim3A_83 : vector<16xi32>
        %parallel_loop3A_284 = arith.andi %parallel_loop3A_282, %broadcast_in_dim3A_81 : vector<16xi32>
        %parallel_loop3A_285 = arith.ori %parallel_loop3A_283, %parallel_loop3A_284 : vector<16xi32>
        %parallel_loop3A_286 = arith.index_cast %parallel_loop3A_210 : i32 to index
        %parallel_loop3A_287 = arith.constant 48 : index
        %parallel_loop3A_288 = tpu.vector_load %arg11[%parallel_loop3A_286, %parallel_loop3A_287] {strides = array<i32>} : memref<32x512xi32, #tpu.memory_space<vmem>>, vector<1x16xi32>,
        %parallel_loop3A_289 = vector.shape_cast %parallel_loop3A_288 : vector<1x16xi32> to vector<16xi32>
        %parallel_loop3A_290 = vector.shape_cast %parallel_loop3A_285 : vector<16xi32> to vector<1x16xi32>
        tpu.vector_store %arg11[%parallel_loop3A_286, %parallel_loop3A_287], %parallel_loop3A_290 {strides = array<i32>} : memref<32x512xi32, #tpu.memory_space<vmem>>, vector<1x16xi32>,
        %parallel_loop3A_291 = arith.index_cast %parallel_loop3A_210 : i32 to index
        %parallel_loop3A_292 = arith.constant 64 : index
        %parallel_loop3A_293 = tpu.vector_load %arg9[%parallel_loop3A_291, %parallel_loop3A_292] {strides = array<i32>} : memref<32x1024xf32, #tpu.memory_space<vmem>>, vector<1x16xf32>,
        %parallel_loop3A_294 = vector.shape_cast %parallel_loop3A_293 : vector<1x16xf32> to vector<16xf32>
        %parallel_loop3A_295 = arith.index_cast %parallel_loop3A_210 : i32 to index
        %parallel_loop3A_296 = arith.constant 576 : index
        %parallel_loop3A_297 = tpu.vector_load %arg9[%parallel_loop3A_295, %parallel_loop3A_296] {strides = array<i32>} : memref<32x1024xf32, #tpu.memory_space<vmem>>, vector<1x16xf32>,
        %parallel_loop3A_298 = vector.shape_cast %parallel_loop3A_297 : vector<1x16xf32> to vector<16xf32>
        %parallel_loop3A_299 = tpu.bitcast %parallel_loop3A_294 : vector<16xf32> -> vector<16xi32>
        %parallel_loop3A_300 = arith.addi %parallel_loop3A_299, %broadcast_in_dim3A_79 : vector<16xi32>
        %parallel_loop3A_301 = tpu.bitcast %parallel_loop3A_298 : vector<16xf32> -> vector<16xi32>
        %parallel_loop3A_302 = arith.addi %parallel_loop3A_301, %broadcast_in_dim3A_79 : vector<16xi32>
        %parallel_loop3A_303 = arith.shrui %parallel_loop3A_300, %broadcast_in_dim3A_83 : vector<16xi32>
        %parallel_loop3A_304 = arith.andi %parallel_loop3A_302, %broadcast_in_dim3A_81 : vector<16xi32>
        %parallel_loop3A_305 = arith.ori %parallel_loop3A_303, %parallel_loop3A_304 : vector<16xi32>
        %parallel_loop3A_306 = arith.index_cast %parallel_loop3A_210 : i32 to index
        %parallel_loop3A_307 = arith.constant 64 : index
        %parallel_loop3A_308 = tpu.vector_load %arg11[%parallel_loop3A_306, %parallel_loop3A_307] {strides = array<i32>} : memref<32x512xi32, #tpu.memory_space<vmem>>, vector<1x16xi32>,
        %parallel_loop3A_309 = vector.shape_cast %parallel_loop3A_308 : vector<1x16xi32> to vector<16xi32>
        %parallel_loop3A_310 = vector.shape_cast %parallel_loop3A_305 : vector<16xi32> to vector<1x16xi32>
        tpu.vector_store %arg11[%parallel_loop3A_306, %parallel_loop3A_307], %parallel_loop3A_310 {strides = array<i32>} : memref<32x512xi32, #tpu.memory_space<vmem>>, vector<1x16xi32>,
        %parallel_loop3A_311 = arith.index_cast %parallel_loop3A_210 : i32 to index
        %parallel_loop3A_312 = arith.constant 80 : index
        %parallel_loop3A_313 = tpu.vector_load %arg9[%parallel_loop3A_311, %parallel_loop3A_312] {strides = array<i32>} : memref<32x1024xf32, #tpu.memory_space<vmem>>, vector<1x16xf32>,
        %parallel_loop3A_314 = vector.shape_cast %parallel_loop3A_313 : vector<1x16xf32> to vector<16xf32>
        %parallel_loop3A_315 = arith.index_cast %parallel_loop3A_210 : i32 to index
        %parallel_loop3A_316 = arith.constant 592 : index
        %parallel_loop3A_317 = tpu.vector_load %arg9[%parallel_loop3A_315, %parallel_loop3A_316] {strides = array<i32>} : memref<32x1024xf32, #tpu.memory_space<vmem>>, vector<1x16xf32>,
        %parallel_loop3A_318 = vector.shape_cast %parallel_loop3A_317 : vector<1x16xf32> to vector<16xf32>
        %parallel_loop3A_319 = tpu.bitcast %parallel_loop3A_314 : vector<16xf32> -> vector<16xi32>
        %parallel_loop3A_320 = arith.addi %parallel_loop3A_319, %broadcast_in_dim3A_79 : vector<16xi32>
        %parallel_loop3A_321 = tpu.bitcast %parallel_loop3A_318 : vector<16xf32> -> vector<16xi32>
        %parallel_loop3A_322 = arith.addi %parallel_loop3A_321, %broadcast_in_dim3A_79 : vector<16xi32>
        %parallel_loop3A_323 = arith.shrui %parallel_loop3A_320, %broadcast_in_dim3A_83 : vector<16xi32>
        %parallel_loop3A_324 = arith.andi %parallel_loop3A_322, %broadcast_in_dim3A_81 : vector<16xi32>
        %parallel_loop3A_325 = arith.ori %parallel_loop3A_323, %parallel_loop3A_324 : vector<16xi32>
        %parallel_loop3A_326 = arith.index_cast %parallel_loop3A_210 : i32 to index
        %parallel_loop3A_327 = arith.constant 80 : index
        %parallel_loop3A_328 = tpu.vector_load %arg11[%parallel_loop3A_326, %parallel_loop3A_327] {strides = array<i32>} : memref<32x512xi32, #tpu.memory_space<vmem>>, vector<1x16xi32>,
        %parallel_loop3A_329 = vector.shape_cast %parallel_loop3A_328 : vector<1x16xi32> to vector<16xi32>
        %parallel_loop3A_330 = vector.shape_cast %parallel_loop3A_325 : vector<16xi32> to vector<1x16xi32>
        tpu.vector_store %arg11[%parallel_loop3A_326, %parallel_loop3A_327], %parallel_loop3A_330 {strides = array<i32>} : memref<32x512xi32, #tpu.memory_space<vmem>>, vector<1x16xi32>,
        %parallel_loop3A_331 = arith.index_cast %parallel_loop3A_210 : i32 to index
        %parallel_loop3A_332 = arith.constant 96 : index
        %parallel_loop3A_333 = tpu.vector_load %arg9[%parallel_loop3A_331, %parallel_loop3A_332] {strides = array<i32>} : memref<32x1024xf32, #tpu.memory_space<vmem>>, vector<1x16xf32>,
        %parallel_loop3A_334 = vector.shape_cast %parallel_loop3A_333 : vector<1x16xf32> to vector<16xf32>
        %parallel_loop3A_335 = arith.index_cast %parallel_loop3A_210 : i32 to index
        %parallel_loop3A_336 = arith.constant 608 : index
        %parallel_loop3A_337 = tpu.vector_load %arg9[%parallel_loop3A_335, %parallel_loop3A_336] {strides = array<i32>} : memref<32x1024xf32, #tpu.memory_space<vmem>>, vector<1x16xf32>,
        %parallel_loop3A_338 = vector.shape_cast %parallel_loop3A_337 : vector<1x16xf32> to vector<16xf32>
        %parallel_loop3A_339 = tpu.bitcast %parallel_loop3A_334 : vector<16xf32> -> vector<16xi32>
        %parallel_loop3A_340 = arith.addi %parallel_loop3A_339, %broadcast_in_dim3A_79 : vector<16xi32>
        %parallel_loop3A_341 = tpu.bitcast %parallel_loop3A_338 : vector<16xf32> -> vector<16xi32>
        %parallel_loop3A_342 = arith.addi %parallel_loop3A_341, %broadcast_in_dim3A_79 : vector<16xi32>
        %parallel_loop3A_343 = arith.shrui %parallel_loop3A_340, %broadcast_in_dim3A_83 : vector<16xi32>
        %parallel_loop3A_344 = arith.andi %parallel_loop3A_342, %broadcast_in_dim3A_81 : vector<16xi32>
        %parallel_loop3A_345 = arith.ori %parallel_loop3A_343, %parallel_loop3A_344 : vector<16xi32>
        %parallel_loop3A_346 = arith.index_cast %parallel_loop3A_210 : i32 to index
        %parallel_loop3A_347 = arith.constant 96 : index
        %parallel_loop3A_348 = tpu.vector_load %arg11[%parallel_loop3A_346, %parallel_loop3A_347] {strides = array<i32>} : memref<32x512xi32, #tpu.memory_space<vmem>>, vector<1x16xi32>,
        %parallel_loop3A_349 = vector.shape_cast %parallel_loop3A_348 : vector<1x16xi32> to vector<16xi32>
        %parallel_loop3A_350 = vector.shape_cast %parallel_loop3A_345 : vector<16xi32> to vector<1x16xi32>
        tpu.vector_store %arg11[%parallel_loop3A_346, %parallel_loop3A_347], %parallel_loop3A_350 {strides = array<i32>} : memref<32x512xi32, #tpu.memory_space<vmem>>, vector<1x16xi32>,
        %parallel_loop3A_351 = arith.index_cast %parallel_loop3A_210 : i32 to index
        %parallel_loop3A_352 = arith.constant 112 : index
        %parallel_loop3A_353 = tpu.vector_load %arg9[%parallel_loop3A_351, %parallel_loop3A_352] {strides = array<i32>} : memref<32x1024xf32, #tpu.memory_space<vmem>>, vector<1x16xf32>,
        %parallel_loop3A_354 = vector.shape_cast %parallel_loop3A_353 : vector<1x16xf32> to vector<16xf32>
        %parallel_loop3A_355 = arith.index_cast %parallel_loop3A_210 : i32 to index
        %parallel_loop3A_356 = arith.constant 624 : index
        %parallel_loop3A_357 = tpu.vector_load %arg9[%parallel_loop3A_355, %parallel_loop3A_356] {strides = array<i32>} : memref<32x1024xf32, #tpu.memory_space<vmem>>, vector<1x16xf32>,
        %parallel_loop3A_358 = vector.shape_cast %parallel_loop3A_357 : vector<1x16xf32> to vector<16xf32>
        %parallel_loop3A_359 = tpu.bitcast %parallel_loop3A_354 : vector<16xf32> -> vector<16xi32>
        %parallel_loop3A_360 = arith.addi %parallel_loop3A_359, %broadcast_in_dim3A_79 : vector<16xi32>
        %parallel_loop3A_361 = tpu.bitcast %parallel_loop3A_358 : vector<16xf32> -> vector<16xi32>
        %parallel_loop3A_362 = arith.addi %parallel_loop3A_361, %broadcast_in_dim3A_79 : vector<16xi32>
        %parallel_loop3A_363 = arith.shrui %parallel_loop3A_360, %broadcast_in_dim3A_83 : vector<16xi32>
        %parallel_loop3A_364 = arith.andi %parallel_loop3A_362, %broadcast_in_dim3A_81 : vector<16xi32>
        %parallel_loop3A_365 = arith.ori %parallel_loop3A_363, %parallel_loop3A_364 : vector<16xi32>
        %parallel_loop3A_366 = arith.index_cast %parallel_loop3A_210 : i32 to index
        %parallel_loop3A_367 = arith.constant 112 : index
        %parallel_loop3A_368 = tpu.vector_load %arg11[%parallel_loop3A_366, %parallel_loop3A_367] {strides = array<i32>} : memref<32x512xi32, #tpu.memory_space<vmem>>, vector<1x16xi32>,
        %parallel_loop3A_369 = vector.shape_cast %parallel_loop3A_368 : vector<1x16xi32> to vector<16xi32>
        %parallel_loop3A_370 = vector.shape_cast %parallel_loop3A_365 : vector<16xi32> to vector<1x16xi32>
        tpu.vector_store %arg11[%parallel_loop3A_366, %parallel_loop3A_367], %parallel_loop3A_370 {strides = array<i32>} : memref<32x512xi32, #tpu.memory_space<vmem>>, vector<1x16xi32>,
        %parallel_loop3A_371 = arith.index_cast %parallel_loop3A_210 : i32 to index
        %parallel_loop3A_372 = arith.constant 128 : index
        %parallel_loop3A_373 = tpu.vector_load %arg9[%parallel_loop3A_371, %parallel_loop3A_372] {strides = array<i32>} : memref<32x1024xf32, #tpu.memory_space<vmem>>, vector<1x16xf32>,
        %parallel_loop3A_374 = vector.shape_cast %parallel_loop3A_373 : vector<1x16xf32> to vector<16xf32>
        %parallel_loop3A_375 = arith.index_cast %parallel_loop3A_210 : i32 to index
        %parallel_loop3A_376 = arith.constant 640 : index
        %parallel_loop3A_377 = tpu.vector_load %arg9[%parallel_loop3A_375, %parallel_loop3A_376] {strides = array<i32>} : memref<32x1024xf32, #tpu.memory_space<vmem>>, vector<1x16xf32>,
        %parallel_loop3A_378 = vector.shape_cast %parallel_loop3A_377 : vector<1x16xf32> to vector<16xf32>
        %parallel_loop3A_379 = tpu.bitcast %parallel_loop3A_374 : vector<16xf32> -> vector<16xi32>
        %parallel_loop3A_380 = arith.addi %parallel_loop3A_379, %broadcast_in_dim3A_79 : vector<16xi32>
        %parallel_loop3A_381 = tpu.bitcast %parallel_loop3A_378 : vector<16xf32> -> vector<16xi32>
        %parallel_loop3A_382 = arith.addi %parallel_loop3A_381, %broadcast_in_dim3A_79 : vector<16xi32>
        %parallel_loop3A_383 = arith.shrui %parallel_loop3A_380, %broadcast_in_dim3A_83 : vector<16xi32>
        %parallel_loop3A_384 = arith.andi %parallel_loop3A_382, %broadcast_in_dim3A_81 : vector<16xi32>
        %parallel_loop3A_385 = arith.ori %parallel_loop3A_383, %parallel_loop3A_384 : vector<16xi32>
        %parallel_loop3A_386 = arith.index_cast %parallel_loop3A_210 : i32 to index
        %parallel_loop3A_387 = arith.constant 128 : index
        %parallel_loop3A_388 = tpu.vector_load %arg11[%parallel_loop3A_386, %parallel_loop3A_387] {strides = array<i32>} : memref<32x512xi32, #tpu.memory_space<vmem>>, vector<1x16xi32>,
        %parallel_loop3A_389 = vector.shape_cast %parallel_loop3A_388 : vector<1x16xi32> to vector<16xi32>
        %parallel_loop3A_390 = vector.shape_cast %parallel_loop3A_385 : vector<16xi32> to vector<1x16xi32>
        tpu.vector_store %arg11[%parallel_loop3A_386, %parallel_loop3A_387], %parallel_loop3A_390 {strides = array<i32>} : memref<32x512xi32, #tpu.memory_space<vmem>>, vector<1x16xi32>,
        %parallel_loop3A_391 = arith.index_cast %parallel_loop3A_210 : i32 to index
        %parallel_loop3A_392 = arith.constant 144 : index
        %parallel_loop3A_393 = tpu.vector_load %arg9[%parallel_loop3A_391, %parallel_loop3A_392] {strides = array<i32>} : memref<32x1024xf32, #tpu.memory_space<vmem>>, vector<1x16xf32>,
        %parallel_loop3A_394 = vector.shape_cast %parallel_loop3A_393 : vector<1x16xf32> to vector<16xf32>
        %parallel_loop3A_395 = arith.index_cast %parallel_loop3A_210 : i32 to index
        %parallel_loop3A_396 = arith.constant 656 : index
        %parallel_loop3A_397 = tpu.vector_load %arg9[%parallel_loop3A_395, %parallel_loop3A_396] {strides = array<i32>} : memref<32x1024xf32, #tpu.memory_space<vmem>>, vector<1x16xf32>,
        %parallel_loop3A_398 = vector.shape_cast %parallel_loop3A_397 : vector<1x16xf32> to vector<16xf32>
        %parallel_loop3A_399 = tpu.bitcast %parallel_loop3A_394 : vector<16xf32> -> vector<16xi32>
        %parallel_loop3A_400 = arith.addi %parallel_loop3A_399, %broadcast_in_dim3A_79 : vector<16xi32>
        %parallel_loop3A_401 = tpu.bitcast %parallel_loop3A_398 : vector<16xf32> -> vector<16xi32>
        %parallel_loop3A_402 = arith.addi %parallel_loop3A_401, %broadcast_in_dim3A_79 : vector<16xi32>
        %parallel_loop3A_403 = arith.shrui %parallel_loop3A_400, %broadcast_in_dim3A_83 : vector<16xi32>
        %parallel_loop3A_404 = arith.andi %parallel_loop3A_402, %broadcast_in_dim3A_81 : vector<16xi32>
        %parallel_loop3A_405 = arith.ori %parallel_loop3A_403, %parallel_loop3A_404 : vector<16xi32>
        %parallel_loop3A_406 = arith.index_cast %parallel_loop3A_210 : i32 to index
        %parallel_loop3A_407 = arith.constant 144 : index
        %parallel_loop3A_408 = tpu.vector_load %arg11[%parallel_loop3A_406, %parallel_loop3A_407] {strides = array<i32>} : memref<32x512xi32, #tpu.memory_space<vmem>>, vector<1x16xi32>,
        %parallel_loop3A_409 = vector.shape_cast %parallel_loop3A_408 : vector<1x16xi32> to vector<16xi32>
        %parallel_loop3A_410 = vector.shape_cast %parallel_loop3A_405 : vector<16xi32> to vector<1x16xi32>
        tpu.vector_store %arg11[%parallel_loop3A_406, %parallel_loop3A_407], %parallel_loop3A_410 {strides = array<i32>} : memref<32x512xi32, #tpu.memory_space<vmem>>, vector<1x16xi32>,
        %parallel_loop3A_411 = arith.index_cast %parallel_loop3A_210 : i32 to index
        %parallel_loop3A_412 = arith.constant 160 : index
        %parallel_loop3A_413 = tpu.vector_load %arg9[%parallel_loop3A_411, %parallel_loop3A_412] {strides = array<i32>} : memref<32x1024xf32, #tpu.memory_space<vmem>>, vector<1x16xf32>,
        %parallel_loop3A_414 = vector.shape_cast %parallel_loop3A_413 : vector<1x16xf32> to vector<16xf32>
        %parallel_loop3A_415 = arith.index_cast %parallel_loop3A_210 : i32 to index
        %parallel_loop3A_416 = arith.constant 672 : index
        %parallel_loop3A_417 = tpu.vector_load %arg9[%parallel_loop3A_415, %parallel_loop3A_416] {strides = array<i32>} : memref<32x1024xf32, #tpu.memory_space<vmem>>, vector<1x16xf32>,
        %parallel_loop3A_418 = vector.shape_cast %parallel_loop3A_417 : vector<1x16xf32> to vector<16xf32>
        %parallel_loop3A_419 = tpu.bitcast %parallel_loop3A_414 : vector<16xf32> -> vector<16xi32>
        %parallel_loop3A_420 = arith.addi %parallel_loop3A_419, %broadcast_in_dim3A_79 : vector<16xi32>
        %parallel_loop3A_421 = tpu.bitcast %parallel_loop3A_418 : vector<16xf32> -> vector<16xi32>
        %parallel_loop3A_422 = arith.addi %parallel_loop3A_421, %broadcast_in_dim3A_79 : vector<16xi32>
        %parallel_loop3A_423 = arith.shrui %parallel_loop3A_420, %broadcast_in_dim3A_83 : vector<16xi32>
        %parallel_loop3A_424 = arith.andi %parallel_loop3A_422, %broadcast_in_dim3A_81 : vector<16xi32>
        %parallel_loop3A_425 = arith.ori %parallel_loop3A_423, %parallel_loop3A_424 : vector<16xi32>
        %parallel_loop3A_426 = arith.index_cast %parallel_loop3A_210 : i32 to index
        %parallel_loop3A_427 = arith.constant 160 : index
        %parallel_loop3A_428 = tpu.vector_load %arg11[%parallel_loop3A_426, %parallel_loop3A_427] {strides = array<i32>} : memref<32x512xi32, #tpu.memory_space<vmem>>, vector<1x16xi32>,
        %parallel_loop3A_429 = vector.shape_cast %parallel_loop3A_428 : vector<1x16xi32> to vector<16xi32>
        %parallel_loop3A_430 = vector.shape_cast %parallel_loop3A_425 : vector<16xi32> to vector<1x16xi32>
        tpu.vector_store %arg11[%parallel_loop3A_426, %parallel_loop3A_427], %parallel_loop3A_430 {strides = array<i32>} : memref<32x512xi32, #tpu.memory_space<vmem>>, vector<1x16xi32>,
        %parallel_loop3A_431 = arith.index_cast %parallel_loop3A_210 : i32 to index
        %parallel_loop3A_432 = arith.constant 176 : index
        %parallel_loop3A_433 = tpu.vector_load %arg9[%parallel_loop3A_431, %parallel_loop3A_432] {strides = array<i32>} : memref<32x1024xf32, #tpu.memory_space<vmem>>, vector<1x16xf32>,
        %parallel_loop3A_434 = vector.shape_cast %parallel_loop3A_433 : vector<1x16xf32> to vector<16xf32>
        %parallel_loop3A_435 = arith.index_cast %parallel_loop3A_210 : i32 to index
        %parallel_loop3A_436 = arith.constant 688 : index
        %parallel_loop3A_437 = tpu.vector_load %arg9[%parallel_loop3A_435, %parallel_loop3A_436] {strides = array<i32>} : memref<32x1024xf32, #tpu.memory_space<vmem>>, vector<1x16xf32>,
        %parallel_loop3A_438 = vector.shape_cast %parallel_loop3A_437 : vector<1x16xf32> to vector<16xf32>
        %parallel_loop3A_439 = tpu.bitcast %parallel_loop3A_434 : vector<16xf32> -> vector<16xi32>
        %parallel_loop3A_440 = arith.addi %parallel_loop3A_439, %broadcast_in_dim3A_79 : vector<16xi32>
        %parallel_loop3A_441 = tpu.bitcast %parallel_loop3A_438 : vector<16xf32> -> vector<16xi32>
        %parallel_loop3A_442 = arith.addi %parallel_loop3A_441, %broadcast_in_dim3A_79 : vector<16xi32>
        %parallel_loop3A_443 = arith.shrui %parallel_loop3A_440, %broadcast_in_dim3A_83 : vector<16xi32>
        %parallel_loop3A_444 = arith.andi %parallel_loop3A_442, %broadcast_in_dim3A_81 : vector<16xi32>
        %parallel_loop3A_445 = arith.ori %parallel_loop3A_443, %parallel_loop3A_444 : vector<16xi32>
        %parallel_loop3A_446 = arith.index_cast %parallel_loop3A_210 : i32 to index
        %parallel_loop3A_447 = arith.constant 176 : index
        %parallel_loop3A_448 = tpu.vector_load %arg11[%parallel_loop3A_446, %parallel_loop3A_447] {strides = array<i32>} : memref<32x512xi32, #tpu.memory_space<vmem>>, vector<1x16xi32>,
        %parallel_loop3A_449 = vector.shape_cast %parallel_loop3A_448 : vector<1x16xi32> to vector<16xi32>
        %parallel_loop3A_450 = vector.shape_cast %parallel_loop3A_445 : vector<16xi32> to vector<1x16xi32>
        tpu.vector_store %arg11[%parallel_loop3A_446, %parallel_loop3A_447], %parallel_loop3A_450 {strides = array<i32>} : memref<32x512xi32, #tpu.memory_space<vmem>>, vector<1x16xi32>,
        %parallel_loop3A_451 = arith.index_cast %parallel_loop3A_210 : i32 to index
        %parallel_loop3A_452 = arith.constant 192 : index
        %parallel_loop3A_453 = tpu.vector_load %arg9[%parallel_loop3A_451, %parallel_loop3A_452] {strides = array<i32>} : memref<32x1024xf32, #tpu.memory_space<vmem>>, vector<1x16xf32>,
        %parallel_loop3A_454 = vector.shape_cast %parallel_loop3A_453 : vector<1x16xf32> to vector<16xf32>
        %parallel_loop3A_455 = arith.index_cast %parallel_loop3A_210 : i32 to index
        %parallel_loop3A_456 = arith.constant 704 : index
        %parallel_loop3A_457 = tpu.vector_load %arg9[%parallel_loop3A_455, %parallel_loop3A_456] {strides = array<i32>} : memref<32x1024xf32, #tpu.memory_space<vmem>>, vector<1x16xf32>,
        %parallel_loop3A_458 = vector.shape_cast %parallel_loop3A_457 : vector<1x16xf32> to vector<16xf32>
        %parallel_loop3A_459 = tpu.bitcast %parallel_loop3A_454 : vector<16xf32> -> vector<16xi32>
        %parallel_loop3A_460 = arith.addi %parallel_loop3A_459, %broadcast_in_dim3A_79 : vector<16xi32>
        %parallel_loop3A_461 = tpu.bitcast %parallel_loop3A_458 : vector<16xf32> -> vector<16xi32>
        %parallel_loop3A_462 = arith.addi %parallel_loop3A_461, %broadcast_in_dim3A_79 : vector<16xi32>
        %parallel_loop3A_463 = arith.shrui %parallel_loop3A_460, %broadcast_in_dim3A_83 : vector<16xi32>
        %parallel_loop3A_464 = arith.andi %parallel_loop3A_462, %broadcast_in_dim3A_81 : vector<16xi32>
        %parallel_loop3A_465 = arith.ori %parallel_loop3A_463, %parallel_loop3A_464 : vector<16xi32>
        %parallel_loop3A_466 = arith.index_cast %parallel_loop3A_210 : i32 to index
        %parallel_loop3A_467 = arith.constant 192 : index
        %parallel_loop3A_468 = tpu.vector_load %arg11[%parallel_loop3A_466, %parallel_loop3A_467] {strides = array<i32>} : memref<32x512xi32, #tpu.memory_space<vmem>>, vector<1x16xi32>,
        %parallel_loop3A_469 = vector.shape_cast %parallel_loop3A_468 : vector<1x16xi32> to vector<16xi32>
        %parallel_loop3A_470 = vector.shape_cast %parallel_loop3A_465 : vector<16xi32> to vector<1x16xi32>
        tpu.vector_store %arg11[%parallel_loop3A_466, %parallel_loop3A_467], %parallel_loop3A_470 {strides = array<i32>} : memref<32x512xi32, #tpu.memory_space<vmem>>, vector<1x16xi32>,
        %parallel_loop3A_471 = arith.index_cast %parallel_loop3A_210 : i32 to index
        %parallel_loop3A_472 = arith.constant 208 : index
        %parallel_loop3A_473 = tpu.vector_load %arg9[%parallel_loop3A_471, %parallel_loop3A_472] {strides = array<i32>} : memref<32x1024xf32, #tpu.memory_space<vmem>>, vector<1x16xf32>,
        %parallel_loop3A_474 = vector.shape_cast %parallel_loop3A_473 : vector<1x16xf32> to vector<16xf32>
        %parallel_loop3A_475 = arith.index_cast %parallel_loop3A_210 : i32 to index
        %parallel_loop3A_476 = arith.constant 720 : index
        %parallel_loop3A_477 = tpu.vector_load %arg9[%parallel_loop3A_475, %parallel_loop3A_476] {strides = array<i32>} : memref<32x1024xf32, #tpu.memory_space<vmem>>, vector<1x16xf32>,
        %parallel_loop3A_478 = vector.shape_cast %parallel_loop3A_477 : vector<1x16xf32> to vector<16xf32>
        %parallel_loop3A_479 = tpu.bitcast %parallel_loop3A_474 : vector<16xf32> -> vector<16xi32>
        %parallel_loop3A_480 = arith.addi %parallel_loop3A_479, %broadcast_in_dim3A_79 : vector<16xi32>
        %parallel_loop3A_481 = tpu.bitcast %parallel_loop3A_478 : vector<16xf32> -> vector<16xi32>
        %parallel_loop3A_482 = arith.addi %parallel_loop3A_481, %broadcast_in_dim3A_79 : vector<16xi32>
        %parallel_loop3A_483 = arith.shrui %parallel_loop3A_480, %broadcast_in_dim3A_83 : vector<16xi32>
        %parallel_loop3A_484 = arith.andi %parallel_loop3A_482, %broadcast_in_dim3A_81 : vector<16xi32>
        %parallel_loop3A_485 = arith.ori %parallel_loop3A_483, %parallel_loop3A_484 : vector<16xi32>
        %parallel_loop3A_486 = arith.index_cast %parallel_loop3A_210 : i32 to index
        %parallel_loop3A_487 = arith.constant 208 : index
        %parallel_loop3A_488 = tpu.vector_load %arg11[%parallel_loop3A_486, %parallel_loop3A_487] {strides = array<i32>} : memref<32x512xi32, #tpu.memory_space<vmem>>, vector<1x16xi32>,
        %parallel_loop3A_489 = vector.shape_cast %parallel_loop3A_488 : vector<1x16xi32> to vector<16xi32>
        %parallel_loop3A_490 = vector.shape_cast %parallel_loop3A_485 : vector<16xi32> to vector<1x16xi32>
        tpu.vector_store %arg11[%parallel_loop3A_486, %parallel_loop3A_487], %parallel_loop3A_490 {strides = array<i32>} : memref<32x512xi32, #tpu.memory_space<vmem>>, vector<1x16xi32>,
        %parallel_loop3A_491 = arith.index_cast %parallel_loop3A_210 : i32 to index
        %parallel_loop3A_492 = arith.constant 224 : index
        %parallel_loop3A_493 = tpu.vector_load %arg9[%parallel_loop3A_491, %parallel_loop3A_492] {strides = array<i32>} : memref<32x1024xf32, #tpu.memory_space<vmem>>, vector<1x16xf32>,
        %parallel_loop3A_494 = vector.shape_cast %parallel_loop3A_493 : vector<1x16xf32> to vector<16xf32>
        %parallel_loop3A_495 = arith.index_cast %parallel_loop3A_210 : i32 to index
        %parallel_loop3A_496 = arith.constant 736 : index
        %parallel_loop3A_497 = tpu.vector_load %arg9[%parallel_loop3A_495, %parallel_loop3A_496] {strides = array<i32>} : memref<32x1024xf32, #tpu.memory_space<vmem>>, vector<1x16xf32>,
        %parallel_loop3A_498 = vector.shape_cast %parallel_loop3A_497 : vector<1x16xf32> to vector<16xf32>
        %parallel_loop3A_499 = tpu.bitcast %parallel_loop3A_494 : vector<16xf32> -> vector<16xi32>
        %parallel_loop3A_500 = arith.addi %parallel_loop3A_499, %broadcast_in_dim3A_79 : vector<16xi32>
        %parallel_loop3A_501 = tpu.bitcast %parallel_loop3A_498 : vector<16xf32> -> vector<16xi32>
        %parallel_loop3A_502 = arith.addi %parallel_loop3A_501, %broadcast_in_dim3A_79 : vector<16xi32>
        %parallel_loop3A_503 = arith.shrui %parallel_loop3A_500, %broadcast_in_dim3A_83 : vector<16xi32>
        %parallel_loop3A_504 = arith.andi %parallel_loop3A_502, %broadcast_in_dim3A_81 : vector<16xi32>
        %parallel_loop3A_505 = arith.ori %parallel_loop3A_503, %parallel_loop3A_504 : vector<16xi32>
        %parallel_loop3A_506 = arith.index_cast %parallel_loop3A_210 : i32 to index
        %parallel_loop3A_507 = arith.constant 224 : index
        %parallel_loop3A_508 = tpu.vector_load %arg11[%parallel_loop3A_506, %parallel_loop3A_507] {strides = array<i32>} : memref<32x512xi32, #tpu.memory_space<vmem>>, vector<1x16xi32>,
        %parallel_loop3A_509 = vector.shape_cast %parallel_loop3A_508 : vector<1x16xi32> to vector<16xi32>
        %parallel_loop3A_510 = vector.shape_cast %parallel_loop3A_505 : vector<16xi32> to vector<1x16xi32>
        tpu.vector_store %arg11[%parallel_loop3A_506, %parallel_loop3A_507], %parallel_loop3A_510 {strides = array<i32>} : memref<32x512xi32, #tpu.memory_space<vmem>>, vector<1x16xi32>,
        %parallel_loop3A_511 = arith.index_cast %parallel_loop3A_210 : i32 to index
        %parallel_loop3A_512 = arith.constant 240 : index
        %parallel_loop3A_513 = tpu.vector_load %arg9[%parallel_loop3A_511, %parallel_loop3A_512] {strides = array<i32>} : memref<32x1024xf32, #tpu.memory_space<vmem>>, vector<1x16xf32>,
        %parallel_loop3A_514 = vector.shape_cast %parallel_loop3A_513 : vector<1x16xf32> to vector<16xf32>
        %parallel_loop3A_515 = arith.index_cast %parallel_loop3A_210 : i32 to index
        %parallel_loop3A_516 = arith.constant 752 : index
        %parallel_loop3A_517 = tpu.vector_load %arg9[%parallel_loop3A_515, %parallel_loop3A_516] {strides = array<i32>} : memref<32x1024xf32, #tpu.memory_space<vmem>>, vector<1x16xf32>,
        %parallel_loop3A_518 = vector.shape_cast %parallel_loop3A_517 : vector<1x16xf32> to vector<16xf32>
        %parallel_loop3A_519 = tpu.bitcast %parallel_loop3A_514 : vector<16xf32> -> vector<16xi32>
        %parallel_loop3A_520 = arith.addi %parallel_loop3A_519, %broadcast_in_dim3A_79 : vector<16xi32>
        %parallel_loop3A_521 = tpu.bitcast %parallel_loop3A_518 : vector<16xf32> -> vector<16xi32>
        %parallel_loop3A_522 = arith.addi %parallel_loop3A_521, %broadcast_in_dim3A_79 : vector<16xi32>
        %parallel_loop3A_523 = arith.shrui %parallel_loop3A_520, %broadcast_in_dim3A_83 : vector<16xi32>
        %parallel_loop3A_524 = arith.andi %parallel_loop3A_522, %broadcast_in_dim3A_81 : vector<16xi32>
        %parallel_loop3A_525 = arith.ori %parallel_loop3A_523, %parallel_loop3A_524 : vector<16xi32>
        %parallel_loop3A_526 = arith.index_cast %parallel_loop3A_210 : i32 to index
        %parallel_loop3A_527 = arith.constant 240 : index
        %parallel_loop3A_528 = tpu.vector_load %arg11[%parallel_loop3A_526, %parallel_loop3A_527] {strides = array<i32>} : memref<32x512xi32, #tpu.memory_space<vmem>>, vector<1x16xi32>,
        %parallel_loop3A_529 = vector.shape_cast %parallel_loop3A_528 : vector<1x16xi32> to vector<16xi32>
        %parallel_loop3A_530 = vector.shape_cast %parallel_loop3A_525 : vector<16xi32> to vector<1x16xi32>
        tpu.vector_store %arg11[%parallel_loop3A_526, %parallel_loop3A_527], %parallel_loop3A_530 {strides = array<i32>} : memref<32x512xi32, #tpu.memory_space<vmem>>, vector<1x16xi32>,
        %parallel_loop3A_531 = arith.index_cast %parallel_loop3A_210 : i32 to index
        %parallel_loop3A_532 = arith.constant 256 : index
        %parallel_loop3A_533 = tpu.vector_load %arg9[%parallel_loop3A_531, %parallel_loop3A_532] {strides = array<i32>} : memref<32x1024xf32, #tpu.memory_space<vmem>>, vector<1x16xf32>,
        %parallel_loop3A_534 = vector.shape_cast %parallel_loop3A_533 : vector<1x16xf32> to vector<16xf32>
        %parallel_loop3A_535 = arith.index_cast %parallel_loop3A_210 : i32 to index
        %parallel_loop3A_536 = arith.constant 768 : index
        %parallel_loop3A_537 = tpu.vector_load %arg9[%parallel_loop3A_535, %parallel_loop3A_536] {strides = array<i32>} : memref<32x1024xf32, #tpu.memory_space<vmem>>, vector<1x16xf32>,
        %parallel_loop3A_538 = vector.shape_cast %parallel_loop3A_537 : vector<1x16xf32> to vector<16xf32>
        %parallel_loop3A_539 = tpu.bitcast %parallel_loop3A_534 : vector<16xf32> -> vector<16xi32>
        %parallel_loop3A_540 = arith.addi %parallel_loop3A_539, %broadcast_in_dim3A_79 : vector<16xi32>
        %parallel_loop3A_541 = tpu.bitcast %parallel_loop3A_538 : vector<16xf32> -> vector<16xi32>
        %parallel_loop3A_542 = arith.addi %parallel_loop3A_541, %broadcast_in_dim3A_79 : vector<16xi32>
        %parallel_loop3A_543 = arith.shrui %parallel_loop3A_540, %broadcast_in_dim3A_83 : vector<16xi32>
        %parallel_loop3A_544 = arith.andi %parallel_loop3A_542, %broadcast_in_dim3A_81 : vector<16xi32>
        %parallel_loop3A_545 = arith.ori %parallel_loop3A_543, %parallel_loop3A_544 : vector<16xi32>
        %parallel_loop3A_546 = arith.index_cast %parallel_loop3A_210 : i32 to index
        %parallel_loop3A_547 = arith.constant 256 : index
        %parallel_loop3A_548 = tpu.vector_load %arg11[%parallel_loop3A_546, %parallel_loop3A_547] {strides = array<i32>} : memref<32x512xi32, #tpu.memory_space<vmem>>, vector<1x16xi32>,
        %parallel_loop3A_549 = vector.shape_cast %parallel_loop3A_548 : vector<1x16xi32> to vector<16xi32>
        %parallel_loop3A_550 = vector.shape_cast %parallel_loop3A_545 : vector<16xi32> to vector<1x16xi32>
        tpu.vector_store %arg11[%parallel_loop3A_546, %parallel_loop3A_547], %parallel_loop3A_550 {strides = array<i32>} : memref<32x512xi32, #tpu.memory_space<vmem>>, vector<1x16xi32>,
        %parallel_loop3A_551 = arith.index_cast %parallel_loop3A_210 : i32 to index
        %parallel_loop3A_552 = arith.constant 272 : index
        %parallel_loop3A_553 = tpu.vector_load %arg9[%parallel_loop3A_551, %parallel_loop3A_552] {strides = array<i32>} : memref<32x1024xf32, #tpu.memory_space<vmem>>, vector<1x16xf32>,
        %parallel_loop3A_554 = vector.shape_cast %parallel_loop3A_553 : vector<1x16xf32> to vector<16xf32>
        %parallel_loop3A_555 = arith.index_cast %parallel_loop3A_210 : i32 to index
        %parallel_loop3A_556 = arith.constant 784 : index
        %parallel_loop3A_557 = tpu.vector_load %arg9[%parallel_loop3A_555, %parallel_loop3A_556] {strides = array<i32>} : memref<32x1024xf32, #tpu.memory_space<vmem>>, vector<1x16xf32>,
        %parallel_loop3A_558 = vector.shape_cast %parallel_loop3A_557 : vector<1x16xf32> to vector<16xf32>
        %parallel_loop3A_559 = tpu.bitcast %parallel_loop3A_554 : vector<16xf32> -> vector<16xi32>
        %parallel_loop3A_560 = arith.addi %parallel_loop3A_559, %broadcast_in_dim3A_79 : vector<16xi32>
        %parallel_loop3A_561 = tpu.bitcast %parallel_loop3A_558 : vector<16xf32> -> vector<16xi32>
        %parallel_loop3A_562 = arith.addi %parallel_loop3A_561, %broadcast_in_dim3A_79 : vector<16xi32>
        %parallel_loop3A_563 = arith.shrui %parallel_loop3A_560, %broadcast_in_dim3A_83 : vector<16xi32>
        %parallel_loop3A_564 = arith.andi %parallel_loop3A_562, %broadcast_in_dim3A_81 : vector<16xi32>
        %parallel_loop3A_565 = arith.ori %parallel_loop3A_563, %parallel_loop3A_564 : vector<16xi32>
        %parallel_loop3A_566 = arith.index_cast %parallel_loop3A_210 : i32 to index
        %parallel_loop3A_567 = arith.constant 272 : index
        %parallel_loop3A_568 = tpu.vector_load %arg11[%parallel_loop3A_566, %parallel_loop3A_567] {strides = array<i32>} : memref<32x512xi32, #tpu.memory_space<vmem>>, vector<1x16xi32>,
        %parallel_loop3A_569 = vector.shape_cast %parallel_loop3A_568 : vector<1x16xi32> to vector<16xi32>
        %parallel_loop3A_570 = vector.shape_cast %parallel_loop3A_565 : vector<16xi32> to vector<1x16xi32>
        tpu.vector_store %arg11[%parallel_loop3A_566, %parallel_loop3A_567], %parallel_loop3A_570 {strides = array<i32>} : memref<32x512xi32, #tpu.memory_space<vmem>>, vector<1x16xi32>,
        %parallel_loop3A_571 = arith.index_cast %parallel_loop3A_210 : i32 to index
        %parallel_loop3A_572 = arith.constant 288 : index
        %parallel_loop3A_573 = tpu.vector_load %arg9[%parallel_loop3A_571, %parallel_loop3A_572] {strides = array<i32>} : memref<32x1024xf32, #tpu.memory_space<vmem>>, vector<1x16xf32>,
        %parallel_loop3A_574 = vector.shape_cast %parallel_loop3A_573 : vector<1x16xf32> to vector<16xf32>
        %parallel_loop3A_575 = arith.index_cast %parallel_loop3A_210 : i32 to index
        %parallel_loop3A_576 = arith.constant 800 : index
        %parallel_loop3A_577 = tpu.vector_load %arg9[%parallel_loop3A_575, %parallel_loop3A_576] {strides = array<i32>} : memref<32x1024xf32, #tpu.memory_space<vmem>>, vector<1x16xf32>,
        %parallel_loop3A_578 = vector.shape_cast %parallel_loop3A_577 : vector<1x16xf32> to vector<16xf32>
        %parallel_loop3A_579 = tpu.bitcast %parallel_loop3A_574 : vector<16xf32> -> vector<16xi32>
        %parallel_loop3A_580 = arith.addi %parallel_loop3A_579, %broadcast_in_dim3A_79 : vector<16xi32>
        %parallel_loop3A_581 = tpu.bitcast %parallel_loop3A_578 : vector<16xf32> -> vector<16xi32>
        %parallel_loop3A_582 = arith.addi %parallel_loop3A_581, %broadcast_in_dim3A_79 : vector<16xi32>
        %parallel_loop3A_583 = arith.shrui %parallel_loop3A_580, %broadcast_in_dim3A_83 : vector<16xi32>
        %parallel_loop3A_584 = arith.andi %parallel_loop3A_582, %broadcast_in_dim3A_81 : vector<16xi32>
        %parallel_loop3A_585 = arith.ori %parallel_loop3A_583, %parallel_loop3A_584 : vector<16xi32>
        %parallel_loop3A_586 = arith.index_cast %parallel_loop3A_210 : i32 to index
        %parallel_loop3A_587 = arith.constant 288 : index
        %parallel_loop3A_588 = tpu.vector_load %arg11[%parallel_loop3A_586, %parallel_loop3A_587] {strides = array<i32>} : memref<32x512xi32, #tpu.memory_space<vmem>>, vector<1x16xi32>,
        %parallel_loop3A_589 = vector.shape_cast %parallel_loop3A_588 : vector<1x16xi32> to vector<16xi32>
        %parallel_loop3A_590 = vector.shape_cast %parallel_loop3A_585 : vector<16xi32> to vector<1x16xi32>
        tpu.vector_store %arg11[%parallel_loop3A_586, %parallel_loop3A_587], %parallel_loop3A_590 {strides = array<i32>} : memref<32x512xi32, #tpu.memory_space<vmem>>, vector<1x16xi32>,
        %parallel_loop3A_591 = arith.index_cast %parallel_loop3A_210 : i32 to index
        %parallel_loop3A_592 = arith.constant 304 : index
        %parallel_loop3A_593 = tpu.vector_load %arg9[%parallel_loop3A_591, %parallel_loop3A_592] {strides = array<i32>} : memref<32x1024xf32, #tpu.memory_space<vmem>>, vector<1x16xf32>,
        %parallel_loop3A_594 = vector.shape_cast %parallel_loop3A_593 : vector<1x16xf32> to vector<16xf32>
        %parallel_loop3A_595 = arith.index_cast %parallel_loop3A_210 : i32 to index
        %parallel_loop3A_596 = arith.constant 816 : index
        %parallel_loop3A_597 = tpu.vector_load %arg9[%parallel_loop3A_595, %parallel_loop3A_596] {strides = array<i32>} : memref<32x1024xf32, #tpu.memory_space<vmem>>, vector<1x16xf32>,
        %parallel_loop3A_598 = vector.shape_cast %parallel_loop3A_597 : vector<1x16xf32> to vector<16xf32>
        %parallel_loop3A_599 = tpu.bitcast %parallel_loop3A_594 : vector<16xf32> -> vector<16xi32>
        %parallel_loop3A_600 = arith.addi %parallel_loop3A_599, %broadcast_in_dim3A_79 : vector<16xi32>
        %parallel_loop3A_601 = tpu.bitcast %parallel_loop3A_598 : vector<16xf32> -> vector<16xi32>
        %parallel_loop3A_602 = arith.addi %parallel_loop3A_601, %broadcast_in_dim3A_79 : vector<16xi32>
        %parallel_loop3A_603 = arith.shrui %parallel_loop3A_600, %broadcast_in_dim3A_83 : vector<16xi32>
        %parallel_loop3A_604 = arith.andi %parallel_loop3A_602, %broadcast_in_dim3A_81 : vector<16xi32>
        %parallel_loop3A_605 = arith.ori %parallel_loop3A_603, %parallel_loop3A_604 : vector<16xi32>
        %parallel_loop3A_606 = arith.index_cast %parallel_loop3A_210 : i32 to index
        %parallel_loop3A_607 = arith.constant 304 : index
        %parallel_loop3A_608 = tpu.vector_load %arg11[%parallel_loop3A_606, %parallel_loop3A_607] {strides = array<i32>} : memref<32x512xi32, #tpu.memory_space<vmem>>, vector<1x16xi32>,
        %parallel_loop3A_609 = vector.shape_cast %parallel_loop3A_608 : vector<1x16xi32> to vector<16xi32>
        %parallel_loop3A_610 = vector.shape_cast %parallel_loop3A_605 : vector<16xi32> to vector<1x16xi32>
        tpu.vector_store %arg11[%parallel_loop3A_606, %parallel_loop3A_607], %parallel_loop3A_610 {strides = array<i32>} : memref<32x512xi32, #tpu.memory_space<vmem>>, vector<1x16xi32>,
        %parallel_loop3A_611 = arith.index_cast %parallel_loop3A_210 : i32 to index
        %parallel_loop3A_612 = arith.constant 320 : index
        %parallel_loop3A_613 = tpu.vector_load %arg9[%parallel_loop3A_611, %parallel_loop3A_612] {strides = array<i32>} : memref<32x1024xf32, #tpu.memory_space<vmem>>, vector<1x16xf32>,
        %parallel_loop3A_614 = vector.shape_cast %parallel_loop3A_613 : vector<1x16xf32> to vector<16xf32>
        %parallel_loop3A_615 = arith.index_cast %parallel_loop3A_210 : i32 to index
        %parallel_loop3A_616 = arith.constant 832 : index
        %parallel_loop3A_617 = tpu.vector_load %arg9[%parallel_loop3A_615, %parallel_loop3A_616] {strides = array<i32>} : memref<32x1024xf32, #tpu.memory_space<vmem>>, vector<1x16xf32>,
        %parallel_loop3A_618 = vector.shape_cast %parallel_loop3A_617 : vector<1x16xf32> to vector<16xf32>
        %parallel_loop3A_619 = tpu.bitcast %parallel_loop3A_614 : vector<16xf32> -> vector<16xi32>
        %parallel_loop3A_620 = arith.addi %parallel_loop3A_619, %broadcast_in_dim3A_79 : vector<16xi32>
        %parallel_loop3A_621 = tpu.bitcast %parallel_loop3A_618 : vector<16xf32> -> vector<16xi32>
        %parallel_loop3A_622 = arith.addi %parallel_loop3A_621, %broadcast_in_dim3A_79 : vector<16xi32>
        %parallel_loop3A_623 = arith.shrui %parallel_loop3A_620, %broadcast_in_dim3A_83 : vector<16xi32>
        %parallel_loop3A_624 = arith.andi %parallel_loop3A_622, %broadcast_in_dim3A_81 : vector<16xi32>
        %parallel_loop3A_625 = arith.ori %parallel_loop3A_623, %parallel_loop3A_624 : vector<16xi32>
        %parallel_loop3A_626 = arith.index_cast %parallel_loop3A_210 : i32 to index
        %parallel_loop3A_627 = arith.constant 320 : index
        %parallel_loop3A_628 = tpu.vector_load %arg11[%parallel_loop3A_626, %parallel_loop3A_627] {strides = array<i32>} : memref<32x512xi32, #tpu.memory_space<vmem>>, vector<1x16xi32>,
        %parallel_loop3A_629 = vector.shape_cast %parallel_loop3A_628 : vector<1x16xi32> to vector<16xi32>
        %parallel_loop3A_630 = vector.shape_cast %parallel_loop3A_625 : vector<16xi32> to vector<1x16xi32>
        tpu.vector_store %arg11[%parallel_loop3A_626, %parallel_loop3A_627], %parallel_loop3A_630 {strides = array<i32>} : memref<32x512xi32, #tpu.memory_space<vmem>>, vector<1x16xi32>,
        %parallel_loop3A_631 = arith.index_cast %parallel_loop3A_210 : i32 to index
        %parallel_loop3A_632 = arith.constant 336 : index
        %parallel_loop3A_633 = tpu.vector_load %arg9[%parallel_loop3A_631, %parallel_loop3A_632] {strides = array<i32>} : memref<32x1024xf32, #tpu.memory_space<vmem>>, vector<1x16xf32>,
        %parallel_loop3A_634 = vector.shape_cast %parallel_loop3A_633 : vector<1x16xf32> to vector<16xf32>
        %parallel_loop3A_635 = arith.index_cast %parallel_loop3A_210 : i32 to index
        %parallel_loop3A_636 = arith.constant 848 : index
        %parallel_loop3A_637 = tpu.vector_load %arg9[%parallel_loop3A_635, %parallel_loop3A_636] {strides = array<i32>} : memref<32x1024xf32, #tpu.memory_space<vmem>>, vector<1x16xf32>,
        %parallel_loop3A_638 = vector.shape_cast %parallel_loop3A_637 : vector<1x16xf32> to vector<16xf32>
        %parallel_loop3A_639 = tpu.bitcast %parallel_loop3A_634 : vector<16xf32> -> vector<16xi32>
        %parallel_loop3A_640 = arith.addi %parallel_loop3A_639, %broadcast_in_dim3A_79 : vector<16xi32>
        %parallel_loop3A_641 = tpu.bitcast %parallel_loop3A_638 : vector<16xf32> -> vector<16xi32>
        %parallel_loop3A_642 = arith.addi %parallel_loop3A_641, %broadcast_in_dim3A_79 : vector<16xi32>
        %parallel_loop3A_643 = arith.shrui %parallel_loop3A_640, %broadcast_in_dim3A_83 : vector<16xi32>
        %parallel_loop3A_644 = arith.andi %parallel_loop3A_642, %broadcast_in_dim3A_81 : vector<16xi32>
        %parallel_loop3A_645 = arith.ori %parallel_loop3A_643, %parallel_loop3A_644 : vector<16xi32>
        %parallel_loop3A_646 = arith.index_cast %parallel_loop3A_210 : i32 to index
        %parallel_loop3A_647 = arith.constant 336 : index
        %parallel_loop3A_648 = tpu.vector_load %arg11[%parallel_loop3A_646, %parallel_loop3A_647] {strides = array<i32>} : memref<32x512xi32, #tpu.memory_space<vmem>>, vector<1x16xi32>,
        %parallel_loop3A_649 = vector.shape_cast %parallel_loop3A_648 : vector<1x16xi32> to vector<16xi32>
        %parallel_loop3A_650 = vector.shape_cast %parallel_loop3A_645 : vector<16xi32> to vector<1x16xi32>
        tpu.vector_store %arg11[%parallel_loop3A_646, %parallel_loop3A_647], %parallel_loop3A_650 {strides = array<i32>} : memref<32x512xi32, #tpu.memory_space<vmem>>, vector<1x16xi32>,
        %parallel_loop3A_651 = arith.index_cast %parallel_loop3A_210 : i32 to index
        %parallel_loop3A_652 = arith.constant 352 : index
        %parallel_loop3A_653 = tpu.vector_load %arg9[%parallel_loop3A_651, %parallel_loop3A_652] {strides = array<i32>} : memref<32x1024xf32, #tpu.memory_space<vmem>>, vector<1x16xf32>,
        %parallel_loop3A_654 = vector.shape_cast %parallel_loop3A_653 : vector<1x16xf32> to vector<16xf32>
        %parallel_loop3A_655 = arith.index_cast %parallel_loop3A_210 : i32 to index
        %parallel_loop3A_656 = arith.constant 864 : index
        %parallel_loop3A_657 = tpu.vector_load %arg9[%parallel_loop3A_655, %parallel_loop3A_656] {strides = array<i32>} : memref<32x1024xf32, #tpu.memory_space<vmem>>, vector<1x16xf32>,
        %parallel_loop3A_658 = vector.shape_cast %parallel_loop3A_657 : vector<1x16xf32> to vector<16xf32>
        %parallel_loop3A_659 = tpu.bitcast %parallel_loop3A_654 : vector<16xf32> -> vector<16xi32>
        %parallel_loop3A_660 = arith.addi %parallel_loop3A_659, %broadcast_in_dim3A_79 : vector<16xi32>
        %parallel_loop3A_661 = tpu.bitcast %parallel_loop3A_658 : vector<16xf32> -> vector<16xi32>
        %parallel_loop3A_662 = arith.addi %parallel_loop3A_661, %broadcast_in_dim3A_79 : vector<16xi32>
        %parallel_loop3A_663 = arith.shrui %parallel_loop3A_660, %broadcast_in_dim3A_83 : vector<16xi32>
        %parallel_loop3A_664 = arith.andi %parallel_loop3A_662, %broadcast_in_dim3A_81 : vector<16xi32>
        %parallel_loop3A_665 = arith.ori %parallel_loop3A_663, %parallel_loop3A_664 : vector<16xi32>
        %parallel_loop3A_666 = arith.index_cast %parallel_loop3A_210 : i32 to index
        %parallel_loop3A_667 = arith.constant 352 : index
        %parallel_loop3A_668 = tpu.vector_load %arg11[%parallel_loop3A_666, %parallel_loop3A_667] {strides = array<i32>} : memref<32x512xi32, #tpu.memory_space<vmem>>, vector<1x16xi32>,
        %parallel_loop3A_669 = vector.shape_cast %parallel_loop3A_668 : vector<1x16xi32> to vector<16xi32>
        %parallel_loop3A_670 = vector.shape_cast %parallel_loop3A_665 : vector<16xi32> to vector<1x16xi32>
        tpu.vector_store %arg11[%parallel_loop3A_666, %parallel_loop3A_667], %parallel_loop3A_670 {strides = array<i32>} : memref<32x512xi32, #tpu.memory_space<vmem>>, vector<1x16xi32>,
        %parallel_loop3A_671 = arith.index_cast %parallel_loop3A_210 : i32 to index
        %parallel_loop3A_672 = arith.constant 368 : index
        %parallel_loop3A_673 = tpu.vector_load %arg9[%parallel_loop3A_671, %parallel_loop3A_672] {strides = array<i32>} : memref<32x1024xf32, #tpu.memory_space<vmem>>, vector<1x16xf32>,
        %parallel_loop3A_674 = vector.shape_cast %parallel_loop3A_673 : vector<1x16xf32> to vector<16xf32>
        %parallel_loop3A_675 = arith.index_cast %parallel_loop3A_210 : i32 to index
        %parallel_loop3A_676 = arith.constant 880 : index
        %parallel_loop3A_677 = tpu.vector_load %arg9[%parallel_loop3A_675, %parallel_loop3A_676] {strides = array<i32>} : memref<32x1024xf32, #tpu.memory_space<vmem>>, vector<1x16xf32>,
        %parallel_loop3A_678 = vector.shape_cast %parallel_loop3A_677 : vector<1x16xf32> to vector<16xf32>
        %parallel_loop3A_679 = tpu.bitcast %parallel_loop3A_674 : vector<16xf32> -> vector<16xi32>
        %parallel_loop3A_680 = arith.addi %parallel_loop3A_679, %broadcast_in_dim3A_79 : vector<16xi32>
        %parallel_loop3A_681 = tpu.bitcast %parallel_loop3A_678 : vector<16xf32> -> vector<16xi32>
        %parallel_loop3A_682 = arith.addi %parallel_loop3A_681, %broadcast_in_dim3A_79 : vector<16xi32>
        %parallel_loop3A_683 = arith.shrui %parallel_loop3A_680, %broadcast_in_dim3A_83 : vector<16xi32>
        %parallel_loop3A_684 = arith.andi %parallel_loop3A_682, %broadcast_in_dim3A_81 : vector<16xi32>
        %parallel_loop3A_685 = arith.ori %parallel_loop3A_683, %parallel_loop3A_684 : vector<16xi32>
        %parallel_loop3A_686 = arith.index_cast %parallel_loop3A_210 : i32 to index
        %parallel_loop3A_687 = arith.constant 368 : index
        %parallel_loop3A_688 = tpu.vector_load %arg11[%parallel_loop3A_686, %parallel_loop3A_687] {strides = array<i32>} : memref<32x512xi32, #tpu.memory_space<vmem>>, vector<1x16xi32>,
        %parallel_loop3A_689 = vector.shape_cast %parallel_loop3A_688 : vector<1x16xi32> to vector<16xi32>
        %parallel_loop3A_690 = vector.shape_cast %parallel_loop3A_685 : vector<16xi32> to vector<1x16xi32>
        tpu.vector_store %arg11[%parallel_loop3A_686, %parallel_loop3A_687], %parallel_loop3A_690 {strides = array<i32>} : memref<32x512xi32, #tpu.memory_space<vmem>>, vector<1x16xi32>,
        %parallel_loop3A_691 = arith.index_cast %parallel_loop3A_210 : i32 to index
        %parallel_loop3A_692 = arith.constant 384 : index
        %parallel_loop3A_693 = tpu.vector_load %arg9[%parallel_loop3A_691, %parallel_loop3A_692] {strides = array<i32>} : memref<32x1024xf32, #tpu.memory_space<vmem>>, vector<1x16xf32>,
        %parallel_loop3A_694 = vector.shape_cast %parallel_loop3A_693 : vector<1x16xf32> to vector<16xf32>
        %parallel_loop3A_695 = arith.index_cast %parallel_loop3A_210 : i32 to index
        %parallel_loop3A_696 = arith.constant 896 : index
        %parallel_loop3A_697 = tpu.vector_load %arg9[%parallel_loop3A_695, %parallel_loop3A_696] {strides = array<i32>} : memref<32x1024xf32, #tpu.memory_space<vmem>>, vector<1x16xf32>,
        %parallel_loop3A_698 = vector.shape_cast %parallel_loop3A_697 : vector<1x16xf32> to vector<16xf32>
        %parallel_loop3A_699 = tpu.bitcast %parallel_loop3A_694 : vector<16xf32> -> vector<16xi32>
        %parallel_loop3A_700 = arith.addi %parallel_loop3A_699, %broadcast_in_dim3A_79 : vector<16xi32>
        %parallel_loop3A_701 = tpu.bitcast %parallel_loop3A_698 : vector<16xf32> -> vector<16xi32>
        %parallel_loop3A_702 = arith.addi %parallel_loop3A_701, %broadcast_in_dim3A_79 : vector<16xi32>
        %parallel_loop3A_703 = arith.shrui %parallel_loop3A_700, %broadcast_in_dim3A_83 : vector<16xi32>
        %parallel_loop3A_704 = arith.andi %parallel_loop3A_702, %broadcast_in_dim3A_81 : vector<16xi32>
        %parallel_loop3A_705 = arith.ori %parallel_loop3A_703, %parallel_loop3A_704 : vector<16xi32>
        %parallel_loop3A_706 = arith.index_cast %parallel_loop3A_210 : i32 to index
        %parallel_loop3A_707 = arith.constant 384 : index
        %parallel_loop3A_708 = tpu.vector_load %arg11[%parallel_loop3A_706, %parallel_loop3A_707] {strides = array<i32>} : memref<32x512xi32, #tpu.memory_space<vmem>>, vector<1x16xi32>,
        %parallel_loop3A_709 = vector.shape_cast %parallel_loop3A_708 : vector<1x16xi32> to vector<16xi32>
        %parallel_loop3A_710 = vector.shape_cast %parallel_loop3A_705 : vector<16xi32> to vector<1x16xi32>
        tpu.vector_store %arg11[%parallel_loop3A_706, %parallel_loop3A_707], %parallel_loop3A_710 {strides = array<i32>} : memref<32x512xi32, #tpu.memory_space<vmem>>, vector<1x16xi32>,
        %parallel_loop3A_711 = arith.index_cast %parallel_loop3A_210 : i32 to index
        %parallel_loop3A_712 = arith.constant 400 : index
        %parallel_loop3A_713 = tpu.vector_load %arg9[%parallel_loop3A_711, %parallel_loop3A_712] {strides = array<i32>} : memref<32x1024xf32, #tpu.memory_space<vmem>>, vector<1x16xf32>,
        %parallel_loop3A_714 = vector.shape_cast %parallel_loop3A_713 : vector<1x16xf32> to vector<16xf32>
        %parallel_loop3A_715 = arith.index_cast %parallel_loop3A_210 : i32 to index
        %parallel_loop3A_716 = arith.constant 912 : index
        %parallel_loop3A_717 = tpu.vector_load %arg9[%parallel_loop3A_715, %parallel_loop3A_716] {strides = array<i32>} : memref<32x1024xf32, #tpu.memory_space<vmem>>, vector<1x16xf32>,
        %parallel_loop3A_718 = vector.shape_cast %parallel_loop3A_717 : vector<1x16xf32> to vector<16xf32>
        %parallel_loop3A_719 = tpu.bitcast %parallel_loop3A_714 : vector<16xf32> -> vector<16xi32>
        %parallel_loop3A_720 = arith.addi %parallel_loop3A_719, %broadcast_in_dim3A_79 : vector<16xi32>
        %parallel_loop3A_721 = tpu.bitcast %parallel_loop3A_718 : vector<16xf32> -> vector<16xi32>
        %parallel_loop3A_722 = arith.addi %parallel_loop3A_721, %broadcast_in_dim3A_79 : vector<16xi32>
        %parallel_loop3A_723 = arith.shrui %parallel_loop3A_720, %broadcast_in_dim3A_83 : vector<16xi32>
        %parallel_loop3A_724 = arith.andi %parallel_loop3A_722, %broadcast_in_dim3A_81 : vector<16xi32>
        %parallel_loop3A_725 = arith.ori %parallel_loop3A_723, %parallel_loop3A_724 : vector<16xi32>
        %parallel_loop3A_726 = arith.index_cast %parallel_loop3A_210 : i32 to index
        %parallel_loop3A_727 = arith.constant 400 : index
        %parallel_loop3A_728 = tpu.vector_load %arg11[%parallel_loop3A_726, %parallel_loop3A_727] {strides = array<i32>} : memref<32x512xi32, #tpu.memory_space<vmem>>, vector<1x16xi32>,
        %parallel_loop3A_729 = vector.shape_cast %parallel_loop3A_728 : vector<1x16xi32> to vector<16xi32>
        %parallel_loop3A_730 = vector.shape_cast %parallel_loop3A_725 : vector<16xi32> to vector<1x16xi32>
        tpu.vector_store %arg11[%parallel_loop3A_726, %parallel_loop3A_727], %parallel_loop3A_730 {strides = array<i32>} : memref<32x512xi32, #tpu.memory_space<vmem>>, vector<1x16xi32>,
        %parallel_loop3A_731 = arith.index_cast %parallel_loop3A_210 : i32 to index
        %parallel_loop3A_732 = arith.constant 416 : index
        %parallel_loop3A_733 = tpu.vector_load %arg9[%parallel_loop3A_731, %parallel_loop3A_732] {strides = array<i32>} : memref<32x1024xf32, #tpu.memory_space<vmem>>, vector<1x16xf32>,
        %parallel_loop3A_734 = vector.shape_cast %parallel_loop3A_733 : vector<1x16xf32> to vector<16xf32>
        %parallel_loop3A_735 = arith.index_cast %parallel_loop3A_210 : i32 to index
        %parallel_loop3A_736 = arith.constant 928 : index
        %parallel_loop3A_737 = tpu.vector_load %arg9[%parallel_loop3A_735, %parallel_loop3A_736] {strides = array<i32>} : memref<32x1024xf32, #tpu.memory_space<vmem>>, vector<1x16xf32>,
        %parallel_loop3A_738 = vector.shape_cast %parallel_loop3A_737 : vector<1x16xf32> to vector<16xf32>
        %parallel_loop3A_739 = tpu.bitcast %parallel_loop3A_734 : vector<16xf32> -> vector<16xi32>
        %parallel_loop3A_740 = arith.addi %parallel_loop3A_739, %broadcast_in_dim3A_79 : vector<16xi32>
        %parallel_loop3A_741 = tpu.bitcast %parallel_loop3A_738 : vector<16xf32> -> vector<16xi32>
        %parallel_loop3A_742 = arith.addi %parallel_loop3A_741, %broadcast_in_dim3A_79 : vector<16xi32>
        %parallel_loop3A_743 = arith.shrui %parallel_loop3A_740, %broadcast_in_dim3A_83 : vector<16xi32>
        %parallel_loop3A_744 = arith.andi %parallel_loop3A_742, %broadcast_in_dim3A_81 : vector<16xi32>
        %parallel_loop3A_745 = arith.ori %parallel_loop3A_743, %parallel_loop3A_744 : vector<16xi32>
        %parallel_loop3A_746 = arith.index_cast %parallel_loop3A_210 : i32 to index
        %parallel_loop3A_747 = arith.constant 416 : index
        %parallel_loop3A_748 = tpu.vector_load %arg11[%parallel_loop3A_746, %parallel_loop3A_747] {strides = array<i32>} : memref<32x512xi32, #tpu.memory_space<vmem>>, vector<1x16xi32>,
        %parallel_loop3A_749 = vector.shape_cast %parallel_loop3A_748 : vector<1x16xi32> to vector<16xi32>
        %parallel_loop3A_750 = vector.shape_cast %parallel_loop3A_745 : vector<16xi32> to vector<1x16xi32>
        tpu.vector_store %arg11[%parallel_loop3A_746, %parallel_loop3A_747], %parallel_loop3A_750 {strides = array<i32>} : memref<32x512xi32, #tpu.memory_space<vmem>>, vector<1x16xi32>,
        %parallel_loop3A_751 = arith.index_cast %parallel_loop3A_210 : i32 to index
        %parallel_loop3A_752 = arith.constant 432 : index
        %parallel_loop3A_753 = tpu.vector_load %arg9[%parallel_loop3A_751, %parallel_loop3A_752] {strides = array<i32>} : memref<32x1024xf32, #tpu.memory_space<vmem>>, vector<1x16xf32>,
        %parallel_loop3A_754 = vector.shape_cast %parallel_loop3A_753 : vector<1x16xf32> to vector<16xf32>
        %parallel_loop3A_755 = arith.index_cast %parallel_loop3A_210 : i32 to index
        %parallel_loop3A_756 = arith.constant 944 : index
        %parallel_loop3A_757 = tpu.vector_load %arg9[%parallel_loop3A_755, %parallel_loop3A_756] {strides = array<i32>} : memref<32x1024xf32, #tpu.memory_space<vmem>>, vector<1x16xf32>,
        %parallel_loop3A_758 = vector.shape_cast %parallel_loop3A_757 : vector<1x16xf32> to vector<16xf32>
        %parallel_loop3A_759 = tpu.bitcast %parallel_loop3A_754 : vector<16xf32> -> vector<16xi32>
        %parallel_loop3A_760 = arith.addi %parallel_loop3A_759, %broadcast_in_dim3A_79 : vector<16xi32>
        %parallel_loop3A_761 = tpu.bitcast %parallel_loop3A_758 : vector<16xf32> -> vector<16xi32>
        %parallel_loop3A_762 = arith.addi %parallel_loop3A_761, %broadcast_in_dim3A_79 : vector<16xi32>
        %parallel_loop3A_763 = arith.shrui %parallel_loop3A_760, %broadcast_in_dim3A_83 : vector<16xi32>
        %parallel_loop3A_764 = arith.andi %parallel_loop3A_762, %broadcast_in_dim3A_81 : vector<16xi32>
        %parallel_loop3A_765 = arith.ori %parallel_loop3A_763, %parallel_loop3A_764 : vector<16xi32>
        %parallel_loop3A_766 = arith.index_cast %parallel_loop3A_210 : i32 to index
        %parallel_loop3A_767 = arith.constant 432 : index
        %parallel_loop3A_768 = tpu.vector_load %arg11[%parallel_loop3A_766, %parallel_loop3A_767] {strides = array<i32>} : memref<32x512xi32, #tpu.memory_space<vmem>>, vector<1x16xi32>,
        %parallel_loop3A_769 = vector.shape_cast %parallel_loop3A_768 : vector<1x16xi32> to vector<16xi32>
        %parallel_loop3A_770 = vector.shape_cast %parallel_loop3A_765 : vector<16xi32> to vector<1x16xi32>
        tpu.vector_store %arg11[%parallel_loop3A_766, %parallel_loop3A_767], %parallel_loop3A_770 {strides = array<i32>} : memref<32x512xi32, #tpu.memory_space<vmem>>, vector<1x16xi32>,
        %parallel_loop3A_771 = arith.index_cast %parallel_loop3A_210 : i32 to index
        %parallel_loop3A_772 = arith.constant 448 : index
        %parallel_loop3A_773 = tpu.vector_load %arg9[%parallel_loop3A_771, %parallel_loop3A_772] {strides = array<i32>} : memref<32x1024xf32, #tpu.memory_space<vmem>>, vector<1x16xf32>,
        %parallel_loop3A_774 = vector.shape_cast %parallel_loop3A_773 : vector<1x16xf32> to vector<16xf32>
        %parallel_loop3A_775 = arith.index_cast %parallel_loop3A_210 : i32 to index
        %parallel_loop3A_776 = arith.constant 960 : index
        %parallel_loop3A_777 = tpu.vector_load %arg9[%parallel_loop3A_775, %parallel_loop3A_776] {strides = array<i32>} : memref<32x1024xf32, #tpu.memory_space<vmem>>, vector<1x16xf32>,
        %parallel_loop3A_778 = vector.shape_cast %parallel_loop3A_777 : vector<1x16xf32> to vector<16xf32>
        %parallel_loop3A_779 = tpu.bitcast %parallel_loop3A_774 : vector<16xf32> -> vector<16xi32>
        %parallel_loop3A_780 = arith.addi %parallel_loop3A_779, %broadcast_in_dim3A_79 : vector<16xi32>
        %parallel_loop3A_781 = tpu.bitcast %parallel_loop3A_778 : vector<16xf32> -> vector<16xi32>
        %parallel_loop3A_782 = arith.addi %parallel_loop3A_781, %broadcast_in_dim3A_79 : vector<16xi32>
        %parallel_loop3A_783 = arith.shrui %parallel_loop3A_780, %broadcast_in_dim3A_83 : vector<16xi32>
        %parallel_loop3A_784 = arith.andi %parallel_loop3A_782, %broadcast_in_dim3A_81 : vector<16xi32>
        %parallel_loop3A_785 = arith.ori %parallel_loop3A_783, %parallel_loop3A_784 : vector<16xi32>
        %parallel_loop3A_786 = arith.index_cast %parallel_loop3A_210 : i32 to index
        %parallel_loop3A_787 = arith.constant 448 : index
        %parallel_loop3A_788 = tpu.vector_load %arg11[%parallel_loop3A_786, %parallel_loop3A_787] {strides = array<i32>} : memref<32x512xi32, #tpu.memory_space<vmem>>, vector<1x16xi32>,
        %parallel_loop3A_789 = vector.shape_cast %parallel_loop3A_788 : vector<1x16xi32> to vector<16xi32>
        %parallel_loop3A_790 = vector.shape_cast %parallel_loop3A_785 : vector<16xi32> to vector<1x16xi32>
        tpu.vector_store %arg11[%parallel_loop3A_786, %parallel_loop3A_787], %parallel_loop3A_790 {strides = array<i32>} : memref<32x512xi32, #tpu.memory_space<vmem>>, vector<1x16xi32>,
        %parallel_loop3A_791 = arith.index_cast %parallel_loop3A_210 : i32 to index
        %parallel_loop3A_792 = arith.constant 464 : index
        %parallel_loop3A_793 = tpu.vector_load %arg9[%parallel_loop3A_791, %parallel_loop3A_792] {strides = array<i32>} : memref<32x1024xf32, #tpu.memory_space<vmem>>, vector<1x16xf32>,
        %parallel_loop3A_794 = vector.shape_cast %parallel_loop3A_793 : vector<1x16xf32> to vector<16xf32>
        %parallel_loop3A_795 = arith.index_cast %parallel_loop3A_210 : i32 to index
        %parallel_loop3A_796 = arith.constant 976 : index
        %parallel_loop3A_797 = tpu.vector_load %arg9[%parallel_loop3A_795, %parallel_loop3A_796] {strides = array<i32>} : memref<32x1024xf32, #tpu.memory_space<vmem>>, vector<1x16xf32>,
        %parallel_loop3A_798 = vector.shape_cast %parallel_loop3A_797 : vector<1x16xf32> to vector<16xf32>
        %parallel_loop3A_799 = tpu.bitcast %parallel_loop3A_794 : vector<16xf32> -> vector<16xi32>
        %parallel_loop3A_800 = arith.addi %parallel_loop3A_799, %broadcast_in_dim3A_79 : vector<16xi32>
        %parallel_loop3A_801 = tpu.bitcast %parallel_loop3A_798 : vector<16xf32> -> vector<16xi32>
        %parallel_loop3A_802 = arith.addi %parallel_loop3A_801, %broadcast_in_dim3A_79 : vector<16xi32>
        %parallel_loop3A_803 = arith.shrui %parallel_loop3A_800, %broadcast_in_dim3A_83 : vector<16xi32>
        %parallel_loop3A_804 = arith.andi %parallel_loop3A_802, %broadcast_in_dim3A_81 : vector<16xi32>
        %parallel_loop3A_805 = arith.ori %parallel_loop3A_803, %parallel_loop3A_804 : vector<16xi32>
        %parallel_loop3A_806 = arith.index_cast %parallel_loop3A_210 : i32 to index
        %parallel_loop3A_807 = arith.constant 464 : index
        %parallel_loop3A_808 = tpu.vector_load %arg11[%parallel_loop3A_806, %parallel_loop3A_807] {strides = array<i32>} : memref<32x512xi32, #tpu.memory_space<vmem>>, vector<1x16xi32>,
        %parallel_loop3A_809 = vector.shape_cast %parallel_loop3A_808 : vector<1x16xi32> to vector<16xi32>
        %parallel_loop3A_810 = vector.shape_cast %parallel_loop3A_805 : vector<16xi32> to vector<1x16xi32>
        tpu.vector_store %arg11[%parallel_loop3A_806, %parallel_loop3A_807], %parallel_loop3A_810 {strides = array<i32>} : memref<32x512xi32, #tpu.memory_space<vmem>>, vector<1x16xi32>,
        %parallel_loop3A_811 = arith.index_cast %parallel_loop3A_210 : i32 to index
        %parallel_loop3A_812 = arith.constant 480 : index
        %parallel_loop3A_813 = tpu.vector_load %arg9[%parallel_loop3A_811, %parallel_loop3A_812] {strides = array<i32>} : memref<32x1024xf32, #tpu.memory_space<vmem>>, vector<1x16xf32>,
        %parallel_loop3A_814 = vector.shape_cast %parallel_loop3A_813 : vector<1x16xf32> to vector<16xf32>
        %parallel_loop3A_815 = arith.index_cast %parallel_loop3A_210 : i32 to index
        %parallel_loop3A_816 = arith.constant 992 : index
        %parallel_loop3A_817 = tpu.vector_load %arg9[%parallel_loop3A_815, %parallel_loop3A_816] {strides = array<i32>} : memref<32x1024xf32, #tpu.memory_space<vmem>>, vector<1x16xf32>,
        %parallel_loop3A_818 = vector.shape_cast %parallel_loop3A_817 : vector<1x16xf32> to vector<16xf32>
        %parallel_loop3A_819 = tpu.bitcast %parallel_loop3A_814 : vector<16xf32> -> vector<16xi32>
        %parallel_loop3A_820 = arith.addi %parallel_loop3A_819, %broadcast_in_dim3A_79 : vector<16xi32>
        %parallel_loop3A_821 = tpu.bitcast %parallel_loop3A_818 : vector<16xf32> -> vector<16xi32>
        %parallel_loop3A_822 = arith.addi %parallel_loop3A_821, %broadcast_in_dim3A_79 : vector<16xi32>
        %parallel_loop3A_823 = arith.shrui %parallel_loop3A_820, %broadcast_in_dim3A_83 : vector<16xi32>
        %parallel_loop3A_824 = arith.andi %parallel_loop3A_822, %broadcast_in_dim3A_81 : vector<16xi32>
        %parallel_loop3A_825 = arith.ori %parallel_loop3A_823, %parallel_loop3A_824 : vector<16xi32>
        %parallel_loop3A_826 = arith.index_cast %parallel_loop3A_210 : i32 to index
        %parallel_loop3A_827 = arith.constant 480 : index
        %parallel_loop3A_828 = tpu.vector_load %arg11[%parallel_loop3A_826, %parallel_loop3A_827] {strides = array<i32>} : memref<32x512xi32, #tpu.memory_space<vmem>>, vector<1x16xi32>,
        %parallel_loop3A_829 = vector.shape_cast %parallel_loop3A_828 : vector<1x16xi32> to vector<16xi32>
        %parallel_loop3A_830 = vector.shape_cast %parallel_loop3A_825 : vector<16xi32> to vector<1x16xi32>
        tpu.vector_store %arg11[%parallel_loop3A_826, %parallel_loop3A_827], %parallel_loop3A_830 {strides = array<i32>} : memref<32x512xi32, #tpu.memory_space<vmem>>, vector<1x16xi32>,
        %parallel_loop3A_831 = arith.index_cast %parallel_loop3A_210 : i32 to index
        %parallel_loop3A_832 = arith.constant 496 : index
        %parallel_loop3A_833 = tpu.vector_load %arg9[%parallel_loop3A_831, %parallel_loop3A_832] {strides = array<i32>} : memref<32x1024xf32, #tpu.memory_space<vmem>>, vector<1x16xf32>,
        %parallel_loop3A_834 = vector.shape_cast %parallel_loop3A_833 : vector<1x16xf32> to vector<16xf32>
        %parallel_loop3A_835 = arith.index_cast %parallel_loop3A_210 : i32 to index
        %parallel_loop3A_836 = arith.constant 1008 : index
        %parallel_loop3A_837 = tpu.vector_load %arg9[%parallel_loop3A_835, %parallel_loop3A_836] {strides = array<i32>} : memref<32x1024xf32, #tpu.memory_space<vmem>>, vector<1x16xf32>,
        %parallel_loop3A_838 = vector.shape_cast %parallel_loop3A_837 : vector<1x16xf32> to vector<16xf32>
        %parallel_loop3A_839 = tpu.bitcast %parallel_loop3A_834 : vector<16xf32> -> vector<16xi32>
        %parallel_loop3A_840 = arith.addi %parallel_loop3A_839, %broadcast_in_dim3A_79 : vector<16xi32>
        %parallel_loop3A_841 = tpu.bitcast %parallel_loop3A_838 : vector<16xf32> -> vector<16xi32>
        %parallel_loop3A_842 = arith.addi %parallel_loop3A_841, %broadcast_in_dim3A_79 : vector<16xi32>
        %parallel_loop3A_843 = arith.shrui %parallel_loop3A_840, %broadcast_in_dim3A_83 : vector<16xi32>
        %parallel_loop3A_844 = arith.andi %parallel_loop3A_842, %broadcast_in_dim3A_81 : vector<16xi32>
        %parallel_loop3A_845 = arith.ori %parallel_loop3A_843, %parallel_loop3A_844 : vector<16xi32>
        %parallel_loop3A_846 = arith.index_cast %parallel_loop3A_210 : i32 to index
        %parallel_loop3A_847 = arith.constant 496 : index
        %parallel_loop3A_848 = tpu.vector_load %arg11[%parallel_loop3A_846, %parallel_loop3A_847] {strides = array<i32>} : memref<32x512xi32, #tpu.memory_space<vmem>>, vector<1x16xi32>,
        %parallel_loop3A_849 = vector.shape_cast %parallel_loop3A_848 : vector<1x16xi32> to vector<16xi32>
        %parallel_loop3A_850 = vector.shape_cast %parallel_loop3A_845 : vector<16xi32> to vector<1x16xi32>
        tpu.vector_store %arg11[%parallel_loop3A_846, %parallel_loop3A_847], %parallel_loop3A_850 {strides = array<i32>} : memref<32x512xi32, #tpu.memory_space<vmem>>, vector<1x16xi32>,
      } {sc.loop_unroll_factor = 4 : i64, sc.parallel_access}
      %div3A_155 = arith.constant 8 : i32
      %div3A_156 = arith.divsi %mul3A_138, %div3A_155 : i32
      %rem3A_157 = arith.constant 8 : i32
      %rem3A_158 = arith.remsi %mul3A_138, %rem3A_157 : i32
      %mul3A_159 = arith.constant 8192 : i32
      %mul3A_160 = arith.muli %div3A_156, %mul3A_159 : i32
      %mul3A_161 = arith.constant 256 : i32
      %mul3A_162 = arith.muli %add3A, %mul3A_161 : i32
      %add3A_163 = arith.addi %mul3A_160, %mul3A_162 : i32
      %mul3A_164 = arith.constant 32 : i32
      %mul3A_165 = arith.muli %rem3A_158, %mul3A_164 : i32
      %add3A_166 = arith.addi %add3A_163, %mul3A_165 : i32
      %dma_start3A_167 = arith.constant 0 : i32
      %dma_start3A_168 = tpu.memref_slice %arg5[%add3A_166, %dma_start3A_167] : memref<65536x512xi32, #tpu.memory_space<hbm>> -> memref<32x512xi32, #tpu.memory_space<hbm>>
      %dma_start3A_169 = arith.constant 0 : i32
      %dma_start3A_170 = tpu.memref_slice %arg5[%add3A_166, %dma_start3A_169] : memref<65536x512xi32, #tpu.memory_space<hbm>> -> memref<32x512xi32, #tpu.memory_space<hbm>>
      tpu.enqueue_dma source(%arg11 : memref<32x512xi32, #tpu.memory_space<vmem>>) target(%dma_start3A_170 : memref<32x512xi32, #tpu.memory_space<hbm>>) target_semaphore(%arg15 : memref<!tpu.dma_semaphore, #tpu.memory_space<semaphore_mem>>)
      %add3A_171 = arith.constant 1 : i32
      %add3A_172 = arith.addi %mul3A_138, %add3A_171 : i32
      %add3A_173 = arith.constant 1 : i32
      %add3A_174 = arith.addi %add3A_172, %add3A_173 : i32
      %le3A_175 = arith.constant 63 : i32
      %le3A_176 = arith.cmpi sle, %add3A_174, %le3A_175 : i32
      %convert_element_type3A_177 = arith.extui %le3A_176 : i1 to i32
      %cond3A_178 = arith.constant 0 : i32
      %cond3A_179 = arith.cmpi ne, %convert_element_type3A_177, %cond3A_178 : i32
      scf.if %cond3A_179 {
        %add3A_210 = arith.constant 1 : i32
        %add3A_211 = arith.addi %add3A_172, %add3A_210 : i32
        %mul3A_212 = arith.constant 32 : i32
        %mul3A_213 = arith.muli %add3A_211, %mul3A_212 : i32
        %dma_start3A_214 = tpu.memref_slice %arg8[%mul3A_213] : memref<2048xi32, #tpu.memory_space<vmem>> -> memref<32xi32, #tpu.memory_space<vmem>>
        %dma_start3A_215 = arith.constant 0 : i32
        %dma_start3A_216 = arith.constant 0 : i32
        %dma_start3A_217 = tpu.memref_slice %arg4[%dma_start3A_215, %dma_start3A_216] : memref<131072x1024xf32, #tpu.memory_space<hbm>> -> memref<131072x1024xf32, #tpu.memory_space<hbm>>
        tpu.enqueue_indirect_dma source(%dma_start3A_217 : memref<131072x1024xf32, #tpu.memory_space<hbm>>) target(%arg9 : memref<32x1024xf32, #tpu.memory_space<vmem>>) offsets(%dma_start3A_214 : memref<32xi32, #tpu.memory_space<vmem>>) semaphore(%arg13 : memref<!tpu.dma_semaphore, #tpu.memory_space<semaphore_mem>>)
      } else {
      }
      %mul3A_180 = arith.constant 32 : i32
      %mul3A_181 = arith.muli %add3A_172, %mul3A_180 : i32
      %dma_wait3A_182 = tpu.memref_slice %arg8[%mul3A_181] : memref<2048xi32, #tpu.memory_space<vmem>> -> memref<32xi32, #tpu.memory_space<vmem>>
      %dma_wait3A_183 = arith.constant 0 : i32
      %dma_wait3A_184 = arith.constant 0 : i32
      %dma_wait3A_185 = tpu.memref_slice %arg4[%dma_wait3A_183, %dma_wait3A_184] : memref<131072x1024xf32, #tpu.memory_space<hbm>> -> memref<131072x1024xf32, #tpu.memory_space<hbm>>
      tpu.wait_indirect_dma semaphore(%arg14 : memref<!tpu.dma_semaphore, #tpu.memory_space<semaphore_mem>>) src(%dma_wait3A_185 : memref<131072x1024xf32, #tpu.memory_space<hbm>>) dst(%arg10 : memref<32x1024xf32, #tpu.memory_space<vmem>>)
      %ge3A_186 = arith.constant 2 : i32
      %ge3A_187 = arith.cmpi sge, %add3A_172, %ge3A_186 : i32
      %convert_element_type3A_188 = arith.extui %ge3A_187 : i1 to i32
      %cond3A_189 = arith.constant 0 : i32
      %cond3A_190 = arith.cmpi ne, %convert_element_type3A_188, %cond3A_189 : i32
      scf.if %cond3A_190 {
        %sub3A = arith.constant 2 : i32
        %sub3A_210 = arith.subi %add3A_172, %sub3A : i32
        %div3A_211 = arith.constant 8 : i32
        %div3A_212 = arith.divsi %sub3A_210, %div3A_211 : i32
        %rem3A_213 = arith.constant 8 : i32
        %rem3A_214 = arith.remsi %sub3A_210, %rem3A_213 : i32
        %mul3A_215 = arith.constant 8192 : i32
        %mul3A_216 = arith.muli %div3A_212, %mul3A_215 : i32
        %mul3A_217 = arith.constant 256 : i32
        %mul3A_218 = arith.muli %add3A, %mul3A_217 : i32
        %add3A_219 = arith.addi %mul3A_216, %mul3A_218 : i32
        %mul3A_220 = arith.constant 32 : i32
        %mul3A_221 = arith.muli %rem3A_214, %mul3A_220 : i32
        %add3A_222 = arith.addi %add3A_219, %mul3A_221 : i32
        %dma_wait3A_223 = arith.constant 0 : i32
        %dma_wait3A_224 = tpu.memref_slice %arg5[%add3A_222, %dma_wait3A_223] : memref<65536x512xi32, #tpu.memory_space<hbm>> -> memref<32x512xi32, #tpu.memory_space<hbm>>
        %dma_wait3A_225 = arith.constant 0 : i32
        %dma_wait3A_226 = tpu.memref_slice %arg5[%add3A_222, %dma_wait3A_225] : memref<65536x512xi32, #tpu.memory_space<hbm>> -> memref<32x512xi32, #tpu.memory_space<hbm>>
        tpu.wait_dma2 semaphore(%arg16 : memref<!tpu.dma_semaphore, #tpu.memory_space<semaphore_mem>>) src(%arg12 : memref<32x512xi32, #tpu.memory_space<vmem>>) dst(%dma_wait3A_226 : memref<32x512xi32, #tpu.memory_space<hbm>>)
      } else {
      }
      %parallel_loop3A_191 = arith.constant 0 : i32
      %parallel_loop3A_192 = arith.constant 32 : i32
      %parallel_loop3A_193 = arith.constant 1 : i32
      scf.for %parallel_loop3A_210 = %parallel_loop3A_191 to %parallel_loop3A_192 step %parallel_loop3A_193  : i32 {
        %parallel_loop3A_211 = arith.index_cast %parallel_loop3A_210 : i32 to index
        %parallel_loop3A_212 = arith.constant 0 : index
        %parallel_loop3A_213 = tpu.vector_load %arg10[%parallel_loop3A_211, %parallel_loop3A_212] {strides = array<i32>} : memref<32x1024xf32, #tpu.memory_space<vmem>>, vector<1x16xf32>,
        %parallel_loop3A_214 = vector.shape_cast %parallel_loop3A_213 : vector<1x16xf32> to vector<16xf32>
        %parallel_loop3A_215 = arith.index_cast %parallel_loop3A_210 : i32 to index
        %parallel_loop3A_216 = arith.constant 512 : index
        %parallel_loop3A_217 = tpu.vector_load %arg10[%parallel_loop3A_215, %parallel_loop3A_216] {strides = array<i32>} : memref<32x1024xf32, #tpu.memory_space<vmem>>, vector<1x16xf32>,
        %parallel_loop3A_218 = vector.shape_cast %parallel_loop3A_217 : vector<1x16xf32> to vector<16xf32>
        %parallel_loop3A_219 = tpu.bitcast %parallel_loop3A_214 : vector<16xf32> -> vector<16xi32>
        %parallel_loop3A_220 = arith.addi %parallel_loop3A_219, %broadcast_in_dim3A_79 : vector<16xi32>
        %parallel_loop3A_221 = tpu.bitcast %parallel_loop3A_218 : vector<16xf32> -> vector<16xi32>
        %parallel_loop3A_222 = arith.addi %parallel_loop3A_221, %broadcast_in_dim3A_79 : vector<16xi32>
        %parallel_loop3A_223 = arith.shrui %parallel_loop3A_220, %broadcast_in_dim3A_83 : vector<16xi32>
        %parallel_loop3A_224 = arith.andi %parallel_loop3A_222, %broadcast_in_dim3A_81 : vector<16xi32>
        %parallel_loop3A_225 = arith.ori %parallel_loop3A_223, %parallel_loop3A_224 : vector<16xi32>
        %parallel_loop3A_226 = arith.index_cast %parallel_loop3A_210 : i32 to index
        %parallel_loop3A_227 = arith.constant 0 : index
        %parallel_loop3A_228 = tpu.vector_load %arg12[%parallel_loop3A_226, %parallel_loop3A_227] {strides = array<i32>} : memref<32x512xi32, #tpu.memory_space<vmem>>, vector<1x16xi32>,
        %parallel_loop3A_229 = vector.shape_cast %parallel_loop3A_228 : vector<1x16xi32> to vector<16xi32>
        %parallel_loop3A_230 = vector.shape_cast %parallel_loop3A_225 : vector<16xi32> to vector<1x16xi32>
        tpu.vector_store %arg12[%parallel_loop3A_226, %parallel_loop3A_227], %parallel_loop3A_230 {strides = array<i32>} : memref<32x512xi32, #tpu.memory_space<vmem>>, vector<1x16xi32>,
        %parallel_loop3A_231 = arith.index_cast %parallel_loop3A_210 : i32 to index
        %parallel_loop3A_232 = arith.constant 16 : index
        %parallel_loop3A_233 = tpu.vector_load %arg10[%parallel_loop3A_231, %parallel_loop3A_232] {strides = array<i32>} : memref<32x1024xf32, #tpu.memory_space<vmem>>, vector<1x16xf32>,
        %parallel_loop3A_234 = vector.shape_cast %parallel_loop3A_233 : vector<1x16xf32> to vector<16xf32>
        %parallel_loop3A_235 = arith.index_cast %parallel_loop3A_210 : i32 to index
        %parallel_loop3A_236 = arith.constant 528 : index
        %parallel_loop3A_237 = tpu.vector_load %arg10[%parallel_loop3A_235, %parallel_loop3A_236] {strides = array<i32>} : memref<32x1024xf32, #tpu.memory_space<vmem>>, vector<1x16xf32>,
        %parallel_loop3A_238 = vector.shape_cast %parallel_loop3A_237 : vector<1x16xf32> to vector<16xf32>
        %parallel_loop3A_239 = tpu.bitcast %parallel_loop3A_234 : vector<16xf32> -> vector<16xi32>
        %parallel_loop3A_240 = arith.addi %parallel_loop3A_239, %broadcast_in_dim3A_79 : vector<16xi32>
        %parallel_loop3A_241 = tpu.bitcast %parallel_loop3A_238 : vector<16xf32> -> vector<16xi32>
        %parallel_loop3A_242 = arith.addi %parallel_loop3A_241, %broadcast_in_dim3A_79 : vector<16xi32>
        %parallel_loop3A_243 = arith.shrui %parallel_loop3A_240, %broadcast_in_dim3A_83 : vector<16xi32>
        %parallel_loop3A_244 = arith.andi %parallel_loop3A_242, %broadcast_in_dim3A_81 : vector<16xi32>
        %parallel_loop3A_245 = arith.ori %parallel_loop3A_243, %parallel_loop3A_244 : vector<16xi32>
        %parallel_loop3A_246 = arith.index_cast %parallel_loop3A_210 : i32 to index
        %parallel_loop3A_247 = arith.constant 16 : index
        %parallel_loop3A_248 = tpu.vector_load %arg12[%parallel_loop3A_246, %parallel_loop3A_247] {strides = array<i32>} : memref<32x512xi32, #tpu.memory_space<vmem>>, vector<1x16xi32>,
        %parallel_loop3A_249 = vector.shape_cast %parallel_loop3A_248 : vector<1x16xi32> to vector<16xi32>
        %parallel_loop3A_250 = vector.shape_cast %parallel_loop3A_245 : vector<16xi32> to vector<1x16xi32>
        tpu.vector_store %arg12[%parallel_loop3A_246, %parallel_loop3A_247], %parallel_loop3A_250 {strides = array<i32>} : memref<32x512xi32, #tpu.memory_space<vmem>>, vector<1x16xi32>,
        %parallel_loop3A_251 = arith.index_cast %parallel_loop3A_210 : i32 to index
        %parallel_loop3A_252 = arith.constant 32 : index
        %parallel_loop3A_253 = tpu.vector_load %arg10[%parallel_loop3A_251, %parallel_loop3A_252] {strides = array<i32>} : memref<32x1024xf32, #tpu.memory_space<vmem>>, vector<1x16xf32>,
        %parallel_loop3A_254 = vector.shape_cast %parallel_loop3A_253 : vector<1x16xf32> to vector<16xf32>
        %parallel_loop3A_255 = arith.index_cast %parallel_loop3A_210 : i32 to index
        %parallel_loop3A_256 = arith.constant 544 : index
        %parallel_loop3A_257 = tpu.vector_load %arg10[%parallel_loop3A_255, %parallel_loop3A_256] {strides = array<i32>} : memref<32x1024xf32, #tpu.memory_space<vmem>>, vector<1x16xf32>,
        %parallel_loop3A_258 = vector.shape_cast %parallel_loop3A_257 : vector<1x16xf32> to vector<16xf32>
        %parallel_loop3A_259 = tpu.bitcast %parallel_loop3A_254 : vector<16xf32> -> vector<16xi32>
        %parallel_loop3A_260 = arith.addi %parallel_loop3A_259, %broadcast_in_dim3A_79 : vector<16xi32>
        %parallel_loop3A_261 = tpu.bitcast %parallel_loop3A_258 : vector<16xf32> -> vector<16xi32>
        %parallel_loop3A_262 = arith.addi %parallel_loop3A_261, %broadcast_in_dim3A_79 : vector<16xi32>
        %parallel_loop3A_263 = arith.shrui %parallel_loop3A_260, %broadcast_in_dim3A_83 : vector<16xi32>
        %parallel_loop3A_264 = arith.andi %parallel_loop3A_262, %broadcast_in_dim3A_81 : vector<16xi32>
        %parallel_loop3A_265 = arith.ori %parallel_loop3A_263, %parallel_loop3A_264 : vector<16xi32>
        %parallel_loop3A_266 = arith.index_cast %parallel_loop3A_210 : i32 to index
        %parallel_loop3A_267 = arith.constant 32 : index
        %parallel_loop3A_268 = tpu.vector_load %arg12[%parallel_loop3A_266, %parallel_loop3A_267] {strides = array<i32>} : memref<32x512xi32, #tpu.memory_space<vmem>>, vector<1x16xi32>,
        %parallel_loop3A_269 = vector.shape_cast %parallel_loop3A_268 : vector<1x16xi32> to vector<16xi32>
        %parallel_loop3A_270 = vector.shape_cast %parallel_loop3A_265 : vector<16xi32> to vector<1x16xi32>
        tpu.vector_store %arg12[%parallel_loop3A_266, %parallel_loop3A_267], %parallel_loop3A_270 {strides = array<i32>} : memref<32x512xi32, #tpu.memory_space<vmem>>, vector<1x16xi32>,
        %parallel_loop3A_271 = arith.index_cast %parallel_loop3A_210 : i32 to index
        %parallel_loop3A_272 = arith.constant 48 : index
        %parallel_loop3A_273 = tpu.vector_load %arg10[%parallel_loop3A_271, %parallel_loop3A_272] {strides = array<i32>} : memref<32x1024xf32, #tpu.memory_space<vmem>>, vector<1x16xf32>,
        %parallel_loop3A_274 = vector.shape_cast %parallel_loop3A_273 : vector<1x16xf32> to vector<16xf32>
        %parallel_loop3A_275 = arith.index_cast %parallel_loop3A_210 : i32 to index
        %parallel_loop3A_276 = arith.constant 560 : index
        %parallel_loop3A_277 = tpu.vector_load %arg10[%parallel_loop3A_275, %parallel_loop3A_276] {strides = array<i32>} : memref<32x1024xf32, #tpu.memory_space<vmem>>, vector<1x16xf32>,
        %parallel_loop3A_278 = vector.shape_cast %parallel_loop3A_277 : vector<1x16xf32> to vector<16xf32>
        %parallel_loop3A_279 = tpu.bitcast %parallel_loop3A_274 : vector<16xf32> -> vector<16xi32>
        %parallel_loop3A_280 = arith.addi %parallel_loop3A_279, %broadcast_in_dim3A_79 : vector<16xi32>
        %parallel_loop3A_281 = tpu.bitcast %parallel_loop3A_278 : vector<16xf32> -> vector<16xi32>
        %parallel_loop3A_282 = arith.addi %parallel_loop3A_281, %broadcast_in_dim3A_79 : vector<16xi32>
        %parallel_loop3A_283 = arith.shrui %parallel_loop3A_280, %broadcast_in_dim3A_83 : vector<16xi32>
        %parallel_loop3A_284 = arith.andi %parallel_loop3A_282, %broadcast_in_dim3A_81 : vector<16xi32>
        %parallel_loop3A_285 = arith.ori %parallel_loop3A_283, %parallel_loop3A_284 : vector<16xi32>
        %parallel_loop3A_286 = arith.index_cast %parallel_loop3A_210 : i32 to index
        %parallel_loop3A_287 = arith.constant 48 : index
        %parallel_loop3A_288 = tpu.vector_load %arg12[%parallel_loop3A_286, %parallel_loop3A_287] {strides = array<i32>} : memref<32x512xi32, #tpu.memory_space<vmem>>, vector<1x16xi32>,
        %parallel_loop3A_289 = vector.shape_cast %parallel_loop3A_288 : vector<1x16xi32> to vector<16xi32>
        %parallel_loop3A_290 = vector.shape_cast %parallel_loop3A_285 : vector<16xi32> to vector<1x16xi32>
        tpu.vector_store %arg12[%parallel_loop3A_286, %parallel_loop3A_287], %parallel_loop3A_290 {strides = array<i32>} : memref<32x512xi32, #tpu.memory_space<vmem>>, vector<1x16xi32>,
        %parallel_loop3A_291 = arith.index_cast %parallel_loop3A_210 : i32 to index
        %parallel_loop3A_292 = arith.constant 64 : index
        %parallel_loop3A_293 = tpu.vector_load %arg10[%parallel_loop3A_291, %parallel_loop3A_292] {strides = array<i32>} : memref<32x1024xf32, #tpu.memory_space<vmem>>, vector<1x16xf32>,
        %parallel_loop3A_294 = vector.shape_cast %parallel_loop3A_293 : vector<1x16xf32> to vector<16xf32>
        %parallel_loop3A_295 = arith.index_cast %parallel_loop3A_210 : i32 to index
        %parallel_loop3A_296 = arith.constant 576 : index
        %parallel_loop3A_297 = tpu.vector_load %arg10[%parallel_loop3A_295, %parallel_loop3A_296] {strides = array<i32>} : memref<32x1024xf32, #tpu.memory_space<vmem>>, vector<1x16xf32>,
        %parallel_loop3A_298 = vector.shape_cast %parallel_loop3A_297 : vector<1x16xf32> to vector<16xf32>
        %parallel_loop3A_299 = tpu.bitcast %parallel_loop3A_294 : vector<16xf32> -> vector<16xi32>
        %parallel_loop3A_300 = arith.addi %parallel_loop3A_299, %broadcast_in_dim3A_79 : vector<16xi32>
        %parallel_loop3A_301 = tpu.bitcast %parallel_loop3A_298 : vector<16xf32> -> vector<16xi32>
        %parallel_loop3A_302 = arith.addi %parallel_loop3A_301, %broadcast_in_dim3A_79 : vector<16xi32>
        %parallel_loop3A_303 = arith.shrui %parallel_loop3A_300, %broadcast_in_dim3A_83 : vector<16xi32>
        %parallel_loop3A_304 = arith.andi %parallel_loop3A_302, %broadcast_in_dim3A_81 : vector<16xi32>
        %parallel_loop3A_305 = arith.ori %parallel_loop3A_303, %parallel_loop3A_304 : vector<16xi32>
        %parallel_loop3A_306 = arith.index_cast %parallel_loop3A_210 : i32 to index
        %parallel_loop3A_307 = arith.constant 64 : index
        %parallel_loop3A_308 = tpu.vector_load %arg12[%parallel_loop3A_306, %parallel_loop3A_307] {strides = array<i32>} : memref<32x512xi32, #tpu.memory_space<vmem>>, vector<1x16xi32>,
        %parallel_loop3A_309 = vector.shape_cast %parallel_loop3A_308 : vector<1x16xi32> to vector<16xi32>
        %parallel_loop3A_310 = vector.shape_cast %parallel_loop3A_305 : vector<16xi32> to vector<1x16xi32>
        tpu.vector_store %arg12[%parallel_loop3A_306, %parallel_loop3A_307], %parallel_loop3A_310 {strides = array<i32>} : memref<32x512xi32, #tpu.memory_space<vmem>>, vector<1x16xi32>,
        %parallel_loop3A_311 = arith.index_cast %parallel_loop3A_210 : i32 to index
        %parallel_loop3A_312 = arith.constant 80 : index
        %parallel_loop3A_313 = tpu.vector_load %arg10[%parallel_loop3A_311, %parallel_loop3A_312] {strides = array<i32>} : memref<32x1024xf32, #tpu.memory_space<vmem>>, vector<1x16xf32>,
        %parallel_loop3A_314 = vector.shape_cast %parallel_loop3A_313 : vector<1x16xf32> to vector<16xf32>
        %parallel_loop3A_315 = arith.index_cast %parallel_loop3A_210 : i32 to index
        %parallel_loop3A_316 = arith.constant 592 : index
        %parallel_loop3A_317 = tpu.vector_load %arg10[%parallel_loop3A_315, %parallel_loop3A_316] {strides = array<i32>} : memref<32x1024xf32, #tpu.memory_space<vmem>>, vector<1x16xf32>,
        %parallel_loop3A_318 = vector.shape_cast %parallel_loop3A_317 : vector<1x16xf32> to vector<16xf32>
        %parallel_loop3A_319 = tpu.bitcast %parallel_loop3A_314 : vector<16xf32> -> vector<16xi32>
        %parallel_loop3A_320 = arith.addi %parallel_loop3A_319, %broadcast_in_dim3A_79 : vector<16xi32>
        %parallel_loop3A_321 = tpu.bitcast %parallel_loop3A_318 : vector<16xf32> -> vector<16xi32>
        %parallel_loop3A_322 = arith.addi %parallel_loop3A_321, %broadcast_in_dim3A_79 : vector<16xi32>
        %parallel_loop3A_323 = arith.shrui %parallel_loop3A_320, %broadcast_in_dim3A_83 : vector<16xi32>
        %parallel_loop3A_324 = arith.andi %parallel_loop3A_322, %broadcast_in_dim3A_81 : vector<16xi32>
        %parallel_loop3A_325 = arith.ori %parallel_loop3A_323, %parallel_loop3A_324 : vector<16xi32>
        %parallel_loop3A_326 = arith.index_cast %parallel_loop3A_210 : i32 to index
        %parallel_loop3A_327 = arith.constant 80 : index
        %parallel_loop3A_328 = tpu.vector_load %arg12[%parallel_loop3A_326, %parallel_loop3A_327] {strides = array<i32>} : memref<32x512xi32, #tpu.memory_space<vmem>>, vector<1x16xi32>,
        %parallel_loop3A_329 = vector.shape_cast %parallel_loop3A_328 : vector<1x16xi32> to vector<16xi32>
        %parallel_loop3A_330 = vector.shape_cast %parallel_loop3A_325 : vector<16xi32> to vector<1x16xi32>
        tpu.vector_store %arg12[%parallel_loop3A_326, %parallel_loop3A_327], %parallel_loop3A_330 {strides = array<i32>} : memref<32x512xi32, #tpu.memory_space<vmem>>, vector<1x16xi32>,
        %parallel_loop3A_331 = arith.index_cast %parallel_loop3A_210 : i32 to index
        %parallel_loop3A_332 = arith.constant 96 : index
        %parallel_loop3A_333 = tpu.vector_load %arg10[%parallel_loop3A_331, %parallel_loop3A_332] {strides = array<i32>} : memref<32x1024xf32, #tpu.memory_space<vmem>>, vector<1x16xf32>,
        %parallel_loop3A_334 = vector.shape_cast %parallel_loop3A_333 : vector<1x16xf32> to vector<16xf32>
        %parallel_loop3A_335 = arith.index_cast %parallel_loop3A_210 : i32 to index
        %parallel_loop3A_336 = arith.constant 608 : index
        %parallel_loop3A_337 = tpu.vector_load %arg10[%parallel_loop3A_335, %parallel_loop3A_336] {strides = array<i32>} : memref<32x1024xf32, #tpu.memory_space<vmem>>, vector<1x16xf32>,
        %parallel_loop3A_338 = vector.shape_cast %parallel_loop3A_337 : vector<1x16xf32> to vector<16xf32>
        %parallel_loop3A_339 = tpu.bitcast %parallel_loop3A_334 : vector<16xf32> -> vector<16xi32>
        %parallel_loop3A_340 = arith.addi %parallel_loop3A_339, %broadcast_in_dim3A_79 : vector<16xi32>
        %parallel_loop3A_341 = tpu.bitcast %parallel_loop3A_338 : vector<16xf32> -> vector<16xi32>
        %parallel_loop3A_342 = arith.addi %parallel_loop3A_341, %broadcast_in_dim3A_79 : vector<16xi32>
        %parallel_loop3A_343 = arith.shrui %parallel_loop3A_340, %broadcast_in_dim3A_83 : vector<16xi32>
        %parallel_loop3A_344 = arith.andi %parallel_loop3A_342, %broadcast_in_dim3A_81 : vector<16xi32>
        %parallel_loop3A_345 = arith.ori %parallel_loop3A_343, %parallel_loop3A_344 : vector<16xi32>
        %parallel_loop3A_346 = arith.index_cast %parallel_loop3A_210 : i32 to index
        %parallel_loop3A_347 = arith.constant 96 : index
        %parallel_loop3A_348 = tpu.vector_load %arg12[%parallel_loop3A_346, %parallel_loop3A_347] {strides = array<i32>} : memref<32x512xi32, #tpu.memory_space<vmem>>, vector<1x16xi32>,
        %parallel_loop3A_349 = vector.shape_cast %parallel_loop3A_348 : vector<1x16xi32> to vector<16xi32>
        %parallel_loop3A_350 = vector.shape_cast %parallel_loop3A_345 : vector<16xi32> to vector<1x16xi32>
        tpu.vector_store %arg12[%parallel_loop3A_346, %parallel_loop3A_347], %parallel_loop3A_350 {strides = array<i32>} : memref<32x512xi32, #tpu.memory_space<vmem>>, vector<1x16xi32>,
        %parallel_loop3A_351 = arith.index_cast %parallel_loop3A_210 : i32 to index
        %parallel_loop3A_352 = arith.constant 112 : index
        %parallel_loop3A_353 = tpu.vector_load %arg10[%parallel_loop3A_351, %parallel_loop3A_352] {strides = array<i32>} : memref<32x1024xf32, #tpu.memory_space<vmem>>, vector<1x16xf32>,
        %parallel_loop3A_354 = vector.shape_cast %parallel_loop3A_353 : vector<1x16xf32> to vector<16xf32>
        %parallel_loop3A_355 = arith.index_cast %parallel_loop3A_210 : i32 to index
        %parallel_loop3A_356 = arith.constant 624 : index
        %parallel_loop3A_357 = tpu.vector_load %arg10[%parallel_loop3A_355, %parallel_loop3A_356] {strides = array<i32>} : memref<32x1024xf32, #tpu.memory_space<vmem>>, vector<1x16xf32>,
        %parallel_loop3A_358 = vector.shape_cast %parallel_loop3A_357 : vector<1x16xf32> to vector<16xf32>
        %parallel_loop3A_359 = tpu.bitcast %parallel_loop3A_354 : vector<16xf32> -> vector<16xi32>
        %parallel_loop3A_360 = arith.addi %parallel_loop3A_359, %broadcast_in_dim3A_79 : vector<16xi32>
        %parallel_loop3A_361 = tpu.bitcast %parallel_loop3A_358 : vector<16xf32> -> vector<16xi32>
        %parallel_loop3A_362 = arith.addi %parallel_loop3A_361, %broadcast_in_dim3A_79 : vector<16xi32>
        %parallel_loop3A_363 = arith.shrui %parallel_loop3A_360, %broadcast_in_dim3A_83 : vector<16xi32>
        %parallel_loop3A_364 = arith.andi %parallel_loop3A_362, %broadcast_in_dim3A_81 : vector<16xi32>
        %parallel_loop3A_365 = arith.ori %parallel_loop3A_363, %parallel_loop3A_364 : vector<16xi32>
        %parallel_loop3A_366 = arith.index_cast %parallel_loop3A_210 : i32 to index
        %parallel_loop3A_367 = arith.constant 112 : index
        %parallel_loop3A_368 = tpu.vector_load %arg12[%parallel_loop3A_366, %parallel_loop3A_367] {strides = array<i32>} : memref<32x512xi32, #tpu.memory_space<vmem>>, vector<1x16xi32>,
        %parallel_loop3A_369 = vector.shape_cast %parallel_loop3A_368 : vector<1x16xi32> to vector<16xi32>
        %parallel_loop3A_370 = vector.shape_cast %parallel_loop3A_365 : vector<16xi32> to vector<1x16xi32>
        tpu.vector_store %arg12[%parallel_loop3A_366, %parallel_loop3A_367], %parallel_loop3A_370 {strides = array<i32>} : memref<32x512xi32, #tpu.memory_space<vmem>>, vector<1x16xi32>,
        %parallel_loop3A_371 = arith.index_cast %parallel_loop3A_210 : i32 to index
        %parallel_loop3A_372 = arith.constant 128 : index
        %parallel_loop3A_373 = tpu.vector_load %arg10[%parallel_loop3A_371, %parallel_loop3A_372] {strides = array<i32>} : memref<32x1024xf32, #tpu.memory_space<vmem>>, vector<1x16xf32>,
        %parallel_loop3A_374 = vector.shape_cast %parallel_loop3A_373 : vector<1x16xf32> to vector<16xf32>
        %parallel_loop3A_375 = arith.index_cast %parallel_loop3A_210 : i32 to index
        %parallel_loop3A_376 = arith.constant 640 : index
        %parallel_loop3A_377 = tpu.vector_load %arg10[%parallel_loop3A_375, %parallel_loop3A_376] {strides = array<i32>} : memref<32x1024xf32, #tpu.memory_space<vmem>>, vector<1x16xf32>,
        %parallel_loop3A_378 = vector.shape_cast %parallel_loop3A_377 : vector<1x16xf32> to vector<16xf32>
        %parallel_loop3A_379 = tpu.bitcast %parallel_loop3A_374 : vector<16xf32> -> vector<16xi32>
        %parallel_loop3A_380 = arith.addi %parallel_loop3A_379, %broadcast_in_dim3A_79 : vector<16xi32>
        %parallel_loop3A_381 = tpu.bitcast %parallel_loop3A_378 : vector<16xf32> -> vector<16xi32>
        %parallel_loop3A_382 = arith.addi %parallel_loop3A_381, %broadcast_in_dim3A_79 : vector<16xi32>
        %parallel_loop3A_383 = arith.shrui %parallel_loop3A_380, %broadcast_in_dim3A_83 : vector<16xi32>
        %parallel_loop3A_384 = arith.andi %parallel_loop3A_382, %broadcast_in_dim3A_81 : vector<16xi32>
        %parallel_loop3A_385 = arith.ori %parallel_loop3A_383, %parallel_loop3A_384 : vector<16xi32>
        %parallel_loop3A_386 = arith.index_cast %parallel_loop3A_210 : i32 to index
        %parallel_loop3A_387 = arith.constant 128 : index
        %parallel_loop3A_388 = tpu.vector_load %arg12[%parallel_loop3A_386, %parallel_loop3A_387] {strides = array<i32>} : memref<32x512xi32, #tpu.memory_space<vmem>>, vector<1x16xi32>,
        %parallel_loop3A_389 = vector.shape_cast %parallel_loop3A_388 : vector<1x16xi32> to vector<16xi32>
        %parallel_loop3A_390 = vector.shape_cast %parallel_loop3A_385 : vector<16xi32> to vector<1x16xi32>
        tpu.vector_store %arg12[%parallel_loop3A_386, %parallel_loop3A_387], %parallel_loop3A_390 {strides = array<i32>} : memref<32x512xi32, #tpu.memory_space<vmem>>, vector<1x16xi32>,
        %parallel_loop3A_391 = arith.index_cast %parallel_loop3A_210 : i32 to index
        %parallel_loop3A_392 = arith.constant 144 : index
        %parallel_loop3A_393 = tpu.vector_load %arg10[%parallel_loop3A_391, %parallel_loop3A_392] {strides = array<i32>} : memref<32x1024xf32, #tpu.memory_space<vmem>>, vector<1x16xf32>,
        %parallel_loop3A_394 = vector.shape_cast %parallel_loop3A_393 : vector<1x16xf32> to vector<16xf32>
        %parallel_loop3A_395 = arith.index_cast %parallel_loop3A_210 : i32 to index
        %parallel_loop3A_396 = arith.constant 656 : index
        %parallel_loop3A_397 = tpu.vector_load %arg10[%parallel_loop3A_395, %parallel_loop3A_396] {strides = array<i32>} : memref<32x1024xf32, #tpu.memory_space<vmem>>, vector<1x16xf32>,
        %parallel_loop3A_398 = vector.shape_cast %parallel_loop3A_397 : vector<1x16xf32> to vector<16xf32>
        %parallel_loop3A_399 = tpu.bitcast %parallel_loop3A_394 : vector<16xf32> -> vector<16xi32>
        %parallel_loop3A_400 = arith.addi %parallel_loop3A_399, %broadcast_in_dim3A_79 : vector<16xi32>
        %parallel_loop3A_401 = tpu.bitcast %parallel_loop3A_398 : vector<16xf32> -> vector<16xi32>
        %parallel_loop3A_402 = arith.addi %parallel_loop3A_401, %broadcast_in_dim3A_79 : vector<16xi32>
        %parallel_loop3A_403 = arith.shrui %parallel_loop3A_400, %broadcast_in_dim3A_83 : vector<16xi32>
        %parallel_loop3A_404 = arith.andi %parallel_loop3A_402, %broadcast_in_dim3A_81 : vector<16xi32>
        %parallel_loop3A_405 = arith.ori %parallel_loop3A_403, %parallel_loop3A_404 : vector<16xi32>
        %parallel_loop3A_406 = arith.index_cast %parallel_loop3A_210 : i32 to index
        %parallel_loop3A_407 = arith.constant 144 : index
        %parallel_loop3A_408 = tpu.vector_load %arg12[%parallel_loop3A_406, %parallel_loop3A_407] {strides = array<i32>} : memref<32x512xi32, #tpu.memory_space<vmem>>, vector<1x16xi32>,
        %parallel_loop3A_409 = vector.shape_cast %parallel_loop3A_408 : vector<1x16xi32> to vector<16xi32>
        %parallel_loop3A_410 = vector.shape_cast %parallel_loop3A_405 : vector<16xi32> to vector<1x16xi32>
        tpu.vector_store %arg12[%parallel_loop3A_406, %parallel_loop3A_407], %parallel_loop3A_410 {strides = array<i32>} : memref<32x512xi32, #tpu.memory_space<vmem>>, vector<1x16xi32>,
        %parallel_loop3A_411 = arith.index_cast %parallel_loop3A_210 : i32 to index
        %parallel_loop3A_412 = arith.constant 160 : index
        %parallel_loop3A_413 = tpu.vector_load %arg10[%parallel_loop3A_411, %parallel_loop3A_412] {strides = array<i32>} : memref<32x1024xf32, #tpu.memory_space<vmem>>, vector<1x16xf32>,
        %parallel_loop3A_414 = vector.shape_cast %parallel_loop3A_413 : vector<1x16xf32> to vector<16xf32>
        %parallel_loop3A_415 = arith.index_cast %parallel_loop3A_210 : i32 to index
        %parallel_loop3A_416 = arith.constant 672 : index
        %parallel_loop3A_417 = tpu.vector_load %arg10[%parallel_loop3A_415, %parallel_loop3A_416] {strides = array<i32>} : memref<32x1024xf32, #tpu.memory_space<vmem>>, vector<1x16xf32>,
        %parallel_loop3A_418 = vector.shape_cast %parallel_loop3A_417 : vector<1x16xf32> to vector<16xf32>
        %parallel_loop3A_419 = tpu.bitcast %parallel_loop3A_414 : vector<16xf32> -> vector<16xi32>
        %parallel_loop3A_420 = arith.addi %parallel_loop3A_419, %broadcast_in_dim3A_79 : vector<16xi32>
        %parallel_loop3A_421 = tpu.bitcast %parallel_loop3A_418 : vector<16xf32> -> vector<16xi32>
        %parallel_loop3A_422 = arith.addi %parallel_loop3A_421, %broadcast_in_dim3A_79 : vector<16xi32>
        %parallel_loop3A_423 = arith.shrui %parallel_loop3A_420, %broadcast_in_dim3A_83 : vector<16xi32>
        %parallel_loop3A_424 = arith.andi %parallel_loop3A_422, %broadcast_in_dim3A_81 : vector<16xi32>
        %parallel_loop3A_425 = arith.ori %parallel_loop3A_423, %parallel_loop3A_424 : vector<16xi32>
        %parallel_loop3A_426 = arith.index_cast %parallel_loop3A_210 : i32 to index
        %parallel_loop3A_427 = arith.constant 160 : index
        %parallel_loop3A_428 = tpu.vector_load %arg12[%parallel_loop3A_426, %parallel_loop3A_427] {strides = array<i32>} : memref<32x512xi32, #tpu.memory_space<vmem>>, vector<1x16xi32>,
        %parallel_loop3A_429 = vector.shape_cast %parallel_loop3A_428 : vector<1x16xi32> to vector<16xi32>
        %parallel_loop3A_430 = vector.shape_cast %parallel_loop3A_425 : vector<16xi32> to vector<1x16xi32>
        tpu.vector_store %arg12[%parallel_loop3A_426, %parallel_loop3A_427], %parallel_loop3A_430 {strides = array<i32>} : memref<32x512xi32, #tpu.memory_space<vmem>>, vector<1x16xi32>,
        %parallel_loop3A_431 = arith.index_cast %parallel_loop3A_210 : i32 to index
        %parallel_loop3A_432 = arith.constant 176 : index
        %parallel_loop3A_433 = tpu.vector_load %arg10[%parallel_loop3A_431, %parallel_loop3A_432] {strides = array<i32>} : memref<32x1024xf32, #tpu.memory_space<vmem>>, vector<1x16xf32>,
        %parallel_loop3A_434 = vector.shape_cast %parallel_loop3A_433 : vector<1x16xf32> to vector<16xf32>
        %parallel_loop3A_435 = arith.index_cast %parallel_loop3A_210 : i32 to index
        %parallel_loop3A_436 = arith.constant 688 : index
        %parallel_loop3A_437 = tpu.vector_load %arg10[%parallel_loop3A_435, %parallel_loop3A_436] {strides = array<i32>} : memref<32x1024xf32, #tpu.memory_space<vmem>>, vector<1x16xf32>,
        %parallel_loop3A_438 = vector.shape_cast %parallel_loop3A_437 : vector<1x16xf32> to vector<16xf32>
        %parallel_loop3A_439 = tpu.bitcast %parallel_loop3A_434 : vector<16xf32> -> vector<16xi32>
        %parallel_loop3A_440 = arith.addi %parallel_loop3A_439, %broadcast_in_dim3A_79 : vector<16xi32>
        %parallel_loop3A_441 = tpu.bitcast %parallel_loop3A_438 : vector<16xf32> -> vector<16xi32>
        %parallel_loop3A_442 = arith.addi %parallel_loop3A_441, %broadcast_in_dim3A_79 : vector<16xi32>
        %parallel_loop3A_443 = arith.shrui %parallel_loop3A_440, %broadcast_in_dim3A_83 : vector<16xi32>
        %parallel_loop3A_444 = arith.andi %parallel_loop3A_442, %broadcast_in_dim3A_81 : vector<16xi32>
        %parallel_loop3A_445 = arith.ori %parallel_loop3A_443, %parallel_loop3A_444 : vector<16xi32>
        %parallel_loop3A_446 = arith.index_cast %parallel_loop3A_210 : i32 to index
        %parallel_loop3A_447 = arith.constant 176 : index
        %parallel_loop3A_448 = tpu.vector_load %arg12[%parallel_loop3A_446, %parallel_loop3A_447] {strides = array<i32>} : memref<32x512xi32, #tpu.memory_space<vmem>>, vector<1x16xi32>,
        %parallel_loop3A_449 = vector.shape_cast %parallel_loop3A_448 : vector<1x16xi32> to vector<16xi32>
        %parallel_loop3A_450 = vector.shape_cast %parallel_loop3A_445 : vector<16xi32> to vector<1x16xi32>
        tpu.vector_store %arg12[%parallel_loop3A_446, %parallel_loop3A_447], %parallel_loop3A_450 {strides = array<i32>} : memref<32x512xi32, #tpu.memory_space<vmem>>, vector<1x16xi32>,
        %parallel_loop3A_451 = arith.index_cast %parallel_loop3A_210 : i32 to index
        %parallel_loop3A_452 = arith.constant 192 : index
        %parallel_loop3A_453 = tpu.vector_load %arg10[%parallel_loop3A_451, %parallel_loop3A_452] {strides = array<i32>} : memref<32x1024xf32, #tpu.memory_space<vmem>>, vector<1x16xf32>,
        %parallel_loop3A_454 = vector.shape_cast %parallel_loop3A_453 : vector<1x16xf32> to vector<16xf32>
        %parallel_loop3A_455 = arith.index_cast %parallel_loop3A_210 : i32 to index
        %parallel_loop3A_456 = arith.constant 704 : index
        %parallel_loop3A_457 = tpu.vector_load %arg10[%parallel_loop3A_455, %parallel_loop3A_456] {strides = array<i32>} : memref<32x1024xf32, #tpu.memory_space<vmem>>, vector<1x16xf32>,
        %parallel_loop3A_458 = vector.shape_cast %parallel_loop3A_457 : vector<1x16xf32> to vector<16xf32>
        %parallel_loop3A_459 = tpu.bitcast %parallel_loop3A_454 : vector<16xf32> -> vector<16xi32>
        %parallel_loop3A_460 = arith.addi %parallel_loop3A_459, %broadcast_in_dim3A_79 : vector<16xi32>
        %parallel_loop3A_461 = tpu.bitcast %parallel_loop3A_458 : vector<16xf32> -> vector<16xi32>
        %parallel_loop3A_462 = arith.addi %parallel_loop3A_461, %broadcast_in_dim3A_79 : vector<16xi32>
        %parallel_loop3A_463 = arith.shrui %parallel_loop3A_460, %broadcast_in_dim3A_83 : vector<16xi32>
        %parallel_loop3A_464 = arith.andi %parallel_loop3A_462, %broadcast_in_dim3A_81 : vector<16xi32>
        %parallel_loop3A_465 = arith.ori %parallel_loop3A_463, %parallel_loop3A_464 : vector<16xi32>
        %parallel_loop3A_466 = arith.index_cast %parallel_loop3A_210 : i32 to index
        %parallel_loop3A_467 = arith.constant 192 : index
        %parallel_loop3A_468 = tpu.vector_load %arg12[%parallel_loop3A_466, %parallel_loop3A_467] {strides = array<i32>} : memref<32x512xi32, #tpu.memory_space<vmem>>, vector<1x16xi32>,
        %parallel_loop3A_469 = vector.shape_cast %parallel_loop3A_468 : vector<1x16xi32> to vector<16xi32>
        %parallel_loop3A_470 = vector.shape_cast %parallel_loop3A_465 : vector<16xi32> to vector<1x16xi32>
        tpu.vector_store %arg12[%parallel_loop3A_466, %parallel_loop3A_467], %parallel_loop3A_470 {strides = array<i32>} : memref<32x512xi32, #tpu.memory_space<vmem>>, vector<1x16xi32>,
        %parallel_loop3A_471 = arith.index_cast %parallel_loop3A_210 : i32 to index
        %parallel_loop3A_472 = arith.constant 208 : index
        %parallel_loop3A_473 = tpu.vector_load %arg10[%parallel_loop3A_471, %parallel_loop3A_472] {strides = array<i32>} : memref<32x1024xf32, #tpu.memory_space<vmem>>, vector<1x16xf32>,
        %parallel_loop3A_474 = vector.shape_cast %parallel_loop3A_473 : vector<1x16xf32> to vector<16xf32>
        %parallel_loop3A_475 = arith.index_cast %parallel_loop3A_210 : i32 to index
        %parallel_loop3A_476 = arith.constant 720 : index
        %parallel_loop3A_477 = tpu.vector_load %arg10[%parallel_loop3A_475, %parallel_loop3A_476] {strides = array<i32>} : memref<32x1024xf32, #tpu.memory_space<vmem>>, vector<1x16xf32>,
        %parallel_loop3A_478 = vector.shape_cast %parallel_loop3A_477 : vector<1x16xf32> to vector<16xf32>
        %parallel_loop3A_479 = tpu.bitcast %parallel_loop3A_474 : vector<16xf32> -> vector<16xi32>
        %parallel_loop3A_480 = arith.addi %parallel_loop3A_479, %broadcast_in_dim3A_79 : vector<16xi32>
        %parallel_loop3A_481 = tpu.bitcast %parallel_loop3A_478 : vector<16xf32> -> vector<16xi32>
        %parallel_loop3A_482 = arith.addi %parallel_loop3A_481, %broadcast_in_dim3A_79 : vector<16xi32>
        %parallel_loop3A_483 = arith.shrui %parallel_loop3A_480, %broadcast_in_dim3A_83 : vector<16xi32>
        %parallel_loop3A_484 = arith.andi %parallel_loop3A_482, %broadcast_in_dim3A_81 : vector<16xi32>
        %parallel_loop3A_485 = arith.ori %parallel_loop3A_483, %parallel_loop3A_484 : vector<16xi32>
        %parallel_loop3A_486 = arith.index_cast %parallel_loop3A_210 : i32 to index
        %parallel_loop3A_487 = arith.constant 208 : index
        %parallel_loop3A_488 = tpu.vector_load %arg12[%parallel_loop3A_486, %parallel_loop3A_487] {strides = array<i32>} : memref<32x512xi32, #tpu.memory_space<vmem>>, vector<1x16xi32>,
        %parallel_loop3A_489 = vector.shape_cast %parallel_loop3A_488 : vector<1x16xi32> to vector<16xi32>
        %parallel_loop3A_490 = vector.shape_cast %parallel_loop3A_485 : vector<16xi32> to vector<1x16xi32>
        tpu.vector_store %arg12[%parallel_loop3A_486, %parallel_loop3A_487], %parallel_loop3A_490 {strides = array<i32>} : memref<32x512xi32, #tpu.memory_space<vmem>>, vector<1x16xi32>,
        %parallel_loop3A_491 = arith.index_cast %parallel_loop3A_210 : i32 to index
        %parallel_loop3A_492 = arith.constant 224 : index
        %parallel_loop3A_493 = tpu.vector_load %arg10[%parallel_loop3A_491, %parallel_loop3A_492] {strides = array<i32>} : memref<32x1024xf32, #tpu.memory_space<vmem>>, vector<1x16xf32>,
        %parallel_loop3A_494 = vector.shape_cast %parallel_loop3A_493 : vector<1x16xf32> to vector<16xf32>
        %parallel_loop3A_495 = arith.index_cast %parallel_loop3A_210 : i32 to index
        %parallel_loop3A_496 = arith.constant 736 : index
        %parallel_loop3A_497 = tpu.vector_load %arg10[%parallel_loop3A_495, %parallel_loop3A_496] {strides = array<i32>} : memref<32x1024xf32, #tpu.memory_space<vmem>>, vector<1x16xf32>,
        %parallel_loop3A_498 = vector.shape_cast %parallel_loop3A_497 : vector<1x16xf32> to vector<16xf32>
        %parallel_loop3A_499 = tpu.bitcast %parallel_loop3A_494 : vector<16xf32> -> vector<16xi32>
        %parallel_loop3A_500 = arith.addi %parallel_loop3A_499, %broadcast_in_dim3A_79 : vector<16xi32>
        %parallel_loop3A_501 = tpu.bitcast %parallel_loop3A_498 : vector<16xf32> -> vector<16xi32>
        %parallel_loop3A_502 = arith.addi %parallel_loop3A_501, %broadcast_in_dim3A_79 : vector<16xi32>
        %parallel_loop3A_503 = arith.shrui %parallel_loop3A_500, %broadcast_in_dim3A_83 : vector<16xi32>
        %parallel_loop3A_504 = arith.andi %parallel_loop3A_502, %broadcast_in_dim3A_81 : vector<16xi32>
        %parallel_loop3A_505 = arith.ori %parallel_loop3A_503, %parallel_loop3A_504 : vector<16xi32>
        %parallel_loop3A_506 = arith.index_cast %parallel_loop3A_210 : i32 to index
        %parallel_loop3A_507 = arith.constant 224 : index
        %parallel_loop3A_508 = tpu.vector_load %arg12[%parallel_loop3A_506, %parallel_loop3A_507] {strides = array<i32>} : memref<32x512xi32, #tpu.memory_space<vmem>>, vector<1x16xi32>,
        %parallel_loop3A_509 = vector.shape_cast %parallel_loop3A_508 : vector<1x16xi32> to vector<16xi32>
        %parallel_loop3A_510 = vector.shape_cast %parallel_loop3A_505 : vector<16xi32> to vector<1x16xi32>
        tpu.vector_store %arg12[%parallel_loop3A_506, %parallel_loop3A_507], %parallel_loop3A_510 {strides = array<i32>} : memref<32x512xi32, #tpu.memory_space<vmem>>, vector<1x16xi32>,
        %parallel_loop3A_511 = arith.index_cast %parallel_loop3A_210 : i32 to index
        %parallel_loop3A_512 = arith.constant 240 : index
        %parallel_loop3A_513 = tpu.vector_load %arg10[%parallel_loop3A_511, %parallel_loop3A_512] {strides = array<i32>} : memref<32x1024xf32, #tpu.memory_space<vmem>>, vector<1x16xf32>,
        %parallel_loop3A_514 = vector.shape_cast %parallel_loop3A_513 : vector<1x16xf32> to vector<16xf32>
        %parallel_loop3A_515 = arith.index_cast %parallel_loop3A_210 : i32 to index
        %parallel_loop3A_516 = arith.constant 752 : index
        %parallel_loop3A_517 = tpu.vector_load %arg10[%parallel_loop3A_515, %parallel_loop3A_516] {strides = array<i32>} : memref<32x1024xf32, #tpu.memory_space<vmem>>, vector<1x16xf32>,
        %parallel_loop3A_518 = vector.shape_cast %parallel_loop3A_517 : vector<1x16xf32> to vector<16xf32>
        %parallel_loop3A_519 = tpu.bitcast %parallel_loop3A_514 : vector<16xf32> -> vector<16xi32>
        %parallel_loop3A_520 = arith.addi %parallel_loop3A_519, %broadcast_in_dim3A_79 : vector<16xi32>
        %parallel_loop3A_521 = tpu.bitcast %parallel_loop3A_518 : vector<16xf32> -> vector<16xi32>
        %parallel_loop3A_522 = arith.addi %parallel_loop3A_521, %broadcast_in_dim3A_79 : vector<16xi32>
        %parallel_loop3A_523 = arith.shrui %parallel_loop3A_520, %broadcast_in_dim3A_83 : vector<16xi32>
        %parallel_loop3A_524 = arith.andi %parallel_loop3A_522, %broadcast_in_dim3A_81 : vector<16xi32>
        %parallel_loop3A_525 = arith.ori %parallel_loop3A_523, %parallel_loop3A_524 : vector<16xi32>
        %parallel_loop3A_526 = arith.index_cast %parallel_loop3A_210 : i32 to index
        %parallel_loop3A_527 = arith.constant 240 : index
        %parallel_loop3A_528 = tpu.vector_load %arg12[%parallel_loop3A_526, %parallel_loop3A_527] {strides = array<i32>} : memref<32x512xi32, #tpu.memory_space<vmem>>, vector<1x16xi32>,
        %parallel_loop3A_529 = vector.shape_cast %parallel_loop3A_528 : vector<1x16xi32> to vector<16xi32>
        %parallel_loop3A_530 = vector.shape_cast %parallel_loop3A_525 : vector<16xi32> to vector<1x16xi32>
        tpu.vector_store %arg12[%parallel_loop3A_526, %parallel_loop3A_527], %parallel_loop3A_530 {strides = array<i32>} : memref<32x512xi32, #tpu.memory_space<vmem>>, vector<1x16xi32>,
        %parallel_loop3A_531 = arith.index_cast %parallel_loop3A_210 : i32 to index
        %parallel_loop3A_532 = arith.constant 256 : index
        %parallel_loop3A_533 = tpu.vector_load %arg10[%parallel_loop3A_531, %parallel_loop3A_532] {strides = array<i32>} : memref<32x1024xf32, #tpu.memory_space<vmem>>, vector<1x16xf32>,
        %parallel_loop3A_534 = vector.shape_cast %parallel_loop3A_533 : vector<1x16xf32> to vector<16xf32>
        %parallel_loop3A_535 = arith.index_cast %parallel_loop3A_210 : i32 to index
        %parallel_loop3A_536 = arith.constant 768 : index
        %parallel_loop3A_537 = tpu.vector_load %arg10[%parallel_loop3A_535, %parallel_loop3A_536] {strides = array<i32>} : memref<32x1024xf32, #tpu.memory_space<vmem>>, vector<1x16xf32>,
        %parallel_loop3A_538 = vector.shape_cast %parallel_loop3A_537 : vector<1x16xf32> to vector<16xf32>
        %parallel_loop3A_539 = tpu.bitcast %parallel_loop3A_534 : vector<16xf32> -> vector<16xi32>
        %parallel_loop3A_540 = arith.addi %parallel_loop3A_539, %broadcast_in_dim3A_79 : vector<16xi32>
        %parallel_loop3A_541 = tpu.bitcast %parallel_loop3A_538 : vector<16xf32> -> vector<16xi32>
        %parallel_loop3A_542 = arith.addi %parallel_loop3A_541, %broadcast_in_dim3A_79 : vector<16xi32>
        %parallel_loop3A_543 = arith.shrui %parallel_loop3A_540, %broadcast_in_dim3A_83 : vector<16xi32>
        %parallel_loop3A_544 = arith.andi %parallel_loop3A_542, %broadcast_in_dim3A_81 : vector<16xi32>
        %parallel_loop3A_545 = arith.ori %parallel_loop3A_543, %parallel_loop3A_544 : vector<16xi32>
        %parallel_loop3A_546 = arith.index_cast %parallel_loop3A_210 : i32 to index
        %parallel_loop3A_547 = arith.constant 256 : index
        %parallel_loop3A_548 = tpu.vector_load %arg12[%parallel_loop3A_546, %parallel_loop3A_547] {strides = array<i32>} : memref<32x512xi32, #tpu.memory_space<vmem>>, vector<1x16xi32>,
        %parallel_loop3A_549 = vector.shape_cast %parallel_loop3A_548 : vector<1x16xi32> to vector<16xi32>
        %parallel_loop3A_550 = vector.shape_cast %parallel_loop3A_545 : vector<16xi32> to vector<1x16xi32>
        tpu.vector_store %arg12[%parallel_loop3A_546, %parallel_loop3A_547], %parallel_loop3A_550 {strides = array<i32>} : memref<32x512xi32, #tpu.memory_space<vmem>>, vector<1x16xi32>,
        %parallel_loop3A_551 = arith.index_cast %parallel_loop3A_210 : i32 to index
        %parallel_loop3A_552 = arith.constant 272 : index
        %parallel_loop3A_553 = tpu.vector_load %arg10[%parallel_loop3A_551, %parallel_loop3A_552] {strides = array<i32>} : memref<32x1024xf32, #tpu.memory_space<vmem>>, vector<1x16xf32>,
        %parallel_loop3A_554 = vector.shape_cast %parallel_loop3A_553 : vector<1x16xf32> to vector<16xf32>
        %parallel_loop3A_555 = arith.index_cast %parallel_loop3A_210 : i32 to index
        %parallel_loop3A_556 = arith.constant 784 : index
        %parallel_loop3A_557 = tpu.vector_load %arg10[%parallel_loop3A_555, %parallel_loop3A_556] {strides = array<i32>} : memref<32x1024xf32, #tpu.memory_space<vmem>>, vector<1x16xf32>,
        %parallel_loop3A_558 = vector.shape_cast %parallel_loop3A_557 : vector<1x16xf32> to vector<16xf32>
        %parallel_loop3A_559 = tpu.bitcast %parallel_loop3A_554 : vector<16xf32> -> vector<16xi32>
        %parallel_loop3A_560 = arith.addi %parallel_loop3A_559, %broadcast_in_dim3A_79 : vector<16xi32>
        %parallel_loop3A_561 = tpu.bitcast %parallel_loop3A_558 : vector<16xf32> -> vector<16xi32>
        %parallel_loop3A_562 = arith.addi %parallel_loop3A_561, %broadcast_in_dim3A_79 : vector<16xi32>
        %parallel_loop3A_563 = arith.shrui %parallel_loop3A_560, %broadcast_in_dim3A_83 : vector<16xi32>
        %parallel_loop3A_564 = arith.andi %parallel_loop3A_562, %broadcast_in_dim3A_81 : vector<16xi32>
        %parallel_loop3A_565 = arith.ori %parallel_loop3A_563, %parallel_loop3A_564 : vector<16xi32>
        %parallel_loop3A_566 = arith.index_cast %parallel_loop3A_210 : i32 to index
        %parallel_loop3A_567 = arith.constant 272 : index
        %parallel_loop3A_568 = tpu.vector_load %arg12[%parallel_loop3A_566, %parallel_loop3A_567] {strides = array<i32>} : memref<32x512xi32, #tpu.memory_space<vmem>>, vector<1x16xi32>,
        %parallel_loop3A_569 = vector.shape_cast %parallel_loop3A_568 : vector<1x16xi32> to vector<16xi32>
        %parallel_loop3A_570 = vector.shape_cast %parallel_loop3A_565 : vector<16xi32> to vector<1x16xi32>
        tpu.vector_store %arg12[%parallel_loop3A_566, %parallel_loop3A_567], %parallel_loop3A_570 {strides = array<i32>} : memref<32x512xi32, #tpu.memory_space<vmem>>, vector<1x16xi32>,
        %parallel_loop3A_571 = arith.index_cast %parallel_loop3A_210 : i32 to index
        %parallel_loop3A_572 = arith.constant 288 : index
        %parallel_loop3A_573 = tpu.vector_load %arg10[%parallel_loop3A_571, %parallel_loop3A_572] {strides = array<i32>} : memref<32x1024xf32, #tpu.memory_space<vmem>>, vector<1x16xf32>,
        %parallel_loop3A_574 = vector.shape_cast %parallel_loop3A_573 : vector<1x16xf32> to vector<16xf32>
        %parallel_loop3A_575 = arith.index_cast %parallel_loop3A_210 : i32 to index
        %parallel_loop3A_576 = arith.constant 800 : index
        %parallel_loop3A_577 = tpu.vector_load %arg10[%parallel_loop3A_575, %parallel_loop3A_576] {strides = array<i32>} : memref<32x1024xf32, #tpu.memory_space<vmem>>, vector<1x16xf32>,
        %parallel_loop3A_578 = vector.shape_cast %parallel_loop3A_577 : vector<1x16xf32> to vector<16xf32>
        %parallel_loop3A_579 = tpu.bitcast %parallel_loop3A_574 : vector<16xf32> -> vector<16xi32>
        %parallel_loop3A_580 = arith.addi %parallel_loop3A_579, %broadcast_in_dim3A_79 : vector<16xi32>
        %parallel_loop3A_581 = tpu.bitcast %parallel_loop3A_578 : vector<16xf32> -> vector<16xi32>
        %parallel_loop3A_582 = arith.addi %parallel_loop3A_581, %broadcast_in_dim3A_79 : vector<16xi32>
        %parallel_loop3A_583 = arith.shrui %parallel_loop3A_580, %broadcast_in_dim3A_83 : vector<16xi32>
        %parallel_loop3A_584 = arith.andi %parallel_loop3A_582, %broadcast_in_dim3A_81 : vector<16xi32>
        %parallel_loop3A_585 = arith.ori %parallel_loop3A_583, %parallel_loop3A_584 : vector<16xi32>
        %parallel_loop3A_586 = arith.index_cast %parallel_loop3A_210 : i32 to index
        %parallel_loop3A_587 = arith.constant 288 : index
        %parallel_loop3A_588 = tpu.vector_load %arg12[%parallel_loop3A_586, %parallel_loop3A_587] {strides = array<i32>} : memref<32x512xi32, #tpu.memory_space<vmem>>, vector<1x16xi32>,
        %parallel_loop3A_589 = vector.shape_cast %parallel_loop3A_588 : vector<1x16xi32> to vector<16xi32>
        %parallel_loop3A_590 = vector.shape_cast %parallel_loop3A_585 : vector<16xi32> to vector<1x16xi32>
        tpu.vector_store %arg12[%parallel_loop3A_586, %parallel_loop3A_587], %parallel_loop3A_590 {strides = array<i32>} : memref<32x512xi32, #tpu.memory_space<vmem>>, vector<1x16xi32>,
        %parallel_loop3A_591 = arith.index_cast %parallel_loop3A_210 : i32 to index
        %parallel_loop3A_592 = arith.constant 304 : index
        %parallel_loop3A_593 = tpu.vector_load %arg10[%parallel_loop3A_591, %parallel_loop3A_592] {strides = array<i32>} : memref<32x1024xf32, #tpu.memory_space<vmem>>, vector<1x16xf32>,
        %parallel_loop3A_594 = vector.shape_cast %parallel_loop3A_593 : vector<1x16xf32> to vector<16xf32>
        %parallel_loop3A_595 = arith.index_cast %parallel_loop3A_210 : i32 to index
        %parallel_loop3A_596 = arith.constant 816 : index
        %parallel_loop3A_597 = tpu.vector_load %arg10[%parallel_loop3A_595, %parallel_loop3A_596] {strides = array<i32>} : memref<32x1024xf32, #tpu.memory_space<vmem>>, vector<1x16xf32>,
        %parallel_loop3A_598 = vector.shape_cast %parallel_loop3A_597 : vector<1x16xf32> to vector<16xf32>
        %parallel_loop3A_599 = tpu.bitcast %parallel_loop3A_594 : vector<16xf32> -> vector<16xi32>
        %parallel_loop3A_600 = arith.addi %parallel_loop3A_599, %broadcast_in_dim3A_79 : vector<16xi32>
        %parallel_loop3A_601 = tpu.bitcast %parallel_loop3A_598 : vector<16xf32> -> vector<16xi32>
        %parallel_loop3A_602 = arith.addi %parallel_loop3A_601, %broadcast_in_dim3A_79 : vector<16xi32>
        %parallel_loop3A_603 = arith.shrui %parallel_loop3A_600, %broadcast_in_dim3A_83 : vector<16xi32>
        %parallel_loop3A_604 = arith.andi %parallel_loop3A_602, %broadcast_in_dim3A_81 : vector<16xi32>
        %parallel_loop3A_605 = arith.ori %parallel_loop3A_603, %parallel_loop3A_604 : vector<16xi32>
        %parallel_loop3A_606 = arith.index_cast %parallel_loop3A_210 : i32 to index
        %parallel_loop3A_607 = arith.constant 304 : index
        %parallel_loop3A_608 = tpu.vector_load %arg12[%parallel_loop3A_606, %parallel_loop3A_607] {strides = array<i32>} : memref<32x512xi32, #tpu.memory_space<vmem>>, vector<1x16xi32>,
        %parallel_loop3A_609 = vector.shape_cast %parallel_loop3A_608 : vector<1x16xi32> to vector<16xi32>
        %parallel_loop3A_610 = vector.shape_cast %parallel_loop3A_605 : vector<16xi32> to vector<1x16xi32>
        tpu.vector_store %arg12[%parallel_loop3A_606, %parallel_loop3A_607], %parallel_loop3A_610 {strides = array<i32>} : memref<32x512xi32, #tpu.memory_space<vmem>>, vector<1x16xi32>,
        %parallel_loop3A_611 = arith.index_cast %parallel_loop3A_210 : i32 to index
        %parallel_loop3A_612 = arith.constant 320 : index
        %parallel_loop3A_613 = tpu.vector_load %arg10[%parallel_loop3A_611, %parallel_loop3A_612] {strides = array<i32>} : memref<32x1024xf32, #tpu.memory_space<vmem>>, vector<1x16xf32>,
        %parallel_loop3A_614 = vector.shape_cast %parallel_loop3A_613 : vector<1x16xf32> to vector<16xf32>
        %parallel_loop3A_615 = arith.index_cast %parallel_loop3A_210 : i32 to index
        %parallel_loop3A_616 = arith.constant 832 : index
        %parallel_loop3A_617 = tpu.vector_load %arg10[%parallel_loop3A_615, %parallel_loop3A_616] {strides = array<i32>} : memref<32x1024xf32, #tpu.memory_space<vmem>>, vector<1x16xf32>,
        %parallel_loop3A_618 = vector.shape_cast %parallel_loop3A_617 : vector<1x16xf32> to vector<16xf32>
        %parallel_loop3A_619 = tpu.bitcast %parallel_loop3A_614 : vector<16xf32> -> vector<16xi32>
        %parallel_loop3A_620 = arith.addi %parallel_loop3A_619, %broadcast_in_dim3A_79 : vector<16xi32>
        %parallel_loop3A_621 = tpu.bitcast %parallel_loop3A_618 : vector<16xf32> -> vector<16xi32>
        %parallel_loop3A_622 = arith.addi %parallel_loop3A_621, %broadcast_in_dim3A_79 : vector<16xi32>
        %parallel_loop3A_623 = arith.shrui %parallel_loop3A_620, %broadcast_in_dim3A_83 : vector<16xi32>
        %parallel_loop3A_624 = arith.andi %parallel_loop3A_622, %broadcast_in_dim3A_81 : vector<16xi32>
        %parallel_loop3A_625 = arith.ori %parallel_loop3A_623, %parallel_loop3A_624 : vector<16xi32>
        %parallel_loop3A_626 = arith.index_cast %parallel_loop3A_210 : i32 to index
        %parallel_loop3A_627 = arith.constant 320 : index
        %parallel_loop3A_628 = tpu.vector_load %arg12[%parallel_loop3A_626, %parallel_loop3A_627] {strides = array<i32>} : memref<32x512xi32, #tpu.memory_space<vmem>>, vector<1x16xi32>,
        %parallel_loop3A_629 = vector.shape_cast %parallel_loop3A_628 : vector<1x16xi32> to vector<16xi32>
        %parallel_loop3A_630 = vector.shape_cast %parallel_loop3A_625 : vector<16xi32> to vector<1x16xi32>
        tpu.vector_store %arg12[%parallel_loop3A_626, %parallel_loop3A_627], %parallel_loop3A_630 {strides = array<i32>} : memref<32x512xi32, #tpu.memory_space<vmem>>, vector<1x16xi32>,
        %parallel_loop3A_631 = arith.index_cast %parallel_loop3A_210 : i32 to index
        %parallel_loop3A_632 = arith.constant 336 : index
        %parallel_loop3A_633 = tpu.vector_load %arg10[%parallel_loop3A_631, %parallel_loop3A_632] {strides = array<i32>} : memref<32x1024xf32, #tpu.memory_space<vmem>>, vector<1x16xf32>,
        %parallel_loop3A_634 = vector.shape_cast %parallel_loop3A_633 : vector<1x16xf32> to vector<16xf32>
        %parallel_loop3A_635 = arith.index_cast %parallel_loop3A_210 : i32 to index
        %parallel_loop3A_636 = arith.constant 848 : index
        %parallel_loop3A_637 = tpu.vector_load %arg10[%parallel_loop3A_635, %parallel_loop3A_636] {strides = array<i32>} : memref<32x1024xf32, #tpu.memory_space<vmem>>, vector<1x16xf32>,
        %parallel_loop3A_638 = vector.shape_cast %parallel_loop3A_637 : vector<1x16xf32> to vector<16xf32>
        %parallel_loop3A_639 = tpu.bitcast %parallel_loop3A_634 : vector<16xf32> -> vector<16xi32>
        %parallel_loop3A_640 = arith.addi %parallel_loop3A_639, %broadcast_in_dim3A_79 : vector<16xi32>
        %parallel_loop3A_641 = tpu.bitcast %parallel_loop3A_638 : vector<16xf32> -> vector<16xi32>
        %parallel_loop3A_642 = arith.addi %parallel_loop3A_641, %broadcast_in_dim3A_79 : vector<16xi32>
        %parallel_loop3A_643 = arith.shrui %parallel_loop3A_640, %broadcast_in_dim3A_83 : vector<16xi32>
        %parallel_loop3A_644 = arith.andi %parallel_loop3A_642, %broadcast_in_dim3A_81 : vector<16xi32>
        %parallel_loop3A_645 = arith.ori %parallel_loop3A_643, %parallel_loop3A_644 : vector<16xi32>
        %parallel_loop3A_646 = arith.index_cast %parallel_loop3A_210 : i32 to index
        %parallel_loop3A_647 = arith.constant 336 : index
        %parallel_loop3A_648 = tpu.vector_load %arg12[%parallel_loop3A_646, %parallel_loop3A_647] {strides = array<i32>} : memref<32x512xi32, #tpu.memory_space<vmem>>, vector<1x16xi32>,
        %parallel_loop3A_649 = vector.shape_cast %parallel_loop3A_648 : vector<1x16xi32> to vector<16xi32>
        %parallel_loop3A_650 = vector.shape_cast %parallel_loop3A_645 : vector<16xi32> to vector<1x16xi32>
        tpu.vector_store %arg12[%parallel_loop3A_646, %parallel_loop3A_647], %parallel_loop3A_650 {strides = array<i32>} : memref<32x512xi32, #tpu.memory_space<vmem>>, vector<1x16xi32>,
        %parallel_loop3A_651 = arith.index_cast %parallel_loop3A_210 : i32 to index
        %parallel_loop3A_652 = arith.constant 352 : index
        %parallel_loop3A_653 = tpu.vector_load %arg10[%parallel_loop3A_651, %parallel_loop3A_652] {strides = array<i32>} : memref<32x1024xf32, #tpu.memory_space<vmem>>, vector<1x16xf32>,
        %parallel_loop3A_654 = vector.shape_cast %parallel_loop3A_653 : vector<1x16xf32> to vector<16xf32>
        %parallel_loop3A_655 = arith.index_cast %parallel_loop3A_210 : i32 to index
        %parallel_loop3A_656 = arith.constant 864 : index
        %parallel_loop3A_657 = tpu.vector_load %arg10[%parallel_loop3A_655, %parallel_loop3A_656] {strides = array<i32>} : memref<32x1024xf32, #tpu.memory_space<vmem>>, vector<1x16xf32>,
        %parallel_loop3A_658 = vector.shape_cast %parallel_loop3A_657 : vector<1x16xf32> to vector<16xf32>
        %parallel_loop3A_659 = tpu.bitcast %parallel_loop3A_654 : vector<16xf32> -> vector<16xi32>
        %parallel_loop3A_660 = arith.addi %parallel_loop3A_659, %broadcast_in_dim3A_79 : vector<16xi32>
        %parallel_loop3A_661 = tpu.bitcast %parallel_loop3A_658 : vector<16xf32> -> vector<16xi32>
        %parallel_loop3A_662 = arith.addi %parallel_loop3A_661, %broadcast_in_dim3A_79 : vector<16xi32>
        %parallel_loop3A_663 = arith.shrui %parallel_loop3A_660, %broadcast_in_dim3A_83 : vector<16xi32>
        %parallel_loop3A_664 = arith.andi %parallel_loop3A_662, %broadcast_in_dim3A_81 : vector<16xi32>
        %parallel_loop3A_665 = arith.ori %parallel_loop3A_663, %parallel_loop3A_664 : vector<16xi32>
        %parallel_loop3A_666 = arith.index_cast %parallel_loop3A_210 : i32 to index
        %parallel_loop3A_667 = arith.constant 352 : index
        %parallel_loop3A_668 = tpu.vector_load %arg12[%parallel_loop3A_666, %parallel_loop3A_667] {strides = array<i32>} : memref<32x512xi32, #tpu.memory_space<vmem>>, vector<1x16xi32>,
        %parallel_loop3A_669 = vector.shape_cast %parallel_loop3A_668 : vector<1x16xi32> to vector<16xi32>
        %parallel_loop3A_670 = vector.shape_cast %parallel_loop3A_665 : vector<16xi32> to vector<1x16xi32>
        tpu.vector_store %arg12[%parallel_loop3A_666, %parallel_loop3A_667], %parallel_loop3A_670 {strides = array<i32>} : memref<32x512xi32, #tpu.memory_space<vmem>>, vector<1x16xi32>,
        %parallel_loop3A_671 = arith.index_cast %parallel_loop3A_210 : i32 to index
        %parallel_loop3A_672 = arith.constant 368 : index
        %parallel_loop3A_673 = tpu.vector_load %arg10[%parallel_loop3A_671, %parallel_loop3A_672] {strides = array<i32>} : memref<32x1024xf32, #tpu.memory_space<vmem>>, vector<1x16xf32>,
        %parallel_loop3A_674 = vector.shape_cast %parallel_loop3A_673 : vector<1x16xf32> to vector<16xf32>
        %parallel_loop3A_675 = arith.index_cast %parallel_loop3A_210 : i32 to index
        %parallel_loop3A_676 = arith.constant 880 : index
        %parallel_loop3A_677 = tpu.vector_load %arg10[%parallel_loop3A_675, %parallel_loop3A_676] {strides = array<i32>} : memref<32x1024xf32, #tpu.memory_space<vmem>>, vector<1x16xf32>,
        %parallel_loop3A_678 = vector.shape_cast %parallel_loop3A_677 : vector<1x16xf32> to vector<16xf32>
        %parallel_loop3A_679 = tpu.bitcast %parallel_loop3A_674 : vector<16xf32> -> vector<16xi32>
        %parallel_loop3A_680 = arith.addi %parallel_loop3A_679, %broadcast_in_dim3A_79 : vector<16xi32>
        %parallel_loop3A_681 = tpu.bitcast %parallel_loop3A_678 : vector<16xf32> -> vector<16xi32>
        %parallel_loop3A_682 = arith.addi %parallel_loop3A_681, %broadcast_in_dim3A_79 : vector<16xi32>
        %parallel_loop3A_683 = arith.shrui %parallel_loop3A_680, %broadcast_in_dim3A_83 : vector<16xi32>
        %parallel_loop3A_684 = arith.andi %parallel_loop3A_682, %broadcast_in_dim3A_81 : vector<16xi32>
        %parallel_loop3A_685 = arith.ori %parallel_loop3A_683, %parallel_loop3A_684 : vector<16xi32>
        %parallel_loop3A_686 = arith.index_cast %parallel_loop3A_210 : i32 to index
        %parallel_loop3A_687 = arith.constant 368 : index
        %parallel_loop3A_688 = tpu.vector_load %arg12[%parallel_loop3A_686, %parallel_loop3A_687] {strides = array<i32>} : memref<32x512xi32, #tpu.memory_space<vmem>>, vector<1x16xi32>,
        %parallel_loop3A_689 = vector.shape_cast %parallel_loop3A_688 : vector<1x16xi32> to vector<16xi32>
        %parallel_loop3A_690 = vector.shape_cast %parallel_loop3A_685 : vector<16xi32> to vector<1x16xi32>
        tpu.vector_store %arg12[%parallel_loop3A_686, %parallel_loop3A_687], %parallel_loop3A_690 {strides = array<i32>} : memref<32x512xi32, #tpu.memory_space<vmem>>, vector<1x16xi32>,
        %parallel_loop3A_691 = arith.index_cast %parallel_loop3A_210 : i32 to index
        %parallel_loop3A_692 = arith.constant 384 : index
        %parallel_loop3A_693 = tpu.vector_load %arg10[%parallel_loop3A_691, %parallel_loop3A_692] {strides = array<i32>} : memref<32x1024xf32, #tpu.memory_space<vmem>>, vector<1x16xf32>,
        %parallel_loop3A_694 = vector.shape_cast %parallel_loop3A_693 : vector<1x16xf32> to vector<16xf32>
        %parallel_loop3A_695 = arith.index_cast %parallel_loop3A_210 : i32 to index
        %parallel_loop3A_696 = arith.constant 896 : index
        %parallel_loop3A_697 = tpu.vector_load %arg10[%parallel_loop3A_695, %parallel_loop3A_696] {strides = array<i32>} : memref<32x1024xf32, #tpu.memory_space<vmem>>, vector<1x16xf32>,
        %parallel_loop3A_698 = vector.shape_cast %parallel_loop3A_697 : vector<1x16xf32> to vector<16xf32>
        %parallel_loop3A_699 = tpu.bitcast %parallel_loop3A_694 : vector<16xf32> -> vector<16xi32>
        %parallel_loop3A_700 = arith.addi %parallel_loop3A_699, %broadcast_in_dim3A_79 : vector<16xi32>
        %parallel_loop3A_701 = tpu.bitcast %parallel_loop3A_698 : vector<16xf32> -> vector<16xi32>
        %parallel_loop3A_702 = arith.addi %parallel_loop3A_701, %broadcast_in_dim3A_79 : vector<16xi32>
        %parallel_loop3A_703 = arith.shrui %parallel_loop3A_700, %broadcast_in_dim3A_83 : vector<16xi32>
        %parallel_loop3A_704 = arith.andi %parallel_loop3A_702, %broadcast_in_dim3A_81 : vector<16xi32>
        %parallel_loop3A_705 = arith.ori %parallel_loop3A_703, %parallel_loop3A_704 : vector<16xi32>
        %parallel_loop3A_706 = arith.index_cast %parallel_loop3A_210 : i32 to index
        %parallel_loop3A_707 = arith.constant 384 : index
        %parallel_loop3A_708 = tpu.vector_load %arg12[%parallel_loop3A_706, %parallel_loop3A_707] {strides = array<i32>} : memref<32x512xi32, #tpu.memory_space<vmem>>, vector<1x16xi32>,
        %parallel_loop3A_709 = vector.shape_cast %parallel_loop3A_708 : vector<1x16xi32> to vector<16xi32>
        %parallel_loop3A_710 = vector.shape_cast %parallel_loop3A_705 : vector<16xi32> to vector<1x16xi32>
        tpu.vector_store %arg12[%parallel_loop3A_706, %parallel_loop3A_707], %parallel_loop3A_710 {strides = array<i32>} : memref<32x512xi32, #tpu.memory_space<vmem>>, vector<1x16xi32>,
        %parallel_loop3A_711 = arith.index_cast %parallel_loop3A_210 : i32 to index
        %parallel_loop3A_712 = arith.constant 400 : index
        %parallel_loop3A_713 = tpu.vector_load %arg10[%parallel_loop3A_711, %parallel_loop3A_712] {strides = array<i32>} : memref<32x1024xf32, #tpu.memory_space<vmem>>, vector<1x16xf32>,
        %parallel_loop3A_714 = vector.shape_cast %parallel_loop3A_713 : vector<1x16xf32> to vector<16xf32>
        %parallel_loop3A_715 = arith.index_cast %parallel_loop3A_210 : i32 to index
        %parallel_loop3A_716 = arith.constant 912 : index
        %parallel_loop3A_717 = tpu.vector_load %arg10[%parallel_loop3A_715, %parallel_loop3A_716] {strides = array<i32>} : memref<32x1024xf32, #tpu.memory_space<vmem>>, vector<1x16xf32>,
        %parallel_loop3A_718 = vector.shape_cast %parallel_loop3A_717 : vector<1x16xf32> to vector<16xf32>
        %parallel_loop3A_719 = tpu.bitcast %parallel_loop3A_714 : vector<16xf32> -> vector<16xi32>
        %parallel_loop3A_720 = arith.addi %parallel_loop3A_719, %broadcast_in_dim3A_79 : vector<16xi32>
        %parallel_loop3A_721 = tpu.bitcast %parallel_loop3A_718 : vector<16xf32> -> vector<16xi32>
        %parallel_loop3A_722 = arith.addi %parallel_loop3A_721, %broadcast_in_dim3A_79 : vector<16xi32>
        %parallel_loop3A_723 = arith.shrui %parallel_loop3A_720, %broadcast_in_dim3A_83 : vector<16xi32>
        %parallel_loop3A_724 = arith.andi %parallel_loop3A_722, %broadcast_in_dim3A_81 : vector<16xi32>
        %parallel_loop3A_725 = arith.ori %parallel_loop3A_723, %parallel_loop3A_724 : vector<16xi32>
        %parallel_loop3A_726 = arith.index_cast %parallel_loop3A_210 : i32 to index
        %parallel_loop3A_727 = arith.constant 400 : index
        %parallel_loop3A_728 = tpu.vector_load %arg12[%parallel_loop3A_726, %parallel_loop3A_727] {strides = array<i32>} : memref<32x512xi32, #tpu.memory_space<vmem>>, vector<1x16xi32>,
        %parallel_loop3A_729 = vector.shape_cast %parallel_loop3A_728 : vector<1x16xi32> to vector<16xi32>
        %parallel_loop3A_730 = vector.shape_cast %parallel_loop3A_725 : vector<16xi32> to vector<1x16xi32>
        tpu.vector_store %arg12[%parallel_loop3A_726, %parallel_loop3A_727], %parallel_loop3A_730 {strides = array<i32>} : memref<32x512xi32, #tpu.memory_space<vmem>>, vector<1x16xi32>,
        %parallel_loop3A_731 = arith.index_cast %parallel_loop3A_210 : i32 to index
        %parallel_loop3A_732 = arith.constant 416 : index
        %parallel_loop3A_733 = tpu.vector_load %arg10[%parallel_loop3A_731, %parallel_loop3A_732] {strides = array<i32>} : memref<32x1024xf32, #tpu.memory_space<vmem>>, vector<1x16xf32>,
        %parallel_loop3A_734 = vector.shape_cast %parallel_loop3A_733 : vector<1x16xf32> to vector<16xf32>
        %parallel_loop3A_735 = arith.index_cast %parallel_loop3A_210 : i32 to index
        %parallel_loop3A_736 = arith.constant 928 : index
        %parallel_loop3A_737 = tpu.vector_load %arg10[%parallel_loop3A_735, %parallel_loop3A_736] {strides = array<i32>} : memref<32x1024xf32, #tpu.memory_space<vmem>>, vector<1x16xf32>,
        %parallel_loop3A_738 = vector.shape_cast %parallel_loop3A_737 : vector<1x16xf32> to vector<16xf32>
        %parallel_loop3A_739 = tpu.bitcast %parallel_loop3A_734 : vector<16xf32> -> vector<16xi32>
        %parallel_loop3A_740 = arith.addi %parallel_loop3A_739, %broadcast_in_dim3A_79 : vector<16xi32>
        %parallel_loop3A_741 = tpu.bitcast %parallel_loop3A_738 : vector<16xf32> -> vector<16xi32>
        %parallel_loop3A_742 = arith.addi %parallel_loop3A_741, %broadcast_in_dim3A_79 : vector<16xi32>
        %parallel_loop3A_743 = arith.shrui %parallel_loop3A_740, %broadcast_in_dim3A_83 : vector<16xi32>
        %parallel_loop3A_744 = arith.andi %parallel_loop3A_742, %broadcast_in_dim3A_81 : vector<16xi32>
        %parallel_loop3A_745 = arith.ori %parallel_loop3A_743, %parallel_loop3A_744 : vector<16xi32>
        %parallel_loop3A_746 = arith.index_cast %parallel_loop3A_210 : i32 to index
        %parallel_loop3A_747 = arith.constant 416 : index
        %parallel_loop3A_748 = tpu.vector_load %arg12[%parallel_loop3A_746, %parallel_loop3A_747] {strides = array<i32>} : memref<32x512xi32, #tpu.memory_space<vmem>>, vector<1x16xi32>,
        %parallel_loop3A_749 = vector.shape_cast %parallel_loop3A_748 : vector<1x16xi32> to vector<16xi32>
        %parallel_loop3A_750 = vector.shape_cast %parallel_loop3A_745 : vector<16xi32> to vector<1x16xi32>
        tpu.vector_store %arg12[%parallel_loop3A_746, %parallel_loop3A_747], %parallel_loop3A_750 {strides = array<i32>} : memref<32x512xi32, #tpu.memory_space<vmem>>, vector<1x16xi32>,
        %parallel_loop3A_751 = arith.index_cast %parallel_loop3A_210 : i32 to index
        %parallel_loop3A_752 = arith.constant 432 : index
        %parallel_loop3A_753 = tpu.vector_load %arg10[%parallel_loop3A_751, %parallel_loop3A_752] {strides = array<i32>} : memref<32x1024xf32, #tpu.memory_space<vmem>>, vector<1x16xf32>,
        %parallel_loop3A_754 = vector.shape_cast %parallel_loop3A_753 : vector<1x16xf32> to vector<16xf32>
        %parallel_loop3A_755 = arith.index_cast %parallel_loop3A_210 : i32 to index
        %parallel_loop3A_756 = arith.constant 944 : index
        %parallel_loop3A_757 = tpu.vector_load %arg10[%parallel_loop3A_755, %parallel_loop3A_756] {strides = array<i32>} : memref<32x1024xf32, #tpu.memory_space<vmem>>, vector<1x16xf32>,
        %parallel_loop3A_758 = vector.shape_cast %parallel_loop3A_757 : vector<1x16xf32> to vector<16xf32>
        %parallel_loop3A_759 = tpu.bitcast %parallel_loop3A_754 : vector<16xf32> -> vector<16xi32>
        %parallel_loop3A_760 = arith.addi %parallel_loop3A_759, %broadcast_in_dim3A_79 : vector<16xi32>
        %parallel_loop3A_761 = tpu.bitcast %parallel_loop3A_758 : vector<16xf32> -> vector<16xi32>
        %parallel_loop3A_762 = arith.addi %parallel_loop3A_761, %broadcast_in_dim3A_79 : vector<16xi32>
        %parallel_loop3A_763 = arith.shrui %parallel_loop3A_760, %broadcast_in_dim3A_83 : vector<16xi32>
        %parallel_loop3A_764 = arith.andi %parallel_loop3A_762, %broadcast_in_dim3A_81 : vector<16xi32>
        %parallel_loop3A_765 = arith.ori %parallel_loop3A_763, %parallel_loop3A_764 : vector<16xi32>
        %parallel_loop3A_766 = arith.index_cast %parallel_loop3A_210 : i32 to index
        %parallel_loop3A_767 = arith.constant 432 : index
        %parallel_loop3A_768 = tpu.vector_load %arg12[%parallel_loop3A_766, %parallel_loop3A_767] {strides = array<i32>} : memref<32x512xi32, #tpu.memory_space<vmem>>, vector<1x16xi32>,
        %parallel_loop3A_769 = vector.shape_cast %parallel_loop3A_768 : vector<1x16xi32> to vector<16xi32>
        %parallel_loop3A_770 = vector.shape_cast %parallel_loop3A_765 : vector<16xi32> to vector<1x16xi32>
        tpu.vector_store %arg12[%parallel_loop3A_766, %parallel_loop3A_767], %parallel_loop3A_770 {strides = array<i32>} : memref<32x512xi32, #tpu.memory_space<vmem>>, vector<1x16xi32>,
        %parallel_loop3A_771 = arith.index_cast %parallel_loop3A_210 : i32 to index
        %parallel_loop3A_772 = arith.constant 448 : index
        %parallel_loop3A_773 = tpu.vector_load %arg10[%parallel_loop3A_771, %parallel_loop3A_772] {strides = array<i32>} : memref<32x1024xf32, #tpu.memory_space<vmem>>, vector<1x16xf32>,
        %parallel_loop3A_774 = vector.shape_cast %parallel_loop3A_773 : vector<1x16xf32> to vector<16xf32>
        %parallel_loop3A_775 = arith.index_cast %parallel_loop3A_210 : i32 to index
        %parallel_loop3A_776 = arith.constant 960 : index
        %parallel_loop3A_777 = tpu.vector_load %arg10[%parallel_loop3A_775, %parallel_loop3A_776] {strides = array<i32>} : memref<32x1024xf32, #tpu.memory_space<vmem>>, vector<1x16xf32>,
        %parallel_loop3A_778 = vector.shape_cast %parallel_loop3A_777 : vector<1x16xf32> to vector<16xf32>
        %parallel_loop3A_779 = tpu.bitcast %parallel_loop3A_774 : vector<16xf32> -> vector<16xi32>
        %parallel_loop3A_780 = arith.addi %parallel_loop3A_779, %broadcast_in_dim3A_79 : vector<16xi32>
        %parallel_loop3A_781 = tpu.bitcast %parallel_loop3A_778 : vector<16xf32> -> vector<16xi32>
        %parallel_loop3A_782 = arith.addi %parallel_loop3A_781, %broadcast_in_dim3A_79 : vector<16xi32>
        %parallel_loop3A_783 = arith.shrui %parallel_loop3A_780, %broadcast_in_dim3A_83 : vector<16xi32>
        %parallel_loop3A_784 = arith.andi %parallel_loop3A_782, %broadcast_in_dim3A_81 : vector<16xi32>
        %parallel_loop3A_785 = arith.ori %parallel_loop3A_783, %parallel_loop3A_784 : vector<16xi32>
        %parallel_loop3A_786 = arith.index_cast %parallel_loop3A_210 : i32 to index
        %parallel_loop3A_787 = arith.constant 448 : index
        %parallel_loop3A_788 = tpu.vector_load %arg12[%parallel_loop3A_786, %parallel_loop3A_787] {strides = array<i32>} : memref<32x512xi32, #tpu.memory_space<vmem>>, vector<1x16xi32>,
        %parallel_loop3A_789 = vector.shape_cast %parallel_loop3A_788 : vector<1x16xi32> to vector<16xi32>
        %parallel_loop3A_790 = vector.shape_cast %parallel_loop3A_785 : vector<16xi32> to vector<1x16xi32>
        tpu.vector_store %arg12[%parallel_loop3A_786, %parallel_loop3A_787], %parallel_loop3A_790 {strides = array<i32>} : memref<32x512xi32, #tpu.memory_space<vmem>>, vector<1x16xi32>,
        %parallel_loop3A_791 = arith.index_cast %parallel_loop3A_210 : i32 to index
        %parallel_loop3A_792 = arith.constant 464 : index
        %parallel_loop3A_793 = tpu.vector_load %arg10[%parallel_loop3A_791, %parallel_loop3A_792] {strides = array<i32>} : memref<32x1024xf32, #tpu.memory_space<vmem>>, vector<1x16xf32>,
        %parallel_loop3A_794 = vector.shape_cast %parallel_loop3A_793 : vector<1x16xf32> to vector<16xf32>
        %parallel_loop3A_795 = arith.index_cast %parallel_loop3A_210 : i32 to index
        %parallel_loop3A_796 = arith.constant 976 : index
        %parallel_loop3A_797 = tpu.vector_load %arg10[%parallel_loop3A_795, %parallel_loop3A_796] {strides = array<i32>} : memref<32x1024xf32, #tpu.memory_space<vmem>>, vector<1x16xf32>,
        %parallel_loop3A_798 = vector.shape_cast %parallel_loop3A_797 : vector<1x16xf32> to vector<16xf32>
        %parallel_loop3A_799 = tpu.bitcast %parallel_loop3A_794 : vector<16xf32> -> vector<16xi32>
        %parallel_loop3A_800 = arith.addi %parallel_loop3A_799, %broadcast_in_dim3A_79 : vector<16xi32>
        %parallel_loop3A_801 = tpu.bitcast %parallel_loop3A_798 : vector<16xf32> -> vector<16xi32>
        %parallel_loop3A_802 = arith.addi %parallel_loop3A_801, %broadcast_in_dim3A_79 : vector<16xi32>
        %parallel_loop3A_803 = arith.shrui %parallel_loop3A_800, %broadcast_in_dim3A_83 : vector<16xi32>
        %parallel_loop3A_804 = arith.andi %parallel_loop3A_802, %broadcast_in_dim3A_81 : vector<16xi32>
        %parallel_loop3A_805 = arith.ori %parallel_loop3A_803, %parallel_loop3A_804 : vector<16xi32>
        %parallel_loop3A_806 = arith.index_cast %parallel_loop3A_210 : i32 to index
        %parallel_loop3A_807 = arith.constant 464 : index
        %parallel_loop3A_808 = tpu.vector_load %arg12[%parallel_loop3A_806, %parallel_loop3A_807] {strides = array<i32>} : memref<32x512xi32, #tpu.memory_space<vmem>>, vector<1x16xi32>,
        %parallel_loop3A_809 = vector.shape_cast %parallel_loop3A_808 : vector<1x16xi32> to vector<16xi32>
        %parallel_loop3A_810 = vector.shape_cast %parallel_loop3A_805 : vector<16xi32> to vector<1x16xi32>
        tpu.vector_store %arg12[%parallel_loop3A_806, %parallel_loop3A_807], %parallel_loop3A_810 {strides = array<i32>} : memref<32x512xi32, #tpu.memory_space<vmem>>, vector<1x16xi32>,
        %parallel_loop3A_811 = arith.index_cast %parallel_loop3A_210 : i32 to index
        %parallel_loop3A_812 = arith.constant 480 : index
        %parallel_loop3A_813 = tpu.vector_load %arg10[%parallel_loop3A_811, %parallel_loop3A_812] {strides = array<i32>} : memref<32x1024xf32, #tpu.memory_space<vmem>>, vector<1x16xf32>,
        %parallel_loop3A_814 = vector.shape_cast %parallel_loop3A_813 : vector<1x16xf32> to vector<16xf32>
        %parallel_loop3A_815 = arith.index_cast %parallel_loop3A_210 : i32 to index
        %parallel_loop3A_816 = arith.constant 992 : index
        %parallel_loop3A_817 = tpu.vector_load %arg10[%parallel_loop3A_815, %parallel_loop3A_816] {strides = array<i32>} : memref<32x1024xf32, #tpu.memory_space<vmem>>, vector<1x16xf32>,
        %parallel_loop3A_818 = vector.shape_cast %parallel_loop3A_817 : vector<1x16xf32> to vector<16xf32>
        %parallel_loop3A_819 = tpu.bitcast %parallel_loop3A_814 : vector<16xf32> -> vector<16xi32>
        %parallel_loop3A_820 = arith.addi %parallel_loop3A_819, %broadcast_in_dim3A_79 : vector<16xi32>
        %parallel_loop3A_821 = tpu.bitcast %parallel_loop3A_818 : vector<16xf32> -> vector<16xi32>
        %parallel_loop3A_822 = arith.addi %parallel_loop3A_821, %broadcast_in_dim3A_79 : vector<16xi32>
        %parallel_loop3A_823 = arith.shrui %parallel_loop3A_820, %broadcast_in_dim3A_83 : vector<16xi32>
        %parallel_loop3A_824 = arith.andi %parallel_loop3A_822, %broadcast_in_dim3A_81 : vector<16xi32>
        %parallel_loop3A_825 = arith.ori %parallel_loop3A_823, %parallel_loop3A_824 : vector<16xi32>
        %parallel_loop3A_826 = arith.index_cast %parallel_loop3A_210 : i32 to index
        %parallel_loop3A_827 = arith.constant 480 : index
        %parallel_loop3A_828 = tpu.vector_load %arg12[%parallel_loop3A_826, %parallel_loop3A_827] {strides = array<i32>} : memref<32x512xi32, #tpu.memory_space<vmem>>, vector<1x16xi32>,
        %parallel_loop3A_829 = vector.shape_cast %parallel_loop3A_828 : vector<1x16xi32> to vector<16xi32>
        %parallel_loop3A_830 = vector.shape_cast %parallel_loop3A_825 : vector<16xi32> to vector<1x16xi32>
        tpu.vector_store %arg12[%parallel_loop3A_826, %parallel_loop3A_827], %parallel_loop3A_830 {strides = array<i32>} : memref<32x512xi32, #tpu.memory_space<vmem>>, vector<1x16xi32>,
        %parallel_loop3A_831 = arith.index_cast %parallel_loop3A_210 : i32 to index
        %parallel_loop3A_832 = arith.constant 496 : index
        %parallel_loop3A_833 = tpu.vector_load %arg10[%parallel_loop3A_831, %parallel_loop3A_832] {strides = array<i32>} : memref<32x1024xf32, #tpu.memory_space<vmem>>, vector<1x16xf32>,
        %parallel_loop3A_834 = vector.shape_cast %parallel_loop3A_833 : vector<1x16xf32> to vector<16xf32>
        %parallel_loop3A_835 = arith.index_cast %parallel_loop3A_210 : i32 to index
        %parallel_loop3A_836 = arith.constant 1008 : index
        %parallel_loop3A_837 = tpu.vector_load %arg10[%parallel_loop3A_835, %parallel_loop3A_836] {strides = array<i32>} : memref<32x1024xf32, #tpu.memory_space<vmem>>, vector<1x16xf32>,
        %parallel_loop3A_838 = vector.shape_cast %parallel_loop3A_837 : vector<1x16xf32> to vector<16xf32>
        %parallel_loop3A_839 = tpu.bitcast %parallel_loop3A_834 : vector<16xf32> -> vector<16xi32>
        %parallel_loop3A_840 = arith.addi %parallel_loop3A_839, %broadcast_in_dim3A_79 : vector<16xi32>
        %parallel_loop3A_841 = tpu.bitcast %parallel_loop3A_838 : vector<16xf32> -> vector<16xi32>
        %parallel_loop3A_842 = arith.addi %parallel_loop3A_841, %broadcast_in_dim3A_79 : vector<16xi32>
        %parallel_loop3A_843 = arith.shrui %parallel_loop3A_840, %broadcast_in_dim3A_83 : vector<16xi32>
        %parallel_loop3A_844 = arith.andi %parallel_loop3A_842, %broadcast_in_dim3A_81 : vector<16xi32>
        %parallel_loop3A_845 = arith.ori %parallel_loop3A_843, %parallel_loop3A_844 : vector<16xi32>
        %parallel_loop3A_846 = arith.index_cast %parallel_loop3A_210 : i32 to index
        %parallel_loop3A_847 = arith.constant 496 : index
        %parallel_loop3A_848 = tpu.vector_load %arg12[%parallel_loop3A_846, %parallel_loop3A_847] {strides = array<i32>} : memref<32x512xi32, #tpu.memory_space<vmem>>, vector<1x16xi32>,
        %parallel_loop3A_849 = vector.shape_cast %parallel_loop3A_848 : vector<1x16xi32> to vector<16xi32>
        %parallel_loop3A_850 = vector.shape_cast %parallel_loop3A_845 : vector<16xi32> to vector<1x16xi32>
        tpu.vector_store %arg12[%parallel_loop3A_846, %parallel_loop3A_847], %parallel_loop3A_850 {strides = array<i32>} : memref<32x512xi32, #tpu.memory_space<vmem>>, vector<1x16xi32>,
      } {sc.loop_unroll_factor = 4 : i64, sc.parallel_access}
      %div3A_194 = arith.constant 8 : i32
      %div3A_195 = arith.divsi %add3A_172, %div3A_194 : i32
      %rem3A_196 = arith.constant 8 : i32
      %rem3A_197 = arith.remsi %add3A_172, %rem3A_196 : i32
      %mul3A_198 = arith.constant 8192 : i32
      %mul3A_199 = arith.muli %div3A_195, %mul3A_198 : i32
      %mul3A_200 = arith.constant 256 : i32
      %mul3A_201 = arith.muli %add3A, %mul3A_200 : i32
      %add3A_202 = arith.addi %mul3A_199, %mul3A_201 : i32
      %mul3A_203 = arith.constant 32 : i32
      %mul3A_204 = arith.muli %rem3A_197, %mul3A_203 : i32
      %add3A_205 = arith.addi %add3A_202, %mul3A_204 : i32
      %dma_start3A_206 = arith.constant 0 : i32
      %dma_start3A_207 = tpu.memref_slice %arg5[%add3A_205, %dma_start3A_206] : memref<65536x512xi32, #tpu.memory_space<hbm>> -> memref<32x512xi32, #tpu.memory_space<hbm>>
      %dma_start3A_208 = arith.constant 0 : i32
      %dma_start3A_209 = tpu.memref_slice %arg5[%add3A_205, %dma_start3A_208] : memref<65536x512xi32, #tpu.memory_space<hbm>> -> memref<32x512xi32, #tpu.memory_space<hbm>>
      tpu.enqueue_dma source(%arg12 : memref<32x512xi32, #tpu.memory_space<vmem>>) target(%dma_start3A_209 : memref<32x512xi32, #tpu.memory_space<hbm>>) target_semaphore(%arg16 : memref<!tpu.dma_semaphore, #tpu.memory_space<semaphore_mem>>)
    }
    %while3A_100 = arith.constant 1 : i32
    scf.for %while3A_136 = %while3A_98 to %while3A_94 step %while3A_100  : i32 {
      %mul3A_137 = arith.constant 2 : i32
      %mul3A_138 = arith.muli %while3A_136, %mul3A_137 : i32
      %add3A_139 = arith.constant 1 : i32
      %add3A_140 = arith.addi %mul3A_138, %add3A_139 : i32
      %le3A = arith.constant 63 : i32
      %le3A_141 = arith.cmpi sle, %add3A_140, %le3A : i32
      %convert_element_type3A = arith.extui %le3A_141 : i1 to i32
      %cond3A = arith.constant 0 : i32
      %cond3A_142 = arith.cmpi ne, %convert_element_type3A, %cond3A : i32
      scf.if %cond3A_142 {
        %add3A_210 = arith.constant 1 : i32
        %add3A_211 = arith.addi %mul3A_138, %add3A_210 : i32
        %mul3A_212 = arith.constant 32 : i32
        %mul3A_213 = arith.muli %add3A_211, %mul3A_212 : i32
        %dma_start3A_214 = tpu.memref_slice %arg8[%mul3A_213] : memref<2048xi32, #tpu.memory_space<vmem>> -> memref<32xi32, #tpu.memory_space<vmem>>
        %dma_start3A_215 = arith.constant 0 : i32
        %dma_start3A_216 = arith.constant 0 : i32
        %dma_start3A_217 = tpu.memref_slice %arg4[%dma_start3A_215, %dma_start3A_216] : memref<131072x1024xf32, #tpu.memory_space<hbm>> -> memref<131072x1024xf32, #tpu.memory_space<hbm>>
        tpu.enqueue_indirect_dma source(%dma_start3A_217 : memref<131072x1024xf32, #tpu.memory_space<hbm>>) target(%arg10 : memref<32x1024xf32, #tpu.memory_space<vmem>>) offsets(%dma_start3A_214 : memref<32xi32, #tpu.memory_space<vmem>>) semaphore(%arg14 : memref<!tpu.dma_semaphore, #tpu.memory_space<semaphore_mem>>)
      } else {
      }
      %mul3A_143 = arith.constant 32 : i32
      %mul3A_144 = arith.muli %mul3A_138, %mul3A_143 : i32
      %dma_wait3A_145 = tpu.memref_slice %arg8[%mul3A_144] : memref<2048xi32, #tpu.memory_space<vmem>> -> memref<32xi32, #tpu.memory_space<vmem>>
      %dma_wait3A_146 = arith.constant 0 : i32
      %dma_wait3A_147 = arith.constant 0 : i32
      %dma_wait3A_148 = tpu.memref_slice %arg4[%dma_wait3A_146, %dma_wait3A_147] : memref<131072x1024xf32, #tpu.memory_space<hbm>> -> memref<131072x1024xf32, #tpu.memory_space<hbm>>
      tpu.wait_indirect_dma semaphore(%arg13 : memref<!tpu.dma_semaphore, #tpu.memory_space<semaphore_mem>>) src(%dma_wait3A_148 : memref<131072x1024xf32, #tpu.memory_space<hbm>>) dst(%arg9 : memref<32x1024xf32, #tpu.memory_space<vmem>>)
      %ge3A = arith.constant 2 : i32
      %ge3A_149 = arith.cmpi sge, %mul3A_138, %ge3A : i32
      %convert_element_type3A_150 = arith.extui %ge3A_149 : i1 to i32
      %cond3A_151 = arith.constant 0 : i32
      %cond3A_152 = arith.cmpi ne, %convert_element_type3A_150, %cond3A_151 : i32
      scf.if %cond3A_152 {
        %sub3A = arith.constant 2 : i32
        %sub3A_210 = arith.subi %mul3A_138, %sub3A : i32
        %div3A_211 = arith.constant 8 : i32
        %div3A_212 = arith.divsi %sub3A_210, %div3A_211 : i32
        %rem3A_213 = arith.constant 8 : i32
        %rem3A_214 = arith.remsi %sub3A_210, %rem3A_213 : i32
        %mul3A_215 = arith.constant 8192 : i32
        %mul3A_216 = arith.muli %div3A_212, %mul3A_215 : i32
        %mul3A_217 = arith.constant 256 : i32
        %mul3A_218 = arith.muli %add3A, %mul3A_217 : i32
        %add3A_219 = arith.addi %mul3A_216, %mul3A_218 : i32
        %mul3A_220 = arith.constant 32 : i32
        %mul3A_221 = arith.muli %rem3A_214, %mul3A_220 : i32
        %add3A_222 = arith.addi %add3A_219, %mul3A_221 : i32
        %dma_wait3A_223 = arith.constant 0 : i32
        %dma_wait3A_224 = tpu.memref_slice %arg5[%add3A_222, %dma_wait3A_223] : memref<65536x512xi32, #tpu.memory_space<hbm>> -> memref<32x512xi32, #tpu.memory_space<hbm>>
        %dma_wait3A_225 = arith.constant 0 : i32
        %dma_wait3A_226 = tpu.memref_slice %arg5[%add3A_222, %dma_wait3A_225] : memref<65536x512xi32, #tpu.memory_space<hbm>> -> memref<32x512xi32, #tpu.memory_space<hbm>>
        tpu.wait_dma2 semaphore(%arg15 : memref<!tpu.dma_semaphore, #tpu.memory_space<semaphore_mem>>) src(%arg11 : memref<32x512xi32, #tpu.memory_space<vmem>>) dst(%dma_wait3A_226 : memref<32x512xi32, #tpu.memory_space<hbm>>)
      } else {
      }
      %parallel_loop3A = arith.constant 0 : i32
      %parallel_loop3A_153 = arith.constant 32 : i32
      %parallel_loop3A_154 = arith.constant 1 : i32
      scf.for %parallel_loop3A_210 = %parallel_loop3A to %parallel_loop3A_153 step %parallel_loop3A_154  : i32 {
        %parallel_loop3A_211 = arith.index_cast %parallel_loop3A_210 : i32 to index
        %parallel_loop3A_212 = arith.constant 0 : index
        %parallel_loop3A_213 = tpu.vector_load %arg9[%parallel_loop3A_211, %parallel_loop3A_212] {strides = array<i32>} : memref<32x1024xf32, #tpu.memory_space<vmem>>, vector<1x16xf32>,
        %parallel_loop3A_214 = vector.shape_cast %parallel_loop3A_213 : vector<1x16xf32> to vector<16xf32>
        %parallel_loop3A_215 = arith.index_cast %parallel_loop3A_210 : i32 to index
        %parallel_loop3A_216 = arith.constant 512 : index
        %parallel_loop3A_217 = tpu.vector_load %arg9[%parallel_loop3A_215, %parallel_loop3A_216] {strides = array<i32>} : memref<32x1024xf32, #tpu.memory_space<vmem>>, vector<1x16xf32>,
        %parallel_loop3A_218 = vector.shape_cast %parallel_loop3A_217 : vector<1x16xf32> to vector<16xf32>
        %parallel_loop3A_219 = tpu.bitcast %parallel_loop3A_214 : vector<16xf32> -> vector<16xi32>
        %parallel_loop3A_220 = arith.addi %parallel_loop3A_219, %broadcast_in_dim3A_79 : vector<16xi32>
        %parallel_loop3A_221 = tpu.bitcast %parallel_loop3A_218 : vector<16xf32> -> vector<16xi32>
        %parallel_loop3A_222 = arith.addi %parallel_loop3A_221, %broadcast_in_dim3A_79 : vector<16xi32>
        %parallel_loop3A_223 = arith.shrui %parallel_loop3A_220, %broadcast_in_dim3A_83 : vector<16xi32>
        %parallel_loop3A_224 = arith.andi %parallel_loop3A_222, %broadcast_in_dim3A_81 : vector<16xi32>
        %parallel_loop3A_225 = arith.ori %parallel_loop3A_223, %parallel_loop3A_224 : vector<16xi32>
        %parallel_loop3A_226 = arith.index_cast %parallel_loop3A_210 : i32 to index
        %parallel_loop3A_227 = arith.constant 0 : index
        %parallel_loop3A_228 = tpu.vector_load %arg11[%parallel_loop3A_226, %parallel_loop3A_227] {strides = array<i32>} : memref<32x512xi32, #tpu.memory_space<vmem>>, vector<1x16xi32>,
        %parallel_loop3A_229 = vector.shape_cast %parallel_loop3A_228 : vector<1x16xi32> to vector<16xi32>
        %parallel_loop3A_230 = vector.shape_cast %parallel_loop3A_225 : vector<16xi32> to vector<1x16xi32>
        tpu.vector_store %arg11[%parallel_loop3A_226, %parallel_loop3A_227], %parallel_loop3A_230 {strides = array<i32>} : memref<32x512xi32, #tpu.memory_space<vmem>>, vector<1x16xi32>,
        %parallel_loop3A_231 = arith.index_cast %parallel_loop3A_210 : i32 to index
        %parallel_loop3A_232 = arith.constant 16 : index
        %parallel_loop3A_233 = tpu.vector_load %arg9[%parallel_loop3A_231, %parallel_loop3A_232] {strides = array<i32>} : memref<32x1024xf32, #tpu.memory_space<vmem>>, vector<1x16xf32>,
        %parallel_loop3A_234 = vector.shape_cast %parallel_loop3A_233 : vector<1x16xf32> to vector<16xf32>
        %parallel_loop3A_235 = arith.index_cast %parallel_loop3A_210 : i32 to index
        %parallel_loop3A_236 = arith.constant 528 : index
        %parallel_loop3A_237 = tpu.vector_load %arg9[%parallel_loop3A_235, %parallel_loop3A_236] {strides = array<i32>} : memref<32x1024xf32, #tpu.memory_space<vmem>>, vector<1x16xf32>,
        %parallel_loop3A_238 = vector.shape_cast %parallel_loop3A_237 : vector<1x16xf32> to vector<16xf32>
        %parallel_loop3A_239 = tpu.bitcast %parallel_loop3A_234 : vector<16xf32> -> vector<16xi32>
        %parallel_loop3A_240 = arith.addi %parallel_loop3A_239, %broadcast_in_dim3A_79 : vector<16xi32>
        %parallel_loop3A_241 = tpu.bitcast %parallel_loop3A_238 : vector<16xf32> -> vector<16xi32>
        %parallel_loop3A_242 = arith.addi %parallel_loop3A_241, %broadcast_in_dim3A_79 : vector<16xi32>
        %parallel_loop3A_243 = arith.shrui %parallel_loop3A_240, %broadcast_in_dim3A_83 : vector<16xi32>
        %parallel_loop3A_244 = arith.andi %parallel_loop3A_242, %broadcast_in_dim3A_81 : vector<16xi32>
        %parallel_loop3A_245 = arith.ori %parallel_loop3A_243, %parallel_loop3A_244 : vector<16xi32>
        %parallel_loop3A_246 = arith.index_cast %parallel_loop3A_210 : i32 to index
        %parallel_loop3A_247 = arith.constant 16 : index
        %parallel_loop3A_248 = tpu.vector_load %arg11[%parallel_loop3A_246, %parallel_loop3A_247] {strides = array<i32>} : memref<32x512xi32, #tpu.memory_space<vmem>>, vector<1x16xi32>,
        %parallel_loop3A_249 = vector.shape_cast %parallel_loop3A_248 : vector<1x16xi32> to vector<16xi32>
        %parallel_loop3A_250 = vector.shape_cast %parallel_loop3A_245 : vector<16xi32> to vector<1x16xi32>
        tpu.vector_store %arg11[%parallel_loop3A_246, %parallel_loop3A_247], %parallel_loop3A_250 {strides = array<i32>} : memref<32x512xi32, #tpu.memory_space<vmem>>, vector<1x16xi32>,
        %parallel_loop3A_251 = arith.index_cast %parallel_loop3A_210 : i32 to index
        %parallel_loop3A_252 = arith.constant 32 : index
        %parallel_loop3A_253 = tpu.vector_load %arg9[%parallel_loop3A_251, %parallel_loop3A_252] {strides = array<i32>} : memref<32x1024xf32, #tpu.memory_space<vmem>>, vector<1x16xf32>,
        %parallel_loop3A_254 = vector.shape_cast %parallel_loop3A_253 : vector<1x16xf32> to vector<16xf32>
        %parallel_loop3A_255 = arith.index_cast %parallel_loop3A_210 : i32 to index
        %parallel_loop3A_256 = arith.constant 544 : index
        %parallel_loop3A_257 = tpu.vector_load %arg9[%parallel_loop3A_255, %parallel_loop3A_256] {strides = array<i32>} : memref<32x1024xf32, #tpu.memory_space<vmem>>, vector<1x16xf32>,
        %parallel_loop3A_258 = vector.shape_cast %parallel_loop3A_257 : vector<1x16xf32> to vector<16xf32>
        %parallel_loop3A_259 = tpu.bitcast %parallel_loop3A_254 : vector<16xf32> -> vector<16xi32>
        %parallel_loop3A_260 = arith.addi %parallel_loop3A_259, %broadcast_in_dim3A_79 : vector<16xi32>
        %parallel_loop3A_261 = tpu.bitcast %parallel_loop3A_258 : vector<16xf32> -> vector<16xi32>
        %parallel_loop3A_262 = arith.addi %parallel_loop3A_261, %broadcast_in_dim3A_79 : vector<16xi32>
        %parallel_loop3A_263 = arith.shrui %parallel_loop3A_260, %broadcast_in_dim3A_83 : vector<16xi32>
        %parallel_loop3A_264 = arith.andi %parallel_loop3A_262, %broadcast_in_dim3A_81 : vector<16xi32>
        %parallel_loop3A_265 = arith.ori %parallel_loop3A_263, %parallel_loop3A_264 : vector<16xi32>
        %parallel_loop3A_266 = arith.index_cast %parallel_loop3A_210 : i32 to index
        %parallel_loop3A_267 = arith.constant 32 : index
        %parallel_loop3A_268 = tpu.vector_load %arg11[%parallel_loop3A_266, %parallel_loop3A_267] {strides = array<i32>} : memref<32x512xi32, #tpu.memory_space<vmem>>, vector<1x16xi32>,
        %parallel_loop3A_269 = vector.shape_cast %parallel_loop3A_268 : vector<1x16xi32> to vector<16xi32>
        %parallel_loop3A_270 = vector.shape_cast %parallel_loop3A_265 : vector<16xi32> to vector<1x16xi32>
        tpu.vector_store %arg11[%parallel_loop3A_266, %parallel_loop3A_267], %parallel_loop3A_270 {strides = array<i32>} : memref<32x512xi32, #tpu.memory_space<vmem>>, vector<1x16xi32>,
        %parallel_loop3A_271 = arith.index_cast %parallel_loop3A_210 : i32 to index
        %parallel_loop3A_272 = arith.constant 48 : index
        %parallel_loop3A_273 = tpu.vector_load %arg9[%parallel_loop3A_271, %parallel_loop3A_272] {strides = array<i32>} : memref<32x1024xf32, #tpu.memory_space<vmem>>, vector<1x16xf32>,
        %parallel_loop3A_274 = vector.shape_cast %parallel_loop3A_273 : vector<1x16xf32> to vector<16xf32>
        %parallel_loop3A_275 = arith.index_cast %parallel_loop3A_210 : i32 to index
        %parallel_loop3A_276 = arith.constant 560 : index
        %parallel_loop3A_277 = tpu.vector_load %arg9[%parallel_loop3A_275, %parallel_loop3A_276] {strides = array<i32>} : memref<32x1024xf32, #tpu.memory_space<vmem>>, vector<1x16xf32>,
        %parallel_loop3A_278 = vector.shape_cast %parallel_loop3A_277 : vector<1x16xf32> to vector<16xf32>
        %parallel_loop3A_279 = tpu.bitcast %parallel_loop3A_274 : vector<16xf32> -> vector<16xi32>
        %parallel_loop3A_280 = arith.addi %parallel_loop3A_279, %broadcast_in_dim3A_79 : vector<16xi32>
        %parallel_loop3A_281 = tpu.bitcast %parallel_loop3A_278 : vector<16xf32> -> vector<16xi32>
        %parallel_loop3A_282 = arith.addi %parallel_loop3A_281, %broadcast_in_dim3A_79 : vector<16xi32>
        %parallel_loop3A_283 = arith.shrui %parallel_loop3A_280, %broadcast_in_dim3A_83 : vector<16xi32>
        %parallel_loop3A_284 = arith.andi %parallel_loop3A_282, %broadcast_in_dim3A_81 : vector<16xi32>
        %parallel_loop3A_285 = arith.ori %parallel_loop3A_283, %parallel_loop3A_284 : vector<16xi32>
        %parallel_loop3A_286 = arith.index_cast %parallel_loop3A_210 : i32 to index
        %parallel_loop3A_287 = arith.constant 48 : index
        %parallel_loop3A_288 = tpu.vector_load %arg11[%parallel_loop3A_286, %parallel_loop3A_287] {strides = array<i32>} : memref<32x512xi32, #tpu.memory_space<vmem>>, vector<1x16xi32>,
        %parallel_loop3A_289 = vector.shape_cast %parallel_loop3A_288 : vector<1x16xi32> to vector<16xi32>
        %parallel_loop3A_290 = vector.shape_cast %parallel_loop3A_285 : vector<16xi32> to vector<1x16xi32>
        tpu.vector_store %arg11[%parallel_loop3A_286, %parallel_loop3A_287], %parallel_loop3A_290 {strides = array<i32>} : memref<32x512xi32, #tpu.memory_space<vmem>>, vector<1x16xi32>,
        %parallel_loop3A_291 = arith.index_cast %parallel_loop3A_210 : i32 to index
        %parallel_loop3A_292 = arith.constant 64 : index
        %parallel_loop3A_293 = tpu.vector_load %arg9[%parallel_loop3A_291, %parallel_loop3A_292] {strides = array<i32>} : memref<32x1024xf32, #tpu.memory_space<vmem>>, vector<1x16xf32>,
        %parallel_loop3A_294 = vector.shape_cast %parallel_loop3A_293 : vector<1x16xf32> to vector<16xf32>
        %parallel_loop3A_295 = arith.index_cast %parallel_loop3A_210 : i32 to index
        %parallel_loop3A_296 = arith.constant 576 : index
        %parallel_loop3A_297 = tpu.vector_load %arg9[%parallel_loop3A_295, %parallel_loop3A_296] {strides = array<i32>} : memref<32x1024xf32, #tpu.memory_space<vmem>>, vector<1x16xf32>,
        %parallel_loop3A_298 = vector.shape_cast %parallel_loop3A_297 : vector<1x16xf32> to vector<16xf32>
        %parallel_loop3A_299 = tpu.bitcast %parallel_loop3A_294 : vector<16xf32> -> vector<16xi32>
        %parallel_loop3A_300 = arith.addi %parallel_loop3A_299, %broadcast_in_dim3A_79 : vector<16xi32>
        %parallel_loop3A_301 = tpu.bitcast %parallel_loop3A_298 : vector<16xf32> -> vector<16xi32>
        %parallel_loop3A_302 = arith.addi %parallel_loop3A_301, %broadcast_in_dim3A_79 : vector<16xi32>
        %parallel_loop3A_303 = arith.shrui %parallel_loop3A_300, %broadcast_in_dim3A_83 : vector<16xi32>
        %parallel_loop3A_304 = arith.andi %parallel_loop3A_302, %broadcast_in_dim3A_81 : vector<16xi32>
        %parallel_loop3A_305 = arith.ori %parallel_loop3A_303, %parallel_loop3A_304 : vector<16xi32>
        %parallel_loop3A_306 = arith.index_cast %parallel_loop3A_210 : i32 to index
        %parallel_loop3A_307 = arith.constant 64 : index
        %parallel_loop3A_308 = tpu.vector_load %arg11[%parallel_loop3A_306, %parallel_loop3A_307] {strides = array<i32>} : memref<32x512xi32, #tpu.memory_space<vmem>>, vector<1x16xi32>,
        %parallel_loop3A_309 = vector.shape_cast %parallel_loop3A_308 : vector<1x16xi32> to vector<16xi32>
        %parallel_loop3A_310 = vector.shape_cast %parallel_loop3A_305 : vector<16xi32> to vector<1x16xi32>
        tpu.vector_store %arg11[%parallel_loop3A_306, %parallel_loop3A_307], %parallel_loop3A_310 {strides = array<i32>} : memref<32x512xi32, #tpu.memory_space<vmem>>, vector<1x16xi32>,
        %parallel_loop3A_311 = arith.index_cast %parallel_loop3A_210 : i32 to index
        %parallel_loop3A_312 = arith.constant 80 : index
        %parallel_loop3A_313 = tpu.vector_load %arg9[%parallel_loop3A_311, %parallel_loop3A_312] {strides = array<i32>} : memref<32x1024xf32, #tpu.memory_space<vmem>>, vector<1x16xf32>,
        %parallel_loop3A_314 = vector.shape_cast %parallel_loop3A_313 : vector<1x16xf32> to vector<16xf32>
        %parallel_loop3A_315 = arith.index_cast %parallel_loop3A_210 : i32 to index
        %parallel_loop3A_316 = arith.constant 592 : index
        %parallel_loop3A_317 = tpu.vector_load %arg9[%parallel_loop3A_315, %parallel_loop3A_316] {strides = array<i32>} : memref<32x1024xf32, #tpu.memory_space<vmem>>, vector<1x16xf32>,
        %parallel_loop3A_318 = vector.shape_cast %parallel_loop3A_317 : vector<1x16xf32> to vector<16xf32>
        %parallel_loop3A_319 = tpu.bitcast %parallel_loop3A_314 : vector<16xf32> -> vector<16xi32>
        %parallel_loop3A_320 = arith.addi %parallel_loop3A_319, %broadcast_in_dim3A_79 : vector<16xi32>
        %parallel_loop3A_321 = tpu.bitcast %parallel_loop3A_318 : vector<16xf32> -> vector<16xi32>
        %parallel_loop3A_322 = arith.addi %parallel_loop3A_321, %broadcast_in_dim3A_79 : vector<16xi32>
        %parallel_loop3A_323 = arith.shrui %parallel_loop3A_320, %broadcast_in_dim3A_83 : vector<16xi32>
        %parallel_loop3A_324 = arith.andi %parallel_loop3A_322, %broadcast_in_dim3A_81 : vector<16xi32>
        %parallel_loop3A_325 = arith.ori %parallel_loop3A_323, %parallel_loop3A_324 : vector<16xi32>
        %parallel_loop3A_326 = arith.index_cast %parallel_loop3A_210 : i32 to index
        %parallel_loop3A_327 = arith.constant 80 : index
        %parallel_loop3A_328 = tpu.vector_load %arg11[%parallel_loop3A_326, %parallel_loop3A_327] {strides = array<i32>} : memref<32x512xi32, #tpu.memory_space<vmem>>, vector<1x16xi32>,
        %parallel_loop3A_329 = vector.shape_cast %parallel_loop3A_328 : vector<1x16xi32> to vector<16xi32>
        %parallel_loop3A_330 = vector.shape_cast %parallel_loop3A_325 : vector<16xi32> to vector<1x16xi32>
        tpu.vector_store %arg11[%parallel_loop3A_326, %parallel_loop3A_327], %parallel_loop3A_330 {strides = array<i32>} : memref<32x512xi32, #tpu.memory_space<vmem>>, vector<1x16xi32>,
        %parallel_loop3A_331 = arith.index_cast %parallel_loop3A_210 : i32 to index
        %parallel_loop3A_332 = arith.constant 96 : index
        %parallel_loop3A_333 = tpu.vector_load %arg9[%parallel_loop3A_331, %parallel_loop3A_332] {strides = array<i32>} : memref<32x1024xf32, #tpu.memory_space<vmem>>, vector<1x16xf32>,
        %parallel_loop3A_334 = vector.shape_cast %parallel_loop3A_333 : vector<1x16xf32> to vector<16xf32>
        %parallel_loop3A_335 = arith.index_cast %parallel_loop3A_210 : i32 to index
        %parallel_loop3A_336 = arith.constant 608 : index
        %parallel_loop3A_337 = tpu.vector_load %arg9[%parallel_loop3A_335, %parallel_loop3A_336] {strides = array<i32>} : memref<32x1024xf32, #tpu.memory_space<vmem>>, vector<1x16xf32>,
        %parallel_loop3A_338 = vector.shape_cast %parallel_loop3A_337 : vector<1x16xf32> to vector<16xf32>
        %parallel_loop3A_339 = tpu.bitcast %parallel_loop3A_334 : vector<16xf32> -> vector<16xi32>
        %parallel_loop3A_340 = arith.addi %parallel_loop3A_339, %broadcast_in_dim3A_79 : vector<16xi32>
        %parallel_loop3A_341 = tpu.bitcast %parallel_loop3A_338 : vector<16xf32> -> vector<16xi32>
        %parallel_loop3A_342 = arith.addi %parallel_loop3A_341, %broadcast_in_dim3A_79 : vector<16xi32>
        %parallel_loop3A_343 = arith.shrui %parallel_loop3A_340, %broadcast_in_dim3A_83 : vector<16xi32>
        %parallel_loop3A_344 = arith.andi %parallel_loop3A_342, %broadcast_in_dim3A_81 : vector<16xi32>
        %parallel_loop3A_345 = arith.ori %parallel_loop3A_343, %parallel_loop3A_344 : vector<16xi32>
        %parallel_loop3A_346 = arith.index_cast %parallel_loop3A_210 : i32 to index
        %parallel_loop3A_347 = arith.constant 96 : index
        %parallel_loop3A_348 = tpu.vector_load %arg11[%parallel_loop3A_346, %parallel_loop3A_347] {strides = array<i32>} : memref<32x512xi32, #tpu.memory_space<vmem>>, vector<1x16xi32>,
        %parallel_loop3A_349 = vector.shape_cast %parallel_loop3A_348 : vector<1x16xi32> to vector<16xi32>
        %parallel_loop3A_350 = vector.shape_cast %parallel_loop3A_345 : vector<16xi32> to vector<1x16xi32>
        tpu.vector_store %arg11[%parallel_loop3A_346, %parallel_loop3A_347], %parallel_loop3A_350 {strides = array<i32>} : memref<32x512xi32, #tpu.memory_space<vmem>>, vector<1x16xi32>,
        %parallel_loop3A_351 = arith.index_cast %parallel_loop3A_210 : i32 to index
        %parallel_loop3A_352 = arith.constant 112 : index
        %parallel_loop3A_353 = tpu.vector_load %arg9[%parallel_loop3A_351, %parallel_loop3A_352] {strides = array<i32>} : memref<32x1024xf32, #tpu.memory_space<vmem>>, vector<1x16xf32>,
        %parallel_loop3A_354 = vector.shape_cast %parallel_loop3A_353 : vector<1x16xf32> to vector<16xf32>
        %parallel_loop3A_355 = arith.index_cast %parallel_loop3A_210 : i32 to index
        %parallel_loop3A_356 = arith.constant 624 : index
        %parallel_loop3A_357 = tpu.vector_load %arg9[%parallel_loop3A_355, %parallel_loop3A_356] {strides = array<i32>} : memref<32x1024xf32, #tpu.memory_space<vmem>>, vector<1x16xf32>,
        %parallel_loop3A_358 = vector.shape_cast %parallel_loop3A_357 : vector<1x16xf32> to vector<16xf32>
        %parallel_loop3A_359 = tpu.bitcast %parallel_loop3A_354 : vector<16xf32> -> vector<16xi32>
        %parallel_loop3A_360 = arith.addi %parallel_loop3A_359, %broadcast_in_dim3A_79 : vector<16xi32>
        %parallel_loop3A_361 = tpu.bitcast %parallel_loop3A_358 : vector<16xf32> -> vector<16xi32>
        %parallel_loop3A_362 = arith.addi %parallel_loop3A_361, %broadcast_in_dim3A_79 : vector<16xi32>
        %parallel_loop3A_363 = arith.shrui %parallel_loop3A_360, %broadcast_in_dim3A_83 : vector<16xi32>
        %parallel_loop3A_364 = arith.andi %parallel_loop3A_362, %broadcast_in_dim3A_81 : vector<16xi32>
        %parallel_loop3A_365 = arith.ori %parallel_loop3A_363, %parallel_loop3A_364 : vector<16xi32>
        %parallel_loop3A_366 = arith.index_cast %parallel_loop3A_210 : i32 to index
        %parallel_loop3A_367 = arith.constant 112 : index
        %parallel_loop3A_368 = tpu.vector_load %arg11[%parallel_loop3A_366, %parallel_loop3A_367] {strides = array<i32>} : memref<32x512xi32, #tpu.memory_space<vmem>>, vector<1x16xi32>,
        %parallel_loop3A_369 = vector.shape_cast %parallel_loop3A_368 : vector<1x16xi32> to vector<16xi32>
        %parallel_loop3A_370 = vector.shape_cast %parallel_loop3A_365 : vector<16xi32> to vector<1x16xi32>
        tpu.vector_store %arg11[%parallel_loop3A_366, %parallel_loop3A_367], %parallel_loop3A_370 {strides = array<i32>} : memref<32x512xi32, #tpu.memory_space<vmem>>, vector<1x16xi32>,
        %parallel_loop3A_371 = arith.index_cast %parallel_loop3A_210 : i32 to index
        %parallel_loop3A_372 = arith.constant 128 : index
        %parallel_loop3A_373 = tpu.vector_load %arg9[%parallel_loop3A_371, %parallel_loop3A_372] {strides = array<i32>} : memref<32x1024xf32, #tpu.memory_space<vmem>>, vector<1x16xf32>,
        %parallel_loop3A_374 = vector.shape_cast %parallel_loop3A_373 : vector<1x16xf32> to vector<16xf32>
        %parallel_loop3A_375 = arith.index_cast %parallel_loop3A_210 : i32 to index
        %parallel_loop3A_376 = arith.constant 640 : index
        %parallel_loop3A_377 = tpu.vector_load %arg9[%parallel_loop3A_375, %parallel_loop3A_376] {strides = array<i32>} : memref<32x1024xf32, #tpu.memory_space<vmem>>, vector<1x16xf32>,
        %parallel_loop3A_378 = vector.shape_cast %parallel_loop3A_377 : vector<1x16xf32> to vector<16xf32>
        %parallel_loop3A_379 = tpu.bitcast %parallel_loop3A_374 : vector<16xf32> -> vector<16xi32>
        %parallel_loop3A_380 = arith.addi %parallel_loop3A_379, %broadcast_in_dim3A_79 : vector<16xi32>
        %parallel_loop3A_381 = tpu.bitcast %parallel_loop3A_378 : vector<16xf32> -> vector<16xi32>
        %parallel_loop3A_382 = arith.addi %parallel_loop3A_381, %broadcast_in_dim3A_79 : vector<16xi32>
        %parallel_loop3A_383 = arith.shrui %parallel_loop3A_380, %broadcast_in_dim3A_83 : vector<16xi32>
        %parallel_loop3A_384 = arith.andi %parallel_loop3A_382, %broadcast_in_dim3A_81 : vector<16xi32>
        %parallel_loop3A_385 = arith.ori %parallel_loop3A_383, %parallel_loop3A_384 : vector<16xi32>
        %parallel_loop3A_386 = arith.index_cast %parallel_loop3A_210 : i32 to index
        %parallel_loop3A_387 = arith.constant 128 : index
        %parallel_loop3A_388 = tpu.vector_load %arg11[%parallel_loop3A_386, %parallel_loop3A_387] {strides = array<i32>} : memref<32x512xi32, #tpu.memory_space<vmem>>, vector<1x16xi32>,
        %parallel_loop3A_389 = vector.shape_cast %parallel_loop3A_388 : vector<1x16xi32> to vector<16xi32>
        %parallel_loop3A_390 = vector.shape_cast %parallel_loop3A_385 : vector<16xi32> to vector<1x16xi32>
        tpu.vector_store %arg11[%parallel_loop3A_386, %parallel_loop3A_387], %parallel_loop3A_390 {strides = array<i32>} : memref<32x512xi32, #tpu.memory_space<vmem>>, vector<1x16xi32>,
        %parallel_loop3A_391 = arith.index_cast %parallel_loop3A_210 : i32 to index
        %parallel_loop3A_392 = arith.constant 144 : index
        %parallel_loop3A_393 = tpu.vector_load %arg9[%parallel_loop3A_391, %parallel_loop3A_392] {strides = array<i32>} : memref<32x1024xf32, #tpu.memory_space<vmem>>, vector<1x16xf32>,
        %parallel_loop3A_394 = vector.shape_cast %parallel_loop3A_393 : vector<1x16xf32> to vector<16xf32>
        %parallel_loop3A_395 = arith.index_cast %parallel_loop3A_210 : i32 to index
        %parallel_loop3A_396 = arith.constant 656 : index
        %parallel_loop3A_397 = tpu.vector_load %arg9[%parallel_loop3A_395, %parallel_loop3A_396] {strides = array<i32>} : memref<32x1024xf32, #tpu.memory_space<vmem>>, vector<1x16xf32>,
        %parallel_loop3A_398 = vector.shape_cast %parallel_loop3A_397 : vector<1x16xf32> to vector<16xf32>
        %parallel_loop3A_399 = tpu.bitcast %parallel_loop3A_394 : vector<16xf32> -> vector<16xi32>
        %parallel_loop3A_400 = arith.addi %parallel_loop3A_399, %broadcast_in_dim3A_79 : vector<16xi32>
        %parallel_loop3A_401 = tpu.bitcast %parallel_loop3A_398 : vector<16xf32> -> vector<16xi32>
        %parallel_loop3A_402 = arith.addi %parallel_loop3A_401, %broadcast_in_dim3A_79 : vector<16xi32>
        %parallel_loop3A_403 = arith.shrui %parallel_loop3A_400, %broadcast_in_dim3A_83 : vector<16xi32>
        %parallel_loop3A_404 = arith.andi %parallel_loop3A_402, %broadcast_in_dim3A_81 : vector<16xi32>
        %parallel_loop3A_405 = arith.ori %parallel_loop3A_403, %parallel_loop3A_404 : vector<16xi32>
        %parallel_loop3A_406 = arith.index_cast %parallel_loop3A_210 : i32 to index
        %parallel_loop3A_407 = arith.constant 144 : index
        %parallel_loop3A_408 = tpu.vector_load %arg11[%parallel_loop3A_406, %parallel_loop3A_407] {strides = array<i32>} : memref<32x512xi32, #tpu.memory_space<vmem>>, vector<1x16xi32>,
        %parallel_loop3A_409 = vector.shape_cast %parallel_loop3A_408 : vector<1x16xi32> to vector<16xi32>
        %parallel_loop3A_410 = vector.shape_cast %parallel_loop3A_405 : vector<16xi32> to vector<1x16xi32>
        tpu.vector_store %arg11[%parallel_loop3A_406, %parallel_loop3A_407], %parallel_loop3A_410 {strides = array<i32>} : memref<32x512xi32, #tpu.memory_space<vmem>>, vector<1x16xi32>,
        %parallel_loop3A_411 = arith.index_cast %parallel_loop3A_210 : i32 to index
        %parallel_loop3A_412 = arith.constant 160 : index
        %parallel_loop3A_413 = tpu.vector_load %arg9[%parallel_loop3A_411, %parallel_loop3A_412] {strides = array<i32>} : memref<32x1024xf32, #tpu.memory_space<vmem>>, vector<1x16xf32>,
        %parallel_loop3A_414 = vector.shape_cast %parallel_loop3A_413 : vector<1x16xf32> to vector<16xf32>
        %parallel_loop3A_415 = arith.index_cast %parallel_loop3A_210 : i32 to index
        %parallel_loop3A_416 = arith.constant 672 : index
        %parallel_loop3A_417 = tpu.vector_load %arg9[%parallel_loop3A_415, %parallel_loop3A_416] {strides = array<i32>} : memref<32x1024xf32, #tpu.memory_space<vmem>>, vector<1x16xf32>,
        %parallel_loop3A_418 = vector.shape_cast %parallel_loop3A_417 : vector<1x16xf32> to vector<16xf32>
        %parallel_loop3A_419 = tpu.bitcast %parallel_loop3A_414 : vector<16xf32> -> vector<16xi32>
        %parallel_loop3A_420 = arith.addi %parallel_loop3A_419, %broadcast_in_dim3A_79 : vector<16xi32>
        %parallel_loop3A_421 = tpu.bitcast %parallel_loop3A_418 : vector<16xf32> -> vector<16xi32>
        %parallel_loop3A_422 = arith.addi %parallel_loop3A_421, %broadcast_in_dim3A_79 : vector<16xi32>
        %parallel_loop3A_423 = arith.shrui %parallel_loop3A_420, %broadcast_in_dim3A_83 : vector<16xi32>
        %parallel_loop3A_424 = arith.andi %parallel_loop3A_422, %broadcast_in_dim3A_81 : vector<16xi32>
        %parallel_loop3A_425 = arith.ori %parallel_loop3A_423, %parallel_loop3A_424 : vector<16xi32>
        %parallel_loop3A_426 = arith.index_cast %parallel_loop3A_210 : i32 to index
        %parallel_loop3A_427 = arith.constant 160 : index
        %parallel_loop3A_428 = tpu.vector_load %arg11[%parallel_loop3A_426, %parallel_loop3A_427] {strides = array<i32>} : memref<32x512xi32, #tpu.memory_space<vmem>>, vector<1x16xi32>,
        %parallel_loop3A_429 = vector.shape_cast %parallel_loop3A_428 : vector<1x16xi32> to vector<16xi32>
        %parallel_loop3A_430 = vector.shape_cast %parallel_loop3A_425 : vector<16xi32> to vector<1x16xi32>
        tpu.vector_store %arg11[%parallel_loop3A_426, %parallel_loop3A_427], %parallel_loop3A_430 {strides = array<i32>} : memref<32x512xi32, #tpu.memory_space<vmem>>, vector<1x16xi32>,
        %parallel_loop3A_431 = arith.index_cast %parallel_loop3A_210 : i32 to index
        %parallel_loop3A_432 = arith.constant 176 : index
        %parallel_loop3A_433 = tpu.vector_load %arg9[%parallel_loop3A_431, %parallel_loop3A_432] {strides = array<i32>} : memref<32x1024xf32, #tpu.memory_space<vmem>>, vector<1x16xf32>,
        %parallel_loop3A_434 = vector.shape_cast %parallel_loop3A_433 : vector<1x16xf32> to vector<16xf32>
        %parallel_loop3A_435 = arith.index_cast %parallel_loop3A_210 : i32 to index
        %parallel_loop3A_436 = arith.constant 688 : index
        %parallel_loop3A_437 = tpu.vector_load %arg9[%parallel_loop3A_435, %parallel_loop3A_436] {strides = array<i32>} : memref<32x1024xf32, #tpu.memory_space<vmem>>, vector<1x16xf32>,
        %parallel_loop3A_438 = vector.shape_cast %parallel_loop3A_437 : vector<1x16xf32> to vector<16xf32>
        %parallel_loop3A_439 = tpu.bitcast %parallel_loop3A_434 : vector<16xf32> -> vector<16xi32>
        %parallel_loop3A_440 = arith.addi %parallel_loop3A_439, %broadcast_in_dim3A_79 : vector<16xi32>
        %parallel_loop3A_441 = tpu.bitcast %parallel_loop3A_438 : vector<16xf32> -> vector<16xi32>
        %parallel_loop3A_442 = arith.addi %parallel_loop3A_441, %broadcast_in_dim3A_79 : vector<16xi32>
        %parallel_loop3A_443 = arith.shrui %parallel_loop3A_440, %broadcast_in_dim3A_83 : vector<16xi32>
        %parallel_loop3A_444 = arith.andi %parallel_loop3A_442, %broadcast_in_dim3A_81 : vector<16xi32>
        %parallel_loop3A_445 = arith.ori %parallel_loop3A_443, %parallel_loop3A_444 : vector<16xi32>
        %parallel_loop3A_446 = arith.index_cast %parallel_loop3A_210 : i32 to index
        %parallel_loop3A_447 = arith.constant 176 : index
        %parallel_loop3A_448 = tpu.vector_load %arg11[%parallel_loop3A_446, %parallel_loop3A_447] {strides = array<i32>} : memref<32x512xi32, #tpu.memory_space<vmem>>, vector<1x16xi32>,
        %parallel_loop3A_449 = vector.shape_cast %parallel_loop3A_448 : vector<1x16xi32> to vector<16xi32>
        %parallel_loop3A_450 = vector.shape_cast %parallel_loop3A_445 : vector<16xi32> to vector<1x16xi32>
        tpu.vector_store %arg11[%parallel_loop3A_446, %parallel_loop3A_447], %parallel_loop3A_450 {strides = array<i32>} : memref<32x512xi32, #tpu.memory_space<vmem>>, vector<1x16xi32>,
        %parallel_loop3A_451 = arith.index_cast %parallel_loop3A_210 : i32 to index
        %parallel_loop3A_452 = arith.constant 192 : index
        %parallel_loop3A_453 = tpu.vector_load %arg9[%parallel_loop3A_451, %parallel_loop3A_452] {strides = array<i32>} : memref<32x1024xf32, #tpu.memory_space<vmem>>, vector<1x16xf32>,
        %parallel_loop3A_454 = vector.shape_cast %parallel_loop3A_453 : vector<1x16xf32> to vector<16xf32>
        %parallel_loop3A_455 = arith.index_cast %parallel_loop3A_210 : i32 to index
        %parallel_loop3A_456 = arith.constant 704 : index
        %parallel_loop3A_457 = tpu.vector_load %arg9[%parallel_loop3A_455, %parallel_loop3A_456] {strides = array<i32>} : memref<32x1024xf32, #tpu.memory_space<vmem>>, vector<1x16xf32>,
        %parallel_loop3A_458 = vector.shape_cast %parallel_loop3A_457 : vector<1x16xf32> to vector<16xf32>
        %parallel_loop3A_459 = tpu.bitcast %parallel_loop3A_454 : vector<16xf32> -> vector<16xi32>
        %parallel_loop3A_460 = arith.addi %parallel_loop3A_459, %broadcast_in_dim3A_79 : vector<16xi32>
        %parallel_loop3A_461 = tpu.bitcast %parallel_loop3A_458 : vector<16xf32> -> vector<16xi32>
        %parallel_loop3A_462 = arith.addi %parallel_loop3A_461, %broadcast_in_dim3A_79 : vector<16xi32>
        %parallel_loop3A_463 = arith.shrui %parallel_loop3A_460, %broadcast_in_dim3A_83 : vector<16xi32>
        %parallel_loop3A_464 = arith.andi %parallel_loop3A_462, %broadcast_in_dim3A_81 : vector<16xi32>
        %parallel_loop3A_465 = arith.ori %parallel_loop3A_463, %parallel_loop3A_464 : vector<16xi32>
        %parallel_loop3A_466 = arith.index_cast %parallel_loop3A_210 : i32 to index
        %parallel_loop3A_467 = arith.constant 192 : index
        %parallel_loop3A_468 = tpu.vector_load %arg11[%parallel_loop3A_466, %parallel_loop3A_467] {strides = array<i32>} : memref<32x512xi32, #tpu.memory_space<vmem>>, vector<1x16xi32>,
        %parallel_loop3A_469 = vector.shape_cast %parallel_loop3A_468 : vector<1x16xi32> to vector<16xi32>
        %parallel_loop3A_470 = vector.shape_cast %parallel_loop3A_465 : vector<16xi32> to vector<1x16xi32>
        tpu.vector_store %arg11[%parallel_loop3A_466, %parallel_loop3A_467], %parallel_loop3A_470 {strides = array<i32>} : memref<32x512xi32, #tpu.memory_space<vmem>>, vector<1x16xi32>,
        %parallel_loop3A_471 = arith.index_cast %parallel_loop3A_210 : i32 to index
        %parallel_loop3A_472 = arith.constant 208 : index
        %parallel_loop3A_473 = tpu.vector_load %arg9[%parallel_loop3A_471, %parallel_loop3A_472] {strides = array<i32>} : memref<32x1024xf32, #tpu.memory_space<vmem>>, vector<1x16xf32>,
        %parallel_loop3A_474 = vector.shape_cast %parallel_loop3A_473 : vector<1x16xf32> to vector<16xf32>
        %parallel_loop3A_475 = arith.index_cast %parallel_loop3A_210 : i32 to index
        %parallel_loop3A_476 = arith.constant 720 : index
        %parallel_loop3A_477 = tpu.vector_load %arg9[%parallel_loop3A_475, %parallel_loop3A_476] {strides = array<i32>} : memref<32x1024xf32, #tpu.memory_space<vmem>>, vector<1x16xf32>,
        %parallel_loop3A_478 = vector.shape_cast %parallel_loop3A_477 : vector<1x16xf32> to vector<16xf32>
        %parallel_loop3A_479 = tpu.bitcast %parallel_loop3A_474 : vector<16xf32> -> vector<16xi32>
        %parallel_loop3A_480 = arith.addi %parallel_loop3A_479, %broadcast_in_dim3A_79 : vector<16xi32>
        %parallel_loop3A_481 = tpu.bitcast %parallel_loop3A_478 : vector<16xf32> -> vector<16xi32>
        %parallel_loop3A_482 = arith.addi %parallel_loop3A_481, %broadcast_in_dim3A_79 : vector<16xi32>
        %parallel_loop3A_483 = arith.shrui %parallel_loop3A_480, %broadcast_in_dim3A_83 : vector<16xi32>
        %parallel_loop3A_484 = arith.andi %parallel_loop3A_482, %broadcast_in_dim3A_81 : vector<16xi32>
        %parallel_loop3A_485 = arith.ori %parallel_loop3A_483, %parallel_loop3A_484 : vector<16xi32>
        %parallel_loop3A_486 = arith.index_cast %parallel_loop3A_210 : i32 to index
        %parallel_loop3A_487 = arith.constant 208 : index
        %parallel_loop3A_488 = tpu.vector_load %arg11[%parallel_loop3A_486, %parallel_loop3A_487] {strides = array<i32>} : memref<32x512xi32, #tpu.memory_space<vmem>>, vector<1x16xi32>,
        %parallel_loop3A_489 = vector.shape_cast %parallel_loop3A_488 : vector<1x16xi32> to vector<16xi32>
        %parallel_loop3A_490 = vector.shape_cast %parallel_loop3A_485 : vector<16xi32> to vector<1x16xi32>
        tpu.vector_store %arg11[%parallel_loop3A_486, %parallel_loop3A_487], %parallel_loop3A_490 {strides = array<i32>} : memref<32x512xi32, #tpu.memory_space<vmem>>, vector<1x16xi32>,
        %parallel_loop3A_491 = arith.index_cast %parallel_loop3A_210 : i32 to index
        %parallel_loop3A_492 = arith.constant 224 : index
        %parallel_loop3A_493 = tpu.vector_load %arg9[%parallel_loop3A_491, %parallel_loop3A_492] {strides = array<i32>} : memref<32x1024xf32, #tpu.memory_space<vmem>>, vector<1x16xf32>,
        %parallel_loop3A_494 = vector.shape_cast %parallel_loop3A_493 : vector<1x16xf32> to vector<16xf32>
        %parallel_loop3A_495 = arith.index_cast %parallel_loop3A_210 : i32 to index
        %parallel_loop3A_496 = arith.constant 736 : index
        %parallel_loop3A_497 = tpu.vector_load %arg9[%parallel_loop3A_495, %parallel_loop3A_496] {strides = array<i32>} : memref<32x1024xf32, #tpu.memory_space<vmem>>, vector<1x16xf32>,
        %parallel_loop3A_498 = vector.shape_cast %parallel_loop3A_497 : vector<1x16xf32> to vector<16xf32>
        %parallel_loop3A_499 = tpu.bitcast %parallel_loop3A_494 : vector<16xf32> -> vector<16xi32>
        %parallel_loop3A_500 = arith.addi %parallel_loop3A_499, %broadcast_in_dim3A_79 : vector<16xi32>
        %parallel_loop3A_501 = tpu.bitcast %parallel_loop3A_498 : vector<16xf32> -> vector<16xi32>
        %parallel_loop3A_502 = arith.addi %parallel_loop3A_501, %broadcast_in_dim3A_79 : vector<16xi32>
        %parallel_loop3A_503 = arith.shrui %parallel_loop3A_500, %broadcast_in_dim3A_83 : vector<16xi32>
        %parallel_loop3A_504 = arith.andi %parallel_loop3A_502, %broadcast_in_dim3A_81 : vector<16xi32>
        %parallel_loop3A_505 = arith.ori %parallel_loop3A_503, %parallel_loop3A_504 : vector<16xi32>
        %parallel_loop3A_506 = arith.index_cast %parallel_loop3A_210 : i32 to index
        %parallel_loop3A_507 = arith.constant 224 : index
        %parallel_loop3A_508 = tpu.vector_load %arg11[%parallel_loop3A_506, %parallel_loop3A_507] {strides = array<i32>} : memref<32x512xi32, #tpu.memory_space<vmem>>, vector<1x16xi32>,
        %parallel_loop3A_509 = vector.shape_cast %parallel_loop3A_508 : vector<1x16xi32> to vector<16xi32>
        %parallel_loop3A_510 = vector.shape_cast %parallel_loop3A_505 : vector<16xi32> to vector<1x16xi32>
        tpu.vector_store %arg11[%parallel_loop3A_506, %parallel_loop3A_507], %parallel_loop3A_510 {strides = array<i32>} : memref<32x512xi32, #tpu.memory_space<vmem>>, vector<1x16xi32>,
        %parallel_loop3A_511 = arith.index_cast %parallel_loop3A_210 : i32 to index
        %parallel_loop3A_512 = arith.constant 240 : index
        %parallel_loop3A_513 = tpu.vector_load %arg9[%parallel_loop3A_511, %parallel_loop3A_512] {strides = array<i32>} : memref<32x1024xf32, #tpu.memory_space<vmem>>, vector<1x16xf32>,
        %parallel_loop3A_514 = vector.shape_cast %parallel_loop3A_513 : vector<1x16xf32> to vector<16xf32>
        %parallel_loop3A_515 = arith.index_cast %parallel_loop3A_210 : i32 to index
        %parallel_loop3A_516 = arith.constant 752 : index
        %parallel_loop3A_517 = tpu.vector_load %arg9[%parallel_loop3A_515, %parallel_loop3A_516] {strides = array<i32>} : memref<32x1024xf32, #tpu.memory_space<vmem>>, vector<1x16xf32>,
        %parallel_loop3A_518 = vector.shape_cast %parallel_loop3A_517 : vector<1x16xf32> to vector<16xf32>
        %parallel_loop3A_519 = tpu.bitcast %parallel_loop3A_514 : vector<16xf32> -> vector<16xi32>
        %parallel_loop3A_520 = arith.addi %parallel_loop3A_519, %broadcast_in_dim3A_79 : vector<16xi32>
        %parallel_loop3A_521 = tpu.bitcast %parallel_loop3A_518 : vector<16xf32> -> vector<16xi32>
        %parallel_loop3A_522 = arith.addi %parallel_loop3A_521, %broadcast_in_dim3A_79 : vector<16xi32>
        %parallel_loop3A_523 = arith.shrui %parallel_loop3A_520, %broadcast_in_dim3A_83 : vector<16xi32>
        %parallel_loop3A_524 = arith.andi %parallel_loop3A_522, %broadcast_in_dim3A_81 : vector<16xi32>
        %parallel_loop3A_525 = arith.ori %parallel_loop3A_523, %parallel_loop3A_524 : vector<16xi32>
        %parallel_loop3A_526 = arith.index_cast %parallel_loop3A_210 : i32 to index
        %parallel_loop3A_527 = arith.constant 240 : index
        %parallel_loop3A_528 = tpu.vector_load %arg11[%parallel_loop3A_526, %parallel_loop3A_527] {strides = array<i32>} : memref<32x512xi32, #tpu.memory_space<vmem>>, vector<1x16xi32>,
        %parallel_loop3A_529 = vector.shape_cast %parallel_loop3A_528 : vector<1x16xi32> to vector<16xi32>
        %parallel_loop3A_530 = vector.shape_cast %parallel_loop3A_525 : vector<16xi32> to vector<1x16xi32>
        tpu.vector_store %arg11[%parallel_loop3A_526, %parallel_loop3A_527], %parallel_loop3A_530 {strides = array<i32>} : memref<32x512xi32, #tpu.memory_space<vmem>>, vector<1x16xi32>,
        %parallel_loop3A_531 = arith.index_cast %parallel_loop3A_210 : i32 to index
        %parallel_loop3A_532 = arith.constant 256 : index
        %parallel_loop3A_533 = tpu.vector_load %arg9[%parallel_loop3A_531, %parallel_loop3A_532] {strides = array<i32>} : memref<32x1024xf32, #tpu.memory_space<vmem>>, vector<1x16xf32>,
        %parallel_loop3A_534 = vector.shape_cast %parallel_loop3A_533 : vector<1x16xf32> to vector<16xf32>
        %parallel_loop3A_535 = arith.index_cast %parallel_loop3A_210 : i32 to index
        %parallel_loop3A_536 = arith.constant 768 : index
        %parallel_loop3A_537 = tpu.vector_load %arg9[%parallel_loop3A_535, %parallel_loop3A_536] {strides = array<i32>} : memref<32x1024xf32, #tpu.memory_space<vmem>>, vector<1x16xf32>,
        %parallel_loop3A_538 = vector.shape_cast %parallel_loop3A_537 : vector<1x16xf32> to vector<16xf32>
        %parallel_loop3A_539 = tpu.bitcast %parallel_loop3A_534 : vector<16xf32> -> vector<16xi32>
        %parallel_loop3A_540 = arith.addi %parallel_loop3A_539, %broadcast_in_dim3A_79 : vector<16xi32>
        %parallel_loop3A_541 = tpu.bitcast %parallel_loop3A_538 : vector<16xf32> -> vector<16xi32>
        %parallel_loop3A_542 = arith.addi %parallel_loop3A_541, %broadcast_in_dim3A_79 : vector<16xi32>
        %parallel_loop3A_543 = arith.shrui %parallel_loop3A_540, %broadcast_in_dim3A_83 : vector<16xi32>
        %parallel_loop3A_544 = arith.andi %parallel_loop3A_542, %broadcast_in_dim3A_81 : vector<16xi32>
        %parallel_loop3A_545 = arith.ori %parallel_loop3A_543, %parallel_loop3A_544 : vector<16xi32>
        %parallel_loop3A_546 = arith.index_cast %parallel_loop3A_210 : i32 to index
        %parallel_loop3A_547 = arith.constant 256 : index
        %parallel_loop3A_548 = tpu.vector_load %arg11[%parallel_loop3A_546, %parallel_loop3A_547] {strides = array<i32>} : memref<32x512xi32, #tpu.memory_space<vmem>>, vector<1x16xi32>,
        %parallel_loop3A_549 = vector.shape_cast %parallel_loop3A_548 : vector<1x16xi32> to vector<16xi32>
        %parallel_loop3A_550 = vector.shape_cast %parallel_loop3A_545 : vector<16xi32> to vector<1x16xi32>
        tpu.vector_store %arg11[%parallel_loop3A_546, %parallel_loop3A_547], %parallel_loop3A_550 {strides = array<i32>} : memref<32x512xi32, #tpu.memory_space<vmem>>, vector<1x16xi32>,
        %parallel_loop3A_551 = arith.index_cast %parallel_loop3A_210 : i32 to index
        %parallel_loop3A_552 = arith.constant 272 : index
        %parallel_loop3A_553 = tpu.vector_load %arg9[%parallel_loop3A_551, %parallel_loop3A_552] {strides = array<i32>} : memref<32x1024xf32, #tpu.memory_space<vmem>>, vector<1x16xf32>,
        %parallel_loop3A_554 = vector.shape_cast %parallel_loop3A_553 : vector<1x16xf32> to vector<16xf32>
        %parallel_loop3A_555 = arith.index_cast %parallel_loop3A_210 : i32 to index
        %parallel_loop3A_556 = arith.constant 784 : index
        %parallel_loop3A_557 = tpu.vector_load %arg9[%parallel_loop3A_555, %parallel_loop3A_556] {strides = array<i32>} : memref<32x1024xf32, #tpu.memory_space<vmem>>, vector<1x16xf32>,
        %parallel_loop3A_558 = vector.shape_cast %parallel_loop3A_557 : vector<1x16xf32> to vector<16xf32>
        %parallel_loop3A_559 = tpu.bitcast %parallel_loop3A_554 : vector<16xf32> -> vector<16xi32>
        %parallel_loop3A_560 = arith.addi %parallel_loop3A_559, %broadcast_in_dim3A_79 : vector<16xi32>
        %parallel_loop3A_561 = tpu.bitcast %parallel_loop3A_558 : vector<16xf32> -> vector<16xi32>
        %parallel_loop3A_562 = arith.addi %parallel_loop3A_561, %broadcast_in_dim3A_79 : vector<16xi32>
        %parallel_loop3A_563 = arith.shrui %parallel_loop3A_560, %broadcast_in_dim3A_83 : vector<16xi32>
        %parallel_loop3A_564 = arith.andi %parallel_loop3A_562, %broadcast_in_dim3A_81 : vector<16xi32>
        %parallel_loop3A_565 = arith.ori %parallel_loop3A_563, %parallel_loop3A_564 : vector<16xi32>
        %parallel_loop3A_566 = arith.index_cast %parallel_loop3A_210 : i32 to index
        %parallel_loop3A_567 = arith.constant 272 : index
        %parallel_loop3A_568 = tpu.vector_load %arg11[%parallel_loop3A_566, %parallel_loop3A_567] {strides = array<i32>} : memref<32x512xi32, #tpu.memory_space<vmem>>, vector<1x16xi32>,
        %parallel_loop3A_569 = vector.shape_cast %parallel_loop3A_568 : vector<1x16xi32> to vector<16xi32>
        %parallel_loop3A_570 = vector.shape_cast %parallel_loop3A_565 : vector<16xi32> to vector<1x16xi32>
        tpu.vector_store %arg11[%parallel_loop3A_566, %parallel_loop3A_567], %parallel_loop3A_570 {strides = array<i32>} : memref<32x512xi32, #tpu.memory_space<vmem>>, vector<1x16xi32>,
        %parallel_loop3A_571 = arith.index_cast %parallel_loop3A_210 : i32 to index
        %parallel_loop3A_572 = arith.constant 288 : index
        %parallel_loop3A_573 = tpu.vector_load %arg9[%parallel_loop3A_571, %parallel_loop3A_572] {strides = array<i32>} : memref<32x1024xf32, #tpu.memory_space<vmem>>, vector<1x16xf32>,
        %parallel_loop3A_574 = vector.shape_cast %parallel_loop3A_573 : vector<1x16xf32> to vector<16xf32>
        %parallel_loop3A_575 = arith.index_cast %parallel_loop3A_210 : i32 to index
        %parallel_loop3A_576 = arith.constant 800 : index
        %parallel_loop3A_577 = tpu.vector_load %arg9[%parallel_loop3A_575, %parallel_loop3A_576] {strides = array<i32>} : memref<32x1024xf32, #tpu.memory_space<vmem>>, vector<1x16xf32>,
        %parallel_loop3A_578 = vector.shape_cast %parallel_loop3A_577 : vector<1x16xf32> to vector<16xf32>
        %parallel_loop3A_579 = tpu.bitcast %parallel_loop3A_574 : vector<16xf32> -> vector<16xi32>
        %parallel_loop3A_580 = arith.addi %parallel_loop3A_579, %broadcast_in_dim3A_79 : vector<16xi32>
        %parallel_loop3A_581 = tpu.bitcast %parallel_loop3A_578 : vector<16xf32> -> vector<16xi32>
        %parallel_loop3A_582 = arith.addi %parallel_loop3A_581, %broadcast_in_dim3A_79 : vector<16xi32>
        %parallel_loop3A_583 = arith.shrui %parallel_loop3A_580, %broadcast_in_dim3A_83 : vector<16xi32>
        %parallel_loop3A_584 = arith.andi %parallel_loop3A_582, %broadcast_in_dim3A_81 : vector<16xi32>
        %parallel_loop3A_585 = arith.ori %parallel_loop3A_583, %parallel_loop3A_584 : vector<16xi32>
        %parallel_loop3A_586 = arith.index_cast %parallel_loop3A_210 : i32 to index
        %parallel_loop3A_587 = arith.constant 288 : index
        %parallel_loop3A_588 = tpu.vector_load %arg11[%parallel_loop3A_586, %parallel_loop3A_587] {strides = array<i32>} : memref<32x512xi32, #tpu.memory_space<vmem>>, vector<1x16xi32>,
        %parallel_loop3A_589 = vector.shape_cast %parallel_loop3A_588 : vector<1x16xi32> to vector<16xi32>
        %parallel_loop3A_590 = vector.shape_cast %parallel_loop3A_585 : vector<16xi32> to vector<1x16xi32>
        tpu.vector_store %arg11[%parallel_loop3A_586, %parallel_loop3A_587], %parallel_loop3A_590 {strides = array<i32>} : memref<32x512xi32, #tpu.memory_space<vmem>>, vector<1x16xi32>,
        %parallel_loop3A_591 = arith.index_cast %parallel_loop3A_210 : i32 to index
        %parallel_loop3A_592 = arith.constant 304 : index
        %parallel_loop3A_593 = tpu.vector_load %arg9[%parallel_loop3A_591, %parallel_loop3A_592] {strides = array<i32>} : memref<32x1024xf32, #tpu.memory_space<vmem>>, vector<1x16xf32>,
        %parallel_loop3A_594 = vector.shape_cast %parallel_loop3A_593 : vector<1x16xf32> to vector<16xf32>
        %parallel_loop3A_595 = arith.index_cast %parallel_loop3A_210 : i32 to index
        %parallel_loop3A_596 = arith.constant 816 : index
        %parallel_loop3A_597 = tpu.vector_load %arg9[%parallel_loop3A_595, %parallel_loop3A_596] {strides = array<i32>} : memref<32x1024xf32, #tpu.memory_space<vmem>>, vector<1x16xf32>,
        %parallel_loop3A_598 = vector.shape_cast %parallel_loop3A_597 : vector<1x16xf32> to vector<16xf32>
        %parallel_loop3A_599 = tpu.bitcast %parallel_loop3A_594 : vector<16xf32> -> vector<16xi32>
        %parallel_loop3A_600 = arith.addi %parallel_loop3A_599, %broadcast_in_dim3A_79 : vector<16xi32>
        %parallel_loop3A_601 = tpu.bitcast %parallel_loop3A_598 : vector<16xf32> -> vector<16xi32>
        %parallel_loop3A_602 = arith.addi %parallel_loop3A_601, %broadcast_in_dim3A_79 : vector<16xi32>
        %parallel_loop3A_603 = arith.shrui %parallel_loop3A_600, %broadcast_in_dim3A_83 : vector<16xi32>
        %parallel_loop3A_604 = arith.andi %parallel_loop3A_602, %broadcast_in_dim3A_81 : vector<16xi32>
        %parallel_loop3A_605 = arith.ori %parallel_loop3A_603, %parallel_loop3A_604 : vector<16xi32>
        %parallel_loop3A_606 = arith.index_cast %parallel_loop3A_210 : i32 to index
        %parallel_loop3A_607 = arith.constant 304 : index
        %parallel_loop3A_608 = tpu.vector_load %arg11[%parallel_loop3A_606, %parallel_loop3A_607] {strides = array<i32>} : memref<32x512xi32, #tpu.memory_space<vmem>>, vector<1x16xi32>,
        %parallel_loop3A_609 = vector.shape_cast %parallel_loop3A_608 : vector<1x16xi32> to vector<16xi32>
        %parallel_loop3A_610 = vector.shape_cast %parallel_loop3A_605 : vector<16xi32> to vector<1x16xi32>
        tpu.vector_store %arg11[%parallel_loop3A_606, %parallel_loop3A_607], %parallel_loop3A_610 {strides = array<i32>} : memref<32x512xi32, #tpu.memory_space<vmem>>, vector<1x16xi32>,
        %parallel_loop3A_611 = arith.index_cast %parallel_loop3A_210 : i32 to index
        %parallel_loop3A_612 = arith.constant 320 : index
        %parallel_loop3A_613 = tpu.vector_load %arg9[%parallel_loop3A_611, %parallel_loop3A_612] {strides = array<i32>} : memref<32x1024xf32, #tpu.memory_space<vmem>>, vector<1x16xf32>,
        %parallel_loop3A_614 = vector.shape_cast %parallel_loop3A_613 : vector<1x16xf32> to vector<16xf32>
        %parallel_loop3A_615 = arith.index_cast %parallel_loop3A_210 : i32 to index
        %parallel_loop3A_616 = arith.constant 832 : index
        %parallel_loop3A_617 = tpu.vector_load %arg9[%parallel_loop3A_615, %parallel_loop3A_616] {strides = array<i32>} : memref<32x1024xf32, #tpu.memory_space<vmem>>, vector<1x16xf32>,
        %parallel_loop3A_618 = vector.shape_cast %parallel_loop3A_617 : vector<1x16xf32> to vector<16xf32>
        %parallel_loop3A_619 = tpu.bitcast %parallel_loop3A_614 : vector<16xf32> -> vector<16xi32>
        %parallel_loop3A_620 = arith.addi %parallel_loop3A_619, %broadcast_in_dim3A_79 : vector<16xi32>
        %parallel_loop3A_621 = tpu.bitcast %parallel_loop3A_618 : vector<16xf32> -> vector<16xi32>
        %parallel_loop3A_622 = arith.addi %parallel_loop3A_621, %broadcast_in_dim3A_79 : vector<16xi32>
        %parallel_loop3A_623 = arith.shrui %parallel_loop3A_620, %broadcast_in_dim3A_83 : vector<16xi32>
        %parallel_loop3A_624 = arith.andi %parallel_loop3A_622, %broadcast_in_dim3A_81 : vector<16xi32>
        %parallel_loop3A_625 = arith.ori %parallel_loop3A_623, %parallel_loop3A_624 : vector<16xi32>
        %parallel_loop3A_626 = arith.index_cast %parallel_loop3A_210 : i32 to index
        %parallel_loop3A_627 = arith.constant 320 : index
        %parallel_loop3A_628 = tpu.vector_load %arg11[%parallel_loop3A_626, %parallel_loop3A_627] {strides = array<i32>} : memref<32x512xi32, #tpu.memory_space<vmem>>, vector<1x16xi32>,
        %parallel_loop3A_629 = vector.shape_cast %parallel_loop3A_628 : vector<1x16xi32> to vector<16xi32>
        %parallel_loop3A_630 = vector.shape_cast %parallel_loop3A_625 : vector<16xi32> to vector<1x16xi32>
        tpu.vector_store %arg11[%parallel_loop3A_626, %parallel_loop3A_627], %parallel_loop3A_630 {strides = array<i32>} : memref<32x512xi32, #tpu.memory_space<vmem>>, vector<1x16xi32>,
        %parallel_loop3A_631 = arith.index_cast %parallel_loop3A_210 : i32 to index
        %parallel_loop3A_632 = arith.constant 336 : index
        %parallel_loop3A_633 = tpu.vector_load %arg9[%parallel_loop3A_631, %parallel_loop3A_632] {strides = array<i32>} : memref<32x1024xf32, #tpu.memory_space<vmem>>, vector<1x16xf32>,
        %parallel_loop3A_634 = vector.shape_cast %parallel_loop3A_633 : vector<1x16xf32> to vector<16xf32>
        %parallel_loop3A_635 = arith.index_cast %parallel_loop3A_210 : i32 to index
        %parallel_loop3A_636 = arith.constant 848 : index
        %parallel_loop3A_637 = tpu.vector_load %arg9[%parallel_loop3A_635, %parallel_loop3A_636] {strides = array<i32>} : memref<32x1024xf32, #tpu.memory_space<vmem>>, vector<1x16xf32>,
        %parallel_loop3A_638 = vector.shape_cast %parallel_loop3A_637 : vector<1x16xf32> to vector<16xf32>
        %parallel_loop3A_639 = tpu.bitcast %parallel_loop3A_634 : vector<16xf32> -> vector<16xi32>
        %parallel_loop3A_640 = arith.addi %parallel_loop3A_639, %broadcast_in_dim3A_79 : vector<16xi32>
        %parallel_loop3A_641 = tpu.bitcast %parallel_loop3A_638 : vector<16xf32> -> vector<16xi32>
        %parallel_loop3A_642 = arith.addi %parallel_loop3A_641, %broadcast_in_dim3A_79 : vector<16xi32>
        %parallel_loop3A_643 = arith.shrui %parallel_loop3A_640, %broadcast_in_dim3A_83 : vector<16xi32>
        %parallel_loop3A_644 = arith.andi %parallel_loop3A_642, %broadcast_in_dim3A_81 : vector<16xi32>
        %parallel_loop3A_645 = arith.ori %parallel_loop3A_643, %parallel_loop3A_644 : vector<16xi32>
        %parallel_loop3A_646 = arith.index_cast %parallel_loop3A_210 : i32 to index
        %parallel_loop3A_647 = arith.constant 336 : index
        %parallel_loop3A_648 = tpu.vector_load %arg11[%parallel_loop3A_646, %parallel_loop3A_647] {strides = array<i32>} : memref<32x512xi32, #tpu.memory_space<vmem>>, vector<1x16xi32>,
        %parallel_loop3A_649 = vector.shape_cast %parallel_loop3A_648 : vector<1x16xi32> to vector<16xi32>
        %parallel_loop3A_650 = vector.shape_cast %parallel_loop3A_645 : vector<16xi32> to vector<1x16xi32>
        tpu.vector_store %arg11[%parallel_loop3A_646, %parallel_loop3A_647], %parallel_loop3A_650 {strides = array<i32>} : memref<32x512xi32, #tpu.memory_space<vmem>>, vector<1x16xi32>,
        %parallel_loop3A_651 = arith.index_cast %parallel_loop3A_210 : i32 to index
        %parallel_loop3A_652 = arith.constant 352 : index
        %parallel_loop3A_653 = tpu.vector_load %arg9[%parallel_loop3A_651, %parallel_loop3A_652] {strides = array<i32>} : memref<32x1024xf32, #tpu.memory_space<vmem>>, vector<1x16xf32>,
        %parallel_loop3A_654 = vector.shape_cast %parallel_loop3A_653 : vector<1x16xf32> to vector<16xf32>
        %parallel_loop3A_655 = arith.index_cast %parallel_loop3A_210 : i32 to index
        %parallel_loop3A_656 = arith.constant 864 : index
        %parallel_loop3A_657 = tpu.vector_load %arg9[%parallel_loop3A_655, %parallel_loop3A_656] {strides = array<i32>} : memref<32x1024xf32, #tpu.memory_space<vmem>>, vector<1x16xf32>,
        %parallel_loop3A_658 = vector.shape_cast %parallel_loop3A_657 : vector<1x16xf32> to vector<16xf32>
        %parallel_loop3A_659 = tpu.bitcast %parallel_loop3A_654 : vector<16xf32> -> vector<16xi32>
        %parallel_loop3A_660 = arith.addi %parallel_loop3A_659, %broadcast_in_dim3A_79 : vector<16xi32>
        %parallel_loop3A_661 = tpu.bitcast %parallel_loop3A_658 : vector<16xf32> -> vector<16xi32>
        %parallel_loop3A_662 = arith.addi %parallel_loop3A_661, %broadcast_in_dim3A_79 : vector<16xi32>
        %parallel_loop3A_663 = arith.shrui %parallel_loop3A_660, %broadcast_in_dim3A_83 : vector<16xi32>
        %parallel_loop3A_664 = arith.andi %parallel_loop3A_662, %broadcast_in_dim3A_81 : vector<16xi32>
        %parallel_loop3A_665 = arith.ori %parallel_loop3A_663, %parallel_loop3A_664 : vector<16xi32>
        %parallel_loop3A_666 = arith.index_cast %parallel_loop3A_210 : i32 to index
        %parallel_loop3A_667 = arith.constant 352 : index
        %parallel_loop3A_668 = tpu.vector_load %arg11[%parallel_loop3A_666, %parallel_loop3A_667] {strides = array<i32>} : memref<32x512xi32, #tpu.memory_space<vmem>>, vector<1x16xi32>,
        %parallel_loop3A_669 = vector.shape_cast %parallel_loop3A_668 : vector<1x16xi32> to vector<16xi32>
        %parallel_loop3A_670 = vector.shape_cast %parallel_loop3A_665 : vector<16xi32> to vector<1x16xi32>
        tpu.vector_store %arg11[%parallel_loop3A_666, %parallel_loop3A_667], %parallel_loop3A_670 {strides = array<i32>} : memref<32x512xi32, #tpu.memory_space<vmem>>, vector<1x16xi32>,
        %parallel_loop3A_671 = arith.index_cast %parallel_loop3A_210 : i32 to index
        %parallel_loop3A_672 = arith.constant 368 : index
        %parallel_loop3A_673 = tpu.vector_load %arg9[%parallel_loop3A_671, %parallel_loop3A_672] {strides = array<i32>} : memref<32x1024xf32, #tpu.memory_space<vmem>>, vector<1x16xf32>,
        %parallel_loop3A_674 = vector.shape_cast %parallel_loop3A_673 : vector<1x16xf32> to vector<16xf32>
        %parallel_loop3A_675 = arith.index_cast %parallel_loop3A_210 : i32 to index
        %parallel_loop3A_676 = arith.constant 880 : index
        %parallel_loop3A_677 = tpu.vector_load %arg9[%parallel_loop3A_675, %parallel_loop3A_676] {strides = array<i32>} : memref<32x1024xf32, #tpu.memory_space<vmem>>, vector<1x16xf32>,
        %parallel_loop3A_678 = vector.shape_cast %parallel_loop3A_677 : vector<1x16xf32> to vector<16xf32>
        %parallel_loop3A_679 = tpu.bitcast %parallel_loop3A_674 : vector<16xf32> -> vector<16xi32>
        %parallel_loop3A_680 = arith.addi %parallel_loop3A_679, %broadcast_in_dim3A_79 : vector<16xi32>
        %parallel_loop3A_681 = tpu.bitcast %parallel_loop3A_678 : vector<16xf32> -> vector<16xi32>
        %parallel_loop3A_682 = arith.addi %parallel_loop3A_681, %broadcast_in_dim3A_79 : vector<16xi32>
        %parallel_loop3A_683 = arith.shrui %parallel_loop3A_680, %broadcast_in_dim3A_83 : vector<16xi32>
        %parallel_loop3A_684 = arith.andi %parallel_loop3A_682, %broadcast_in_dim3A_81 : vector<16xi32>
        %parallel_loop3A_685 = arith.ori %parallel_loop3A_683, %parallel_loop3A_684 : vector<16xi32>
        %parallel_loop3A_686 = arith.index_cast %parallel_loop3A_210 : i32 to index
        %parallel_loop3A_687 = arith.constant 368 : index
        %parallel_loop3A_688 = tpu.vector_load %arg11[%parallel_loop3A_686, %parallel_loop3A_687] {strides = array<i32>} : memref<32x512xi32, #tpu.memory_space<vmem>>, vector<1x16xi32>,
        %parallel_loop3A_689 = vector.shape_cast %parallel_loop3A_688 : vector<1x16xi32> to vector<16xi32>
        %parallel_loop3A_690 = vector.shape_cast %parallel_loop3A_685 : vector<16xi32> to vector<1x16xi32>
        tpu.vector_store %arg11[%parallel_loop3A_686, %parallel_loop3A_687], %parallel_loop3A_690 {strides = array<i32>} : memref<32x512xi32, #tpu.memory_space<vmem>>, vector<1x16xi32>,
        %parallel_loop3A_691 = arith.index_cast %parallel_loop3A_210 : i32 to index
        %parallel_loop3A_692 = arith.constant 384 : index
        %parallel_loop3A_693 = tpu.vector_load %arg9[%parallel_loop3A_691, %parallel_loop3A_692] {strides = array<i32>} : memref<32x1024xf32, #tpu.memory_space<vmem>>, vector<1x16xf32>,
        %parallel_loop3A_694 = vector.shape_cast %parallel_loop3A_693 : vector<1x16xf32> to vector<16xf32>
        %parallel_loop3A_695 = arith.index_cast %parallel_loop3A_210 : i32 to index
        %parallel_loop3A_696 = arith.constant 896 : index
        %parallel_loop3A_697 = tpu.vector_load %arg9[%parallel_loop3A_695, %parallel_loop3A_696] {strides = array<i32>} : memref<32x1024xf32, #tpu.memory_space<vmem>>, vector<1x16xf32>,
        %parallel_loop3A_698 = vector.shape_cast %parallel_loop3A_697 : vector<1x16xf32> to vector<16xf32>
        %parallel_loop3A_699 = tpu.bitcast %parallel_loop3A_694 : vector<16xf32> -> vector<16xi32>
        %parallel_loop3A_700 = arith.addi %parallel_loop3A_699, %broadcast_in_dim3A_79 : vector<16xi32>
        %parallel_loop3A_701 = tpu.bitcast %parallel_loop3A_698 : vector<16xf32> -> vector<16xi32>
        %parallel_loop3A_702 = arith.addi %parallel_loop3A_701, %broadcast_in_dim3A_79 : vector<16xi32>
        %parallel_loop3A_703 = arith.shrui %parallel_loop3A_700, %broadcast_in_dim3A_83 : vector<16xi32>
        %parallel_loop3A_704 = arith.andi %parallel_loop3A_702, %broadcast_in_dim3A_81 : vector<16xi32>
        %parallel_loop3A_705 = arith.ori %parallel_loop3A_703, %parallel_loop3A_704 : vector<16xi32>
        %parallel_loop3A_706 = arith.index_cast %parallel_loop3A_210 : i32 to index
        %parallel_loop3A_707 = arith.constant 384 : index
        %parallel_loop3A_708 = tpu.vector_load %arg11[%parallel_loop3A_706, %parallel_loop3A_707] {strides = array<i32>} : memref<32x512xi32, #tpu.memory_space<vmem>>, vector<1x16xi32>,
        %parallel_loop3A_709 = vector.shape_cast %parallel_loop3A_708 : vector<1x16xi32> to vector<16xi32>
        %parallel_loop3A_710 = vector.shape_cast %parallel_loop3A_705 : vector<16xi32> to vector<1x16xi32>
        tpu.vector_store %arg11[%parallel_loop3A_706, %parallel_loop3A_707], %parallel_loop3A_710 {strides = array<i32>} : memref<32x512xi32, #tpu.memory_space<vmem>>, vector<1x16xi32>,
        %parallel_loop3A_711 = arith.index_cast %parallel_loop3A_210 : i32 to index
        %parallel_loop3A_712 = arith.constant 400 : index
        %parallel_loop3A_713 = tpu.vector_load %arg9[%parallel_loop3A_711, %parallel_loop3A_712] {strides = array<i32>} : memref<32x1024xf32, #tpu.memory_space<vmem>>, vector<1x16xf32>,
        %parallel_loop3A_714 = vector.shape_cast %parallel_loop3A_713 : vector<1x16xf32> to vector<16xf32>
        %parallel_loop3A_715 = arith.index_cast %parallel_loop3A_210 : i32 to index
        %parallel_loop3A_716 = arith.constant 912 : index
        %parallel_loop3A_717 = tpu.vector_load %arg9[%parallel_loop3A_715, %parallel_loop3A_716] {strides = array<i32>} : memref<32x1024xf32, #tpu.memory_space<vmem>>, vector<1x16xf32>,
        %parallel_loop3A_718 = vector.shape_cast %parallel_loop3A_717 : vector<1x16xf32> to vector<16xf32>
        %parallel_loop3A_719 = tpu.bitcast %parallel_loop3A_714 : vector<16xf32> -> vector<16xi32>
        %parallel_loop3A_720 = arith.addi %parallel_loop3A_719, %broadcast_in_dim3A_79 : vector<16xi32>
        %parallel_loop3A_721 = tpu.bitcast %parallel_loop3A_718 : vector<16xf32> -> vector<16xi32>
        %parallel_loop3A_722 = arith.addi %parallel_loop3A_721, %broadcast_in_dim3A_79 : vector<16xi32>
        %parallel_loop3A_723 = arith.shrui %parallel_loop3A_720, %broadcast_in_dim3A_83 : vector<16xi32>
        %parallel_loop3A_724 = arith.andi %parallel_loop3A_722, %broadcast_in_dim3A_81 : vector<16xi32>
        %parallel_loop3A_725 = arith.ori %parallel_loop3A_723, %parallel_loop3A_724 : vector<16xi32>
        %parallel_loop3A_726 = arith.index_cast %parallel_loop3A_210 : i32 to index
        %parallel_loop3A_727 = arith.constant 400 : index
        %parallel_loop3A_728 = tpu.vector_load %arg11[%parallel_loop3A_726, %parallel_loop3A_727] {strides = array<i32>} : memref<32x512xi32, #tpu.memory_space<vmem>>, vector<1x16xi32>,
        %parallel_loop3A_729 = vector.shape_cast %parallel_loop3A_728 : vector<1x16xi32> to vector<16xi32>
        %parallel_loop3A_730 = vector.shape_cast %parallel_loop3A_725 : vector<16xi32> to vector<1x16xi32>
        tpu.vector_store %arg11[%parallel_loop3A_726, %parallel_loop3A_727], %parallel_loop3A_730 {strides = array<i32>} : memref<32x512xi32, #tpu.memory_space<vmem>>, vector<1x16xi32>,
        %parallel_loop3A_731 = arith.index_cast %parallel_loop3A_210 : i32 to index
        %parallel_loop3A_732 = arith.constant 416 : index
        %parallel_loop3A_733 = tpu.vector_load %arg9[%parallel_loop3A_731, %parallel_loop3A_732] {strides = array<i32>} : memref<32x1024xf32, #tpu.memory_space<vmem>>, vector<1x16xf32>,
        %parallel_loop3A_734 = vector.shape_cast %parallel_loop3A_733 : vector<1x16xf32> to vector<16xf32>
        %parallel_loop3A_735 = arith.index_cast %parallel_loop3A_210 : i32 to index
        %parallel_loop3A_736 = arith.constant 928 : index
        %parallel_loop3A_737 = tpu.vector_load %arg9[%parallel_loop3A_735, %parallel_loop3A_736] {strides = array<i32>} : memref<32x1024xf32, #tpu.memory_space<vmem>>, vector<1x16xf32>,
        %parallel_loop3A_738 = vector.shape_cast %parallel_loop3A_737 : vector<1x16xf32> to vector<16xf32>
        %parallel_loop3A_739 = tpu.bitcast %parallel_loop3A_734 : vector<16xf32> -> vector<16xi32>
        %parallel_loop3A_740 = arith.addi %parallel_loop3A_739, %broadcast_in_dim3A_79 : vector<16xi32>
        %parallel_loop3A_741 = tpu.bitcast %parallel_loop3A_738 : vector<16xf32> -> vector<16xi32>
        %parallel_loop3A_742 = arith.addi %parallel_loop3A_741, %broadcast_in_dim3A_79 : vector<16xi32>
        %parallel_loop3A_743 = arith.shrui %parallel_loop3A_740, %broadcast_in_dim3A_83 : vector<16xi32>
        %parallel_loop3A_744 = arith.andi %parallel_loop3A_742, %broadcast_in_dim3A_81 : vector<16xi32>
        %parallel_loop3A_745 = arith.ori %parallel_loop3A_743, %parallel_loop3A_744 : vector<16xi32>
        %parallel_loop3A_746 = arith.index_cast %parallel_loop3A_210 : i32 to index
        %parallel_loop3A_747 = arith.constant 416 : index
        %parallel_loop3A_748 = tpu.vector_load %arg11[%parallel_loop3A_746, %parallel_loop3A_747] {strides = array<i32>} : memref<32x512xi32, #tpu.memory_space<vmem>>, vector<1x16xi32>,
        %parallel_loop3A_749 = vector.shape_cast %parallel_loop3A_748 : vector<1x16xi32> to vector<16xi32>
        %parallel_loop3A_750 = vector.shape_cast %parallel_loop3A_745 : vector<16xi32> to vector<1x16xi32>
        tpu.vector_store %arg11[%parallel_loop3A_746, %parallel_loop3A_747], %parallel_loop3A_750 {strides = array<i32>} : memref<32x512xi32, #tpu.memory_space<vmem>>, vector<1x16xi32>,
        %parallel_loop3A_751 = arith.index_cast %parallel_loop3A_210 : i32 to index
        %parallel_loop3A_752 = arith.constant 432 : index
        %parallel_loop3A_753 = tpu.vector_load %arg9[%parallel_loop3A_751, %parallel_loop3A_752] {strides = array<i32>} : memref<32x1024xf32, #tpu.memory_space<vmem>>, vector<1x16xf32>,
        %parallel_loop3A_754 = vector.shape_cast %parallel_loop3A_753 : vector<1x16xf32> to vector<16xf32>
        %parallel_loop3A_755 = arith.index_cast %parallel_loop3A_210 : i32 to index
        %parallel_loop3A_756 = arith.constant 944 : index
        %parallel_loop3A_757 = tpu.vector_load %arg9[%parallel_loop3A_755, %parallel_loop3A_756] {strides = array<i32>} : memref<32x1024xf32, #tpu.memory_space<vmem>>, vector<1x16xf32>,
        %parallel_loop3A_758 = vector.shape_cast %parallel_loop3A_757 : vector<1x16xf32> to vector<16xf32>
        %parallel_loop3A_759 = tpu.bitcast %parallel_loop3A_754 : vector<16xf32> -> vector<16xi32>
        %parallel_loop3A_760 = arith.addi %parallel_loop3A_759, %broadcast_in_dim3A_79 : vector<16xi32>
        %parallel_loop3A_761 = tpu.bitcast %parallel_loop3A_758 : vector<16xf32> -> vector<16xi32>
        %parallel_loop3A_762 = arith.addi %parallel_loop3A_761, %broadcast_in_dim3A_79 : vector<16xi32>
        %parallel_loop3A_763 = arith.shrui %parallel_loop3A_760, %broadcast_in_dim3A_83 : vector<16xi32>
        %parallel_loop3A_764 = arith.andi %parallel_loop3A_762, %broadcast_in_dim3A_81 : vector<16xi32>
        %parallel_loop3A_765 = arith.ori %parallel_loop3A_763, %parallel_loop3A_764 : vector<16xi32>
        %parallel_loop3A_766 = arith.index_cast %parallel_loop3A_210 : i32 to index
        %parallel_loop3A_767 = arith.constant 432 : index
        %parallel_loop3A_768 = tpu.vector_load %arg11[%parallel_loop3A_766, %parallel_loop3A_767] {strides = array<i32>} : memref<32x512xi32, #tpu.memory_space<vmem>>, vector<1x16xi32>,
        %parallel_loop3A_769 = vector.shape_cast %parallel_loop3A_768 : vector<1x16xi32> to vector<16xi32>
        %parallel_loop3A_770 = vector.shape_cast %parallel_loop3A_765 : vector<16xi32> to vector<1x16xi32>
        tpu.vector_store %arg11[%parallel_loop3A_766, %parallel_loop3A_767], %parallel_loop3A_770 {strides = array<i32>} : memref<32x512xi32, #tpu.memory_space<vmem>>, vector<1x16xi32>,
        %parallel_loop3A_771 = arith.index_cast %parallel_loop3A_210 : i32 to index
        %parallel_loop3A_772 = arith.constant 448 : index
        %parallel_loop3A_773 = tpu.vector_load %arg9[%parallel_loop3A_771, %parallel_loop3A_772] {strides = array<i32>} : memref<32x1024xf32, #tpu.memory_space<vmem>>, vector<1x16xf32>,
        %parallel_loop3A_774 = vector.shape_cast %parallel_loop3A_773 : vector<1x16xf32> to vector<16xf32>
        %parallel_loop3A_775 = arith.index_cast %parallel_loop3A_210 : i32 to index
        %parallel_loop3A_776 = arith.constant 960 : index
        %parallel_loop3A_777 = tpu.vector_load %arg9[%parallel_loop3A_775, %parallel_loop3A_776] {strides = array<i32>} : memref<32x1024xf32, #tpu.memory_space<vmem>>, vector<1x16xf32>,
        %parallel_loop3A_778 = vector.shape_cast %parallel_loop3A_777 : vector<1x16xf32> to vector<16xf32>
        %parallel_loop3A_779 = tpu.bitcast %parallel_loop3A_774 : vector<16xf32> -> vector<16xi32>
        %parallel_loop3A_780 = arith.addi %parallel_loop3A_779, %broadcast_in_dim3A_79 : vector<16xi32>
        %parallel_loop3A_781 = tpu.bitcast %parallel_loop3A_778 : vector<16xf32> -> vector<16xi32>
        %parallel_loop3A_782 = arith.addi %parallel_loop3A_781, %broadcast_in_dim3A_79 : vector<16xi32>
        %parallel_loop3A_783 = arith.shrui %parallel_loop3A_780, %broadcast_in_dim3A_83 : vector<16xi32>
        %parallel_loop3A_784 = arith.andi %parallel_loop3A_782, %broadcast_in_dim3A_81 : vector<16xi32>
        %parallel_loop3A_785 = arith.ori %parallel_loop3A_783, %parallel_loop3A_784 : vector<16xi32>
        %parallel_loop3A_786 = arith.index_cast %parallel_loop3A_210 : i32 to index
        %parallel_loop3A_787 = arith.constant 448 : index
        %parallel_loop3A_788 = tpu.vector_load %arg11[%parallel_loop3A_786, %parallel_loop3A_787] {strides = array<i32>} : memref<32x512xi32, #tpu.memory_space<vmem>>, vector<1x16xi32>,
        %parallel_loop3A_789 = vector.shape_cast %parallel_loop3A_788 : vector<1x16xi32> to vector<16xi32>
        %parallel_loop3A_790 = vector.shape_cast %parallel_loop3A_785 : vector<16xi32> to vector<1x16xi32>
        tpu.vector_store %arg11[%parallel_loop3A_786, %parallel_loop3A_787], %parallel_loop3A_790 {strides = array<i32>} : memref<32x512xi32, #tpu.memory_space<vmem>>, vector<1x16xi32>,
        %parallel_loop3A_791 = arith.index_cast %parallel_loop3A_210 : i32 to index
        %parallel_loop3A_792 = arith.constant 464 : index
        %parallel_loop3A_793 = tpu.vector_load %arg9[%parallel_loop3A_791, %parallel_loop3A_792] {strides = array<i32>} : memref<32x1024xf32, #tpu.memory_space<vmem>>, vector<1x16xf32>,
        %parallel_loop3A_794 = vector.shape_cast %parallel_loop3A_793 : vector<1x16xf32> to vector<16xf32>
        %parallel_loop3A_795 = arith.index_cast %parallel_loop3A_210 : i32 to index
        %parallel_loop3A_796 = arith.constant 976 : index
        %parallel_loop3A_797 = tpu.vector_load %arg9[%parallel_loop3A_795, %parallel_loop3A_796] {strides = array<i32>} : memref<32x1024xf32, #tpu.memory_space<vmem>>, vector<1x16xf32>,
        %parallel_loop3A_798 = vector.shape_cast %parallel_loop3A_797 : vector<1x16xf32> to vector<16xf32>
        %parallel_loop3A_799 = tpu.bitcast %parallel_loop3A_794 : vector<16xf32> -> vector<16xi32>
        %parallel_loop3A_800 = arith.addi %parallel_loop3A_799, %broadcast_in_dim3A_79 : vector<16xi32>
        %parallel_loop3A_801 = tpu.bitcast %parallel_loop3A_798 : vector<16xf32> -> vector<16xi32>
        %parallel_loop3A_802 = arith.addi %parallel_loop3A_801, %broadcast_in_dim3A_79 : vector<16xi32>
        %parallel_loop3A_803 = arith.shrui %parallel_loop3A_800, %broadcast_in_dim3A_83 : vector<16xi32>
        %parallel_loop3A_804 = arith.andi %parallel_loop3A_802, %broadcast_in_dim3A_81 : vector<16xi32>
        %parallel_loop3A_805 = arith.ori %parallel_loop3A_803, %parallel_loop3A_804 : vector<16xi32>
        %parallel_loop3A_806 = arith.index_cast %parallel_loop3A_210 : i32 to index
        %parallel_loop3A_807 = arith.constant 464 : index
        %parallel_loop3A_808 = tpu.vector_load %arg11[%parallel_loop3A_806, %parallel_loop3A_807] {strides = array<i32>} : memref<32x512xi32, #tpu.memory_space<vmem>>, vector<1x16xi32>,
        %parallel_loop3A_809 = vector.shape_cast %parallel_loop3A_808 : vector<1x16xi32> to vector<16xi32>
        %parallel_loop3A_810 = vector.shape_cast %parallel_loop3A_805 : vector<16xi32> to vector<1x16xi32>
        tpu.vector_store %arg11[%parallel_loop3A_806, %parallel_loop3A_807], %parallel_loop3A_810 {strides = array<i32>} : memref<32x512xi32, #tpu.memory_space<vmem>>, vector<1x16xi32>,
        %parallel_loop3A_811 = arith.index_cast %parallel_loop3A_210 : i32 to index
        %parallel_loop3A_812 = arith.constant 480 : index
        %parallel_loop3A_813 = tpu.vector_load %arg9[%parallel_loop3A_811, %parallel_loop3A_812] {strides = array<i32>} : memref<32x1024xf32, #tpu.memory_space<vmem>>, vector<1x16xf32>,
        %parallel_loop3A_814 = vector.shape_cast %parallel_loop3A_813 : vector<1x16xf32> to vector<16xf32>
        %parallel_loop3A_815 = arith.index_cast %parallel_loop3A_210 : i32 to index
        %parallel_loop3A_816 = arith.constant 992 : index
        %parallel_loop3A_817 = tpu.vector_load %arg9[%parallel_loop3A_815, %parallel_loop3A_816] {strides = array<i32>} : memref<32x1024xf32, #tpu.memory_space<vmem>>, vector<1x16xf32>,
        %parallel_loop3A_818 = vector.shape_cast %parallel_loop3A_817 : vector<1x16xf32> to vector<16xf32>
        %parallel_loop3A_819 = tpu.bitcast %parallel_loop3A_814 : vector<16xf32> -> vector<16xi32>
        %parallel_loop3A_820 = arith.addi %parallel_loop3A_819, %broadcast_in_dim3A_79 : vector<16xi32>
        %parallel_loop3A_821 = tpu.bitcast %parallel_loop3A_818 : vector<16xf32> -> vector<16xi32>
        %parallel_loop3A_822 = arith.addi %parallel_loop3A_821, %broadcast_in_dim3A_79 : vector<16xi32>
        %parallel_loop3A_823 = arith.shrui %parallel_loop3A_820, %broadcast_in_dim3A_83 : vector<16xi32>
        %parallel_loop3A_824 = arith.andi %parallel_loop3A_822, %broadcast_in_dim3A_81 : vector<16xi32>
        %parallel_loop3A_825 = arith.ori %parallel_loop3A_823, %parallel_loop3A_824 : vector<16xi32>
        %parallel_loop3A_826 = arith.index_cast %parallel_loop3A_210 : i32 to index
        %parallel_loop3A_827 = arith.constant 480 : index
        %parallel_loop3A_828 = tpu.vector_load %arg11[%parallel_loop3A_826, %parallel_loop3A_827] {strides = array<i32>} : memref<32x512xi32, #tpu.memory_space<vmem>>, vector<1x16xi32>,
        %parallel_loop3A_829 = vector.shape_cast %parallel_loop3A_828 : vector<1x16xi32> to vector<16xi32>
        %parallel_loop3A_830 = vector.shape_cast %parallel_loop3A_825 : vector<16xi32> to vector<1x16xi32>
        tpu.vector_store %arg11[%parallel_loop3A_826, %parallel_loop3A_827], %parallel_loop3A_830 {strides = array<i32>} : memref<32x512xi32, #tpu.memory_space<vmem>>, vector<1x16xi32>,
        %parallel_loop3A_831 = arith.index_cast %parallel_loop3A_210 : i32 to index
        %parallel_loop3A_832 = arith.constant 496 : index
        %parallel_loop3A_833 = tpu.vector_load %arg9[%parallel_loop3A_831, %parallel_loop3A_832] {strides = array<i32>} : memref<32x1024xf32, #tpu.memory_space<vmem>>, vector<1x16xf32>,
        %parallel_loop3A_834 = vector.shape_cast %parallel_loop3A_833 : vector<1x16xf32> to vector<16xf32>
        %parallel_loop3A_835 = arith.index_cast %parallel_loop3A_210 : i32 to index
        %parallel_loop3A_836 = arith.constant 1008 : index
        %parallel_loop3A_837 = tpu.vector_load %arg9[%parallel_loop3A_835, %parallel_loop3A_836] {strides = array<i32>} : memref<32x1024xf32, #tpu.memory_space<vmem>>, vector<1x16xf32>,
        %parallel_loop3A_838 = vector.shape_cast %parallel_loop3A_837 : vector<1x16xf32> to vector<16xf32>
        %parallel_loop3A_839 = tpu.bitcast %parallel_loop3A_834 : vector<16xf32> -> vector<16xi32>
        %parallel_loop3A_840 = arith.addi %parallel_loop3A_839, %broadcast_in_dim3A_79 : vector<16xi32>
        %parallel_loop3A_841 = tpu.bitcast %parallel_loop3A_838 : vector<16xf32> -> vector<16xi32>
        %parallel_loop3A_842 = arith.addi %parallel_loop3A_841, %broadcast_in_dim3A_79 : vector<16xi32>
        %parallel_loop3A_843 = arith.shrui %parallel_loop3A_840, %broadcast_in_dim3A_83 : vector<16xi32>
        %parallel_loop3A_844 = arith.andi %parallel_loop3A_842, %broadcast_in_dim3A_81 : vector<16xi32>
        %parallel_loop3A_845 = arith.ori %parallel_loop3A_843, %parallel_loop3A_844 : vector<16xi32>
        %parallel_loop3A_846 = arith.index_cast %parallel_loop3A_210 : i32 to index
        %parallel_loop3A_847 = arith.constant 496 : index
        %parallel_loop3A_848 = tpu.vector_load %arg11[%parallel_loop3A_846, %parallel_loop3A_847] {strides = array<i32>} : memref<32x512xi32, #tpu.memory_space<vmem>>, vector<1x16xi32>,
        %parallel_loop3A_849 = vector.shape_cast %parallel_loop3A_848 : vector<1x16xi32> to vector<16xi32>
        %parallel_loop3A_850 = vector.shape_cast %parallel_loop3A_845 : vector<16xi32> to vector<1x16xi32>
        tpu.vector_store %arg11[%parallel_loop3A_846, %parallel_loop3A_847], %parallel_loop3A_850 {strides = array<i32>} : memref<32x512xi32, #tpu.memory_space<vmem>>, vector<1x16xi32>,
      } {sc.loop_unroll_factor = 4 : i64, sc.parallel_access}
      %div3A_155 = arith.constant 8 : i32
      %div3A_156 = arith.divsi %mul3A_138, %div3A_155 : i32
      %rem3A_157 = arith.constant 8 : i32
      %rem3A_158 = arith.remsi %mul3A_138, %rem3A_157 : i32
      %mul3A_159 = arith.constant 8192 : i32
      %mul3A_160 = arith.muli %div3A_156, %mul3A_159 : i32
      %mul3A_161 = arith.constant 256 : i32
      %mul3A_162 = arith.muli %add3A, %mul3A_161 : i32
      %add3A_163 = arith.addi %mul3A_160, %mul3A_162 : i32
      %mul3A_164 = arith.constant 32 : i32
      %mul3A_165 = arith.muli %rem3A_158, %mul3A_164 : i32
      %add3A_166 = arith.addi %add3A_163, %mul3A_165 : i32
      %dma_start3A_167 = arith.constant 0 : i32
      %dma_start3A_168 = tpu.memref_slice %arg5[%add3A_166, %dma_start3A_167] : memref<65536x512xi32, #tpu.memory_space<hbm>> -> memref<32x512xi32, #tpu.memory_space<hbm>>
      %dma_start3A_169 = arith.constant 0 : i32
      %dma_start3A_170 = tpu.memref_slice %arg5[%add3A_166, %dma_start3A_169] : memref<65536x512xi32, #tpu.memory_space<hbm>> -> memref<32x512xi32, #tpu.memory_space<hbm>>
      tpu.enqueue_dma source(%arg11 : memref<32x512xi32, #tpu.memory_space<vmem>>) target(%dma_start3A_170 : memref<32x512xi32, #tpu.memory_space<hbm>>) target_semaphore(%arg15 : memref<!tpu.dma_semaphore, #tpu.memory_space<semaphore_mem>>)
      %add3A_171 = arith.constant 1 : i32
      %add3A_172 = arith.addi %mul3A_138, %add3A_171 : i32
      %add3A_173 = arith.constant 1 : i32
      %add3A_174 = arith.addi %add3A_172, %add3A_173 : i32
      %le3A_175 = arith.constant 63 : i32
      %le3A_176 = arith.cmpi sle, %add3A_174, %le3A_175 : i32
      %convert_element_type3A_177 = arith.extui %le3A_176 : i1 to i32
      %cond3A_178 = arith.constant 0 : i32
      %cond3A_179 = arith.cmpi ne, %convert_element_type3A_177, %cond3A_178 : i32
      scf.if %cond3A_179 {
        %add3A_210 = arith.constant 1 : i32
        %add3A_211 = arith.addi %add3A_172, %add3A_210 : i32
        %mul3A_212 = arith.constant 32 : i32
        %mul3A_213 = arith.muli %add3A_211, %mul3A_212 : i32
        %dma_start3A_214 = tpu.memref_slice %arg8[%mul3A_213] : memref<2048xi32, #tpu.memory_space<vmem>> -> memref<32xi32, #tpu.memory_space<vmem>>
        %dma_start3A_215 = arith.constant 0 : i32
        %dma_start3A_216 = arith.constant 0 : i32
        %dma_start3A_217 = tpu.memref_slice %arg4[%dma_start3A_215, %dma_start3A_216] : memref<131072x1024xf32, #tpu.memory_space<hbm>> -> memref<131072x1024xf32, #tpu.memory_space<hbm>>
        tpu.enqueue_indirect_dma source(%dma_start3A_217 : memref<131072x1024xf32, #tpu.memory_space<hbm>>) target(%arg9 : memref<32x1024xf32, #tpu.memory_space<vmem>>) offsets(%dma_start3A_214 : memref<32xi32, #tpu.memory_space<vmem>>) semaphore(%arg13 : memref<!tpu.dma_semaphore, #tpu.memory_space<semaphore_mem>>)
      } else {
      }
      %mul3A_180 = arith.constant 32 : i32
      %mul3A_181 = arith.muli %add3A_172, %mul3A_180 : i32
      %dma_wait3A_182 = tpu.memref_slice %arg8[%mul3A_181] : memref<2048xi32, #tpu.memory_space<vmem>> -> memref<32xi32, #tpu.memory_space<vmem>>
      %dma_wait3A_183 = arith.constant 0 : i32
      %dma_wait3A_184 = arith.constant 0 : i32
      %dma_wait3A_185 = tpu.memref_slice %arg4[%dma_wait3A_183, %dma_wait3A_184] : memref<131072x1024xf32, #tpu.memory_space<hbm>> -> memref<131072x1024xf32, #tpu.memory_space<hbm>>
      tpu.wait_indirect_dma semaphore(%arg14 : memref<!tpu.dma_semaphore, #tpu.memory_space<semaphore_mem>>) src(%dma_wait3A_185 : memref<131072x1024xf32, #tpu.memory_space<hbm>>) dst(%arg10 : memref<32x1024xf32, #tpu.memory_space<vmem>>)
      %ge3A_186 = arith.constant 2 : i32
      %ge3A_187 = arith.cmpi sge, %add3A_172, %ge3A_186 : i32
      %convert_element_type3A_188 = arith.extui %ge3A_187 : i1 to i32
      %cond3A_189 = arith.constant 0 : i32
      %cond3A_190 = arith.cmpi ne, %convert_element_type3A_188, %cond3A_189 : i32
      scf.if %cond3A_190 {
        %sub3A = arith.constant 2 : i32
        %sub3A_210 = arith.subi %add3A_172, %sub3A : i32
        %div3A_211 = arith.constant 8 : i32
        %div3A_212 = arith.divsi %sub3A_210, %div3A_211 : i32
        %rem3A_213 = arith.constant 8 : i32
        %rem3A_214 = arith.remsi %sub3A_210, %rem3A_213 : i32
        %mul3A_215 = arith.constant 8192 : i32
        %mul3A_216 = arith.muli %div3A_212, %mul3A_215 : i32
        %mul3A_217 = arith.constant 256 : i32
        %mul3A_218 = arith.muli %add3A, %mul3A_217 : i32
        %add3A_219 = arith.addi %mul3A_216, %mul3A_218 : i32
        %mul3A_220 = arith.constant 32 : i32
        %mul3A_221 = arith.muli %rem3A_214, %mul3A_220 : i32
        %add3A_222 = arith.addi %add3A_219, %mul3A_221 : i32
        %dma_wait3A_223 = arith.constant 0 : i32
        %dma_wait3A_224 = tpu.memref_slice %arg5[%add3A_222, %dma_wait3A_223] : memref<65536x512xi32, #tpu.memory_space<hbm>> -> memref<32x512xi32, #tpu.memory_space<hbm>>
        %dma_wait3A_225 = arith.constant 0 : i32
        %dma_wait3A_226 = tpu.memref_slice %arg5[%add3A_222, %dma_wait3A_225] : memref<65536x512xi32, #tpu.memory_space<hbm>> -> memref<32x512xi32, #tpu.memory_space<hbm>>
        tpu.wait_dma2 semaphore(%arg16 : memref<!tpu.dma_semaphore, #tpu.memory_space<semaphore_mem>>) src(%arg12 : memref<32x512xi32, #tpu.memory_space<vmem>>) dst(%dma_wait3A_226 : memref<32x512xi32, #tpu.memory_space<hbm>>)
      } else {
      }
      %parallel_loop3A_191 = arith.constant 0 : i32
      %parallel_loop3A_192 = arith.constant 32 : i32
      %parallel_loop3A_193 = arith.constant 1 : i32
      scf.for %parallel_loop3A_210 = %parallel_loop3A_191 to %parallel_loop3A_192 step %parallel_loop3A_193  : i32 {
        %parallel_loop3A_211 = arith.index_cast %parallel_loop3A_210 : i32 to index
        %parallel_loop3A_212 = arith.constant 0 : index
        %parallel_loop3A_213 = tpu.vector_load %arg10[%parallel_loop3A_211, %parallel_loop3A_212] {strides = array<i32>} : memref<32x1024xf32, #tpu.memory_space<vmem>>, vector<1x16xf32>,
        %parallel_loop3A_214 = vector.shape_cast %parallel_loop3A_213 : vector<1x16xf32> to vector<16xf32>
        %parallel_loop3A_215 = arith.index_cast %parallel_loop3A_210 : i32 to index
        %parallel_loop3A_216 = arith.constant 512 : index
        %parallel_loop3A_217 = tpu.vector_load %arg10[%parallel_loop3A_215, %parallel_loop3A_216] {strides = array<i32>} : memref<32x1024xf32, #tpu.memory_space<vmem>>, vector<1x16xf32>,
        %parallel_loop3A_218 = vector.shape_cast %parallel_loop3A_217 : vector<1x16xf32> to vector<16xf32>
        %parallel_loop3A_219 = tpu.bitcast %parallel_loop3A_214 : vector<16xf32> -> vector<16xi32>
        %parallel_loop3A_220 = arith.addi %parallel_loop3A_219, %broadcast_in_dim3A_79 : vector<16xi32>
        %parallel_loop3A_221 = tpu.bitcast %parallel_loop3A_218 : vector<16xf32> -> vector<16xi32>
        %parallel_loop3A_222 = arith.addi %parallel_loop3A_221, %broadcast_in_dim3A_79 : vector<16xi32>
        %parallel_loop3A_223 = arith.shrui %parallel_loop3A_220, %broadcast_in_dim3A_83 : vector<16xi32>
        %parallel_loop3A_224 = arith.andi %parallel_loop3A_222, %broadcast_in_dim3A_81 : vector<16xi32>
        %parallel_loop3A_225 = arith.ori %parallel_loop3A_223, %parallel_loop3A_224 : vector<16xi32>
        %parallel_loop3A_226 = arith.index_cast %parallel_loop3A_210 : i32 to index
        %parallel_loop3A_227 = arith.constant 0 : index
        %parallel_loop3A_228 = tpu.vector_load %arg12[%parallel_loop3A_226, %parallel_loop3A_227] {strides = array<i32>} : memref<32x512xi32, #tpu.memory_space<vmem>>, vector<1x16xi32>,
        %parallel_loop3A_229 = vector.shape_cast %parallel_loop3A_228 : vector<1x16xi32> to vector<16xi32>
        %parallel_loop3A_230 = vector.shape_cast %parallel_loop3A_225 : vector<16xi32> to vector<1x16xi32>
        tpu.vector_store %arg12[%parallel_loop3A_226, %parallel_loop3A_227], %parallel_loop3A_230 {strides = array<i32>} : memref<32x512xi32, #tpu.memory_space<vmem>>, vector<1x16xi32>,
        %parallel_loop3A_231 = arith.index_cast %parallel_loop3A_210 : i32 to index
        %parallel_loop3A_232 = arith.constant 16 : index
        %parallel_loop3A_233 = tpu.vector_load %arg10[%parallel_loop3A_231, %parallel_loop3A_232] {strides = array<i32>} : memref<32x1024xf32, #tpu.memory_space<vmem>>, vector<1x16xf32>,
        %parallel_loop3A_234 = vector.shape_cast %parallel_loop3A_233 : vector<1x16xf32> to vector<16xf32>
        %parallel_loop3A_235 = arith.index_cast %parallel_loop3A_210 : i32 to index
        %parallel_loop3A_236 = arith.constant 528 : index
        %parallel_loop3A_237 = tpu.vector_load %arg10[%parallel_loop3A_235, %parallel_loop3A_236] {strides = array<i32>} : memref<32x1024xf32, #tpu.memory_space<vmem>>, vector<1x16xf32>,
        %parallel_loop3A_238 = vector.shape_cast %parallel_loop3A_237 : vector<1x16xf32> to vector<16xf32>
        %parallel_loop3A_239 = tpu.bitcast %parallel_loop3A_234 : vector<16xf32> -> vector<16xi32>
        %parallel_loop3A_240 = arith.addi %parallel_loop3A_239, %broadcast_in_dim3A_79 : vector<16xi32>
        %parallel_loop3A_241 = tpu.bitcast %parallel_loop3A_238 : vector<16xf32> -> vector<16xi32>
        %parallel_loop3A_242 = arith.addi %parallel_loop3A_241, %broadcast_in_dim3A_79 : vector<16xi32>
        %parallel_loop3A_243 = arith.shrui %parallel_loop3A_240, %broadcast_in_dim3A_83 : vector<16xi32>
        %parallel_loop3A_244 = arith.andi %parallel_loop3A_242, %broadcast_in_dim3A_81 : vector<16xi32>
        %parallel_loop3A_245 = arith.ori %parallel_loop3A_243, %parallel_loop3A_244 : vector<16xi32>
        %parallel_loop3A_246 = arith.index_cast %parallel_loop3A_210 : i32 to index
        %parallel_loop3A_247 = arith.constant 16 : index
        %parallel_loop3A_248 = tpu.vector_load %arg12[%parallel_loop3A_246, %parallel_loop3A_247] {strides = array<i32>} : memref<32x512xi32, #tpu.memory_space<vmem>>, vector<1x16xi32>,
        %parallel_loop3A_249 = vector.shape_cast %parallel_loop3A_248 : vector<1x16xi32> to vector<16xi32>
        %parallel_loop3A_250 = vector.shape_cast %parallel_loop3A_245 : vector<16xi32> to vector<1x16xi32>
        tpu.vector_store %arg12[%parallel_loop3A_246, %parallel_loop3A_247], %parallel_loop3A_250 {strides = array<i32>} : memref<32x512xi32, #tpu.memory_space<vmem>>, vector<1x16xi32>,
        %parallel_loop3A_251 = arith.index_cast %parallel_loop3A_210 : i32 to index
        %parallel_loop3A_252 = arith.constant 32 : index
        %parallel_loop3A_253 = tpu.vector_load %arg10[%parallel_loop3A_251, %parallel_loop3A_252] {strides = array<i32>} : memref<32x1024xf32, #tpu.memory_space<vmem>>, vector<1x16xf32>,
        %parallel_loop3A_254 = vector.shape_cast %parallel_loop3A_253 : vector<1x16xf32> to vector<16xf32>
        %parallel_loop3A_255 = arith.index_cast %parallel_loop3A_210 : i32 to index
        %parallel_loop3A_256 = arith.constant 544 : index
        %parallel_loop3A_257 = tpu.vector_load %arg10[%parallel_loop3A_255, %parallel_loop3A_256] {strides = array<i32>} : memref<32x1024xf32, #tpu.memory_space<vmem>>, vector<1x16xf32>,
        %parallel_loop3A_258 = vector.shape_cast %parallel_loop3A_257 : vector<1x16xf32> to vector<16xf32>
        %parallel_loop3A_259 = tpu.bitcast %parallel_loop3A_254 : vector<16xf32> -> vector<16xi32>
        %parallel_loop3A_260 = arith.addi %parallel_loop3A_259, %broadcast_in_dim3A_79 : vector<16xi32>
        %parallel_loop3A_261 = tpu.bitcast %parallel_loop3A_258 : vector<16xf32> -> vector<16xi32>
        %parallel_loop3A_262 = arith.addi %parallel_loop3A_261, %broadcast_in_dim3A_79 : vector<16xi32>
        %parallel_loop3A_263 = arith.shrui %parallel_loop3A_260, %broadcast_in_dim3A_83 : vector<16xi32>
        %parallel_loop3A_264 = arith.andi %parallel_loop3A_262, %broadcast_in_dim3A_81 : vector<16xi32>
        %parallel_loop3A_265 = arith.ori %parallel_loop3A_263, %parallel_loop3A_264 : vector<16xi32>
        %parallel_loop3A_266 = arith.index_cast %parallel_loop3A_210 : i32 to index
        %parallel_loop3A_267 = arith.constant 32 : index
        %parallel_loop3A_268 = tpu.vector_load %arg12[%parallel_loop3A_266, %parallel_loop3A_267] {strides = array<i32>} : memref<32x512xi32, #tpu.memory_space<vmem>>, vector<1x16xi32>,
        %parallel_loop3A_269 = vector.shape_cast %parallel_loop3A_268 : vector<1x16xi32> to vector<16xi32>
        %parallel_loop3A_270 = vector.shape_cast %parallel_loop3A_265 : vector<16xi32> to vector<1x16xi32>
        tpu.vector_store %arg12[%parallel_loop3A_266, %parallel_loop3A_267], %parallel_loop3A_270 {strides = array<i32>} : memref<32x512xi32, #tpu.memory_space<vmem>>, vector<1x16xi32>,
        %parallel_loop3A_271 = arith.index_cast %parallel_loop3A_210 : i32 to index
        %parallel_loop3A_272 = arith.constant 48 : index
        %parallel_loop3A_273 = tpu.vector_load %arg10[%parallel_loop3A_271, %parallel_loop3A_272] {strides = array<i32>} : memref<32x1024xf32, #tpu.memory_space<vmem>>, vector<1x16xf32>,
        %parallel_loop3A_274 = vector.shape_cast %parallel_loop3A_273 : vector<1x16xf32> to vector<16xf32>
        %parallel_loop3A_275 = arith.index_cast %parallel_loop3A_210 : i32 to index
        %parallel_loop3A_276 = arith.constant 560 : index
        %parallel_loop3A_277 = tpu.vector_load %arg10[%parallel_loop3A_275, %parallel_loop3A_276] {strides = array<i32>} : memref<32x1024xf32, #tpu.memory_space<vmem>>, vector<1x16xf32>,
        %parallel_loop3A_278 = vector.shape_cast %parallel_loop3A_277 : vector<1x16xf32> to vector<16xf32>
        %parallel_loop3A_279 = tpu.bitcast %parallel_loop3A_274 : vector<16xf32> -> vector<16xi32>
        %parallel_loop3A_280 = arith.addi %parallel_loop3A_279, %broadcast_in_dim3A_79 : vector<16xi32>
        %parallel_loop3A_281 = tpu.bitcast %parallel_loop3A_278 : vector<16xf32> -> vector<16xi32>
        %parallel_loop3A_282 = arith.addi %parallel_loop3A_281, %broadcast_in_dim3A_79 : vector<16xi32>
        %parallel_loop3A_283 = arith.shrui %parallel_loop3A_280, %broadcast_in_dim3A_83 : vector<16xi32>
        %parallel_loop3A_284 = arith.andi %parallel_loop3A_282, %broadcast_in_dim3A_81 : vector<16xi32>
        %parallel_loop3A_285 = arith.ori %parallel_loop3A_283, %parallel_loop3A_284 : vector<16xi32>
        %parallel_loop3A_286 = arith.index_cast %parallel_loop3A_210 : i32 to index
        %parallel_loop3A_287 = arith.constant 48 : index
        %parallel_loop3A_288 = tpu.vector_load %arg12[%parallel_loop3A_286, %parallel_loop3A_287] {strides = array<i32>} : memref<32x512xi32, #tpu.memory_space<vmem>>, vector<1x16xi32>,
        %parallel_loop3A_289 = vector.shape_cast %parallel_loop3A_288 : vector<1x16xi32> to vector<16xi32>
        %parallel_loop3A_290 = vector.shape_cast %parallel_loop3A_285 : vector<16xi32> to vector<1x16xi32>
        tpu.vector_store %arg12[%parallel_loop3A_286, %parallel_loop3A_287], %parallel_loop3A_290 {strides = array<i32>} : memref<32x512xi32, #tpu.memory_space<vmem>>, vector<1x16xi32>,
        %parallel_loop3A_291 = arith.index_cast %parallel_loop3A_210 : i32 to index
        %parallel_loop3A_292 = arith.constant 64 : index
        %parallel_loop3A_293 = tpu.vector_load %arg10[%parallel_loop3A_291, %parallel_loop3A_292] {strides = array<i32>} : memref<32x1024xf32, #tpu.memory_space<vmem>>, vector<1x16xf32>,
        %parallel_loop3A_294 = vector.shape_cast %parallel_loop3A_293 : vector<1x16xf32> to vector<16xf32>
        %parallel_loop3A_295 = arith.index_cast %parallel_loop3A_210 : i32 to index
        %parallel_loop3A_296 = arith.constant 576 : index
        %parallel_loop3A_297 = tpu.vector_load %arg10[%parallel_loop3A_295, %parallel_loop3A_296] {strides = array<i32>} : memref<32x1024xf32, #tpu.memory_space<vmem>>, vector<1x16xf32>,
        %parallel_loop3A_298 = vector.shape_cast %parallel_loop3A_297 : vector<1x16xf32> to vector<16xf32>
        %parallel_loop3A_299 = tpu.bitcast %parallel_loop3A_294 : vector<16xf32> -> vector<16xi32>
        %parallel_loop3A_300 = arith.addi %parallel_loop3A_299, %broadcast_in_dim3A_79 : vector<16xi32>
        %parallel_loop3A_301 = tpu.bitcast %parallel_loop3A_298 : vector<16xf32> -> vector<16xi32>
        %parallel_loop3A_302 = arith.addi %parallel_loop3A_301, %broadcast_in_dim3A_79 : vector<16xi32>
        %parallel_loop3A_303 = arith.shrui %parallel_loop3A_300, %broadcast_in_dim3A_83 : vector<16xi32>
        %parallel_loop3A_304 = arith.andi %parallel_loop3A_302, %broadcast_in_dim3A_81 : vector<16xi32>
        %parallel_loop3A_305 = arith.ori %parallel_loop3A_303, %parallel_loop3A_304 : vector<16xi32>
        %parallel_loop3A_306 = arith.index_cast %parallel_loop3A_210 : i32 to index
        %parallel_loop3A_307 = arith.constant 64 : index
        %parallel_loop3A_308 = tpu.vector_load %arg12[%parallel_loop3A_306, %parallel_loop3A_307] {strides = array<i32>} : memref<32x512xi32, #tpu.memory_space<vmem>>, vector<1x16xi32>,
        %parallel_loop3A_309 = vector.shape_cast %parallel_loop3A_308 : vector<1x16xi32> to vector<16xi32>
        %parallel_loop3A_310 = vector.shape_cast %parallel_loop3A_305 : vector<16xi32> to vector<1x16xi32>
        tpu.vector_store %arg12[%parallel_loop3A_306, %parallel_loop3A_307], %parallel_loop3A_310 {strides = array<i32>} : memref<32x512xi32, #tpu.memory_space<vmem>>, vector<1x16xi32>,
        %parallel_loop3A_311 = arith.index_cast %parallel_loop3A_210 : i32 to index
        %parallel_loop3A_312 = arith.constant 80 : index
        %parallel_loop3A_313 = tpu.vector_load %arg10[%parallel_loop3A_311, %parallel_loop3A_312] {strides = array<i32>} : memref<32x1024xf32, #tpu.memory_space<vmem>>, vector<1x16xf32>,
        %parallel_loop3A_314 = vector.shape_cast %parallel_loop3A_313 : vector<1x16xf32> to vector<16xf32>
        %parallel_loop3A_315 = arith.index_cast %parallel_loop3A_210 : i32 to index
        %parallel_loop3A_316 = arith.constant 592 : index
        %parallel_loop3A_317 = tpu.vector_load %arg10[%parallel_loop3A_315, %parallel_loop3A_316] {strides = array<i32>} : memref<32x1024xf32, #tpu.memory_space<vmem>>, vector<1x16xf32>,
        %parallel_loop3A_318 = vector.shape_cast %parallel_loop3A_317 : vector<1x16xf32> to vector<16xf32>
        %parallel_loop3A_319 = tpu.bitcast %parallel_loop3A_314 : vector<16xf32> -> vector<16xi32>
        %parallel_loop3A_320 = arith.addi %parallel_loop3A_319, %broadcast_in_dim3A_79 : vector<16xi32>
        %parallel_loop3A_321 = tpu.bitcast %parallel_loop3A_318 : vector<16xf32> -> vector<16xi32>
        %parallel_loop3A_322 = arith.addi %parallel_loop3A_321, %broadcast_in_dim3A_79 : vector<16xi32>
        %parallel_loop3A_323 = arith.shrui %parallel_loop3A_320, %broadcast_in_dim3A_83 : vector<16xi32>
        %parallel_loop3A_324 = arith.andi %parallel_loop3A_322, %broadcast_in_dim3A_81 : vector<16xi32>
        %parallel_loop3A_325 = arith.ori %parallel_loop3A_323, %parallel_loop3A_324 : vector<16xi32>
        %parallel_loop3A_326 = arith.index_cast %parallel_loop3A_210 : i32 to index
        %parallel_loop3A_327 = arith.constant 80 : index
        %parallel_loop3A_328 = tpu.vector_load %arg12[%parallel_loop3A_326, %parallel_loop3A_327] {strides = array<i32>} : memref<32x512xi32, #tpu.memory_space<vmem>>, vector<1x16xi32>,
        %parallel_loop3A_329 = vector.shape_cast %parallel_loop3A_328 : vector<1x16xi32> to vector<16xi32>
        %parallel_loop3A_330 = vector.shape_cast %parallel_loop3A_325 : vector<16xi32> to vector<1x16xi32>
        tpu.vector_store %arg12[%parallel_loop3A_326, %parallel_loop3A_327], %parallel_loop3A_330 {strides = array<i32>} : memref<32x512xi32, #tpu.memory_space<vmem>>, vector<1x16xi32>,
        %parallel_loop3A_331 = arith.index_cast %parallel_loop3A_210 : i32 to index
        %parallel_loop3A_332 = arith.constant 96 : index
        %parallel_loop3A_333 = tpu.vector_load %arg10[%parallel_loop3A_331, %parallel_loop3A_332] {strides = array<i32>} : memref<32x1024xf32, #tpu.memory_space<vmem>>, vector<1x16xf32>,
        %parallel_loop3A_334 = vector.shape_cast %parallel_loop3A_333 : vector<1x16xf32> to vector<16xf32>
        %parallel_loop3A_335 = arith.index_cast %parallel_loop3A_210 : i32 to index
        %parallel_loop3A_336 = arith.constant 608 : index
        %parallel_loop3A_337 = tpu.vector_load %arg10[%parallel_loop3A_335, %parallel_loop3A_336] {strides = array<i32>} : memref<32x1024xf32, #tpu.memory_space<vmem>>, vector<1x16xf32>,
        %parallel_loop3A_338 = vector.shape_cast %parallel_loop3A_337 : vector<1x16xf32> to vector<16xf32>
        %parallel_loop3A_339 = tpu.bitcast %parallel_loop3A_334 : vector<16xf32> -> vector<16xi32>
        %parallel_loop3A_340 = arith.addi %parallel_loop3A_339, %broadcast_in_dim3A_79 : vector<16xi32>
        %parallel_loop3A_341 = tpu.bitcast %parallel_loop3A_338 : vector<16xf32> -> vector<16xi32>
        %parallel_loop3A_342 = arith.addi %parallel_loop3A_341, %broadcast_in_dim3A_79 : vector<16xi32>
        %parallel_loop3A_343 = arith.shrui %parallel_loop3A_340, %broadcast_in_dim3A_83 : vector<16xi32>
        %parallel_loop3A_344 = arith.andi %parallel_loop3A_342, %broadcast_in_dim3A_81 : vector<16xi32>
        %parallel_loop3A_345 = arith.ori %parallel_loop3A_343, %parallel_loop3A_344 : vector<16xi32>
        %parallel_loop3A_346 = arith.index_cast %parallel_loop3A_210 : i32 to index
        %parallel_loop3A_347 = arith.constant 96 : index
        %parallel_loop3A_348 = tpu.vector_load %arg12[%parallel_loop3A_346, %parallel_loop3A_347] {strides = array<i32>} : memref<32x512xi32, #tpu.memory_space<vmem>>, vector<1x16xi32>,
        %parallel_loop3A_349 = vector.shape_cast %parallel_loop3A_348 : vector<1x16xi32> to vector<16xi32>
        %parallel_loop3A_350 = vector.shape_cast %parallel_loop3A_345 : vector<16xi32> to vector<1x16xi32>
        tpu.vector_store %arg12[%parallel_loop3A_346, %parallel_loop3A_347], %parallel_loop3A_350 {strides = array<i32>} : memref<32x512xi32, #tpu.memory_space<vmem>>, vector<1x16xi32>,
        %parallel_loop3A_351 = arith.index_cast %parallel_loop3A_210 : i32 to index
        %parallel_loop3A_352 = arith.constant 112 : index
        %parallel_loop3A_353 = tpu.vector_load %arg10[%parallel_loop3A_351, %parallel_loop3A_352] {strides = array<i32>} : memref<32x1024xf32, #tpu.memory_space<vmem>>, vector<1x16xf32>,
        %parallel_loop3A_354 = vector.shape_cast %parallel_loop3A_353 : vector<1x16xf32> to vector<16xf32>
        %parallel_loop3A_355 = arith.index_cast %parallel_loop3A_210 : i32 to index
        %parallel_loop3A_356 = arith.constant 624 : index
        %parallel_loop3A_357 = tpu.vector_load %arg10[%parallel_loop3A_355, %parallel_loop3A_356] {strides = array<i32>} : memref<32x1024xf32, #tpu.memory_space<vmem>>, vector<1x16xf32>,
        %parallel_loop3A_358 = vector.shape_cast %parallel_loop3A_357 : vector<1x16xf32> to vector<16xf32>
        %parallel_loop3A_359 = tpu.bitcast %parallel_loop3A_354 : vector<16xf32> -> vector<16xi32>
        %parallel_loop3A_360 = arith.addi %parallel_loop3A_359, %broadcast_in_dim3A_79 : vector<16xi32>
        %parallel_loop3A_361 = tpu.bitcast %parallel_loop3A_358 : vector<16xf32> -> vector<16xi32>
        %parallel_loop3A_362 = arith.addi %parallel_loop3A_361, %broadcast_in_dim3A_79 : vector<16xi32>
        %parallel_loop3A_363 = arith.shrui %parallel_loop3A_360, %broadcast_in_dim3A_83 : vector<16xi32>
        %parallel_loop3A_364 = arith.andi %parallel_loop3A_362, %broadcast_in_dim3A_81 : vector<16xi32>
        %parallel_loop3A_365 = arith.ori %parallel_loop3A_363, %parallel_loop3A_364 : vector<16xi32>
        %parallel_loop3A_366 = arith.index_cast %parallel_loop3A_210 : i32 to index
        %parallel_loop3A_367 = arith.constant 112 : index
        %parallel_loop3A_368 = tpu.vector_load %arg12[%parallel_loop3A_366, %parallel_loop3A_367] {strides = array<i32>} : memref<32x512xi32, #tpu.memory_space<vmem>>, vector<1x16xi32>,
        %parallel_loop3A_369 = vector.shape_cast %parallel_loop3A_368 : vector<1x16xi32> to vector<16xi32>
        %parallel_loop3A_370 = vector.shape_cast %parallel_loop3A_365 : vector<16xi32> to vector<1x16xi32>
        tpu.vector_store %arg12[%parallel_loop3A_366, %parallel_loop3A_367], %parallel_loop3A_370 {strides = array<i32>} : memref<32x512xi32, #tpu.memory_space<vmem>>, vector<1x16xi32>,
        %parallel_loop3A_371 = arith.index_cast %parallel_loop3A_210 : i32 to index
        %parallel_loop3A_372 = arith.constant 128 : index
        %parallel_loop3A_373 = tpu.vector_load %arg10[%parallel_loop3A_371, %parallel_loop3A_372] {strides = array<i32>} : memref<32x1024xf32, #tpu.memory_space<vmem>>, vector<1x16xf32>,
        %parallel_loop3A_374 = vector.shape_cast %parallel_loop3A_373 : vector<1x16xf32> to vector<16xf32>
        %parallel_loop3A_375 = arith.index_cast %parallel_loop3A_210 : i32 to index
        %parallel_loop3A_376 = arith.constant 640 : index
        %parallel_loop3A_377 = tpu.vector_load %arg10[%parallel_loop3A_375, %parallel_loop3A_376] {strides = array<i32>} : memref<32x1024xf32, #tpu.memory_space<vmem>>, vector<1x16xf32>,
        %parallel_loop3A_378 = vector.shape_cast %parallel_loop3A_377 : vector<1x16xf32> to vector<16xf32>
        %parallel_loop3A_379 = tpu.bitcast %parallel_loop3A_374 : vector<16xf32> -> vector<16xi32>
        %parallel_loop3A_380 = arith.addi %parallel_loop3A_379, %broadcast_in_dim3A_79 : vector<16xi32>
        %parallel_loop3A_381 = tpu.bitcast %parallel_loop3A_378 : vector<16xf32> -> vector<16xi32>
        %parallel_loop3A_382 = arith.addi %parallel_loop3A_381, %broadcast_in_dim3A_79 : vector<16xi32>
        %parallel_loop3A_383 = arith.shrui %parallel_loop3A_380, %broadcast_in_dim3A_83 : vector<16xi32>
        %parallel_loop3A_384 = arith.andi %parallel_loop3A_382, %broadcast_in_dim3A_81 : vector<16xi32>
        %parallel_loop3A_385 = arith.ori %parallel_loop3A_383, %parallel_loop3A_384 : vector<16xi32>
        %parallel_loop3A_386 = arith.index_cast %parallel_loop3A_210 : i32 to index
        %parallel_loop3A_387 = arith.constant 128 : index
        %parallel_loop3A_388 = tpu.vector_load %arg12[%parallel_loop3A_386, %parallel_loop3A_387] {strides = array<i32>} : memref<32x512xi32, #tpu.memory_space<vmem>>, vector<1x16xi32>,
        %parallel_loop3A_389 = vector.shape_cast %parallel_loop3A_388 : vector<1x16xi32> to vector<16xi32>
        %parallel_loop3A_390 = vector.shape_cast %parallel_loop3A_385 : vector<16xi32> to vector<1x16xi32>
        tpu.vector_store %arg12[%parallel_loop3A_386, %parallel_loop3A_387], %parallel_loop3A_390 {strides = array<i32>} : memref<32x512xi32, #tpu.memory_space<vmem>>, vector<1x16xi32>,
        %parallel_loop3A_391 = arith.index_cast %parallel_loop3A_210 : i32 to index
        %parallel_loop3A_392 = arith.constant 144 : index
        %parallel_loop3A_393 = tpu.vector_load %arg10[%parallel_loop3A_391, %parallel_loop3A_392] {strides = array<i32>} : memref<32x1024xf32, #tpu.memory_space<vmem>>, vector<1x16xf32>,
        %parallel_loop3A_394 = vector.shape_cast %parallel_loop3A_393 : vector<1x16xf32> to vector<16xf32>
        %parallel_loop3A_395 = arith.index_cast %parallel_loop3A_210 : i32 to index
        %parallel_loop3A_396 = arith.constant 656 : index
        %parallel_loop3A_397 = tpu.vector_load %arg10[%parallel_loop3A_395, %parallel_loop3A_396] {strides = array<i32>} : memref<32x1024xf32, #tpu.memory_space<vmem>>, vector<1x16xf32>,
        %parallel_loop3A_398 = vector.shape_cast %parallel_loop3A_397 : vector<1x16xf32> to vector<16xf32>
        %parallel_loop3A_399 = tpu.bitcast %parallel_loop3A_394 : vector<16xf32> -> vector<16xi32>
        %parallel_loop3A_400 = arith.addi %parallel_loop3A_399, %broadcast_in_dim3A_79 : vector<16xi32>
        %parallel_loop3A_401 = tpu.bitcast %parallel_loop3A_398 : vector<16xf32> -> vector<16xi32>
        %parallel_loop3A_402 = arith.addi %parallel_loop3A_401, %broadcast_in_dim3A_79 : vector<16xi32>
        %parallel_loop3A_403 = arith.shrui %parallel_loop3A_400, %broadcast_in_dim3A_83 : vector<16xi32>
        %parallel_loop3A_404 = arith.andi %parallel_loop3A_402, %broadcast_in_dim3A_81 : vector<16xi32>
        %parallel_loop3A_405 = arith.ori %parallel_loop3A_403, %parallel_loop3A_404 : vector<16xi32>
        %parallel_loop3A_406 = arith.index_cast %parallel_loop3A_210 : i32 to index
        %parallel_loop3A_407 = arith.constant 144 : index
        %parallel_loop3A_408 = tpu.vector_load %arg12[%parallel_loop3A_406, %parallel_loop3A_407] {strides = array<i32>} : memref<32x512xi32, #tpu.memory_space<vmem>>, vector<1x16xi32>,
        %parallel_loop3A_409 = vector.shape_cast %parallel_loop3A_408 : vector<1x16xi32> to vector<16xi32>
        %parallel_loop3A_410 = vector.shape_cast %parallel_loop3A_405 : vector<16xi32> to vector<1x16xi32>
        tpu.vector_store %arg12[%parallel_loop3A_406, %parallel_loop3A_407], %parallel_loop3A_410 {strides = array<i32>} : memref<32x512xi32, #tpu.memory_space<vmem>>, vector<1x16xi32>,
        %parallel_loop3A_411 = arith.index_cast %parallel_loop3A_210 : i32 to index
        %parallel_loop3A_412 = arith.constant 160 : index
        %parallel_loop3A_413 = tpu.vector_load %arg10[%parallel_loop3A_411, %parallel_loop3A_412] {strides = array<i32>} : memref<32x1024xf32, #tpu.memory_space<vmem>>, vector<1x16xf32>,
        %parallel_loop3A_414 = vector.shape_cast %parallel_loop3A_413 : vector<1x16xf32> to vector<16xf32>
        %parallel_loop3A_415 = arith.index_cast %parallel_loop3A_210 : i32 to index
        %parallel_loop3A_416 = arith.constant 672 : index
        %parallel_loop3A_417 = tpu.vector_load %arg10[%parallel_loop3A_415, %parallel_loop3A_416] {strides = array<i32>} : memref<32x1024xf32, #tpu.memory_space<vmem>>, vector<1x16xf32>,
        %parallel_loop3A_418 = vector.shape_cast %parallel_loop3A_417 : vector<1x16xf32> to vector<16xf32>
        %parallel_loop3A_419 = tpu.bitcast %parallel_loop3A_414 : vector<16xf32> -> vector<16xi32>
        %parallel_loop3A_420 = arith.addi %parallel_loop3A_419, %broadcast_in_dim3A_79 : vector<16xi32>
        %parallel_loop3A_421 = tpu.bitcast %parallel_loop3A_418 : vector<16xf32> -> vector<16xi32>
        %parallel_loop3A_422 = arith.addi %parallel_loop3A_421, %broadcast_in_dim3A_79 : vector<16xi32>
        %parallel_loop3A_423 = arith.shrui %parallel_loop3A_420, %broadcast_in_dim3A_83 : vector<16xi32>
        %parallel_loop3A_424 = arith.andi %parallel_loop3A_422, %broadcast_in_dim3A_81 : vector<16xi32>
        %parallel_loop3A_425 = arith.ori %parallel_loop3A_423, %parallel_loop3A_424 : vector<16xi32>
        %parallel_loop3A_426 = arith.index_cast %parallel_loop3A_210 : i32 to index
        %parallel_loop3A_427 = arith.constant 160 : index
        %parallel_loop3A_428 = tpu.vector_load %arg12[%parallel_loop3A_426, %parallel_loop3A_427] {strides = array<i32>} : memref<32x512xi32, #tpu.memory_space<vmem>>, vector<1x16xi32>,
        %parallel_loop3A_429 = vector.shape_cast %parallel_loop3A_428 : vector<1x16xi32> to vector<16xi32>
        %parallel_loop3A_430 = vector.shape_cast %parallel_loop3A_425 : vector<16xi32> to vector<1x16xi32>
        tpu.vector_store %arg12[%parallel_loop3A_426, %parallel_loop3A_427], %parallel_loop3A_430 {strides = array<i32>} : memref<32x512xi32, #tpu.memory_space<vmem>>, vector<1x16xi32>,
        %parallel_loop3A_431 = arith.index_cast %parallel_loop3A_210 : i32 to index
        %parallel_loop3A_432 = arith.constant 176 : index
        %parallel_loop3A_433 = tpu.vector_load %arg10[%parallel_loop3A_431, %parallel_loop3A_432] {strides = array<i32>} : memref<32x1024xf32, #tpu.memory_space<vmem>>, vector<1x16xf32>,
        %parallel_loop3A_434 = vector.shape_cast %parallel_loop3A_433 : vector<1x16xf32> to vector<16xf32>
        %parallel_loop3A_435 = arith.index_cast %parallel_loop3A_210 : i32 to index
        %parallel_loop3A_436 = arith.constant 688 : index
        %parallel_loop3A_437 = tpu.vector_load %arg10[%parallel_loop3A_435, %parallel_loop3A_436] {strides = array<i32>} : memref<32x1024xf32, #tpu.memory_space<vmem>>, vector<1x16xf32>,
        %parallel_loop3A_438 = vector.shape_cast %parallel_loop3A_437 : vector<1x16xf32> to vector<16xf32>
        %parallel_loop3A_439 = tpu.bitcast %parallel_loop3A_434 : vector<16xf32> -> vector<16xi32>
        %parallel_loop3A_440 = arith.addi %parallel_loop3A_439, %broadcast_in_dim3A_79 : vector<16xi32>
        %parallel_loop3A_441 = tpu.bitcast %parallel_loop3A_438 : vector<16xf32> -> vector<16xi32>
        %parallel_loop3A_442 = arith.addi %parallel_loop3A_441, %broadcast_in_dim3A_79 : vector<16xi32>
        %parallel_loop3A_443 = arith.shrui %parallel_loop3A_440, %broadcast_in_dim3A_83 : vector<16xi32>
        %parallel_loop3A_444 = arith.andi %parallel_loop3A_442, %broadcast_in_dim3A_81 : vector<16xi32>
        %parallel_loop3A_445 = arith.ori %parallel_loop3A_443, %parallel_loop3A_444 : vector<16xi32>
        %parallel_loop3A_446 = arith.index_cast %parallel_loop3A_210 : i32 to index
        %parallel_loop3A_447 = arith.constant 176 : index
        %parallel_loop3A_448 = tpu.vector_load %arg12[%parallel_loop3A_446, %parallel_loop3A_447] {strides = array<i32>} : memref<32x512xi32, #tpu.memory_space<vmem>>, vector<1x16xi32>,
        %parallel_loop3A_449 = vector.shape_cast %parallel_loop3A_448 : vector<1x16xi32> to vector<16xi32>
        %parallel_loop3A_450 = vector.shape_cast %parallel_loop3A_445 : vector<16xi32> to vector<1x16xi32>
        tpu.vector_store %arg12[%parallel_loop3A_446, %parallel_loop3A_447], %parallel_loop3A_450 {strides = array<i32>} : memref<32x512xi32, #tpu.memory_space<vmem>>, vector<1x16xi32>,
        %parallel_loop3A_451 = arith.index_cast %parallel_loop3A_210 : i32 to index
        %parallel_loop3A_452 = arith.constant 192 : index
        %parallel_loop3A_453 = tpu.vector_load %arg10[%parallel_loop3A_451, %parallel_loop3A_452] {strides = array<i32>} : memref<32x1024xf32, #tpu.memory_space<vmem>>, vector<1x16xf32>,
        %parallel_loop3A_454 = vector.shape_cast %parallel_loop3A_453 : vector<1x16xf32> to vector<16xf32>
        %parallel_loop3A_455 = arith.index_cast %parallel_loop3A_210 : i32 to index
        %parallel_loop3A_456 = arith.constant 704 : index
        %parallel_loop3A_457 = tpu.vector_load %arg10[%parallel_loop3A_455, %parallel_loop3A_456] {strides = array<i32>} : memref<32x1024xf32, #tpu.memory_space<vmem>>, vector<1x16xf32>,
        %parallel_loop3A_458 = vector.shape_cast %parallel_loop3A_457 : vector<1x16xf32> to vector<16xf32>
        %parallel_loop3A_459 = tpu.bitcast %parallel_loop3A_454 : vector<16xf32> -> vector<16xi32>
        %parallel_loop3A_460 = arith.addi %parallel_loop3A_459, %broadcast_in_dim3A_79 : vector<16xi32>
        %parallel_loop3A_461 = tpu.bitcast %parallel_loop3A_458 : vector<16xf32> -> vector<16xi32>
        %parallel_loop3A_462 = arith.addi %parallel_loop3A_461, %broadcast_in_dim3A_79 : vector<16xi32>
        %parallel_loop3A_463 = arith.shrui %parallel_loop3A_460, %broadcast_in_dim3A_83 : vector<16xi32>
        %parallel_loop3A_464 = arith.andi %parallel_loop3A_462, %broadcast_in_dim3A_81 : vector<16xi32>
        %parallel_loop3A_465 = arith.ori %parallel_loop3A_463, %parallel_loop3A_464 : vector<16xi32>
        %parallel_loop3A_466 = arith.index_cast %parallel_loop3A_210 : i32 to index
        %parallel_loop3A_467 = arith.constant 192 : index
        %parallel_loop3A_468 = tpu.vector_load %arg12[%parallel_loop3A_466, %parallel_loop3A_467] {strides = array<i32>} : memref<32x512xi32, #tpu.memory_space<vmem>>, vector<1x16xi32>,
        %parallel_loop3A_469 = vector.shape_cast %parallel_loop3A_468 : vector<1x16xi32> to vector<16xi32>
        %parallel_loop3A_470 = vector.shape_cast %parallel_loop3A_465 : vector<16xi32> to vector<1x16xi32>
        tpu.vector_store %arg12[%parallel_loop3A_466, %parallel_loop3A_467], %parallel_loop3A_470 {strides = array<i32>} : memref<32x512xi32, #tpu.memory_space<vmem>>, vector<1x16xi32>,
        %parallel_loop3A_471 = arith.index_cast %parallel_loop3A_210 : i32 to index
        %parallel_loop3A_472 = arith.constant 208 : index
        %parallel_loop3A_473 = tpu.vector_load %arg10[%parallel_loop3A_471, %parallel_loop3A_472] {strides = array<i32>} : memref<32x1024xf32, #tpu.memory_space<vmem>>, vector<1x16xf32>,
        %parallel_loop3A_474 = vector.shape_cast %parallel_loop3A_473 : vector<1x16xf32> to vector<16xf32>
        %parallel_loop3A_475 = arith.index_cast %parallel_loop3A_210 : i32 to index
        %parallel_loop3A_476 = arith.constant 720 : index
        %parallel_loop3A_477 = tpu.vector_load %arg10[%parallel_loop3A_475, %parallel_loop3A_476] {strides = array<i32>} : memref<32x1024xf32, #tpu.memory_space<vmem>>, vector<1x16xf32>,
        %parallel_loop3A_478 = vector.shape_cast %parallel_loop3A_477 : vector<1x16xf32> to vector<16xf32>
        %parallel_loop3A_479 = tpu.bitcast %parallel_loop3A_474 : vector<16xf32> -> vector<16xi32>
        %parallel_loop3A_480 = arith.addi %parallel_loop3A_479, %broadcast_in_dim3A_79 : vector<16xi32>
        %parallel_loop3A_481 = tpu.bitcast %parallel_loop3A_478 : vector<16xf32> -> vector<16xi32>
        %parallel_loop3A_482 = arith.addi %parallel_loop3A_481, %broadcast_in_dim3A_79 : vector<16xi32>
        %parallel_loop3A_483 = arith.shrui %parallel_loop3A_480, %broadcast_in_dim3A_83 : vector<16xi32>
        %parallel_loop3A_484 = arith.andi %parallel_loop3A_482, %broadcast_in_dim3A_81 : vector<16xi32>
        %parallel_loop3A_485 = arith.ori %parallel_loop3A_483, %parallel_loop3A_484 : vector<16xi32>
        %parallel_loop3A_486 = arith.index_cast %parallel_loop3A_210 : i32 to index
        %parallel_loop3A_487 = arith.constant 208 : index
        %parallel_loop3A_488 = tpu.vector_load %arg12[%parallel_loop3A_486, %parallel_loop3A_487] {strides = array<i32>} : memref<32x512xi32, #tpu.memory_space<vmem>>, vector<1x16xi32>,
        %parallel_loop3A_489 = vector.shape_cast %parallel_loop3A_488 : vector<1x16xi32> to vector<16xi32>
        %parallel_loop3A_490 = vector.shape_cast %parallel_loop3A_485 : vector<16xi32> to vector<1x16xi32>
        tpu.vector_store %arg12[%parallel_loop3A_486, %parallel_loop3A_487], %parallel_loop3A_490 {strides = array<i32>} : memref<32x512xi32, #tpu.memory_space<vmem>>, vector<1x16xi32>,
        %parallel_loop3A_491 = arith.index_cast %parallel_loop3A_210 : i32 to index
        %parallel_loop3A_492 = arith.constant 224 : index
        %parallel_loop3A_493 = tpu.vector_load %arg10[%parallel_loop3A_491, %parallel_loop3A_492] {strides = array<i32>} : memref<32x1024xf32, #tpu.memory_space<vmem>>, vector<1x16xf32>,
        %parallel_loop3A_494 = vector.shape_cast %parallel_loop3A_493 : vector<1x16xf32> to vector<16xf32>
        %parallel_loop3A_495 = arith.index_cast %parallel_loop3A_210 : i32 to index
        %parallel_loop3A_496 = arith.constant 736 : index
        %parallel_loop3A_497 = tpu.vector_load %arg10[%parallel_loop3A_495, %parallel_loop3A_496] {strides = array<i32>} : memref<32x1024xf32, #tpu.memory_space<vmem>>, vector<1x16xf32>,
        %parallel_loop3A_498 = vector.shape_cast %parallel_loop3A_497 : vector<1x16xf32> to vector<16xf32>
        %parallel_loop3A_499 = tpu.bitcast %parallel_loop3A_494 : vector<16xf32> -> vector<16xi32>
        %parallel_loop3A_500 = arith.addi %parallel_loop3A_499, %broadcast_in_dim3A_79 : vector<16xi32>
        %parallel_loop3A_501 = tpu.bitcast %parallel_loop3A_498 : vector<16xf32> -> vector<16xi32>
        %parallel_loop3A_502 = arith.addi %parallel_loop3A_501, %broadcast_in_dim3A_79 : vector<16xi32>
        %parallel_loop3A_503 = arith.shrui %parallel_loop3A_500, %broadcast_in_dim3A_83 : vector<16xi32>
        %parallel_loop3A_504 = arith.andi %parallel_loop3A_502, %broadcast_in_dim3A_81 : vector<16xi32>
        %parallel_loop3A_505 = arith.ori %parallel_loop3A_503, %parallel_loop3A_504 : vector<16xi32>
        %parallel_loop3A_506 = arith.index_cast %parallel_loop3A_210 : i32 to index
        %parallel_loop3A_507 = arith.constant 224 : index
        %parallel_loop3A_508 = tpu.vector_load %arg12[%parallel_loop3A_506, %parallel_loop3A_507] {strides = array<i32>} : memref<32x512xi32, #tpu.memory_space<vmem>>, vector<1x16xi32>,
        %parallel_loop3A_509 = vector.shape_cast %parallel_loop3A_508 : vector<1x16xi32> to vector<16xi32>
        %parallel_loop3A_510 = vector.shape_cast %parallel_loop3A_505 : vector<16xi32> to vector<1x16xi32>
        tpu.vector_store %arg12[%parallel_loop3A_506, %parallel_loop3A_507], %parallel_loop3A_510 {strides = array<i32>} : memref<32x512xi32, #tpu.memory_space<vmem>>, vector<1x16xi32>,
        %parallel_loop3A_511 = arith.index_cast %parallel_loop3A_210 : i32 to index
        %parallel_loop3A_512 = arith.constant 240 : index
        %parallel_loop3A_513 = tpu.vector_load %arg10[%parallel_loop3A_511, %parallel_loop3A_512] {strides = array<i32>} : memref<32x1024xf32, #tpu.memory_space<vmem>>, vector<1x16xf32>,
        %parallel_loop3A_514 = vector.shape_cast %parallel_loop3A_513 : vector<1x16xf32> to vector<16xf32>
        %parallel_loop3A_515 = arith.index_cast %parallel_loop3A_210 : i32 to index
        %parallel_loop3A_516 = arith.constant 752 : index
        %parallel_loop3A_517 = tpu.vector_load %arg10[%parallel_loop3A_515, %parallel_loop3A_516] {strides = array<i32>} : memref<32x1024xf32, #tpu.memory_space<vmem>>, vector<1x16xf32>,
        %parallel_loop3A_518 = vector.shape_cast %parallel_loop3A_517 : vector<1x16xf32> to vector<16xf32>
        %parallel_loop3A_519 = tpu.bitcast %parallel_loop3A_514 : vector<16xf32> -> vector<16xi32>
        %parallel_loop3A_520 = arith.addi %parallel_loop3A_519, %broadcast_in_dim3A_79 : vector<16xi32>
        %parallel_loop3A_521 = tpu.bitcast %parallel_loop3A_518 : vector<16xf32> -> vector<16xi32>
        %parallel_loop3A_522 = arith.addi %parallel_loop3A_521, %broadcast_in_dim3A_79 : vector<16xi32>
        %parallel_loop3A_523 = arith.shrui %parallel_loop3A_520, %broadcast_in_dim3A_83 : vector<16xi32>
        %parallel_loop3A_524 = arith.andi %parallel_loop3A_522, %broadcast_in_dim3A_81 : vector<16xi32>
        %parallel_loop3A_525 = arith.ori %parallel_loop3A_523, %parallel_loop3A_524 : vector<16xi32>
        %parallel_loop3A_526 = arith.index_cast %parallel_loop3A_210 : i32 to index
        %parallel_loop3A_527 = arith.constant 240 : index
        %parallel_loop3A_528 = tpu.vector_load %arg12[%parallel_loop3A_526, %parallel_loop3A_527] {strides = array<i32>} : memref<32x512xi32, #tpu.memory_space<vmem>>, vector<1x16xi32>,
        %parallel_loop3A_529 = vector.shape_cast %parallel_loop3A_528 : vector<1x16xi32> to vector<16xi32>
        %parallel_loop3A_530 = vector.shape_cast %parallel_loop3A_525 : vector<16xi32> to vector<1x16xi32>
        tpu.vector_store %arg12[%parallel_loop3A_526, %parallel_loop3A_527], %parallel_loop3A_530 {strides = array<i32>} : memref<32x512xi32, #tpu.memory_space<vmem>>, vector<1x16xi32>,
        %parallel_loop3A_531 = arith.index_cast %parallel_loop3A_210 : i32 to index
        %parallel_loop3A_532 = arith.constant 256 : index
        %parallel_loop3A_533 = tpu.vector_load %arg10[%parallel_loop3A_531, %parallel_loop3A_532] {strides = array<i32>} : memref<32x1024xf32, #tpu.memory_space<vmem>>, vector<1x16xf32>,
        %parallel_loop3A_534 = vector.shape_cast %parallel_loop3A_533 : vector<1x16xf32> to vector<16xf32>
        %parallel_loop3A_535 = arith.index_cast %parallel_loop3A_210 : i32 to index
        %parallel_loop3A_536 = arith.constant 768 : index
        %parallel_loop3A_537 = tpu.vector_load %arg10[%parallel_loop3A_535, %parallel_loop3A_536] {strides = array<i32>} : memref<32x1024xf32, #tpu.memory_space<vmem>>, vector<1x16xf32>,
        %parallel_loop3A_538 = vector.shape_cast %parallel_loop3A_537 : vector<1x16xf32> to vector<16xf32>
        %parallel_loop3A_539 = tpu.bitcast %parallel_loop3A_534 : vector<16xf32> -> vector<16xi32>
        %parallel_loop3A_540 = arith.addi %parallel_loop3A_539, %broadcast_in_dim3A_79 : vector<16xi32>
        %parallel_loop3A_541 = tpu.bitcast %parallel_loop3A_538 : vector<16xf32> -> vector<16xi32>
        %parallel_loop3A_542 = arith.addi %parallel_loop3A_541, %broadcast_in_dim3A_79 : vector<16xi32>
        %parallel_loop3A_543 = arith.shrui %parallel_loop3A_540, %broadcast_in_dim3A_83 : vector<16xi32>
        %parallel_loop3A_544 = arith.andi %parallel_loop3A_542, %broadcast_in_dim3A_81 : vector<16xi32>
        %parallel_loop3A_545 = arith.ori %parallel_loop3A_543, %parallel_loop3A_544 : vector<16xi32>
        %parallel_loop3A_546 = arith.index_cast %parallel_loop3A_210 : i32 to index
        %parallel_loop3A_547 = arith.constant 256 : index
        %parallel_loop3A_548 = tpu.vector_load %arg12[%parallel_loop3A_546, %parallel_loop3A_547] {strides = array<i32>} : memref<32x512xi32, #tpu.memory_space<vmem>>, vector<1x16xi32>,
        %parallel_loop3A_549 = vector.shape_cast %parallel_loop3A_548 : vector<1x16xi32> to vector<16xi32>
        %parallel_loop3A_550 = vector.shape_cast %parallel_loop3A_545 : vector<16xi32> to vector<1x16xi32>
        tpu.vector_store %arg12[%parallel_loop3A_546, %parallel_loop3A_547], %parallel_loop3A_550 {strides = array<i32>} : memref<32x512xi32, #tpu.memory_space<vmem>>, vector<1x16xi32>,
        %parallel_loop3A_551 = arith.index_cast %parallel_loop3A_210 : i32 to index
        %parallel_loop3A_552 = arith.constant 272 : index
        %parallel_loop3A_553 = tpu.vector_load %arg10[%parallel_loop3A_551, %parallel_loop3A_552] {strides = array<i32>} : memref<32x1024xf32, #tpu.memory_space<vmem>>, vector<1x16xf32>,
        %parallel_loop3A_554 = vector.shape_cast %parallel_loop3A_553 : vector<1x16xf32> to vector<16xf32>
        %parallel_loop3A_555 = arith.index_cast %parallel_loop3A_210 : i32 to index
        %parallel_loop3A_556 = arith.constant 784 : index
        %parallel_loop3A_557 = tpu.vector_load %arg10[%parallel_loop3A_555, %parallel_loop3A_556] {strides = array<i32>} : memref<32x1024xf32, #tpu.memory_space<vmem>>, vector<1x16xf32>,
        %parallel_loop3A_558 = vector.shape_cast %parallel_loop3A_557 : vector<1x16xf32> to vector<16xf32>
        %parallel_loop3A_559 = tpu.bitcast %parallel_loop3A_554 : vector<16xf32> -> vector<16xi32>
        %parallel_loop3A_560 = arith.addi %parallel_loop3A_559, %broadcast_in_dim3A_79 : vector<16xi32>
        %parallel_loop3A_561 = tpu.bitcast %parallel_loop3A_558 : vector<16xf32> -> vector<16xi32>
        %parallel_loop3A_562 = arith.addi %parallel_loop3A_561, %broadcast_in_dim3A_79 : vector<16xi32>
        %parallel_loop3A_563 = arith.shrui %parallel_loop3A_560, %broadcast_in_dim3A_83 : vector<16xi32>
        %parallel_loop3A_564 = arith.andi %parallel_loop3A_562, %broadcast_in_dim3A_81 : vector<16xi32>
        %parallel_loop3A_565 = arith.ori %parallel_loop3A_563, %parallel_loop3A_564 : vector<16xi32>
        %parallel_loop3A_566 = arith.index_cast %parallel_loop3A_210 : i32 to index
        %parallel_loop3A_567 = arith.constant 272 : index
        %parallel_loop3A_568 = tpu.vector_load %arg12[%parallel_loop3A_566, %parallel_loop3A_567] {strides = array<i32>} : memref<32x512xi32, #tpu.memory_space<vmem>>, vector<1x16xi32>,
        %parallel_loop3A_569 = vector.shape_cast %parallel_loop3A_568 : vector<1x16xi32> to vector<16xi32>
        %parallel_loop3A_570 = vector.shape_cast %parallel_loop3A_565 : vector<16xi32> to vector<1x16xi32>
        tpu.vector_store %arg12[%parallel_loop3A_566, %parallel_loop3A_567], %parallel_loop3A_570 {strides = array<i32>} : memref<32x512xi32, #tpu.memory_space<vmem>>, vector<1x16xi32>,
        %parallel_loop3A_571 = arith.index_cast %parallel_loop3A_210 : i32 to index
        %parallel_loop3A_572 = arith.constant 288 : index
        %parallel_loop3A_573 = tpu.vector_load %arg10[%parallel_loop3A_571, %parallel_loop3A_572] {strides = array<i32>} : memref<32x1024xf32, #tpu.memory_space<vmem>>, vector<1x16xf32>,
        %parallel_loop3A_574 = vector.shape_cast %parallel_loop3A_573 : vector<1x16xf32> to vector<16xf32>
        %parallel_loop3A_575 = arith.index_cast %parallel_loop3A_210 : i32 to index
        %parallel_loop3A_576 = arith.constant 800 : index
        %parallel_loop3A_577 = tpu.vector_load %arg10[%parallel_loop3A_575, %parallel_loop3A_576] {strides = array<i32>} : memref<32x1024xf32, #tpu.memory_space<vmem>>, vector<1x16xf32>,
        %parallel_loop3A_578 = vector.shape_cast %parallel_loop3A_577 : vector<1x16xf32> to vector<16xf32>
        %parallel_loop3A_579 = tpu.bitcast %parallel_loop3A_574 : vector<16xf32> -> vector<16xi32>
        %parallel_loop3A_580 = arith.addi %parallel_loop3A_579, %broadcast_in_dim3A_79 : vector<16xi32>
        %parallel_loop3A_581 = tpu.bitcast %parallel_loop3A_578 : vector<16xf32> -> vector<16xi32>
        %parallel_loop3A_582 = arith.addi %parallel_loop3A_581, %broadcast_in_dim3A_79 : vector<16xi32>
        %parallel_loop3A_583 = arith.shrui %parallel_loop3A_580, %broadcast_in_dim3A_83 : vector<16xi32>
        %parallel_loop3A_584 = arith.andi %parallel_loop3A_582, %broadcast_in_dim3A_81 : vector<16xi32>
        %parallel_loop3A_585 = arith.ori %parallel_loop3A_583, %parallel_loop3A_584 : vector<16xi32>
        %parallel_loop3A_586 = arith.index_cast %parallel_loop3A_210 : i32 to index
        %parallel_loop3A_587 = arith.constant 288 : index
        %parallel_loop3A_588 = tpu.vector_load %arg12[%parallel_loop3A_586, %parallel_loop3A_587] {strides = array<i32>} : memref<32x512xi32, #tpu.memory_space<vmem>>, vector<1x16xi32>,
        %parallel_loop3A_589 = vector.shape_cast %parallel_loop3A_588 : vector<1x16xi32> to vector<16xi32>
        %parallel_loop3A_590 = vector.shape_cast %parallel_loop3A_585 : vector<16xi32> to vector<1x16xi32>
        tpu.vector_store %arg12[%parallel_loop3A_586, %parallel_loop3A_587], %parallel_loop3A_590 {strides = array<i32>} : memref<32x512xi32, #tpu.memory_space<vmem>>, vector<1x16xi32>,
        %parallel_loop3A_591 = arith.index_cast %parallel_loop3A_210 : i32 to index
        %parallel_loop3A_592 = arith.constant 304 : index
        %parallel_loop3A_593 = tpu.vector_load %arg10[%parallel_loop3A_591, %parallel_loop3A_592] {strides = array<i32>} : memref<32x1024xf32, #tpu.memory_space<vmem>>, vector<1x16xf32>,
        %parallel_loop3A_594 = vector.shape_cast %parallel_loop3A_593 : vector<1x16xf32> to vector<16xf32>
        %parallel_loop3A_595 = arith.index_cast %parallel_loop3A_210 : i32 to index
        %parallel_loop3A_596 = arith.constant 816 : index
        %parallel_loop3A_597 = tpu.vector_load %arg10[%parallel_loop3A_595, %parallel_loop3A_596] {strides = array<i32>} : memref<32x1024xf32, #tpu.memory_space<vmem>>, vector<1x16xf32>,
        %parallel_loop3A_598 = vector.shape_cast %parallel_loop3A_597 : vector<1x16xf32> to vector<16xf32>
        %parallel_loop3A_599 = tpu.bitcast %parallel_loop3A_594 : vector<16xf32> -> vector<16xi32>
        %parallel_loop3A_600 = arith.addi %parallel_loop3A_599, %broadcast_in_dim3A_79 : vector<16xi32>
        %parallel_loop3A_601 = tpu.bitcast %parallel_loop3A_598 : vector<16xf32> -> vector<16xi32>
        %parallel_loop3A_602 = arith.addi %parallel_loop3A_601, %broadcast_in_dim3A_79 : vector<16xi32>
        %parallel_loop3A_603 = arith.shrui %parallel_loop3A_600, %broadcast_in_dim3A_83 : vector<16xi32>
        %parallel_loop3A_604 = arith.andi %parallel_loop3A_602, %broadcast_in_dim3A_81 : vector<16xi32>
        %parallel_loop3A_605 = arith.ori %parallel_loop3A_603, %parallel_loop3A_604 : vector<16xi32>
        %parallel_loop3A_606 = arith.index_cast %parallel_loop3A_210 : i32 to index
        %parallel_loop3A_607 = arith.constant 304 : index
        %parallel_loop3A_608 = tpu.vector_load %arg12[%parallel_loop3A_606, %parallel_loop3A_607] {strides = array<i32>} : memref<32x512xi32, #tpu.memory_space<vmem>>, vector<1x16xi32>,
        %parallel_loop3A_609 = vector.shape_cast %parallel_loop3A_608 : vector<1x16xi32> to vector<16xi32>
        %parallel_loop3A_610 = vector.shape_cast %parallel_loop3A_605 : vector<16xi32> to vector<1x16xi32>
        tpu.vector_store %arg12[%parallel_loop3A_606, %parallel_loop3A_607], %parallel_loop3A_610 {strides = array<i32>} : memref<32x512xi32, #tpu.memory_space<vmem>>, vector<1x16xi32>,
        %parallel_loop3A_611 = arith.index_cast %parallel_loop3A_210 : i32 to index
        %parallel_loop3A_612 = arith.constant 320 : index
        %parallel_loop3A_613 = tpu.vector_load %arg10[%parallel_loop3A_611, %parallel_loop3A_612] {strides = array<i32>} : memref<32x1024xf32, #tpu.memory_space<vmem>>, vector<1x16xf32>,
        %parallel_loop3A_614 = vector.shape_cast %parallel_loop3A_613 : vector<1x16xf32> to vector<16xf32>
        %parallel_loop3A_615 = arith.index_cast %parallel_loop3A_210 : i32 to index
        %parallel_loop3A_616 = arith.constant 832 : index
        %parallel_loop3A_617 = tpu.vector_load %arg10[%parallel_loop3A_615, %parallel_loop3A_616] {strides = array<i32>} : memref<32x1024xf32, #tpu.memory_space<vmem>>, vector<1x16xf32>,
        %parallel_loop3A_618 = vector.shape_cast %parallel_loop3A_617 : vector<1x16xf32> to vector<16xf32>
        %parallel_loop3A_619 = tpu.bitcast %parallel_loop3A_614 : vector<16xf32> -> vector<16xi32>
        %parallel_loop3A_620 = arith.addi %parallel_loop3A_619, %broadcast_in_dim3A_79 : vector<16xi32>
        %parallel_loop3A_621 = tpu.bitcast %parallel_loop3A_618 : vector<16xf32> -> vector<16xi32>
        %parallel_loop3A_622 = arith.addi %parallel_loop3A_621, %broadcast_in_dim3A_79 : vector<16xi32>
        %parallel_loop3A_623 = arith.shrui %parallel_loop3A_620, %broadcast_in_dim3A_83 : vector<16xi32>
        %parallel_loop3A_624 = arith.andi %parallel_loop3A_622, %broadcast_in_dim3A_81 : vector<16xi32>
        %parallel_loop3A_625 = arith.ori %parallel_loop3A_623, %parallel_loop3A_624 : vector<16xi32>
        %parallel_loop3A_626 = arith.index_cast %parallel_loop3A_210 : i32 to index
        %parallel_loop3A_627 = arith.constant 320 : index
        %parallel_loop3A_628 = tpu.vector_load %arg12[%parallel_loop3A_626, %parallel_loop3A_627] {strides = array<i32>} : memref<32x512xi32, #tpu.memory_space<vmem>>, vector<1x16xi32>,
        %parallel_loop3A_629 = vector.shape_cast %parallel_loop3A_628 : vector<1x16xi32> to vector<16xi32>
        %parallel_loop3A_630 = vector.shape_cast %parallel_loop3A_625 : vector<16xi32> to vector<1x16xi32>
        tpu.vector_store %arg12[%parallel_loop3A_626, %parallel_loop3A_627], %parallel_loop3A_630 {strides = array<i32>} : memref<32x512xi32, #tpu.memory_space<vmem>>, vector<1x16xi32>,
        %parallel_loop3A_631 = arith.index_cast %parallel_loop3A_210 : i32 to index
        %parallel_loop3A_632 = arith.constant 336 : index
        %parallel_loop3A_633 = tpu.vector_load %arg10[%parallel_loop3A_631, %parallel_loop3A_632] {strides = array<i32>} : memref<32x1024xf32, #tpu.memory_space<vmem>>, vector<1x16xf32>,
        %parallel_loop3A_634 = vector.shape_cast %parallel_loop3A_633 : vector<1x16xf32> to vector<16xf32>
        %parallel_loop3A_635 = arith.index_cast %parallel_loop3A_210 : i32 to index
        %parallel_loop3A_636 = arith.constant 848 : index
        %parallel_loop3A_637 = tpu.vector_load %arg10[%parallel_loop3A_635, %parallel_loop3A_636] {strides = array<i32>} : memref<32x1024xf32, #tpu.memory_space<vmem>>, vector<1x16xf32>,
        %parallel_loop3A_638 = vector.shape_cast %parallel_loop3A_637 : vector<1x16xf32> to vector<16xf32>
        %parallel_loop3A_639 = tpu.bitcast %parallel_loop3A_634 : vector<16xf32> -> vector<16xi32>
        %parallel_loop3A_640 = arith.addi %parallel_loop3A_639, %broadcast_in_dim3A_79 : vector<16xi32>
        %parallel_loop3A_641 = tpu.bitcast %parallel_loop3A_638 : vector<16xf32> -> vector<16xi32>
        %parallel_loop3A_642 = arith.addi %parallel_loop3A_641, %broadcast_in_dim3A_79 : vector<16xi32>
        %parallel_loop3A_643 = arith.shrui %parallel_loop3A_640, %broadcast_in_dim3A_83 : vector<16xi32>
        %parallel_loop3A_644 = arith.andi %parallel_loop3A_642, %broadcast_in_dim3A_81 : vector<16xi32>
        %parallel_loop3A_645 = arith.ori %parallel_loop3A_643, %parallel_loop3A_644 : vector<16xi32>
        %parallel_loop3A_646 = arith.index_cast %parallel_loop3A_210 : i32 to index
        %parallel_loop3A_647 = arith.constant 336 : index
        %parallel_loop3A_648 = tpu.vector_load %arg12[%parallel_loop3A_646, %parallel_loop3A_647] {strides = array<i32>} : memref<32x512xi32, #tpu.memory_space<vmem>>, vector<1x16xi32>,
        %parallel_loop3A_649 = vector.shape_cast %parallel_loop3A_648 : vector<1x16xi32> to vector<16xi32>
        %parallel_loop3A_650 = vector.shape_cast %parallel_loop3A_645 : vector<16xi32> to vector<1x16xi32>
        tpu.vector_store %arg12[%parallel_loop3A_646, %parallel_loop3A_647], %parallel_loop3A_650 {strides = array<i32>} : memref<32x512xi32, #tpu.memory_space<vmem>>, vector<1x16xi32>,
        %parallel_loop3A_651 = arith.index_cast %parallel_loop3A_210 : i32 to index
        %parallel_loop3A_652 = arith.constant 352 : index
        %parallel_loop3A_653 = tpu.vector_load %arg10[%parallel_loop3A_651, %parallel_loop3A_652] {strides = array<i32>} : memref<32x1024xf32, #tpu.memory_space<vmem>>, vector<1x16xf32>,
        %parallel_loop3A_654 = vector.shape_cast %parallel_loop3A_653 : vector<1x16xf32> to vector<16xf32>
        %parallel_loop3A_655 = arith.index_cast %parallel_loop3A_210 : i32 to index
        %parallel_loop3A_656 = arith.constant 864 : index
        %parallel_loop3A_657 = tpu.vector_load %arg10[%parallel_loop3A_655, %parallel_loop3A_656] {strides = array<i32>} : memref<32x1024xf32, #tpu.memory_space<vmem>>, vector<1x16xf32>,
        %parallel_loop3A_658 = vector.shape_cast %parallel_loop3A_657 : vector<1x16xf32> to vector<16xf32>
        %parallel_loop3A_659 = tpu.bitcast %parallel_loop3A_654 : vector<16xf32> -> vector<16xi32>
        %parallel_loop3A_660 = arith.addi %parallel_loop3A_659, %broadcast_in_dim3A_79 : vector<16xi32>
        %parallel_loop3A_661 = tpu.bitcast %parallel_loop3A_658 : vector<16xf32> -> vector<16xi32>
        %parallel_loop3A_662 = arith.addi %parallel_loop3A_661, %broadcast_in_dim3A_79 : vector<16xi32>
        %parallel_loop3A_663 = arith.shrui %parallel_loop3A_660, %broadcast_in_dim3A_83 : vector<16xi32>
        %parallel_loop3A_664 = arith.andi %parallel_loop3A_662, %broadcast_in_dim3A_81 : vector<16xi32>
        %parallel_loop3A_665 = arith.ori %parallel_loop3A_663, %parallel_loop3A_664 : vector<16xi32>
        %parallel_loop3A_666 = arith.index_cast %parallel_loop3A_210 : i32 to index
        %parallel_loop3A_667 = arith.constant 352 : index
        %parallel_loop3A_668 = tpu.vector_load %arg12[%parallel_loop3A_666, %parallel_loop3A_667] {strides = array<i32>} : memref<32x512xi32, #tpu.memory_space<vmem>>, vector<1x16xi32>,
        %parallel_loop3A_669 = vector.shape_cast %parallel_loop3A_668 : vector<1x16xi32> to vector<16xi32>
        %parallel_loop3A_670 = vector.shape_cast %parallel_loop3A_665 : vector<16xi32> to vector<1x16xi32>
        tpu.vector_store %arg12[%parallel_loop3A_666, %parallel_loop3A_667], %parallel_loop3A_670 {strides = array<i32>} : memref<32x512xi32, #tpu.memory_space<vmem>>, vector<1x16xi32>,
        %parallel_loop3A_671 = arith.index_cast %parallel_loop3A_210 : i32 to index
        %parallel_loop3A_672 = arith.constant 368 : index
        %parallel_loop3A_673 = tpu.vector_load %arg10[%parallel_loop3A_671, %parallel_loop3A_672] {strides = array<i32>} : memref<32x1024xf32, #tpu.memory_space<vmem>>, vector<1x16xf32>,
        %parallel_loop3A_674 = vector.shape_cast %parallel_loop3A_673 : vector<1x16xf32> to vector<16xf32>
        %parallel_loop3A_675 = arith.index_cast %parallel_loop3A_210 : i32 to index
        %parallel_loop3A_676 = arith.constant 880 : index
        %parallel_loop3A_677 = tpu.vector_load %arg10[%parallel_loop3A_675, %parallel_loop3A_676] {strides = array<i32>} : memref<32x1024xf32, #tpu.memory_space<vmem>>, vector<1x16xf32>,
        %parallel_loop3A_678 = vector.shape_cast %parallel_loop3A_677 : vector<1x16xf32> to vector<16xf32>
        %parallel_loop3A_679 = tpu.bitcast %parallel_loop3A_674 : vector<16xf32> -> vector<16xi32>
        %parallel_loop3A_680 = arith.addi %parallel_loop3A_679, %broadcast_in_dim3A_79 : vector<16xi32>
        %parallel_loop3A_681 = tpu.bitcast %parallel_loop3A_678 : vector<16xf32> -> vector<16xi32>
        %parallel_loop3A_682 = arith.addi %parallel_loop3A_681, %broadcast_in_dim3A_79 : vector<16xi32>
        %parallel_loop3A_683 = arith.shrui %parallel_loop3A_680, %broadcast_in_dim3A_83 : vector<16xi32>
        %parallel_loop3A_684 = arith.andi %parallel_loop3A_682, %broadcast_in_dim3A_81 : vector<16xi32>
        %parallel_loop3A_685 = arith.ori %parallel_loop3A_683, %parallel_loop3A_684 : vector<16xi32>
        %parallel_loop3A_686 = arith.index_cast %parallel_loop3A_210 : i32 to index
        %parallel_loop3A_687 = arith.constant 368 : index
        %parallel_loop3A_688 = tpu.vector_load %arg12[%parallel_loop3A_686, %parallel_loop3A_687] {strides = array<i32>} : memref<32x512xi32, #tpu.memory_space<vmem>>, vector<1x16xi32>,
        %parallel_loop3A_689 = vector.shape_cast %parallel_loop3A_688 : vector<1x16xi32> to vector<16xi32>
        %parallel_loop3A_690 = vector.shape_cast %parallel_loop3A_685 : vector<16xi32> to vector<1x16xi32>
        tpu.vector_store %arg12[%parallel_loop3A_686, %parallel_loop3A_687], %parallel_loop3A_690 {strides = array<i32>} : memref<32x512xi32, #tpu.memory_space<vmem>>, vector<1x16xi32>,
        %parallel_loop3A_691 = arith.index_cast %parallel_loop3A_210 : i32 to index
        %parallel_loop3A_692 = arith.constant 384 : index
        %parallel_loop3A_693 = tpu.vector_load %arg10[%parallel_loop3A_691, %parallel_loop3A_692] {strides = array<i32>} : memref<32x1024xf32, #tpu.memory_space<vmem>>, vector<1x16xf32>,
        %parallel_loop3A_694 = vector.shape_cast %parallel_loop3A_693 : vector<1x16xf32> to vector<16xf32>
        %parallel_loop3A_695 = arith.index_cast %parallel_loop3A_210 : i32 to index
        %parallel_loop3A_696 = arith.constant 896 : index
        %parallel_loop3A_697 = tpu.vector_load %arg10[%parallel_loop3A_695, %parallel_loop3A_696] {strides = array<i32>} : memref<32x1024xf32, #tpu.memory_space<vmem>>, vector<1x16xf32>,
        %parallel_loop3A_698 = vector.shape_cast %parallel_loop3A_697 : vector<1x16xf32> to vector<16xf32>
        %parallel_loop3A_699 = tpu.bitcast %parallel_loop3A_694 : vector<16xf32> -> vector<16xi32>
        %parallel_loop3A_700 = arith.addi %parallel_loop3A_699, %broadcast_in_dim3A_79 : vector<16xi32>
        %parallel_loop3A_701 = tpu.bitcast %parallel_loop3A_698 : vector<16xf32> -> vector<16xi32>
        %parallel_loop3A_702 = arith.addi %parallel_loop3A_701, %broadcast_in_dim3A_79 : vector<16xi32>
        %parallel_loop3A_703 = arith.shrui %parallel_loop3A_700, %broadcast_in_dim3A_83 : vector<16xi32>
        %parallel_loop3A_704 = arith.andi %parallel_loop3A_702, %broadcast_in_dim3A_81 : vector<16xi32>
        %parallel_loop3A_705 = arith.ori %parallel_loop3A_703, %parallel_loop3A_704 : vector<16xi32>
        %parallel_loop3A_706 = arith.index_cast %parallel_loop3A_210 : i32 to index
        %parallel_loop3A_707 = arith.constant 384 : index
        %parallel_loop3A_708 = tpu.vector_load %arg12[%parallel_loop3A_706, %parallel_loop3A_707] {strides = array<i32>} : memref<32x512xi32, #tpu.memory_space<vmem>>, vector<1x16xi32>,
        %parallel_loop3A_709 = vector.shape_cast %parallel_loop3A_708 : vector<1x16xi32> to vector<16xi32>
        %parallel_loop3A_710 = vector.shape_cast %parallel_loop3A_705 : vector<16xi32> to vector<1x16xi32>
        tpu.vector_store %arg12[%parallel_loop3A_706, %parallel_loop3A_707], %parallel_loop3A_710 {strides = array<i32>} : memref<32x512xi32, #tpu.memory_space<vmem>>, vector<1x16xi32>,
        %parallel_loop3A_711 = arith.index_cast %parallel_loop3A_210 : i32 to index
        %parallel_loop3A_712 = arith.constant 400 : index
        %parallel_loop3A_713 = tpu.vector_load %arg10[%parallel_loop3A_711, %parallel_loop3A_712] {strides = array<i32>} : memref<32x1024xf32, #tpu.memory_space<vmem>>, vector<1x16xf32>,
        %parallel_loop3A_714 = vector.shape_cast %parallel_loop3A_713 : vector<1x16xf32> to vector<16xf32>
        %parallel_loop3A_715 = arith.index_cast %parallel_loop3A_210 : i32 to index
        %parallel_loop3A_716 = arith.constant 912 : index
        %parallel_loop3A_717 = tpu.vector_load %arg10[%parallel_loop3A_715, %parallel_loop3A_716] {strides = array<i32>} : memref<32x1024xf32, #tpu.memory_space<vmem>>, vector<1x16xf32>,
        %parallel_loop3A_718 = vector.shape_cast %parallel_loop3A_717 : vector<1x16xf32> to vector<16xf32>
        %parallel_loop3A_719 = tpu.bitcast %parallel_loop3A_714 : vector<16xf32> -> vector<16xi32>
        %parallel_loop3A_720 = arith.addi %parallel_loop3A_719, %broadcast_in_dim3A_79 : vector<16xi32>
        %parallel_loop3A_721 = tpu.bitcast %parallel_loop3A_718 : vector<16xf32> -> vector<16xi32>
        %parallel_loop3A_722 = arith.addi %parallel_loop3A_721, %broadcast_in_dim3A_79 : vector<16xi32>
        %parallel_loop3A_723 = arith.shrui %parallel_loop3A_720, %broadcast_in_dim3A_83 : vector<16xi32>
        %parallel_loop3A_724 = arith.andi %parallel_loop3A_722, %broadcast_in_dim3A_81 : vector<16xi32>
        %parallel_loop3A_725 = arith.ori %parallel_loop3A_723, %parallel_loop3A_724 : vector<16xi32>
        %parallel_loop3A_726 = arith.index_cast %parallel_loop3A_210 : i32 to index
        %parallel_loop3A_727 = arith.constant 400 : index
        %parallel_loop3A_728 = tpu.vector_load %arg12[%parallel_loop3A_726, %parallel_loop3A_727] {strides = array<i32>} : memref<32x512xi32, #tpu.memory_space<vmem>>, vector<1x16xi32>,
        %parallel_loop3A_729 = vector.shape_cast %parallel_loop3A_728 : vector<1x16xi32> to vector<16xi32>
        %parallel_loop3A_730 = vector.shape_cast %parallel_loop3A_725 : vector<16xi32> to vector<1x16xi32>
        tpu.vector_store %arg12[%parallel_loop3A_726, %parallel_loop3A_727], %parallel_loop3A_730 {strides = array<i32>} : memref<32x512xi32, #tpu.memory_space<vmem>>, vector<1x16xi32>,
        %parallel_loop3A_731 = arith.index_cast %parallel_loop3A_210 : i32 to index
        %parallel_loop3A_732 = arith.constant 416 : index
        %parallel_loop3A_733 = tpu.vector_load %arg10[%parallel_loop3A_731, %parallel_loop3A_732] {strides = array<i32>} : memref<32x1024xf32, #tpu.memory_space<vmem>>, vector<1x16xf32>,
        %parallel_loop3A_734 = vector.shape_cast %parallel_loop3A_733 : vector<1x16xf32> to vector<16xf32>
        %parallel_loop3A_735 = arith.index_cast %parallel_loop3A_210 : i32 to index
        %parallel_loop3A_736 = arith.constant 928 : index
        %parallel_loop3A_737 = tpu.vector_load %arg10[%parallel_loop3A_735, %parallel_loop3A_736] {strides = array<i32>} : memref<32x1024xf32, #tpu.memory_space<vmem>>, vector<1x16xf32>,
        %parallel_loop3A_738 = vector.shape_cast %parallel_loop3A_737 : vector<1x16xf32> to vector<16xf32>
        %parallel_loop3A_739 = tpu.bitcast %parallel_loop3A_734 : vector<16xf32> -> vector<16xi32>
        %parallel_loop3A_740 = arith.addi %parallel_loop3A_739, %broadcast_in_dim3A_79 : vector<16xi32>
        %parallel_loop3A_741 = tpu.bitcast %parallel_loop3A_738 : vector<16xf32> -> vector<16xi32>
        %parallel_loop3A_742 = arith.addi %parallel_loop3A_741, %broadcast_in_dim3A_79 : vector<16xi32>
        %parallel_loop3A_743 = arith.shrui %parallel_loop3A_740, %broadcast_in_dim3A_83 : vector<16xi32>
        %parallel_loop3A_744 = arith.andi %parallel_loop3A_742, %broadcast_in_dim3A_81 : vector<16xi32>
        %parallel_loop3A_745 = arith.ori %parallel_loop3A_743, %parallel_loop3A_744 : vector<16xi32>
        %parallel_loop3A_746 = arith.index_cast %parallel_loop3A_210 : i32 to index
        %parallel_loop3A_747 = arith.constant 416 : index
        %parallel_loop3A_748 = tpu.vector_load %arg12[%parallel_loop3A_746, %parallel_loop3A_747] {strides = array<i32>} : memref<32x512xi32, #tpu.memory_space<vmem>>, vector<1x16xi32>,
        %parallel_loop3A_749 = vector.shape_cast %parallel_loop3A_748 : vector<1x16xi32> to vector<16xi32>
        %parallel_loop3A_750 = vector.shape_cast %parallel_loop3A_745 : vector<16xi32> to vector<1x16xi32>
        tpu.vector_store %arg12[%parallel_loop3A_746, %parallel_loop3A_747], %parallel_loop3A_750 {strides = array<i32>} : memref<32x512xi32, #tpu.memory_space<vmem>>, vector<1x16xi32>,
        %parallel_loop3A_751 = arith.index_cast %parallel_loop3A_210 : i32 to index
        %parallel_loop3A_752 = arith.constant 432 : index
        %parallel_loop3A_753 = tpu.vector_load %arg10[%parallel_loop3A_751, %parallel_loop3A_752] {strides = array<i32>} : memref<32x1024xf32, #tpu.memory_space<vmem>>, vector<1x16xf32>,
        %parallel_loop3A_754 = vector.shape_cast %parallel_loop3A_753 : vector<1x16xf32> to vector<16xf32>
        %parallel_loop3A_755 = arith.index_cast %parallel_loop3A_210 : i32 to index
        %parallel_loop3A_756 = arith.constant 944 : index
        %parallel_loop3A_757 = tpu.vector_load %arg10[%parallel_loop3A_755, %parallel_loop3A_756] {strides = array<i32>} : memref<32x1024xf32, #tpu.memory_space<vmem>>, vector<1x16xf32>,
        %parallel_loop3A_758 = vector.shape_cast %parallel_loop3A_757 : vector<1x16xf32> to vector<16xf32>
        %parallel_loop3A_759 = tpu.bitcast %parallel_loop3A_754 : vector<16xf32> -> vector<16xi32>
        %parallel_loop3A_760 = arith.addi %parallel_loop3A_759, %broadcast_in_dim3A_79 : vector<16xi32>
        %parallel_loop3A_761 = tpu.bitcast %parallel_loop3A_758 : vector<16xf32> -> vector<16xi32>
        %parallel_loop3A_762 = arith.addi %parallel_loop3A_761, %broadcast_in_dim3A_79 : vector<16xi32>
        %parallel_loop3A_763 = arith.shrui %parallel_loop3A_760, %broadcast_in_dim3A_83 : vector<16xi32>
        %parallel_loop3A_764 = arith.andi %parallel_loop3A_762, %broadcast_in_dim3A_81 : vector<16xi32>
        %parallel_loop3A_765 = arith.ori %parallel_loop3A_763, %parallel_loop3A_764 : vector<16xi32>
        %parallel_loop3A_766 = arith.index_cast %parallel_loop3A_210 : i32 to index
        %parallel_loop3A_767 = arith.constant 432 : index
        %parallel_loop3A_768 = tpu.vector_load %arg12[%parallel_loop3A_766, %parallel_loop3A_767] {strides = array<i32>} : memref<32x512xi32, #tpu.memory_space<vmem>>, vector<1x16xi32>,
        %parallel_loop3A_769 = vector.shape_cast %parallel_loop3A_768 : vector<1x16xi32> to vector<16xi32>
        %parallel_loop3A_770 = vector.shape_cast %parallel_loop3A_765 : vector<16xi32> to vector<1x16xi32>
        tpu.vector_store %arg12[%parallel_loop3A_766, %parallel_loop3A_767], %parallel_loop3A_770 {strides = array<i32>} : memref<32x512xi32, #tpu.memory_space<vmem>>, vector<1x16xi32>,
        %parallel_loop3A_771 = arith.index_cast %parallel_loop3A_210 : i32 to index
        %parallel_loop3A_772 = arith.constant 448 : index
        %parallel_loop3A_773 = tpu.vector_load %arg10[%parallel_loop3A_771, %parallel_loop3A_772] {strides = array<i32>} : memref<32x1024xf32, #tpu.memory_space<vmem>>, vector<1x16xf32>,
        %parallel_loop3A_774 = vector.shape_cast %parallel_loop3A_773 : vector<1x16xf32> to vector<16xf32>
        %parallel_loop3A_775 = arith.index_cast %parallel_loop3A_210 : i32 to index
        %parallel_loop3A_776 = arith.constant 960 : index
        %parallel_loop3A_777 = tpu.vector_load %arg10[%parallel_loop3A_775, %parallel_loop3A_776] {strides = array<i32>} : memref<32x1024xf32, #tpu.memory_space<vmem>>, vector<1x16xf32>,
        %parallel_loop3A_778 = vector.shape_cast %parallel_loop3A_777 : vector<1x16xf32> to vector<16xf32>
        %parallel_loop3A_779 = tpu.bitcast %parallel_loop3A_774 : vector<16xf32> -> vector<16xi32>
        %parallel_loop3A_780 = arith.addi %parallel_loop3A_779, %broadcast_in_dim3A_79 : vector<16xi32>
        %parallel_loop3A_781 = tpu.bitcast %parallel_loop3A_778 : vector<16xf32> -> vector<16xi32>
        %parallel_loop3A_782 = arith.addi %parallel_loop3A_781, %broadcast_in_dim3A_79 : vector<16xi32>
        %parallel_loop3A_783 = arith.shrui %parallel_loop3A_780, %broadcast_in_dim3A_83 : vector<16xi32>
        %parallel_loop3A_784 = arith.andi %parallel_loop3A_782, %broadcast_in_dim3A_81 : vector<16xi32>
        %parallel_loop3A_785 = arith.ori %parallel_loop3A_783, %parallel_loop3A_784 : vector<16xi32>
        %parallel_loop3A_786 = arith.index_cast %parallel_loop3A_210 : i32 to index
        %parallel_loop3A_787 = arith.constant 448 : index
        %parallel_loop3A_788 = tpu.vector_load %arg12[%parallel_loop3A_786, %parallel_loop3A_787] {strides = array<i32>} : memref<32x512xi32, #tpu.memory_space<vmem>>, vector<1x16xi32>,
        %parallel_loop3A_789 = vector.shape_cast %parallel_loop3A_788 : vector<1x16xi32> to vector<16xi32>
        %parallel_loop3A_790 = vector.shape_cast %parallel_loop3A_785 : vector<16xi32> to vector<1x16xi32>
        tpu.vector_store %arg12[%parallel_loop3A_786, %parallel_loop3A_787], %parallel_loop3A_790 {strides = array<i32>} : memref<32x512xi32, #tpu.memory_space<vmem>>, vector<1x16xi32>,
        %parallel_loop3A_791 = arith.index_cast %parallel_loop3A_210 : i32 to index
        %parallel_loop3A_792 = arith.constant 464 : index
        %parallel_loop3A_793 = tpu.vector_load %arg10[%parallel_loop3A_791, %parallel_loop3A_792] {strides = array<i32>} : memref<32x1024xf32, #tpu.memory_space<vmem>>, vector<1x16xf32>,
        %parallel_loop3A_794 = vector.shape_cast %parallel_loop3A_793 : vector<1x16xf32> to vector<16xf32>
        %parallel_loop3A_795 = arith.index_cast %parallel_loop3A_210 : i32 to index
        %parallel_loop3A_796 = arith.constant 976 : index
        %parallel_loop3A_797 = tpu.vector_load %arg10[%parallel_loop3A_795, %parallel_loop3A_796] {strides = array<i32>} : memref<32x1024xf32, #tpu.memory_space<vmem>>, vector<1x16xf32>,
        %parallel_loop3A_798 = vector.shape_cast %parallel_loop3A_797 : vector<1x16xf32> to vector<16xf32>
        %parallel_loop3A_799 = tpu.bitcast %parallel_loop3A_794 : vector<16xf32> -> vector<16xi32>
        %parallel_loop3A_800 = arith.addi %parallel_loop3A_799, %broadcast_in_dim3A_79 : vector<16xi32>
        %parallel_loop3A_801 = tpu.bitcast %parallel_loop3A_798 : vector<16xf32> -> vector<16xi32>
        %parallel_loop3A_802 = arith.addi %parallel_loop3A_801, %broadcast_in_dim3A_79 : vector<16xi32>
        %parallel_loop3A_803 = arith.shrui %parallel_loop3A_800, %broadcast_in_dim3A_83 : vector<16xi32>
        %parallel_loop3A_804 = arith.andi %parallel_loop3A_802, %broadcast_in_dim3A_81 : vector<16xi32>
        %parallel_loop3A_805 = arith.ori %parallel_loop3A_803, %parallel_loop3A_804 : vector<16xi32>
        %parallel_loop3A_806 = arith.index_cast %parallel_loop3A_210 : i32 to index
        %parallel_loop3A_807 = arith.constant 464 : index
        %parallel_loop3A_808 = tpu.vector_load %arg12[%parallel_loop3A_806, %parallel_loop3A_807] {strides = array<i32>} : memref<32x512xi32, #tpu.memory_space<vmem>>, vector<1x16xi32>,
        %parallel_loop3A_809 = vector.shape_cast %parallel_loop3A_808 : vector<1x16xi32> to vector<16xi32>
        %parallel_loop3A_810 = vector.shape_cast %parallel_loop3A_805 : vector<16xi32> to vector<1x16xi32>
        tpu.vector_store %arg12[%parallel_loop3A_806, %parallel_loop3A_807], %parallel_loop3A_810 {strides = array<i32>} : memref<32x512xi32, #tpu.memory_space<vmem>>, vector<1x16xi32>,
        %parallel_loop3A_811 = arith.index_cast %parallel_loop3A_210 : i32 to index
        %parallel_loop3A_812 = arith.constant 480 : index
        %parallel_loop3A_813 = tpu.vector_load %arg10[%parallel_loop3A_811, %parallel_loop3A_812] {strides = array<i32>} : memref<32x1024xf32, #tpu.memory_space<vmem>>, vector<1x16xf32>,
        %parallel_loop3A_814 = vector.shape_cast %parallel_loop3A_813 : vector<1x16xf32> to vector<16xf32>
        %parallel_loop3A_815 = arith.index_cast %parallel_loop3A_210 : i32 to index
        %parallel_loop3A_816 = arith.constant 992 : index
        %parallel_loop3A_817 = tpu.vector_load %arg10[%parallel_loop3A_815, %parallel_loop3A_816] {strides = array<i32>} : memref<32x1024xf32, #tpu.memory_space<vmem>>, vector<1x16xf32>,
        %parallel_loop3A_818 = vector.shape_cast %parallel_loop3A_817 : vector<1x16xf32> to vector<16xf32>
        %parallel_loop3A_819 = tpu.bitcast %parallel_loop3A_814 : vector<16xf32> -> vector<16xi32>
        %parallel_loop3A_820 = arith.addi %parallel_loop3A_819, %broadcast_in_dim3A_79 : vector<16xi32>
        %parallel_loop3A_821 = tpu.bitcast %parallel_loop3A_818 : vector<16xf32> -> vector<16xi32>
        %parallel_loop3A_822 = arith.addi %parallel_loop3A_821, %broadcast_in_dim3A_79 : vector<16xi32>
        %parallel_loop3A_823 = arith.shrui %parallel_loop3A_820, %broadcast_in_dim3A_83 : vector<16xi32>
        %parallel_loop3A_824 = arith.andi %parallel_loop3A_822, %broadcast_in_dim3A_81 : vector<16xi32>
        %parallel_loop3A_825 = arith.ori %parallel_loop3A_823, %parallel_loop3A_824 : vector<16xi32>
        %parallel_loop3A_826 = arith.index_cast %parallel_loop3A_210 : i32 to index
        %parallel_loop3A_827 = arith.constant 480 : index
        %parallel_loop3A_828 = tpu.vector_load %arg12[%parallel_loop3A_826, %parallel_loop3A_827] {strides = array<i32>} : memref<32x512xi32, #tpu.memory_space<vmem>>, vector<1x16xi32>,
        %parallel_loop3A_829 = vector.shape_cast %parallel_loop3A_828 : vector<1x16xi32> to vector<16xi32>
        %parallel_loop3A_830 = vector.shape_cast %parallel_loop3A_825 : vector<16xi32> to vector<1x16xi32>
        tpu.vector_store %arg12[%parallel_loop3A_826, %parallel_loop3A_827], %parallel_loop3A_830 {strides = array<i32>} : memref<32x512xi32, #tpu.memory_space<vmem>>, vector<1x16xi32>,
        %parallel_loop3A_831 = arith.index_cast %parallel_loop3A_210 : i32 to index
        %parallel_loop3A_832 = arith.constant 496 : index
        %parallel_loop3A_833 = tpu.vector_load %arg10[%parallel_loop3A_831, %parallel_loop3A_832] {strides = array<i32>} : memref<32x1024xf32, #tpu.memory_space<vmem>>, vector<1x16xf32>,
        %parallel_loop3A_834 = vector.shape_cast %parallel_loop3A_833 : vector<1x16xf32> to vector<16xf32>
        %parallel_loop3A_835 = arith.index_cast %parallel_loop3A_210 : i32 to index
        %parallel_loop3A_836 = arith.constant 1008 : index
        %parallel_loop3A_837 = tpu.vector_load %arg10[%parallel_loop3A_835, %parallel_loop3A_836] {strides = array<i32>} : memref<32x1024xf32, #tpu.memory_space<vmem>>, vector<1x16xf32>,
        %parallel_loop3A_838 = vector.shape_cast %parallel_loop3A_837 : vector<1x16xf32> to vector<16xf32>
        %parallel_loop3A_839 = tpu.bitcast %parallel_loop3A_834 : vector<16xf32> -> vector<16xi32>
        %parallel_loop3A_840 = arith.addi %parallel_loop3A_839, %broadcast_in_dim3A_79 : vector<16xi32>
        %parallel_loop3A_841 = tpu.bitcast %parallel_loop3A_838 : vector<16xf32> -> vector<16xi32>
        %parallel_loop3A_842 = arith.addi %parallel_loop3A_841, %broadcast_in_dim3A_79 : vector<16xi32>
        %parallel_loop3A_843 = arith.shrui %parallel_loop3A_840, %broadcast_in_dim3A_83 : vector<16xi32>
        %parallel_loop3A_844 = arith.andi %parallel_loop3A_842, %broadcast_in_dim3A_81 : vector<16xi32>
        %parallel_loop3A_845 = arith.ori %parallel_loop3A_843, %parallel_loop3A_844 : vector<16xi32>
        %parallel_loop3A_846 = arith.index_cast %parallel_loop3A_210 : i32 to index
        %parallel_loop3A_847 = arith.constant 496 : index
        %parallel_loop3A_848 = tpu.vector_load %arg12[%parallel_loop3A_846, %parallel_loop3A_847] {strides = array<i32>} : memref<32x512xi32, #tpu.memory_space<vmem>>, vector<1x16xi32>,
        %parallel_loop3A_849 = vector.shape_cast %parallel_loop3A_848 : vector<1x16xi32> to vector<16xi32>
        %parallel_loop3A_850 = vector.shape_cast %parallel_loop3A_845 : vector<16xi32> to vector<1x16xi32>
        tpu.vector_store %arg12[%parallel_loop3A_846, %parallel_loop3A_847], %parallel_loop3A_850 {strides = array<i32>} : memref<32x512xi32, #tpu.memory_space<vmem>>, vector<1x16xi32>,
      } {sc.loop_unroll_factor = 4 : i64, sc.parallel_access}
      %div3A_194 = arith.constant 8 : i32
      %div3A_195 = arith.divsi %add3A_172, %div3A_194 : i32
      %rem3A_196 = arith.constant 8 : i32
      %rem3A_197 = arith.remsi %add3A_172, %rem3A_196 : i32
      %mul3A_198 = arith.constant 8192 : i32
      %mul3A_199 = arith.muli %div3A_195, %mul3A_198 : i32
      %mul3A_200 = arith.constant 256 : i32
      %mul3A_201 = arith.muli %add3A, %mul3A_200 : i32
      %add3A_202 = arith.addi %mul3A_199, %mul3A_201 : i32
      %mul3A_203 = arith.constant 32 : i32
      %mul3A_204 = arith.muli %rem3A_197, %mul3A_203 : i32
      %add3A_205 = arith.addi %add3A_202, %mul3A_204 : i32
      %dma_start3A_206 = arith.constant 0 : i32
      %dma_start3A_207 = tpu.memref_slice %arg5[%add3A_205, %dma_start3A_206] : memref<65536x512xi32, #tpu.memory_space<hbm>> -> memref<32x512xi32, #tpu.memory_space<hbm>>
      %dma_start3A_208 = arith.constant 0 : i32
      %dma_start3A_209 = tpu.memref_slice %arg5[%add3A_205, %dma_start3A_208] : memref<65536x512xi32, #tpu.memory_space<hbm>> -> memref<32x512xi32, #tpu.memory_space<hbm>>
      tpu.enqueue_dma source(%arg12 : memref<32x512xi32, #tpu.memory_space<vmem>>) target(%dma_start3A_209 : memref<32x512xi32, #tpu.memory_space<hbm>>) target_semaphore(%arg16 : memref<!tpu.dma_semaphore, #tpu.memory_space<semaphore_mem>>)
    }
    %div3A_101 = arith.constant 62 : i32
    %div3A_102 = arith.constant 8 : i32
    %div3A_103 = arith.divsi %div3A_101, %div3A_102 : i32
    %rem3A_104 = arith.constant 62 : i32
    %rem3A_105 = arith.constant 8 : i32
    %rem3A_106 = arith.remsi %rem3A_104, %rem3A_105 : i32
    %mul3A_107 = arith.constant 8192 : i32
    %mul3A_108 = arith.muli %div3A_103, %mul3A_107 : i32
    %mul3A_109 = arith.constant 256 : i32
    %mul3A_110 = arith.muli %add3A, %mul3A_109 : i32
    %add3A_111 = arith.addi %mul3A_108, %mul3A_110 : i32
    %mul3A_112 = arith.constant 32 : i32
    %mul3A_113 = arith.muli %rem3A_106, %mul3A_112 : i32
    %add3A_114 = arith.addi %add3A_111, %mul3A_113 : i32
    %dma_wait3A = arith.constant 0 : i32
    %dma_wait3A_115 = tpu.memref_slice %arg5[%add3A_114, %dma_wait3A] : memref<65536x512xi32, #tpu.memory_space<hbm>> -> memref<32x512xi32, #tpu.memory_space<hbm>>
    %dma_wait3A_116 = arith.constant 0 : i32
    %dma_wait3A_117 = tpu.memref_slice %arg5[%add3A_114, %dma_wait3A_116] : memref<65536x512xi32, #tpu.memory_space<hbm>> -> memref<32x512xi32, #tpu.memory_space<hbm>>
    tpu.wait_dma2 semaphore(%arg15 : memref<!tpu.dma_semaphore, #tpu.memory_space<semaphore_mem>>) src(%arg11 : memref<32x512xi32, #tpu.memory_space<vmem>>) dst(%dma_wait3A_117 : memref<32x512xi32, #tpu.memory_space<hbm>>)
    %div3A_118 = arith.constant 63 : i32
    %div3A_119 = arith.constant 8 : i32
    %div3A_120 = arith.divsi %div3A_118, %div3A_119 : i32
    %rem3A_121 = arith.constant 63 : i32
    %rem3A_122 = arith.constant 8 : i32
    %rem3A_123 = arith.remsi %rem3A_121, %rem3A_122 : i32
    %mul3A_124 = arith.constant 8192 : i32
    %mul3A_125 = arith.muli %div3A_120, %mul3A_124 : i32
    %mul3A_126 = arith.constant 256 : i32
    %mul3A_127 = arith.muli %add3A, %mul3A_126 : i32
    %add3A_128 = arith.addi %mul3A_125, %mul3A_127 : i32
    %mul3A_129 = arith.constant 32 : i32
    %mul3A_130 = arith.muli %rem3A_123, %mul3A_129 : i32
    %add3A_131 = arith.addi %add3A_128, %mul3A_130 : i32
    %dma_wait3A_132 = arith.constant 0 : i32
    %dma_wait3A_133 = tpu.memref_slice %arg5[%add3A_131, %dma_wait3A_132] : memref<65536x512xi32, #tpu.memory_space<hbm>> -> memref<32x512xi32, #tpu.memory_space<hbm>>
    %dma_wait3A_134 = arith.constant 0 : i32
    %dma_wait3A_135 = tpu.memref_slice %arg5[%add3A_131, %dma_wait3A_134] : memref<65536x512xi32, #tpu.memory_space<hbm>> -> memref<32x512xi32, #tpu.memory_space<hbm>>
    tpu.wait_dma2 semaphore(%arg16 : memref<!tpu.dma_semaphore, #tpu.memory_space<semaphore_mem>>) src(%arg12 : memref<32x512xi32, #tpu.memory_space<vmem>>) dst(%dma_wait3A_135 : memref<32x512xi32, #tpu.memory_space<hbm>>)
    return
  }
}

module attributes {stable_mosaic.version = 14 : i64} {
  func.func @body(%arg0: i32, %arg1: memref<256x1024xf32, #tpu.memory_space<vmem>>, %arg2: memref<8x256x512xi32, #tpu.memory_space<vmem>>, %arg3: memref<1x1024xf32, #tpu.memory_space<vmem>>, %arg4: memref<1x1024xf32, #tpu.memory_space<vmem>>, %arg5: memref<1x1xf32, #tpu.memory_space<vmem>>, %arg6: memref<256x1024xf32, #tpu.memory_space<vmem>>) attributes {dimension_semantics = [#tpu.dimension_semantics<arbitrary>], iteration_bounds = array<i64: 32>, scalar_prefetch = 0 : i64, scratch_operands = 0 : i64, tpu.core_type = #tpu.core_type<tc>, window_params = [{transform_indices = @transform_0, window_bounds = array<i64: 256, 1024>}, {transform_indices = @transform_1, window_bounds = array<i64: 8, 256, 512>}, {pipeline_mode = #tpu.pipeline_mode<synchronous>, transform_indices = @transform_2, window_bounds = array<i64: 1, 1024>}, {pipeline_mode = #tpu.pipeline_mode<synchronous>, transform_indices = @transform_3, window_bounds = array<i64: 1, 1024>}, {pipeline_mode = #tpu.pipeline_mode<synchronous>, transform_indices = @transform_4, window_bounds = array<i64: 1, 1>}, {transform_indices = @transform_5, window_bounds = array<i64: 256, 1024>}]} {
    %get3A = arith.constant 0 : index
    %get3A_0 = arith.constant 0 : index
    %get3A_1 = vector.load %arg1[%get3A, %get3A_0] : memref<256x1024xf32, #tpu.memory_space<vmem>>, vector<256x1024xf32>
    %get3A_2 = arith.constant 0 : index
    %get3A_3 = arith.constant 0 : index
    %get3A_4 = arith.constant 0 : index
    %get3A_5 = vector.load %arg2[%get3A_2, %get3A_3, %get3A_4] : memref<8x256x512xi32, #tpu.memory_space<vmem>>, vector<8x256x512xi32>
    %shift_left3A = arith.constant 16 : i32
    %shift_left3A_6 = vector.broadcast %shift_left3A : i32 to vector<8x256x512xi32>
    %shift_left3A_7 = arith.shli %get3A_5, %shift_left3A_6 : vector<8x256x512xi32>
    %bitcast_convert_type3A = tpu.bitcast %shift_left3A_7 : vector<8x256x512xi32> -> vector<8x256x512xf32>
    %and3A = arith.constant -65536 : i32
    %and3A_8 = vector.broadcast %and3A : i32 to vector<8x256x512xi32>
    %and3A_9 = arith.andi %get3A_5, %and3A_8 : vector<8x256x512xi32>
    %bitcast_convert_type3A_10 = tpu.bitcast %and3A_9 : vector<8x256x512xi32> -> vector<8x256x512xf32>
    %get3A_11 = arith.constant 0 : index
    %get3A_12 = arith.constant 0 : index
    %get3A_13 = vector.load %arg3[%get3A_11, %get3A_12] : memref<1x1024xf32, #tpu.memory_space<vmem>>, vector<1x1024xf32>
    %get3A_14 = arith.constant 0 : index
    %get3A_15 = arith.constant 0 : index
    %get3A_16 = vector.load %arg4[%get3A_14, %get3A_15] : memref<1x1024xf32, #tpu.memory_space<vmem>>, vector<1x1024xf32>
    %mul3A = arith.mulf %get3A_13, %get3A_16 : vector<1x1024xf32>
    %mul3A_17 = arith.mulf %get3A_1, %get3A_1 : vector<256x1024xf32>
    %reduce_sum3A = arith.constant dense<0.000000e+00> : vector<256xf32>
    %reduce_sum3A_18 = vector.multi_reduction <add>, %mul3A_17, %reduce_sum3A [1] : vector<256x1024xf32> to vector<256xf32>
    %broadcast_in_dim3A = vector.shape_cast %reduce_sum3A_18 : vector<256xf32> to vector<256x1xf32>
    %div3A = arith.constant 1.024000e+03 : f32
    %div3A_19 = vector.broadcast %div3A : f32 to vector<256x1xf32>
    %div3A_20 = arith.divf %broadcast_in_dim3A, %div3A_19 : vector<256x1xf32>
    %add3A = arith.constant 9.99999997E-7 : f32
    %add3A_21 = vector.broadcast %add3A : f32 to vector<256x1xf32>
    %add3A_22 = arith.addf %div3A_20, %add3A_21 : vector<256x1xf32>
    %rsqrt3A = math.rsqrt %add3A_22 : vector<256x1xf32>
    %mul3A_23 = arith.constant 3.125000e-02 : f32
    %mul3A_24 = vector.broadcast %mul3A_23 : f32 to vector<256x1xf32>
    %mul3A_25 = arith.mulf %rsqrt3A, %mul3A_24 : vector<256x1xf32>
    %mul3A_26 = vector.broadcast %mul3A : vector<1x1024xf32> to vector<256x1024xf32>
    %mul3A_27 = arith.mulf %get3A_1, %mul3A_26 : vector<256x1024xf32>
    %slice3A = vector.extract_strided_slice %mul3A_27 {offsets = [0, 0], sizes = [256, 512], strides = [1, 1]} : vector<256x1024xf32> to vector<256x512xf32>
    %slice3A_28 = vector.extract_strided_slice %mul3A_27 {offsets = [0, 512], sizes = [256, 512], strides = [1, 1]} : vector<256x1024xf32> to vector<256x512xf32>
    %broadcast_in_dim3A_29 = vector.shape_cast %slice3A : vector<256x512xf32> to vector<1x256x512xf32>
    %mul3A_30 = vector.broadcast %broadcast_in_dim3A_29 : vector<1x256x512xf32> to vector<8x256x512xf32>
    %mul3A_31 = arith.mulf %mul3A_30, %bitcast_convert_type3A : vector<8x256x512xf32>
    %reduce_sum3A_32 = arith.constant dense<0.000000e+00> : vector<8x256xf32>
    %reduce_sum3A_33 = vector.multi_reduction <add>, %mul3A_31, %reduce_sum3A_32 [2] : vector<8x256x512xf32> to vector<8x256xf32>
    %broadcast_in_dim3A_34 = vector.shape_cast %slice3A_28 : vector<256x512xf32> to vector<1x256x512xf32>
    %mul3A_35 = vector.broadcast %broadcast_in_dim3A_34 : vector<1x256x512xf32> to vector<8x256x512xf32>
    %mul3A_36 = arith.mulf %mul3A_35, %bitcast_convert_type3A_10 : vector<8x256x512xf32>
    %reduce_sum3A_37 = arith.constant dense<0.000000e+00> : vector<8x256xf32>
    %reduce_sum3A_38 = vector.multi_reduction <add>, %mul3A_36, %reduce_sum3A_37 [2] : vector<8x256x512xf32> to vector<8x256xf32>
    %add3A_39 = arith.addf %reduce_sum3A_33, %reduce_sum3A_38 : vector<8x256xf32>
    %mul3A_40 = arith.mulf %bitcast_convert_type3A, %bitcast_convert_type3A : vector<8x256x512xf32>
    %reduce_sum3A_41 = arith.constant dense<0.000000e+00> : vector<8x256xf32>
    %reduce_sum3A_42 = vector.multi_reduction <add>, %mul3A_40, %reduce_sum3A_41 [2] : vector<8x256x512xf32> to vector<8x256xf32>
    %mul3A_43 = arith.mulf %bitcast_convert_type3A_10, %bitcast_convert_type3A_10 : vector<8x256x512xf32>
    %reduce_sum3A_44 = arith.constant dense<0.000000e+00> : vector<8x256xf32>
    %reduce_sum3A_45 = vector.multi_reduction <add>, %mul3A_43, %reduce_sum3A_44 [2] : vector<8x256x512xf32> to vector<8x256xf32>
    %add3A_46 = arith.addf %reduce_sum3A_42, %reduce_sum3A_45 : vector<8x256xf32>
    %mul3A_47 = arith.constant 9.765625E-4 : f32
    %mul3A_48 = vector.broadcast %mul3A_47 : f32 to vector<8x256xf32>
    %mul3A_49 = arith.mulf %add3A_46, %mul3A_48 : vector<8x256xf32>
    %squeeze3A = vector.shape_cast %mul3A_25 : vector<256x1xf32> to vector<256xf32>
    %broadcast_in_dim3A_50 = vector.shape_cast %squeeze3A : vector<256xf32> to vector<1x256xf32>
    %add3A_51 = arith.constant 9.99999997E-7 : f32
    %add3A_52 = vector.broadcast %add3A_51 : f32 to vector<8x256xf32>
    %add3A_53 = arith.addf %mul3A_49, %add3A_52 : vector<8x256xf32>
    %rsqrt3A_54 = math.rsqrt %add3A_53 : vector<8x256xf32>
    %mul3A_55 = vector.broadcast %broadcast_in_dim3A_50 : vector<1x256xf32> to vector<8x256xf32>
    %mul3A_56 = arith.mulf %mul3A_55, %rsqrt3A_54 : vector<8x256xf32>
    %mul3A_57 = arith.mulf %mul3A_56, %add3A_39 : vector<8x256xf32>
    %get3A_58 = arith.constant 0 : index
    %get3A_59 = arith.constant 0 : index
    %get3A_60 = vector.load %arg5[%get3A_58, %get3A_59] : memref<1x1xf32, #tpu.memory_space<vmem>>, vector<1x1xf32>
    %get3A_61 = vector.extract %get3A_60[0, 0] : f32 from vector<1x1xf32>
    %add3A_62 = vector.broadcast %get3A_61 : f32 to vector<8x256xf32>
    %add3A_63 = arith.addf %mul3A_57, %add3A_62 : vector<8x256xf32>
    %logistic3A = arith.negf %add3A_63 : vector<8x256xf32>
    %logistic3A_64 = math.exp %logistic3A : vector<8x256xf32>
    %logistic3A_65 = arith.constant 1.000000e+00 : f32
    %logistic3A_66 = vector.broadcast %logistic3A_65 : f32 to vector<8x256xf32>
    %logistic3A_67 = arith.addf %logistic3A_66, %logistic3A_64 : vector<8x256xf32>
    %logistic3A_68 = arith.divf %logistic3A_66, %logistic3A_67 : vector<8x256xf32>
    %broadcast_in_dim3A_69 = vector.shape_cast %logistic3A_68 : vector<8x256xf32> to vector<8x256x1xf32>
    %mul3A_70 = vector.broadcast %broadcast_in_dim3A_69 : vector<8x256x1xf32> to vector<8x256x512xf32>
    %mul3A_71 = arith.mulf %mul3A_70, %bitcast_convert_type3A : vector<8x256x512xf32>
    %reduce_sum3A_72 = arith.constant dense<0.000000e+00> : vector<256x512xf32>
    %reduce_sum3A_73 = vector.multi_reduction <add>, %mul3A_71, %reduce_sum3A_72 [0] : vector<8x256x512xf32> to vector<256x512xf32>
    %broadcast_in_dim3A_74 = vector.shape_cast %logistic3A_68 : vector<8x256xf32> to vector<8x256x1xf32>
    %mul3A_75 = vector.broadcast %broadcast_in_dim3A_74 : vector<8x256x1xf32> to vector<8x256x512xf32>
    %mul3A_76 = arith.mulf %mul3A_75, %bitcast_convert_type3A_10 : vector<8x256x512xf32>
    %reduce_sum3A_77 = arith.constant dense<0.000000e+00> : vector<256x512xf32>
    %reduce_sum3A_78 = vector.multi_reduction <add>, %mul3A_76, %reduce_sum3A_77 [0] : vector<8x256x512xf32> to vector<256x512xf32>
    %concatenate3A = tpu.concatenate %reduce_sum3A_73, %reduce_sum3A_78 in 1 : vector<256x512xf32>, vector<256x512xf32> -> vector<256x1024xf32>
    %add3A_79 = arith.addf %get3A_1, %concatenate3A : vector<256x1024xf32>
    %swap3A = arith.constant 0 : index
    %swap3A_80 = arith.constant 0 : index
    %swap3A_81 = vector.load %arg6[%swap3A, %swap3A_80] : memref<256x1024xf32, #tpu.memory_space<vmem>>, vector<256x1024xf32>
    tpu.vector_store %arg6[%swap3A, %swap3A_80], %add3A_79 {strides = array<i32>} : memref<256x1024xf32, #tpu.memory_space<vmem>>, vector<256x1024xf32>,
    return
  }
  func.func @transform_0(%arg0: i32) -> (i32, i32) {
    %c0_i32 = arith.constant 0 : i32
    %c0_i32_0 = arith.constant 0 : i32
    return %arg0, %c0_i32 : i32, i32
  }
  func.func @transform_1(%arg0: i32) -> (i32, i32, i32) {
    %c0_i32 = arith.constant 0 : i32
    %c0_i32_0 = arith.constant 0 : i32
    %c0_i32_1 = arith.constant 0 : i32
    return %c0_i32, %arg0, %c0_i32_0 : i32, i32, i32
  }
  func.func @transform_2(%arg0: i32) -> (i32, i32) {
    %c0_i32 = arith.constant 0 : i32
    %c0_i32_0 = arith.constant 0 : i32
    %c0_i32_1 = arith.constant 0 : i32
    return %c0_i32, %c0_i32_0 : i32, i32
  }
  func.func @transform_3(%arg0: i32) -> (i32, i32) {
    %c0_i32 = arith.constant 0 : i32
    %c0_i32_0 = arith.constant 0 : i32
    %c0_i32_1 = arith.constant 0 : i32
    return %c0_i32, %c0_i32_0 : i32, i32
  }
  func.func @transform_4(%arg0: i32) -> (i32, i32) {
    %c0_i32 = arith.constant 0 : i32
    %c0_i32_0 = arith.constant 0 : i32
    %c0_i32_1 = arith.constant 0 : i32
    return %c0_i32, %c0_i32_0 : i32, i32
  }
  func.func @transform_5(%arg0: i32) -> (i32, i32) {
    %c0_i32 = arith.constant 0 : i32
    %c0_i32_0 = arith.constant 0 : i32
    return %arg0, %c0_i32 : i32, i32
  }
}

</mosaic_0001>

<sc_bundles>
// kernel: kernel.4.cloned.1.call-start
scs
__scs_entry_jumppad:
0x0: {  	(pc) =	sbr.rel $0x88, $3  }
0x1: {  	(tag) =	ssettag $0x0;
	lr =	simm.s32 $0x1  }
0x2: {  	[smem:$0x3F9A] =	sst lr;
	_ =	strace $0xD0000000  }
0x3: {  	_ = 	snop  }
0x4: {  	_ = 	snop  }
0x5: {  	_ = 	snop  }
0x6: {  	_ = 	snop  }
0x7: {  	_ = 	snop  }
__scs_overlays_trampoline_lowered:
0x8: {  	[smem:$0x3FA9] =	sst s0  }
0x9: {  	[smem:$0x3FAA] =	sst s1  }
0xa: {  	[smem:$0x3FAB] =	sst s2  }
0xb: {  	[smem:$0x3FAC] =	sst s3  }
0xc: {  	[smem:$0x3FAD] =	sst s4  }
0xd: {  	[smem:$0x3FAE] =	sst s5  }
0xe: {  	[smem:$0x3FAF] =	sst s6  }
0xf: {  	[smem:$0x3FB0] =	sst s7  }
0x10: {  	[smem:$0x3FB1] =	sst s8  }
0x11: {  	[smem:$0x3FB2] =	sst s9;
	s0 =	simm.s32 @!p0 $0x0  }
0x12: {  	s1 =	sld [smem:$0x3F98];
	s0 =	simm.s32 @p0 $0x1  }
0x13: {  	[smem:$0x3FB3] =	sst s0;
	s0 =	simm.s32 @!p1 $0x0  }
0x14: {  	s2 =	sld [smem:$0x3F97];
	s0 =	simm.s32 @p1 $0x1  }
0x15: {  	[smem:$0x3FB4] =	sst s0;
	s0 =	simm.s32 @!p2 $0x0  }
0x16: {  	s3 =	sld [smem:$0x3FDB];
	s0 =	simm.s32 @p2 $0x1  }
0x17: {  	s4 =	simm.s32 $0x1BF5;
	[smem:$0x3FB6] =	sst s0  }
0x18: {  	s0 =	sld [smem:$0x3F99];
	_ =	swait.ge [sflag:s4], $0x0  }
0x19: {  	s7 =	sld [smem:$0x3F9A]  }
0x1a: {  	s8 =	sadd.s32 $0xFFFFE003, lr  }
0x1b: {  	s9 =	sadd.s32 $0xFFFFFEF7, lr;
	s5 =	simm.s32 $0xFFFFFFFF;
	p2 =	slt.u32 s8, $0xFFFFF086  }
0x1c: {  	p1 =	slt.u32 s9, $0xF7A;
	s5 =	simm.s32 @!p2 $0x0  }
0x1d: {  	s5 =	simm.s32 @p1 $0x1;
	p0 =	seq.s32 s7, s2  }
0x1e: {  	s7 =	smul.u32 @!p0 $0xF7A, s2;
	p2 =	seq.s32 @!p0 s5, $0x0  }
0x1f: {  	s9 =	smul.u32 $0xF7A, s1;
	s8 =	simm.s32 @!p0 $0x1BF5;
	p2 =	por !p2, p0  }
0x20: {  	[sflag:s8] =	ssyncset.s32 @!p0 $0xFFFFF086;
	s6 =	sadd.s32 @!p0 s3, s7;
	s7 =	simm.s32 @!p0 $0x108  }
0x21: {  	s3 =	sadd.s32 s3, s9;
	s6 =	sadd.s32 @!p0 $0x88, s6;
	s7 =	simm.s32 @p2 $0x1082  }
0x22: {  	[simem:s7], [sflag:s8] =	dma.local @!p0 [hbm:s6], $0xF7A  }
0x23: {  	s9 =	sor.u32 $0xD0000000, s2;
	s6 =	simm.s32 $0x108;
	_ =	swait.ge @!p0 [sflag:s8], $0x0  }
0x24: {  	s3 =	sadd.s32 $0x88, s3;
	s6 =	simm.s32 @!p1 $0x1082;
	[sflag:s4] =	ssyncset.s32 $0xFFFFF086  }
0x25: {  	[simem:s6], [sflag:s4] =	dma.local [hbm:s3], $0xF7A  }
0x26: {  	[smem:$0x3F9A] =	sst s1;
	(tag) =	ssettag s2;
	_ =	strace s9  }
0x27: {  	s1 =	sld [smem:$0x3FAA]  }
0x28: {  	s2 =	sld [smem:$0x3FAB]  }
0x29: {  	s4 =	sld [smem:$0x3FAD]  }
0x2a: {  	p0 =	seq.s32 s5, $0x0;
	s5 =	sld [smem:$0x3FAE]  }
0x2b: {  	s6 =	sld [smem:$0x3FAF]  }
0x2c: {  	s7 =	sld [smem:$0x3FB0]  }
0x2d: {  	s3 =	simm.s32 $0x108;
	s8 =	sld [smem:$0x3FB1]  }
0x2e: {  	s3 =	simm.s32 @!p0 $0x1082;
	s9 =	sld [smem:$0x3FB2]  }
0x2f: {  	lr =	sadd.s32 s0, s3;
	s0 =	sld [smem:$0x3FA9]  }
0x30: {  	s3 =	sld [smem:$0x3FAC]  }
0x31: {  	[smem:$0x3FB5] =	sst s10  }
0x32: {  	s10 =	sld [smem:$0x3FB3];
	_ =	sdelay $0x3  }
0x33: {  	p0 =	seq.s32 s10, $0x1;
	s10 =	sld [smem:$0x3FB5];
	_ =	sdelay $0x3  }
0x34: {  	[smem:$0x3FB5] =	sst s10  }
0x35: {  	s10 =	sld [smem:$0x3FB4];
	_ =	sdelay $0x3  }
0x36: {  	p1 =	seq.s32 s10, $0x1;
	s10 =	sld [smem:$0x3FB5];
	_ =	sdelay $0x3  }
0x37: {  	[smem:$0x3FB5] =	sst s10  }
0x38: {  	s10 =	sld [smem:$0x3FB6]  }
0x39: {  	_ = 	snop;
	(pc) =	sbr.ind lr, $3  }
0x3a: {  	_ = 	snop  }
0x3b: {  	_ = 	snop  }
0x3c: {  	p2 =	seq.s32 s10, $0x1;
	s10 =	sld [smem:$0x3FB5]  }
0x3d: {  	_ =	shalt  }
0x3e: {  	_ =	shalt  }
0x3f: {  	_ =	shalt  }
0x40: {  	_ =	shalt  }
0x41: {  	_ =	shalt  }
0x42: {  	_ =	shalt  }
0x43: {  	_ =	shalt  }
0x44: {  	_ =	shalt  }
0x45: {  	_ =	shalt  }
0x46: {  	_ =	shalt  }
0x47: {  	_ =	shalt  }
0x48: {  	_ =	shalt  }
0x49: {  	_ =	shalt  }
0x4a: {  	_ =	shalt  }
0x4b: {  	_ =	shalt  }
0x4c: {  	_ =	shalt  }
0x4d: {  	_ =	shalt  }
0x4e: {  	_ =	shalt  }
0x4f: {  	_ =	shalt  }
0x50: {  	_ =	shalt  }
0x51: {  	_ =	shalt  }
0x52: {  	_ =	shalt  }
0x53: {  	_ =	shalt  }
0x54: {  	_ =	shalt  }
0x55: {  	_ =	shalt  }
0x56: {  	_ =	shalt  }
0x57: {  	_ =	shalt  }
0x58: {  	_ =	shalt  }
0x59: {  	_ =	shalt  }
0x5a: {  	_ =	shalt  }
0x5b: {  	_ =	shalt  }
0x5c: {  	_ =	shalt  }
0x5d: {  	_ =	shalt  }
0x5e: {  	_ =	shalt  }
0x5f: {  	_ =	shalt  }
0x60: {  	_ =	shalt  }
0x61: {  	_ =	shalt  }
0x62: {  	_ =	shalt  }
0x63: {  	_ =	shalt  }
0x64: {  	_ =	shalt  }
0x65: {  	_ =	shalt  }
0x66: {  	_ =	shalt  }
0x67: {  	_ =	shalt  }
0x68: {  	_ =	shalt  }
0x69: {  	_ =	shalt  }
0x6a: {  	_ =	shalt  }
0x6b: {  	_ =	shalt  }
0x6c: {  	_ =	shalt  }
0x6d: {  	_ =	shalt  }
0x6e: {  	_ =	shalt  }
0x6f: {  	_ =	shalt  }
0x70: {  	_ =	shalt  }
0x71: {  	_ =	shalt  }
0x72: {  	_ =	shalt  }
0x73: {  	_ =	shalt  }
0x74: {  	_ =	shalt  }
0x75: {  	_ =	shalt  }
0x76: {  	_ =	shalt  }
0x77: {  	_ =	shalt  }
0x78: {  	_ =	shalt  }
0x79: {  	_ =	shalt  }
0x7a: {  	_ =	shalt  }
0x7b: {  	_ =	shalt  }
0x7c: {  	_ =	shalt  }
0x7d: {  	_ =	shalt  }
0x7e: {  	_ =	shalt  }
0x7f: {  	_ =	shalt  }
0x80: {  	_ =	shalt  }
0x81: {  	_ =	shalt  }
0x82: {  	_ =	shalt  }
0x83: {  	_ =	shalt  }
0x84: {  	_ =	shalt  }
0x85: {  	_ =	shalt  }
0x86: {  	_ =	shalt  }
0x87: {  	_ =	shalt  }
.Lfunc_end0:
.L_simem_size_0:
called_computation_lowered:
.L_overlay_start_0:
0x88: {  	s2 =	sld [smem:$0x3FD9]  }
0x89: {  	s3 =	sld [smem:$0x3FFE];
	_ =	sdelay $0x1  }
0x8a: {  	s1 =	srdreg.scid  }
0x8b: {  	s0 =	sand.u32 $0x1, s1  }
0x8c: {  	s17 =	sshll.u32 s0, $0xA;
	s2 =	sadd.s32 s3, s2  }
0x8d: {  	s2 =	sadd.s32 s2, s17  }
0x8e: {  	[smem:$0x3FC1] =	sst s2  }
0x8f: {  	_ = 	snop  }
0x90: {  	s2 =	sld [smem:$0x3FC7]  }
0x91: {  	s18 =	sld [smem:$0x3FD0];
	(tm) =	ssettm $0x1  }
0x92: {  	s4 =	sld [smem:$0x3FFB];
	_ =	sdelay $0x3  }
0x93: {  	_ =	strace s4  }
0x94: {  	s4 =	sld [smem:$0x3FFC];
	_ =	sdelay $0x3  }
0x95: {  	_ =	strace s4  }
0x96: {  	s4 =	sld [smem:$0x3FFD];
	_ =	sdelay $0x3  }
0x97: {  	_ =	strace s4  }
0x98: {  	_ =	strace $0x8FFFFFFF  }
0x99: {  	s19 =	sld [smem:$0x3FDB];
	_ =	sdelay $0x1  }
0x9a: {  	s5 =	simm.s32 $_scs_section_size  }
0x9b: {  	s6 =	simm.s32 $_size__tile_overlayer_lowered;
	s7 =	simm.s32 $_tile_overlayer_lowered  }
0x9c: {  	s22 =	simm.s32 $0x1BFF;
	s21 =	sshll.u32 s7, $0x1;
	s4 =	sadd.s32 s5, s19  }
0x9d: {  	s8 =	simm.s32 $0x0;
	s20 =	sshll.u32 s6, $0x1;
	s6 =	sadd.s32 s21, s4  }
0x9e: {  	[timem:s8], [sflag:s22] =	dma.local [hbm:s6], s20  }
0x9f: {  	_ =	swait.ge [sflag:s22], s20  }
0xa0: {  	s5 =	ssub.s32 $0x0, s20;
	[sflag:s22] =	ssyncset.done $0x0  }
0xa1: {  	[sflag:s22] =	ssyncadd.s32 s5;
	_ =	sdelay $0x1  }
0xa2: {  	s23 =	simm.s32 $0x1B8B  }
0xa3: {  	_ =	swait.ge [sflag:s23], $0x1  }
0xa4: {  	[sflag:s23] =	ssyncset.done $0x0  }
0xa5: {  	s25 =	simm.s32 $0x1B8E;
	s24 =	sld [smem:$0x3FFE];
	[sflag:s23] =	ssyncadd.s32 $0xFFFFFFFF  }
0xa6: {  	s26 =	simm.s32 $execute0_lowered;
	[smem:$0x3FD2] =	sst s25  }
0xa7: {  	s6 =	sshll.u32 s26, $0x1;
	_ =	strace $0x80000046;
	[dreg:$0x1] =	wrdreg $0xFFFFFFFF  }
0xa8: {  	s28 =	simm.s32 $_size_execute0_lowered;
	s4 =	sadd.s32 s4, s6;
	[dreg:$0x0] =	wrdreg $0x0  }
0xa9: {  	s6 =	sshll.u32 s28, $0x1;
	[dreg:$0x2] =	wrdreg s4  }
0xaa: {  	[dreg:$0x3] =	wrdreg s6  }
0xab: {  	[dreg:$0x4] =	wrdreg $0xC0  }
0xac: {  	_ =	task [dreg:s8], $0x5FFFF  }
0xad: {  	[dreg:$0x1] =	wrdreg $0xFFFFFFFF  }
0xae: {  	[dreg:$0x0] =	wrdreg $0x60  }
0xaf: {  	[dreg:$0x2] =	wrdreg s18  }
0xb0: {  	[dreg:$0x3] =	wrdreg s24  }
0xb1: {  	[dreg:$0x4] =	wrdreg s2  }
0xb2: {  	[dreg:$0x5] =	wrdreg $0x9  }
0xb3: {  	_ =	task.clear_ibuf [dreg:s8], $0x6FFFF;
	_ =	strace $0x90000046  }
0xb4: {  	s29 =	simm.s32 $0x9;
	_ =	strace $0x80000048  }
0xb5: {  	_ =	swait.ge [sflag:s29], $0x1  }
0xb6: {  	[sflag:s29] =	ssyncadd.s32 $0xFFFFFFFF  }
0xb7: {  	_ =	strace $0x90000048  }
0xb8: {  	_ =	sfence  }
0xb9: {  	s30 =	sld [smem:$0x0];
	_ =	sdelay $0x2  }
0xba: {  	s31 =	sshll.u32 s1, $0xD;
	s1 =	sshrl.u32 s1, $0x2  }
0xbb: {  	s3 =	sand.u32 $0x4000, s31;
	s1 =	sadd.s32 s1, s30  }
0xbc: {  	s0 =	sor.u32 s3, s0;
	s1 =	sshll.u32 s1, $0x11  }
0xbd: {  	s0 =	sor.u32 s1, s0  }
0xbe: {  	s0 =	sadd.s32 $0x8F2B, s0  }
0xbf: {  	[sflag:s0] =	ssyncadd.remote.s32 $0x1  }
0xc0: {  	_ =	sfence.sel $0xFFFF  }
0xc1: {  	[dreg:$0x0] =	wrdreg $0xFFFFFFFF;
	(pc) =	sbr.abs _section_cstart, $3  }
0xc2: {  	[dreg:$0x1] =	wrdreg $0xFFFFFFFF  }
0xc3: {  	_ =	task.clear_ibuf [dreg:s8], $0x2FFFF;
	_ =	strace $0x9FFFFFFF  }
0xc4: {  	(tm) =	ssettm $0x7FFFFFFF  }
0xc5: {  	_ =	shalt  }
tec
execute0_lowered:
.L_overlay_start_1:
0x0: {  	(tag) =	ssettag $0x1  }
0x1: {  	s0 =	rddreg [dreg:$0x0]  }
0x2: {  	s1 =	rddreg [dreg:$0x1]  }
0x3: {  	s2 =	rddreg [dreg:$0x2]  }
0x4: {  	s3 =	srdreg.scid;
	s7 =	stileid.u32  }
0x5: {  	s18 =	simm.s32 $0xF180;
	s19 =	simm.s32 $0xF980;
	s20 =	simm.s32 $0x10180  }
0x6: {  	s21 =	simm.s32 $0x10980;
	s22 =	simm.s32 $0x1;
	s23 =	simm.s32 $0x11180  }
0x7: {  	s24 =	simm.s32 $0x2;
	s25 =	simm.s32 $0x4;
	s26 =	simm.s32 $0x15180  }
0x8: {  	s4 =	sand.u32 $0x1, s3;
	s5 =	sshll.u32 s7, $0x1;
	s3 =	simm.s32 $0x0  }
0x9: {  	s28 =	sshrl.u32 s7, $0x2;
	s8 =	sadd.s32 $0x800, s1;
	s9 =	sadd.s32 $0x300, s2  }
0xa: {  	s6 =	sor.u32 s4, s5;
	[smem:$0x7FF] =	sst s3;
	s5 =	smul.u32 $0x808, s28  }
0xb: {  	s4 =	ssub.s32 $0x2, s4;
	s29 =	sshll.u32 s6, $0x8;
	_ =	strace $0x80000047  }
0xc: {  	[dreg:$0x4] =	wrdreg s8;
	s30 =	sshrl.u32 s4, $0x1;
	s7 =	sand.u32 $0x700, s29  }
0xd: {  	s7 =	sadd.s32 s5, s7;
	s5 =	sadd.s32 $0xA00, s1;
	s1 =	ssub.s32 s4, s30  }
0xe: {  	v2 =	vlaneseq.u32;
	s8 =	sadd.s32 $0x200, s2;
	s7 =	sshrl.u32 s7, $0x3;
	s31 =	smax.u32 s1, $0x1  }
0xf: {  	vm0 =	vmmov $0xffff;
	v1 =	vshrl.u32 v2, $0x3;
	s10 =	sshll.u32 s6, $0xE;
	s0 =	sadd.s32 s0, s7;
	[dreg:$0x6] =	wrdreg s31  }
0x10: {  	v0 =	vand.u32 $0x7, v2;
	v2 =	vor.u32 $0x8, v2;
	v1 =	vmul.u32 $0x8, v1;
	s1 =	simm.s32 $0x0;
	s7 =	sadd.s32 $0x100, s2;
	[dreg:$0x5] =	wrdreg s0  }
.LBB2_1:
0x11: {  	[dreg:$0x7] =	wrdreg s1  }
0x12: {  	s0 =	rddreg [dreg:$0x5];
	s30 =	simm.s32 $0x5  }
0x13: {  	[tilespmem:s3], [sflag:$0x5] =	stream.linear.gather [hbm4b:s0+s3], $0x108, $0x38;
	[tilespmem:$0x19180] =	vst v63  }
0x14: {  	_ =	swait.ge [sflag:s30], $0x108  }
0x15: {  	[sflag:s30] =	ssyncset.done $0x0  }
0x16: {  	s4 =	simm.s32 $0x180;
	s31 =	rddreg [dreg:$0x4];
	[sflag:s30] =	ssyncadd.s32 $0xFFFFFEF8  }
0x17: {  	[tilespmem:s4], [sflag:$0x5] =	stream.linear.gather [hbm4b:s31+s3], $0x600, $0x38;
	[tilespmem:$0x19180] =	vst v63  }
0x18: {  	_ =	swait.ge [sflag:s30], $0x600  }
0x19: {  	[sflag:s30] =	ssyncset.done $0x0  }
0x1a: {  	[sflag:s30] =	ssyncadd.s32 $0xFFFFFA00  }
0x1b: {  	v3 =	vld [tilespmem:$0x180]  }
0x1c: {  	s0 =	simm.s32 $0x8;
	v5 =	vld [tilespmem:$0x200]  }
0x1d: {  	v13 =	vld [tilespmem:s0+$0xFFFFFFFF]  }
0x1e: {  	v14 =	vld [tilespmem:s0+$0x0]  }
0x1f: {  	v15 =	vld [tilespmem:s0+$0xFFFFFFFE]  }
0x20: {  	v6 =	vld [tilespmem:$0x280]  }
0x21: {  	v7 =	vld [tilespmem:$0x300]  }
0x22: {  	v8 =	vld [tilespmem:$0x480]  }
0x23: {  	v4 =	vld [tilespmem:$0x600];
	v9 =	vshra.s32 v13, $0x1F;
	v10 =	vshra.s32 v14, $0x1F  }
0x24: {  	v16 =	vshra.s32 v15, $0x1F;
	v11 =	vshrl.u32 v9, $0x12;
	v9 =	vld [tilespmem:$0x380];
	v12 =	vshrl.u32 v10, $0x12  }
0x25: {  	v10 =	vld [tilespmem:$0x680];
	v16 =	vshrl.u32 v16, $0x12;
	v11 =	vadd.s32 v11, v13;
	v12 =	vadd.s32 v12, v14  }
0x26: {  	v16 =	vadd.s32 v16, v15;
	v17 =	vshrl.u32 v11, $0xE;
	v11 =	vld [tilespmem:$0x400];
	v18 =	vshrl.u32 v12, $0xE  }
0x27: {  	v12 =	vld [tilespmem:$0x500];
	v16 =	vshrl.u32 v16, $0xE;
	v17 =	vshll.u32 v17, $0xE;
	v19 =	vshll.u32 v18, $0xE  }
0x28: {  	v16 =	vshll.u32 v16, $0xE;
	v17 =	vsub.s32 v13, v17;
	v13 =	vld [tilespmem:$0x580];
	v21 =	vsub.s32 v14, v19  }
0x29: {  	v22 =	vsub.s32 v15, v16;
	v25 =	vmul.u32 v8, v17;
	v18 =	vmul.u32 v4, v17  }
0x2a: {  	v26 =	vmul.u32 v5, v17;
	v23 =	vmul.u32 v7, v17;
	v14 =	vmul.u32 v9, v17  }
0x2b: {  	v19 =	vmul.u32 v5, v21;
	v20 =	vmul.u32 v10, v17;
	v15 =	vmul.u32 v3, v17  }
0x2c: {  	v16 =	vmul.u32 v6, v21;
	v30 =	vmul.u32 v7, v22;
	v27 =	vmul.u32 v11, v21  }
0x2d: {  	v17 =	vmul.u32 v12, v17;
	v19 =	vadd.s32 v19, v15;
	v15 =	vmul.u32 v13, v21  }
0x2e: {  	v29 =	vmul.u32 v12, v21;
	v14 =	vadd.s32 v27, v14  }
0x2f: {  	v27 =	vadd.s32 v16, v26;
	v16 =	vadd.s32 v15, v17;
	v17 =	vadd.s32 v30, v14;
	v14 =	vld [tilespmem:$0x700]  }
0x30: {  	v24 =	vmul.u32 v3, v22;
	v31 =	vmul.u32 v8, v22  }
0x31: {  	s6 =	simm.s32 $0x980;
	v28 =	vmul.u32 v9, v21;
	v15 =	vadd.s32 v29, v25;
	v25 =	vmul.u32 v10, v21  }
0x32: {  	s11 =	simm.s32 $0x10;
	s1 =	simm.s32 $0x980;
	s4 =	simm.s32 $0x0;
	v26 =	vshra.s32 v15, $0x1F;
	v29 =	vshra.s32 v17, $0x1F;
	v16 =	vadd.s32 v31, v16  }
.LBB2_2:
0x33: {  	p0 =	sne.s32 s11, $0xF0;
	v23 =	vadd.s32 v28, v23;
	v28 =	vshrl.u32 v29, $0x12;
	v29 =	vshra.s32 v16, $0x1F;
	s6 =	sadd.s32 $0x10, s6;
	s0 =	sadd.s32 $0x10, s0  }
0x34: {  	v24 =	vadd.s32 v24, v27;
	v21 =	vmul.u32 v14, v21;
	s12 =	smov.u32 s11;
	s11 =	sadd.s32 $0x10, s11;
	v30 =	vshra.s32 v23, $0x1F  }
0x35: {  	v27 =	vshra.s32 v19, $0x1F;
	v18 =	vadd.s32 v25, v18;
	v22 =	vmul.u32 v4, v22  }
0x36: {  	v26 =	vshrl.u32 v26, $0x12;
	v25 =	vshrl.u32 v27, $0x12;
	v20 =	vadd.s32 v21, v20  }
0x37: {  	v21 =	vadd.s32 v25, v19;
	v25 =	vshrl.u32 v29, $0x12;
	v20 =	vadd.s32 v22, v20  }
0x38: {  	v21 =	vand.u32 $0xFFFFC000, v21;
	v22 =	vshra.s32 v18, $0x1F;
	v27 =	vshra.s32 v20, $0x1F  }
0x39: {  	v19 =	vsub.s32 v19, v21;
	v21 =	vshra.s32 v24, $0x1F;
	v27 =	vshrl.u32 v27, $0x12  }
0x3a: {  	v21 =	vshrl.u32 v21, $0x12;
	[tilespmem:s1+$0x0] =	vst v19;
	v19 =	vshrl.u32 v22, $0x12;
	v22 =	vadd.s32 v27, v20;
	s1 =	smov.u32 s6  }
0x3b: {  	v21 =	vadd.s32 v21, v24;
	v19 =	vadd.s32 v19, v18;
	v22 =	vshrl.u32 v22, $0xE  }
0x3c: {  	v25 =	vadd.s32 v25, v16;
	v19 =	vshrl.u32 v19, $0xE;
	v22 =	vshll.u32 v22, $0xE  }
0x3d: {  	v25 =	vshrl.u32 v25, $0xE;
	v19 =	vshll.u32 v19, $0xE;
	v20 =	vsub.s32 v20, v22  }
0x3e: {  	s13 =	sand.u32 $0xF0, s4;
	s4 =	smov.u32 s12;
	v21 =	vshrl.u32 v21, $0xE;
	v22 =	vadd.s32 v28, v17;
	v20 =	vadd.s32 $0x1C000, v20  }
0x3f: {  	v18 =	vsub.s32 v18, v19;
	v19 =	vshll.u32 v21, $0xE;
	v21 =	vshrl.u32 v22, $0xE;
	[tilespmem:s13+$0x1080] =	vst v20  }
0x40: {  	v18 =	vadd.s32 $0xC000, v18;
	v19 =	vsub.s32 v24, v19;
	v20 =	vshll.u32 v21, $0xE  }
0x41: {  	v21 =	vshrl.u32 v30, $0x12;
	v17 =	vsub.s32 v17, v20;
	[tilespmem:s13+$0xC80] =	vst v18;
	v18 =	vadd.s32 $0x10000, v19  }
0x42: {  	v19 =	vadd.s32 v21, v23;
	v17 =	vadd.s32 $0x14000, v17;
	[tilespmem:s13+$0xD80] =	vst v18;
	v18 =	vshll.u32 v25, $0xE  }
0x43: {  	v20 =	vadd.s32 v26, v15;
	v19 =	vshrl.u32 v19, $0xE;
	[tilespmem:s13+$0xE80] =	vst v17;
	v16 =	vsub.s32 v16, v18  }
0x44: {  	v17 =	vshll.u32 v19, $0xE;
	v18 =	vshrl.u32 v20, $0xE;
	v16 =	vadd.s32 $0x18000, v16  }
0x45: {  	v17 =	vsub.s32 v23, v17;
	v18 =	vshll.u32 v18, $0xE;
	[tilespmem:s13+$0xF80] =	vst v16  }
0x46: {  	v16 =	vadd.s32 $0x4000, v17;
	v15 =	vsub.s32 v15, v18  }
0x47: {  	v15 =	vadd.s32 $0x8000, v15;
	[tilespmem:s13+$0xA80] =	vst v16  }
0x48: {  	[tilespmem:s13+$0xB80] =	vst v15  }
0x49: {  	v15 =	vld [tilespmem:s0+$0xFFFFFFFF]  }
0x4a: {  	v16 =	vld [tilespmem:s0+$0x0]  }
0x4b: {  	v17 =	vld [tilespmem:s0+$0xFFFFFFFE];
	_ =	sdelay $0x2  }
0x4c: {  	v18 =	vshra.s32 v15, $0x1F  }
0x4d: {  	v19 =	vshra.s32 v16, $0x1F;
	v18 =	vshrl.u32 v18, $0x12  }
0x4e: {  	v19 =	vshrl.u32 v19, $0x12;
	v18 =	vadd.s32 v18, v15;
	v20 =	vshra.s32 v17, $0x1F  }
0x4f: {  	v19 =	vadd.s32 v19, v16;
	v18 =	vshrl.u32 v18, $0xE;
	v20 =	vshrl.u32 v20, $0x12  }
0x50: {  	v19 =	vshrl.u32 v19, $0xE;
	v18 =	vshll.u32 v18, $0xE;
	v20 =	vadd.s32 v20, v17  }
0x51: {  	v19 =	vshll.u32 v19, $0xE;
	v15 =	vsub.s32 v15, v18;
	v20 =	vshrl.u32 v20, $0xE  }
0x52: {  	v25 =	vmul.u32 v8, v15;
	v18 =	vmul.u32 v4, v15;
	v26 =	vmul.u32 v5, v15  }
0x53: {  	v21 =	vsub.s32 v16, v19;
	v23 =	vmul.u32 v7, v15;
	v16 =	vmul.u32 v9, v15  }
0x54: {  	v19 =	vshll.u32 v20, $0xE;
	v20 =	vmul.u32 v10, v15;
	v24 =	vmul.u32 v5, v21  }
0x55: {  	v22 =	vsub.s32 v17, v19;
	v17 =	vmul.u32 v3, v15;
	v27 =	vmul.u32 v6, v21  }
0x56: {  	v29 =	vmul.u32 v12, v21;
	v28 =	vmul.u32 v11, v21;
	v15 =	vmul.u32 v12, v15  }
.Ltmp0:
0x57: {  	v19 =	vadd.s32 v24, v17;
	v24 =	vmul.u32 v3, v22;
	v17 =	vmul.u32 v13, v21;
	(pc) =	sbr.rel @p0 .LBB2_2-.Ltmp0, $4  }
0x58: {  	v30 =	vmul.u32 v7, v22;
	v31 =	vmul.u32 v8, v22;
	v16 =	vadd.s32 v28, v16  }
0x59: {  	v28 =	vmul.u32 v9, v21;
	v27 =	vadd.s32 v27, v26;
	v32 =	vadd.s32 v17, v15  }
0x5a: {  	v15 =	vadd.s32 v29, v25;
	v25 =	vmul.u32 v10, v21;
	v17 =	vadd.s32 v30, v16  }
0x5b: {  	v26 =	vshra.s32 v15, $0x1F;
	v29 =	vshra.s32 v17, $0x1F;
	v16 =	vadd.s32 v31, v32  }
0x5c: {  	v3 =	vadd.s32 v28, v23;
	v5 =	vshrl.u32 v29, $0x12  }
0x5d: {  	v6 =	vshra.s32 v16, $0x1F;
	v8 =	vadd.s32 v24, v27;
	v9 =	vmul.u32 v14, v21  }
0x5e: {  	v10 =	vshra.s32 v19, $0x1F;
	v11 =	vadd.s32 v25, v18;
	v4 =	vmul.u32 v4, v22  }
0x5f: {  	v12 =	vshrl.u32 v26, $0x12;
	v7 =	vshra.s32 v3, $0x1F;
	v10 =	vshrl.u32 v10, $0x12  }
0x60: {  	v6 =	vshrl.u32 v6, $0x12;
	v51 =	vshra.s32 v11, $0x1F;
	v52 =	vshra.s32 v8, $0x1F  }
0x61: {  	v5 =	vadd.s32 v5, v17;
	v56 =	vadd.s32 v12, v15;
	v9 =	vadd.s32 v9, v20  }
0x62: {  	v10 =	vadd.s32 v10, v19;
	v14 =	vshrl.u32 v52, $0x12;
	v6 =	vadd.s32 v6, v16  }
0x63: {  	v5 =	vshrl.u32 v5, $0xE;
	v7 =	vshrl.u32 v7, $0x12;
	v59 =	vshrl.u32 v56, $0xE  }
0x64: {  	v4 =	vadd.s32 v4, v9;
	v50 =	vand.u32 $0xFFFFC000, v10;
	v10 =	vshrl.u32 v51, $0x12  }
0x65: {  	v14 =	vadd.s32 v14, v8;
	v6 =	vshrl.u32 v6, $0xE;
	v5 =	vshll.u32 v5, $0xE  }
0x66: {  	v7 =	vadd.s32 v7, v3;
	v60 =	vshll.u32 v59, $0xE;
	v13 =	vshra.s32 v4, $0x1F  }
0x67: {  	v9 =	vsub.s32 v19, v50;
	v10 =	vadd.s32 v10, v11;
	v53 =	vshrl.u32 v14, $0xE  }
0x68: {  	v5 =	vsub.s32 v17, v5;
	v7 =	vshrl.u32 v7, $0xE;
	v13 =	vshrl.u32 v13, $0x12  }
0x69: {  	v10 =	vshrl.u32 v10, $0xE;
	v54 =	vshll.u32 v53, $0xE;
	v5 =	vadd.s32 $0x14000, v5  }
0x6a: {  	s0 =	sand.u32 $0xF0, s4;
	[tilespmem:s1+$0x0] =	vst v9;
	v58 =	vshll.u32 v7, $0xE;
	v13 =	vadd.s32 v13, v4;
	v8 =	vsub.s32 v8, v54  }
0x6b: {  	v10 =	vshll.u32 v10, $0xE;
	[tilespmem:s0+$0xE80] =	vst v5;
	v3 =	vsub.s32 v3, v58;
	v55 =	vadd.s32 $0x10000, v8  }
0x6c: {  	v13 =	vshrl.u32 v13, $0xE;
	v10 =	vsub.s32 v11, v10;
	v3 =	vadd.s32 $0x4000, v3;
	[tilespmem:s0+$0xD80] =	vst v55  }
0x6d: {  	v61 =	vsub.s32 v15, v60;
	v13 =	vshll.u32 v13, $0xE;
	v10 =	vadd.s32 $0xC000, v10;
	[tilespmem:s0+$0xA80] =	vst v3  }
0x6e: {  	v6 =	vshll.u32 v6, $0xE;
	v3 =	vadd.s32 $0x8000, v61;
	v4 =	vsub.s32 v4, v13;
	[tilespmem:s0+$0xC80] =	vst v10  }
0x6f: {  	v57 =	vsub.s32 v16, v6;
	[tilespmem:s0+$0xB80] =	vst v3;
	v4 =	vadd.s32 $0x1C000, v4  }
0x70: {  	[tilespmem:s0+$0x1080] =	vst v4;
	v4 =	vadd.s32 $0x18000, v57  }
0x71: {  	[tilespmem:s0+$0xF80] =	vst v4  }
0x72: {  	v3 =	vld [tilespmem:$0x980];
	_ =	sdelay $0x4  }
0x73: {  	v62 =	vshll.u32 v3, $0x3  }
0x74: {  	v3 =	vand.u32 $0x7, v3;
	v4 =	vand.u32 $0xFFFFFFC0, v62  }
0x75: {  	v3 =	vor.u32 v3, v4  }
0x76: {  	v4 =	vperm.xlane v3, v0;
	_ =	sdelay $0x1  }
0x77: {  	v4 =	vadd.s32 v1, v4;
	_ =	sdelay $0x3  }
0x78: {  	s28 =	simm.s32 $0x0;
	s29 =	simm.s32 $0x1180  }
0x79: {  	[tilespmem:s29], [sflag:$0x1] =	stream.indirect_vreg.gather [hbm4b:s2+s28], $0x80, v4, vm0, $0xb8;
	[tilespmem:$0x19180] =	vst v63  }
0x7a: {  	s30 =	simm.s32 $0x1980;
	v3 =	vperm.xlane v3, v2  }
0x7b: {  	[tilespmem:s30], [sflag:$0x1] =	stream.indirect_vreg.gather [hbm4b:s7+s28], $0x80, v4, vm0, $0xb8;
	[tilespmem:$0x19180] =	vst v63  }
0x7c: {  	s31 =	simm.s32 $0x2180;
	v3 =	vadd.s32 v1, v3  }
0x7d: {  	[tilespmem:s31], [sflag:$0x1] =	stream.indirect_vreg.gather [hbm4b:s8+s28], $0x80, v4, vm0, $0xb8;
	[tilespmem:$0x19180] =	vst v63  }
0x7e: {  	s1 =	simm.s32 $0x2980  }
0x7f: {  	[tilespmem:s1], [sflag:$0x1] =	stream.indirect_vreg.gather [hbm4b:s9+s28], $0x80, v4, vm0, $0xb8;
	[tilespmem:$0x19180] =	vst v63  }
0x80: {  	s4 =	simm.s32 $0x3180  }
0x81: {  	[tilespmem:s4], [sflag:$0x1] =	stream.indirect_vreg.gather [hbm4b:s2+s28], $0x80, v3, vm0, $0xb8;
	[tilespmem:$0x19180] =	vst v63  }
0x82: {  	s6 =	simm.s32 $0x3980  }
0x83: {  	[tilespmem:s6], [sflag:$0x1] =	stream.indirect_vreg.gather [hbm4b:s7+s28], $0x80, v3, vm0, $0xb8;
	[tilespmem:$0x19180] =	vst v63  }
0x84: {  	s11 =	simm.s32 $0x4180  }
0x85: {  	[tilespmem:s11], [sflag:$0x1] =	stream.indirect_vreg.gather [hbm4b:s8+s28], $0x80, v3, vm0, $0xb8;
	[tilespmem:$0x19180] =	vst v63  }
0x86: {  	s12 =	simm.s32 $0x4980  }
0x87: {  	[tilespmem:s12], [sflag:$0x1] =	stream.indirect_vreg.gather [hbm4b:s9+s28], $0x80, v3, vm0, $0xb8;
	[tilespmem:$0x19180] =	vst v63  }
0x88: {  	v3 =	vld [tilespmem:$0x990];
	_ =	sdelay $0x4  }
0x89: {  	v63 =	vshll.u32 v3, $0x3  }
0x8a: {  	v3 =	vand.u32 $0x7, v3;
	v4 =	vand.u32 $0xFFFFFFC0, v63  }
0x8b: {  	v3 =	vor.u32 v3, v4  }
0x8c: {  	v4 =	vperm.xlane v3, v0;
	_ =	sdelay $0x1  }
0x8d: {  	v4 =	vadd.s32 v1, v4;
	_ =	sdelay $0x3  }
0x8e: {  	s13 =	simm.s32 $0x5180  }
0x8f: {  	[tilespmem:s13], [sflag:$0x1] =	stream.indirect_vreg.gather [hbm4b:s2+s28], $0x80, v4, vm0, $0xb8;
	[tilespmem:$0x19180] =	vst v63  }
0x90: {  	s14 =	simm.s32 $0x5980;
	v3 =	vperm.xlane v3, v2  }
0x91: {  	[tilespmem:s14], [sflag:$0x1] =	stream.indirect_vreg.gather [hbm4b:s7+s28], $0x80, v4, vm0, $0xb8;
	[tilespmem:$0x19180] =	vst v63  }
0x92: {  	s15 =	simm.s32 $0x6180;
	v3 =	vadd.s32 v1, v3  }
0x93: {  	[tilespmem:s15], [sflag:$0x1] =	stream.indirect_vreg.gather [hbm4b:s8+s28], $0x80, v4, vm0, $0xb8;
	[tilespmem:$0x19180] =	vst v63  }
0x94: {  	s16 =	simm.s32 $0x6980  }
0x95: {  	[tilespmem:s16], [sflag:$0x1] =	stream.indirect_vreg.gather [hbm4b:s9+s28], $0x80, v4, vm0, $0xb8;
	[tilespmem:$0x19180] =	vst v63  }
0x96: {  	s17 =	simm.s32 $0x7180  }
0x97: {  	[tilespmem:s17], [sflag:$0x1] =	stream.indirect_vreg.gather [hbm4b:s2+s28], $0x80, v3, vm0, $0xb8;
	[tilespmem:$0x19180] =	vst v63  }
0x98: {  	s29 =	simm.s32 $0x7980  }
0x99: {  	[tilespmem:s29], [sflag:$0x1] =	stream.indirect_vreg.gather [hbm4b:s7+s28], $0x80, v3, vm0, $0xb8;
	[tilespmem:$0x19180] =	vst v63  }
0x9a: {  	s30 =	simm.s32 $0x8180  }
0x9b: {  	[tilespmem:s30], [sflag:$0x1] =	stream.indirect_vreg.gather [hbm4b:s8+s28], $0x80, v3, vm0, $0xb8;
	[tilespmem:$0x19180] =	vst v63  }
0x9c: {  	s31 =	simm.s32 $0x8980  }
0x9d: {  	[tilespmem:s31], [sflag:$0x1] =	stream.indirect_vreg.gather [hbm4b:s9+s28], $0x80, v3, vm0, $0xb8;
	[tilespmem:$0x19180] =	vst v63  }
.LBB2_4:
0x9e: {  	s29 =	sshllo.u32 s28, $0x1  }
0x9f: {  	s0 =	sshll.u32 s29, $0x5  }
0xa0: {  	s0 =	sand.u32 $0x3FFFFFE0, s0  }
0xa1: {  	v3 =	vld [tilespmem:s0+$0x980];
	_ =	sdelay $0x4  }
0xa2: {  	v4 =	vshll.u32 v3, $0x3  }
0xa3: {  	v3 =	vand.u32 $0x7, v3;
	v4 =	vand.u32 $0xFFFFFFC0, v4  }
0xa4: {  	v3 =	vor.u32 v3, v4  }
0xa5: {  	v4 =	vperm.xlane v3, v0;
	_ =	sdelay $0x1  }
0xa6: {  	v4 =	vadd.s32 v1, v4;
	_ =	sdelay $0x3  }
0xa7: {  	s1 =	simm.s32 $0x9180  }
0xa8: {  	[tilespmem:s1], [sflag:$0x2] =	stream.indirect_vreg.gather [hbm4b:s2+s3], $0x80, v4, vm0, $0xb8;
	[tilespmem:$0x19180] =	vst v63  }
0xa9: {  	s16 =	simm.s32 $0x9980;
	v3 =	vperm.xlane v3, v2  }
0xaa: {  	[tilespmem:s16], [sflag:$0x2] =	stream.indirect_vreg.gather [hbm4b:s7+s3], $0x80, v4, vm0, $0xb8;
	[tilespmem:$0x19180] =	vst v63  }
0xab: {  	s17 =	simm.s32 $0xA180;
	v3 =	vadd.s32 v1, v3  }
0xac: {  	[tilespmem:s17], [sflag:$0x2] =	stream.indirect_vreg.gather [hbm4b:s8+s3], $0x80, v4, vm0, $0xb8;
	[tilespmem:$0x19180] =	vst v63  }
0xad: {  	s4 =	simm.s32 $0xA980  }
0xae: {  	[tilespmem:s4], [sflag:$0x2] =	stream.indirect_vreg.gather [hbm4b:s9+s3], $0x80, v4, vm0, $0xb8;
	[tilespmem:$0x19180] =	vst v63  }
0xaf: {  	s6 =	simm.s32 $0xB180  }
0xb0: {  	[tilespmem:s6], [sflag:$0x2] =	stream.indirect_vreg.gather [hbm4b:s2+s3], $0x80, v3, vm0, $0xb8;
	[tilespmem:$0x19180] =	vst v63  }
0xb1: {  	s11 =	simm.s32 $0xB980  }
0xb2: {  	[tilespmem:s11], [sflag:$0x2] =	stream.indirect_vreg.gather [hbm4b:s7+s3], $0x80, v3, vm0, $0xb8;
	[tilespmem:$0x19180] =	vst v63  }
0xb3: {  	s12 =	simm.s32 $0xC180  }
0xb4: {  	[tilespmem:s12], [sflag:$0x2] =	stream.indirect_vreg.gather [hbm4b:s8+s3], $0x80, v3, vm0, $0xb8;
	[tilespmem:$0x19180] =	vst v63  }
0xb5: {  	s13 =	simm.s32 $0xC980  }
0xb6: {  	[tilespmem:s13], [sflag:$0x2] =	stream.indirect_vreg.gather [hbm4b:s9+s3], $0x80, v3, vm0, $0xb8;
	[tilespmem:$0x19180] =	vst v63  }
0xb7: {  	v3 =	vld [tilespmem:s0+$0x990];
	_ =	sdelay $0x4  }
0xb8: {  	v63 =	vshll.u32 v3, $0x3  }
0xb9: {  	v3 =	vand.u32 $0x7, v3;
	v4 =	vand.u32 $0xFFFFFFC0, v63  }
0xba: {  	v3 =	vor.u32 v3, v4  }
0xbb: {  	v4 =	vperm.xlane v3, v0;
	_ =	sdelay $0x1  }
0xbc: {  	v4 =	vadd.s32 v1, v4;
	_ =	sdelay $0x3  }
0xbd: {  	s14 =	simm.s32 $0xD180  }
0xbe: {  	[tilespmem:s14], [sflag:$0x2] =	stream.indirect_vreg.gather [hbm4b:s2+s3], $0x80, v4, vm0, $0xb8;
	[tilespmem:$0x19180] =	vst v63  }
0xbf: {  	s15 =	simm.s32 $0xD980;
	v3 =	vperm.xlane v3, v2  }
0xc0: {  	[tilespmem:s15], [sflag:$0x2] =	stream.indirect_vreg.gather [hbm4b:s7+s3], $0x80, v4, vm0, $0xb8;
	[tilespmem:$0x19180] =	vst v63  }
0xc1: {  	s16 =	simm.s32 $0xE180;
	v3 =	vadd.s32 v1, v3  }
0xc2: {  	[tilespmem:s16], [sflag:$0x2] =	stream.indirect_vreg.gather [hbm4b:s8+s3], $0x80, v4, vm0, $0xb8;
	[tilespmem:$0x19180] =	vst v63  }
0xc3: {  	s17 =	simm.s32 $0xE980  }
0xc4: {  	[tilespmem:s17], [sflag:$0x2] =	stream.indirect_vreg.gather [hbm4b:s9+s3], $0x80, v4, vm0, $0xb8;
	[tilespmem:$0x19180] =	vst v63  }
0xc5: {  	_ = 	snop  }
0xc6: {  	[tilespmem:s18], [sflag:$0x2] =	stream.indirect_vreg.gather [hbm4b:s2+s3], $0x80, v3, vm0, $0xb8;
	[tilespmem:$0x19180] =	vst v63  }
0xc7: {  	_ = 	snop  }
0xc8: {  	[tilespmem:s19], [sflag:$0x2] =	stream.indirect_vreg.gather [hbm4b:s7+s3], $0x80, v3, vm0, $0xb8;
	[tilespmem:$0x19180] =	vst v63  }
0xc9: {  	_ = 	snop  }
0xca: {  	[tilespmem:s20], [sflag:$0x2] =	stream.indirect_vreg.gather [hbm4b:s8+s3], $0x80, v3, vm0, $0xb8;
	[tilespmem:$0x19180] =	vst v63  }
0xcb: {  	_ = 	snop  }
0xcc: {  	[tilespmem:s21], [sflag:$0x2] =	stream.indirect_vreg.gather [hbm4b:s9+s3], $0x80, v3, vm0, $0xb8;
	[tilespmem:$0x19180] =	vst v63  }
0xcd: {  	_ =	swait.ge [sflag:s22], $0x8000  }
0xce: {  	p0 =	seq.s32 s28, $0x0;
	[sflag:s22] =	ssyncset.done $0x0  }
0xcf: {  	s0 =	simm.s32 @!p0 $0x3;
	[sflag:s22] =	ssyncadd.s32 $0xFFFF8000  }
0xd0: {  	_ =	swait.ge @!p0 [sflag:s0], $0x4000  }
0xd1: {  	[sflag:s0] =	ssyncset.done @!p0 $0x0  }
0xd2: {  	s30 =	simm.s32 $0xFFFFFFFC;
	s31 =	simm.s32 $0x0;
	[sflag:s0] =	ssyncadd.s32 @!p0 $0xFFFFC000  }
.LBB2_5:
0xd3: {  	s30 =	sadd.s32 $0x4, s30  }
0xd4: {  	s0 =	sshll.u32 s30, $0xA  }
0xd5: {  	s0 =	sand.u32 $0x3FFFE000, s0  }
0xd6: {  	s6 =	sand.u32 $0x200, s31;
	s0 =	sor.u32 $0x1180, s0  }
0xd7: {  	s11 =	sor.u32 s6, s0  }
0xd8: {  	s12 =	sor.u32 $0x80, s6;
	v3 =	vld [tilespmem:s11+$0x0]  }
0xd9: {  	s4 =	sadd.s32 s12, s0;
	v4 =	vld [tilespmem:s11+$0x1000]  }
0xda: {  	s14 =	sor.u32 $0x100, s6;
	v5 =	vld [tilespmem:s4+$0x0]  }
0xdb: {  	s1 =	sadd.s32 s14, s0;
	v6 =	vld [tilespmem:s4+$0x1000]  }
0xdc: {  	s15 =	sor.u32 $0x180, s6;
	v7 =	vld [tilespmem:s1+$0x0]  }
0xdd: {  	s16 =	sshll.u32 s30, $0x9;
	s13 =	sadd.s32 s15, s0;
	v8 =	vld [tilespmem:s1+$0x1000]  }
0xde: {  	s17 =	sand.u32 $0x3FFFF000, s16;
	v9 =	vld [tilespmem:s13+$0x0];
	v3 =	vadd.s32 $0x8000, v3;
	v4 =	vadd.s32 $0x8000, v4  }
0xdf: {  	s16 =	sadd.s32 $0x11180, s17;
	v10 =	vld [tilespmem:s13+$0x1000];
	v3 =	vshrl.u32 v3, $0x10;
	v4 =	vand.u32 $0xFFFF0000, v4  }
0xe0: {  	s0 =	sor.u32 s6, s16;
	v15 =	vadd.s32 $0x8000, v5;
	v16 =	vadd.s32 $0x8000, v6;
	v3 =	vor.u32 v3, v4  }
0xe1: {  	v17 =	vand.u32 $0xFFFF0000, v16;
	[tilespmem:s0+$0x0] =	vst v3;
	v3 =	vshrl.u32 v15, $0x10  }
0xe2: {  	s12 =	sadd.s32 s12, s16;
	v19 =	vadd.s32 $0x8000, v7;
	v20 =	vadd.s32 $0x8000, v8;
	v18 =	vld [tilespmem:s11+$0x10];
	v3 =	vor.u32 v3, v17  }
0xe3: {  	v22 =	vand.u32 $0xFFFF0000, v20;
	v21 =	vld [tilespmem:s11+$0x1010];
	[tilespmem:s12+$0x0] =	vst v3;
	v3 =	vshrl.u32 v19, $0x10  }
0xe4: {  	s14 =	sadd.s32 s14, s16;
	v24 =	vadd.s32 $0x8000, v9;
	v25 =	vadd.s32 $0x8000, v10;
	v23 =	vld [tilespmem:s4+$0x10];
	v3 =	vor.u32 v3, v22  }
0xe5: {  	v27 =	vand.u32 $0xFFFF0000, v25;
	v26 =	vld [tilespmem:s4+$0x1010];
	[tilespmem:s14+$0x0] =	vst v3;
	v3 =	vshrl.u32 v24, $0x10  }
0xe6: {  	s17 =	sadd.s32 s15, s16;
	v28 =	vld [tilespmem:s1+$0x10];
	v3 =	vor.u32 v3, v27  }
0xe7: {  	v29 =	vld [tilespmem:s1+$0x1010];
	[tilespmem:s17+$0x0] =	vst v3  }
0xe8: {  	v3 =	vadd.s32 $0x8000, v18;
	v30 =	vadd.s32 $0x8000, v21;
	v31 =	vld [tilespmem:s13+$0x10]  }
0xe9: {  	v3 =	vshrl.u32 v3, $0x10;
	v5 =	vand.u32 $0xFFFF0000, v30;
	v32 =	vld [tilespmem:s13+$0x1010]  }
0xea: {  	v3 =	vor.u32 v3, v5;
	v33 =	vadd.s32 $0x8000, v23;
	v34 =	vadd.s32 $0x8000, v26  }
0xeb: {  	[tilespmem:s0+$0x10] =	vst v3;
	v3 =	vshrl.u32 v33, $0x10;
	v35 =	vand.u32 $0xFFFF0000, v34  }
0xec: {  	v36 =	vld [tilespmem:s11+$0x20];
	v3 =	vor.u32 v3, v35;
	v37 =	vadd.s32 $0x8000, v28;
	v4 =	vadd.s32 $0x8000, v29  }
0xed: {  	v38 =	vld [tilespmem:s11+$0x1020];
	[tilespmem:s12+$0x10] =	vst v3;
	v3 =	vshrl.u32 v37, $0x10;
	v4 =	vand.u32 $0xFFFF0000, v4  }
0xee: {  	v39 =	vld [tilespmem:s4+$0x20];
	v3 =	vor.u32 v3, v4;
	v40 =	vadd.s32 $0x8000, v31;
	v41 =	vadd.s32 $0x8000, v32  }
0xef: {  	v42 =	vld [tilespmem:s4+$0x1020];
	[tilespmem:s14+$0x10] =	vst v3;
	v3 =	vshrl.u32 v40, $0x10;
	v43 =	vand.u32 $0xFFFF0000, v41  }
0xf0: {  	v44 =	vld [tilespmem:s1+$0x20];
	v3 =	vor.u32 v3, v43  }
0xf1: {  	v45 =	vld [tilespmem:s1+$0x1020];
	[tilespmem:s17+$0x10] =	vst v3  }
0xf2: {  	v3 =	vadd.s32 $0x8000, v36;
	v46 =	vadd.s32 $0x8000, v38;
	v47 =	vld [tilespmem:s13+$0x20]  }
0xf3: {  	v3 =	vshrl.u32 v3, $0x10;
	v6 =	vand.u32 $0xFFFF0000, v46;
	v48 =	vld [tilespmem:s13+$0x1020]  }
0xf4: {  	v3 =	vor.u32 v3, v6;
	v5 =	vadd.s32 $0x8000, v39;
	v49 =	vadd.s32 $0x8000, v42  }
0xf5: {  	[tilespmem:s0+$0x20] =	vst v3;
	v3 =	vshrl.u32 v5, $0x10;
	v50 =	vand.u32 $0xFFFF0000, v49  }
0xf6: {  	v51 =	vld [tilespmem:s11+$0x30];
	v3 =	vor.u32 v3, v50;
	v52 =	vadd.s32 $0x8000, v44;
	v4 =	vadd.s32 $0x8000, v45  }
0xf7: {  	v53 =	vld [tilespmem:s11+$0x1030];
	[tilespmem:s12+$0x20] =	vst v3;
	v3 =	vshrl.u32 v52, $0x10;
	v4 =	vand.u32 $0xFFFF0000, v4  }
0xf8: {  	v54 =	vld [tilespmem:s4+$0x30];
	v3 =	vor.u32 v3, v4;
	v55 =	vadd.s32 $0x8000, v47;
	v56 =	vadd.s32 $0x8000, v48  }
0xf9: {  	v57 =	vld [tilespmem:s4+$0x1030];
	[tilespmem:s14+$0x20] =	vst v3;
	v3 =	vshrl.u32 v55, $0x10;
	v58 =	vand.u32 $0xFFFF0000, v56  }
0xfa: {  	v59 =	vld [tilespmem:s1+$0x30];
	v3 =	vor.u32 v3, v58  }
0xfb: {  	v60 =	vld [tilespmem:s1+$0x1030];
	[tilespmem:s17+$0x20] =	vst v3  }
0xfc: {  	v3 =	vadd.s32 $0x8000, v51;
	v61 =	vadd.s32 $0x8000, v53;
	v62 =	vld [tilespmem:s13+$0x30]  }
0xfd: {  	v3 =	vshrl.u32 v3, $0x10;
	v6 =	vand.u32 $0xFFFF0000, v61;
	v63 =	vld [tilespmem:s13+$0x1030]  }
0xfe: {  	v3 =	vor.u32 v3, v6;
	v5 =	vadd.s32 $0x8000, v54;
	v11 =	vadd.s32 $0x8000, v57  }
0xff: {  	[tilespmem:s0+$0x30] =	vst v3;
	v3 =	vshrl.u32 v5, $0x10;
	v12 =	vand.u32 $0xFFFF0000, v11  }
0x100: {  	v13 =	vld [tilespmem:s11+$0x40];
	v3 =	vor.u32 v3, v12;
	v14 =	vadd.s32 $0x8000, v59;
	v4 =	vadd.s32 $0x8000, v60  }
0x101: {  	v15 =	vld [tilespmem:s11+$0x1040];
	[tilespmem:s12+$0x30] =	vst v3;
	v3 =	vshrl.u32 v14, $0x10;
	v4 =	vand.u32 $0xFFFF0000, v4  }
0x102: {  	v16 =	vld [tilespmem:s4+$0x40];
	v3 =	vor.u32 v3, v4;
	v17 =	vadd.s32 $0x8000, v62;
	v18 =	vadd.s32 $0x8000, v63  }
0x103: {  	v19 =	vld [tilespmem:s4+$0x1040];
	[tilespmem:s14+$0x30] =	vst v3;
	v3 =	vshrl.u32 v17, $0x10;
	v20 =	vand.u32 $0xFFFF0000, v18  }
0x104: {  	v21 =	vld [tilespmem:s1+$0x40];
	v3 =	vor.u32 v3, v20  }
0x105: {  	v22 =	vld [tilespmem:s1+$0x1040];
	[tilespmem:s17+$0x30] =	vst v3  }
0x106: {  	v3 =	vadd.s32 $0x8000, v13;
	v23 =	vadd.s32 $0x8000, v15;
	v24 =	vld [tilespmem:s13+$0x40]  }
0x107: {  	v3 =	vshrl.u32 v3, $0x10;
	v6 =	vand.u32 $0xFFFF0000, v23;
	v25 =	vld [tilespmem:s13+$0x1040]  }
0x108: {  	v3 =	vor.u32 v3, v6;
	v5 =	vadd.s32 $0x8000, v16;
	v26 =	vadd.s32 $0x8000, v19  }
0x109: {  	[tilespmem:s0+$0x40] =	vst v3;
	v3 =	vshrl.u32 v5, $0x10;
	v27 =	vand.u32 $0xFFFF0000, v26  }
0x10a: {  	v28 =	vld [tilespmem:s11+$0x50];
	v3 =	vor.u32 v3, v27;
	v29 =	vadd.s32 $0x8000, v21;
	v4 =	vadd.s32 $0x8000, v22  }
0x10b: {  	v30 =	vld [tilespmem:s11+$0x1050];
	[tilespmem:s12+$0x40] =	vst v3;
	v3 =	vshrl.u32 v29, $0x10;
	v4 =	vand.u32 $0xFFFF0000, v4  }
0x10c: {  	v31 =	vld [tilespmem:s4+$0x50];
	v3 =	vor.u32 v3, v4;
	v32 =	vadd.s32 $0x8000, v24;
	v33 =	vadd.s32 $0x8000, v25  }
0x10d: {  	v34 =	vld [tilespmem:s4+$0x1050];
	[tilespmem:s14+$0x40] =	vst v3;
	v3 =	vshrl.u32 v32, $0x10;
	v35 =	vand.u32 $0xFFFF0000, v33  }
0x10e: {  	v36 =	vld [tilespmem:s1+$0x50];
	v3 =	vor.u32 v3, v35  }
0x10f: {  	v37 =	vld [tilespmem:s1+$0x1050];
	[tilespmem:s17+$0x40] =	vst v3  }
0x110: {  	v3 =	vadd.s32 $0x8000, v28;
	v38 =	vadd.s32 $0x8000, v30;
	v39 =	vld [tilespmem:s13+$0x50]  }
0x111: {  	v3 =	vshrl.u32 v3, $0x10;
	v6 =	vand.u32 $0xFFFF0000, v38;
	v40 =	vld [tilespmem:s13+$0x1050]  }
0x112: {  	v3 =	vor.u32 v3, v6;
	v5 =	vadd.s32 $0x8000, v31;
	v41 =	vadd.s32 $0x8000, v34  }
0x113: {  	[tilespmem:s0+$0x50] =	vst v3;
	v3 =	vshrl.u32 v5, $0x10;
	v42 =	vand.u32 $0xFFFF0000, v41  }
0x114: {  	v43 =	vld [tilespmem:s11+$0x60];
	v3 =	vor.u32 v3, v42;
	v44 =	vadd.s32 $0x8000, v36;
	v4 =	vadd.s32 $0x8000, v37  }
0x115: {  	v45 =	vld [tilespmem:s11+$0x1060];
	[tilespmem:s12+$0x50] =	vst v3;
	v3 =	vshrl.u32 v44, $0x10;
	v4 =	vand.u32 $0xFFFF0000, v4  }
0x116: {  	v46 =	vld [tilespmem:s4+$0x60];
	v3 =	vor.u32 v3, v4;
	v47 =	vadd.s32 $0x8000, v39;
	v48 =	vadd.s32 $0x8000, v40  }
0x117: {  	v49 =	vld [tilespmem:s4+$0x1060];
	[tilespmem:s14+$0x50] =	vst v3;
	v3 =	vshrl.u32 v47, $0x10;
	v50 =	vand.u32 $0xFFFF0000, v48  }
0x118: {  	v51 =	vld [tilespmem:s1+$0x60];
	v3 =	vor.u32 v3, v50  }
0x119: {  	v52 =	vld [tilespmem:s1+$0x1060];
	[tilespmem:s17+$0x50] =	vst v3  }
0x11a: {  	v3 =	vadd.s32 $0x8000, v43;
	v53 =	vadd.s32 $0x8000, v45;
	v54 =	vld [tilespmem:s13+$0x60]  }
0x11b: {  	v3 =	vshrl.u32 v3, $0x10;
	v6 =	vand.u32 $0xFFFF0000, v53;
	v55 =	vld [tilespmem:s13+$0x1060]  }
0x11c: {  	v3 =	vor.u32 v3, v6;
	v5 =	vadd.s32 $0x8000, v46;
	v56 =	vadd.s32 $0x8000, v49  }
0x11d: {  	[tilespmem:s0+$0x60] =	vst v3;
	v3 =	vshrl.u32 v5, $0x10;
	v57 =	vand.u32 $0xFFFF0000, v56  }
0x11e: {  	v58 =	vld [tilespmem:s11+$0x70];
	v3 =	vor.u32 v3, v57;
	v59 =	vadd.s32 $0x8000, v51;
	v4 =	vadd.s32 $0x8000, v52  }
0x11f: {  	v60 =	vld [tilespmem:s11+$0x1070];
	[tilespmem:s12+$0x60] =	vst v3;
	v3 =	vshrl.u32 v59, $0x10;
	v4 =	vand.u32 $0xFFFF0000, v4  }
0x120: {  	v61 =	vld [tilespmem:s4+$0x70];
	v3 =	vor.u32 v3, v4;
	v62 =	vadd.s32 $0x8000, v54;
	v63 =	vadd.s32 $0x8000, v55  }
0x121: {  	v12 =	vld [tilespmem:s4+$0x1070];
	[tilespmem:s14+$0x60] =	vst v3;
	v3 =	vshrl.u32 v62, $0x10;
	v13 =	vand.u32 $0xFFFF0000, v63  }
0x122: {  	v14 =	vld [tilespmem:s1+$0x70];
	v3 =	vor.u32 v3, v13  }
0x123: {  	v15 =	vld [tilespmem:s1+$0x1070];
	[tilespmem:s17+$0x60] =	vst v3  }
0x124: {  	v3 =	vadd.s32 $0x8000, v58;
	v16 =	vadd.s32 $0x8000, v60;
	v17 =	vld [tilespmem:s13+$0x70]  }
0x125: {  	v3 =	vshrl.u32 v3, $0x10;
	v6 =	vand.u32 $0xFFFF0000, v16;
	v18 =	vld [tilespmem:s13+$0x1070]  }
0x126: {  	v3 =	vor.u32 v3, v6;
	v5 =	vadd.s32 $0x8000, v61;
	v19 =	vadd.s32 $0x8000, v12  }
0x127: {  	[tilespmem:s0+$0x70] =	vst v3;
	v3 =	vshrl.u32 v5, $0x10;
	v20 =	vand.u32 $0xFFFF0000, v19  }
0x128: {  	v21 =	vld [tilespmem:s11+$0x400];
	v3 =	vor.u32 v3, v20;
	v22 =	vadd.s32 $0x8000, v14;
	v4 =	vadd.s32 $0x8000, v15  }
0x129: {  	v23 =	vld [tilespmem:s11+$0x1400];
	[tilespmem:s12+$0x70] =	vst v3;
	v3 =	vshrl.u32 v22, $0x10;
	v4 =	vand.u32 $0xFFFF0000, v4  }
0x12a: {  	v24 =	vld [tilespmem:s4+$0x400];
	v3 =	vor.u32 v3, v4;
	v25 =	vadd.s32 $0x8000, v17;
	v26 =	vadd.s32 $0x8000, v18  }
0x12b: {  	v27 =	vld [tilespmem:s4+$0x1400];
	[tilespmem:s14+$0x70] =	vst v3;
	v3 =	vshrl.u32 v25, $0x10;
	v28 =	vand.u32 $0xFFFF0000, v26  }
0x12c: {  	v29 =	vld [tilespmem:s1+$0x400];
	v3 =	vor.u32 v3, v28  }
0x12d: {  	v30 =	vld [tilespmem:s1+$0x1400];
	[tilespmem:s17+$0x70] =	vst v3  }
0x12e: {  	v3 =	vadd.s32 $0x8000, v21;
	v31 =	vadd.s32 $0x8000, v23;
	v32 =	vld [tilespmem:s13+$0x400]  }
0x12f: {  	v3 =	vshrl.u32 v3, $0x10;
	v6 =	vand.u32 $0xFFFF0000, v31;
	v33 =	vld [tilespmem:s13+$0x1400]  }
0x130: {  	v3 =	vor.u32 v3, v6;
	v5 =	vadd.s32 $0x8000, v24;
	v34 =	vadd.s32 $0x8000, v27  }
0x131: {  	[tilespmem:s0+$0x400] =	vst v3;
	v3 =	vshrl.u32 v5, $0x10;
	v35 =	vand.u32 $0xFFFF0000, v34  }
0x132: {  	v36 =	vld [tilespmem:s11+$0x410];
	v3 =	vor.u32 v3, v35;
	v37 =	vadd.s32 $0x8000, v29;
	v4 =	vadd.s32 $0x8000, v30  }
0x133: {  	v38 =	vld [tilespmem:s11+$0x1410];
	[tilespmem:s12+$0x400] =	vst v3;
	v3 =	vshrl.u32 v37, $0x10;
	v4 =	vand.u32 $0xFFFF0000, v4  }
0x134: {  	v39 =	vld [tilespmem:s4+$0x410];
	v3 =	vor.u32 v3, v4;
	v40 =	vadd.s32 $0x8000, v32;
	v41 =	vadd.s32 $0x8000, v33  }
0x135: {  	v42 =	vld [tilespmem:s4+$0x1410];
	[tilespmem:s14+$0x400] =	vst v3;
	v3 =	vshrl.u32 v40, $0x10;
	v43 =	vand.u32 $0xFFFF0000, v41  }
0x136: {  	v44 =	vld [tilespmem:s1+$0x410];
	v3 =	vor.u32 v3, v43  }
0x137: {  	v45 =	vld [tilespmem:s1+$0x1410];
	[tilespmem:s17+$0x400] =	vst v3  }
0x138: {  	v3 =	vadd.s32 $0x8000, v36;
	v46 =	vadd.s32 $0x8000, v38;
	v47 =	vld [tilespmem:s13+$0x410]  }
0x139: {  	v3 =	vshrl.u32 v3, $0x10;
	v6 =	vand.u32 $0xFFFF0000, v46;
	v48 =	vld [tilespmem:s13+$0x1410]  }
0x13a: {  	v3 =	vor.u32 v3, v6;
	v5 =	vadd.s32 $0x8000, v39;
	v49 =	vadd.s32 $0x8000, v42  }
0x13b: {  	[tilespmem:s0+$0x410] =	vst v3;
	v3 =	vshrl.u32 v5, $0x10;
	v50 =	vand.u32 $0xFFFF0000, v49  }
0x13c: {  	v51 =	vld [tilespmem:s11+$0x420];
	v3 =	vor.u32 v3, v50;
	v52 =	vadd.s32 $0x8000, v44;
	v4 =	vadd.s32 $0x8000, v45  }
0x13d: {  	v53 =	vld [tilespmem:s11+$0x1420];
	[tilespmem:s12+$0x410] =	vst v3;
	v3 =	vshrl.u32 v52, $0x10;
	v4 =	vand.u32 $0xFFFF0000, v4  }
0x13e: {  	v54 =	vld [tilespmem:s4+$0x420];
	v3 =	vor.u32 v3, v4;
	v55 =	vadd.s32 $0x8000, v47;
	v56 =	vadd.s32 $0x8000, v48  }
0x13f: {  	v57 =	vld [tilespmem:s4+$0x1420];
	[tilespmem:s14+$0x410] =	vst v3;
	v3 =	vshrl.u32 v55, $0x10;
	v58 =	vand.u32 $0xFFFF0000, v56  }
0x140: {  	v59 =	vld [tilespmem:s1+$0x420];
	v3 =	vor.u32 v3, v58  }
0x141: {  	v60 =	vld [tilespmem:s1+$0x1420];
	[tilespmem:s17+$0x410] =	vst v3  }
0x142: {  	v3 =	vadd.s32 $0x8000, v51;
	v61 =	vadd.s32 $0x8000, v53;
	v62 =	vld [tilespmem:s13+$0x420]  }
0x143: {  	v3 =	vshrl.u32 v3, $0x10;
	v6 =	vand.u32 $0xFFFF0000, v61;
	v63 =	vld [tilespmem:s13+$0x1420]  }
0x144: {  	v3 =	vor.u32 v3, v6;
	v5 =	vadd.s32 $0x8000, v54;
	v11 =	vadd.s32 $0x8000, v57  }
0x145: {  	[tilespmem:s0+$0x420] =	vst v3;
	v3 =	vshrl.u32 v5, $0x10;
	v12 =	vand.u32 $0xFFFF0000, v11  }
0x146: {  	v13 =	vld [tilespmem:s11+$0x430];
	v3 =	vor.u32 v3, v12;
	v14 =	vadd.s32 $0x8000, v59;
	v4 =	vadd.s32 $0x8000, v60  }
0x147: {  	v15 =	vld [tilespmem:s11+$0x1430];
	[tilespmem:s12+$0x420] =	vst v3;
	v3 =	vshrl.u32 v14, $0x10;
	v4 =	vand.u32 $0xFFFF0000, v4  }
0x148: {  	v16 =	vld [tilespmem:s4+$0x430];
	v3 =	vor.u32 v3, v4;
	v17 =	vadd.s32 $0x8000, v62;
	v18 =	vadd.s32 $0x8000, v63  }
0x149: {  	v19 =	vld [tilespmem:s4+$0x1430];
	[tilespmem:s14+$0x420] =	vst v3;
	v3 =	vshrl.u32 v17, $0x10;
	v20 =	vand.u32 $0xFFFF0000, v18  }
0x14a: {  	v21 =	vld [tilespmem:s1+$0x430];
	v3 =	vor.u32 v3, v20  }
0x14b: {  	v22 =	vld [tilespmem:s1+$0x1430];
	[tilespmem:s17+$0x420] =	vst v3  }
0x14c: {  	v3 =	vadd.s32 $0x8000, v13;
	v23 =	vadd.s32 $0x8000, v15;
	v24 =	vld [tilespmem:s13+$0x430]  }
0x14d: {  	v3 =	vshrl.u32 v3, $0x10;
	v6 =	vand.u32 $0xFFFF0000, v23;
	v25 =	vld [tilespmem:s13+$0x1430]  }
0x14e: {  	v3 =	vor.u32 v3, v6;
	v5 =	vadd.s32 $0x8000, v16;
	v26 =	vadd.s32 $0x8000, v19  }
0x14f: {  	[tilespmem:s0+$0x430] =	vst v3;
	v3 =	vshrl.u32 v5, $0x10;
	v27 =	vand.u32 $0xFFFF0000, v26  }
0x150: {  	v28 =	vld [tilespmem:s11+$0x440];
	v3 =	vor.u32 v3, v27;
	v29 =	vadd.s32 $0x8000, v21;
	v4 =	vadd.s32 $0x8000, v22  }
0x151: {  	v30 =	vld [tilespmem:s11+$0x1440];
	[tilespmem:s12+$0x430] =	vst v3;
	v3 =	vshrl.u32 v29, $0x10;
	v4 =	vand.u32 $0xFFFF0000, v4  }
0x152: {  	v31 =	vld [tilespmem:s4+$0x440];
	v3 =	vor.u32 v3, v4;
	v32 =	vadd.s32 $0x8000, v24;
	v33 =	vadd.s32 $0x8000, v25  }
0x153: {  	v34 =	vld [tilespmem:s4+$0x1440];
	[tilespmem:s14+$0x430] =	vst v3;
	v3 =	vshrl.u32 v32, $0x10;
	v35 =	vand.u32 $0xFFFF0000, v33  }
0x154: {  	v36 =	vld [tilespmem:s1+$0x440];
	v3 =	vor.u32 v3, v35  }
0x155: {  	v37 =	vld [tilespmem:s1+$0x1440];
	[tilespmem:s17+$0x430] =	vst v3  }
0x156: {  	v3 =	vadd.s32 $0x8000, v28;
	v38 =	vadd.s32 $0x8000, v30;
	v39 =	vld [tilespmem:s13+$0x440]  }
0x157: {  	v3 =	vshrl.u32 v3, $0x10;
	v6 =	vand.u32 $0xFFFF0000, v38;
	v40 =	vld [tilespmem:s13+$0x1440]  }
0x158: {  	v3 =	vor.u32 v3, v6;
	v5 =	vadd.s32 $0x8000, v31;
	v41 =	vadd.s32 $0x8000, v34  }
0x159: {  	[tilespmem:s0+$0x440] =	vst v3;
	v3 =	vshrl.u32 v5, $0x10;
	v42 =	vand.u32 $0xFFFF0000, v41  }
0x15a: {  	v43 =	vld [tilespmem:s11+$0x450];
	v3 =	vor.u32 v3, v42;
	v44 =	vadd.s32 $0x8000, v36;
	v4 =	vadd.s32 $0x8000, v37  }
0x15b: {  	v45 =	vld [tilespmem:s11+$0x1450];
	[tilespmem:s12+$0x440] =	vst v3;
	v3 =	vshrl.u32 v44, $0x10;
	v4 =	vand.u32 $0xFFFF0000, v4  }
0x15c: {  	v46 =	vld [tilespmem:s4+$0x450];
	v3 =	vor.u32 v3, v4;
	v47 =	vadd.s32 $0x8000, v39;
	v48 =	vadd.s32 $0x8000, v40  }
0x15d: {  	v49 =	vld [tilespmem:s4+$0x1450];
	[tilespmem:s14+$0x440] =	vst v3;
	v3 =	vshrl.u32 v47, $0x10;
	v50 =	vand.u32 $0xFFFF0000, v48  }
0x15e: {  	v51 =	vld [tilespmem:s1+$0x450];
	v3 =	vor.u32 v3, v50  }
0x15f: {  	v52 =	vld [tilespmem:s1+$0x1450];
	[tilespmem:s17+$0x440] =	vst v3  }
0x160: {  	v3 =	vadd.s32 $0x8000, v43;
	v53 =	vadd.s32 $0x8000, v45;
	v54 =	vld [tilespmem:s13+$0x450]  }
0x161: {  	v3 =	vshrl.u32 v3, $0x10;
	v6 =	vand.u32 $0xFFFF0000, v53;
	v55 =	vld [tilespmem:s13+$0x1450]  }
0x162: {  	v3 =	vor.u32 v3, v6;
	v5 =	vadd.s32 $0x8000, v46;
	v56 =	vadd.s32 $0x8000, v49  }
0x163: {  	[tilespmem:s0+$0x450] =	vst v3;
	v3 =	vshrl.u32 v5, $0x10;
	v57 =	vand.u32 $0xFFFF0000, v56  }
0x164: {  	v58 =	vld [tilespmem:s11+$0x460];
	v3 =	vor.u32 v3, v57;
	v59 =	vadd.s32 $0x8000, v51;
	v4 =	vadd.s32 $0x8000, v52  }
0x165: {  	v60 =	vld [tilespmem:s11+$0x1460];
	[tilespmem:s12+$0x450] =	vst v3;
	v3 =	vshrl.u32 v59, $0x10;
	v4 =	vand.u32 $0xFFFF0000, v4  }
0x166: {  	v61 =	vld [tilespmem:s4+$0x460];
	v3 =	vor.u32 v3, v4;
	v62 =	vadd.s32 $0x8000, v54;
	v63 =	vadd.s32 $0x8000, v55  }
0x167: {  	v12 =	vld [tilespmem:s4+$0x1460];
	[tilespmem:s14+$0x450] =	vst v3;
	v3 =	vshrl.u32 v62, $0x10;
	v13 =	vand.u32 $0xFFFF0000, v63  }
0x168: {  	v14 =	vld [tilespmem:s1+$0x460];
	v3 =	vor.u32 v3, v13  }
0x169: {  	v15 =	vld [tilespmem:s1+$0x1460];
	[tilespmem:s17+$0x450] =	vst v3  }
0x16a: {  	v3 =	vadd.s32 $0x8000, v58;
	v16 =	vadd.s32 $0x8000, v60;
	v17 =	vld [tilespmem:s13+$0x460]  }
0x16b: {  	v3 =	vshrl.u32 v3, $0x10;
	v6 =	vand.u32 $0xFFFF0000, v16;
	v18 =	vld [tilespmem:s13+$0x1460]  }
0x16c: {  	v3 =	vor.u32 v3, v6;
	v5 =	vadd.s32 $0x8000, v61;
	v19 =	vadd.s32 $0x8000, v12  }
0x16d: {  	[tilespmem:s0+$0x460] =	vst v3;
	v3 =	vshrl.u32 v5, $0x10;
	v20 =	vand.u32 $0xFFFF0000, v19  }
0x16e: {  	v21 =	vld [tilespmem:s11+$0x470];
	v3 =	vor.u32 v3, v20;
	v22 =	vadd.s32 $0x8000, v14;
	v4 =	vadd.s32 $0x8000, v15  }
0x16f: {  	v23 =	vld [tilespmem:s11+$0x1470];
	[tilespmem:s12+$0x460] =	vst v3;
	v3 =	vshrl.u32 v22, $0x10;
	v4 =	vand.u32 $0xFFFF0000, v4  }
0x170: {  	v24 =	vld [tilespmem:s4+$0x470];
	v3 =	vor.u32 v3, v4;
	v25 =	vadd.s32 $0x8000, v17;
	v26 =	vadd.s32 $0x8000, v18  }
0x171: {  	v27 =	vld [tilespmem:s4+$0x1470];
	[tilespmem:s14+$0x460] =	vst v3;
	v3 =	vshrl.u32 v25, $0x10;
	v28 =	vand.u32 $0xFFFF0000, v26  }
0x172: {  	v29 =	vld [tilespmem:s1+$0x470];
	v3 =	vor.u32 v3, v28  }
0x173: {  	v30 =	vld [tilespmem:s1+$0x1470];
	[tilespmem:s17+$0x460] =	vst v3  }
0x174: {  	v3 =	vadd.s32 $0x8000, v21;
	v31 =	vadd.s32 $0x8000, v23;
	v32 =	vld [tilespmem:s13+$0x470]  }
0x175: {  	v3 =	vshrl.u32 v3, $0x10;
	v6 =	vand.u32 $0xFFFF0000, v31;
	v33 =	vld [tilespmem:s13+$0x1470]  }
0x176: {  	v3 =	vor.u32 v3, v6;
	v5 =	vadd.s32 $0x8000, v24;
	v34 =	vadd.s32 $0x8000, v27  }
0x177: {  	[tilespmem:s0+$0x470] =	vst v3;
	v3 =	vshrl.u32 v5, $0x10;
	v35 =	vand.u32 $0xFFFF0000, v34  }
0x178: {  	v36 =	vld [tilespmem:s11+$0x800];
	v3 =	vor.u32 v3, v35;
	v37 =	vadd.s32 $0x8000, v29;
	v4 =	vadd.s32 $0x8000, v30  }
0x179: {  	v38 =	vld [tilespmem:s11+$0x1800];
	[tilespmem:s12+$0x470] =	vst v3;
	v3 =	vshrl.u32 v37, $0x10;
	v4 =	vand.u32 $0xFFFF0000, v4  }
0x17a: {  	v39 =	vld [tilespmem:s4+$0x800];
	v3 =	vor.u32 v3, v4;
	v40 =	vadd.s32 $0x8000, v32;
	v41 =	vadd.s32 $0x8000, v33  }
0x17b: {  	v42 =	vld [tilespmem:s4+$0x1800];
	[tilespmem:s14+$0x470] =	vst v3;
	v3 =	vshrl.u32 v40, $0x10;
	v43 =	vand.u32 $0xFFFF0000, v41  }
0x17c: {  	v44 =	vld [tilespmem:s1+$0x800];
	v3 =	vor.u32 v3, v43  }
0x17d: {  	v45 =	vld [tilespmem:s1+$0x1800];
	[tilespmem:s17+$0x470] =	vst v3  }
0x17e: {  	v3 =	vadd.s32 $0x8000, v36;
	v46 =	vadd.s32 $0x8000, v38;
	v47 =	vld [tilespmem:s13+$0x800]  }
0x17f: {  	v3 =	vshrl.u32 v3, $0x10;
	v6 =	vand.u32 $0xFFFF0000, v46;
	v48 =	vld [tilespmem:s13+$0x1800]  }
0x180: {  	v3 =	vor.u32 v3, v6;
	v5 =	vadd.s32 $0x8000, v39;
	v49 =	vadd.s32 $0x8000, v42  }
0x181: {  	[tilespmem:s0+$0x800] =	vst v3;
	v3 =	vshrl.u32 v5, $0x10;
	v50 =	vand.u32 $0xFFFF0000, v49  }
0x182: {  	v51 =	vld [tilespmem:s11+$0x810];
	v3 =	vor.u32 v3, v50;
	v52 =	vadd.s32 $0x8000, v44;
	v4 =	vadd.s32 $0x8000, v45  }
0x183: {  	v53 =	vld [tilespmem:s11+$0x1810];
	[tilespmem:s12+$0x800] =	vst v3;
	v3 =	vshrl.u32 v52, $0x10;
	v4 =	vand.u32 $0xFFFF0000, v4  }
0x184: {  	v54 =	vld [tilespmem:s4+$0x810];
	v3 =	vor.u32 v3, v4;
	v55 =	vadd.s32 $0x8000, v47;
	v56 =	vadd.s32 $0x8000, v48  }
0x185: {  	v57 =	vld [tilespmem:s4+$0x1810];
	[tilespmem:s14+$0x800] =	vst v3;
	v3 =	vshrl.u32 v55, $0x10;
	v58 =	vand.u32 $0xFFFF0000, v56  }
0x186: {  	v59 =	vld [tilespmem:s1+$0x810];
	v3 =	vor.u32 v3, v58  }
0x187: {  	v60 =	vld [tilespmem:s1+$0x1810];
	[tilespmem:s17+$0x800] =	vst v3  }
0x188: {  	v3 =	vadd.s32 $0x8000, v51;
	v61 =	vadd.s32 $0x8000, v53;
	v62 =	vld [tilespmem:s13+$0x810]  }
0x189: {  	v3 =	vshrl.u32 v3, $0x10;
	v6 =	vand.u32 $0xFFFF0000, v61;
	v63 =	vld [tilespmem:s13+$0x1810]  }
0x18a: {  	v3 =	vor.u32 v3, v6;
	v5 =	vadd.s32 $0x8000, v54;
	v11 =	vadd.s32 $0x8000, v57  }
0x18b: {  	[tilespmem:s0+$0x810] =	vst v3;
	v3 =	vshrl.u32 v5, $0x10;
	v12 =	vand.u32 $0xFFFF0000, v11  }
0x18c: {  	v13 =	vld [tilespmem:s11+$0x820];
	v3 =	vor.u32 v3, v12;
	v14 =	vadd.s32 $0x8000, v59;
	v4 =	vadd.s32 $0x8000, v60  }
0x18d: {  	v15 =	vld [tilespmem:s11+$0x1820];
	[tilespmem:s12+$0x810] =	vst v3;
	v3 =	vshrl.u32 v14, $0x10;
	v4 =	vand.u32 $0xFFFF0000, v4  }
0x18e: {  	v16 =	vld [tilespmem:s4+$0x820];
	v3 =	vor.u32 v3, v4;
	v17 =	vadd.s32 $0x8000, v62;
	v18 =	vadd.s32 $0x8000, v63  }
0x18f: {  	v19 =	vld [tilespmem:s4+$0x1820];
	[tilespmem:s14+$0x810] =	vst v3;
	v3 =	vshrl.u32 v17, $0x10;
	v20 =	vand.u32 $0xFFFF0000, v18  }
0x190: {  	v21 =	vld [tilespmem:s1+$0x820];
	v3 =	vor.u32 v3, v20  }
0x191: {  	v22 =	vld [tilespmem:s1+$0x1820];
	[tilespmem:s17+$0x810] =	vst v3  }
0x192: {  	v3 =	vadd.s32 $0x8000, v13;
	v23 =	vadd.s32 $0x8000, v15;
	v24 =	vld [tilespmem:s13+$0x820]  }
0x193: {  	v3 =	vshrl.u32 v3, $0x10;
	v6 =	vand.u32 $0xFFFF0000, v23;
	v25 =	vld [tilespmem:s13+$0x1820]  }
0x194: {  	v3 =	vor.u32 v3, v6;
	v5 =	vadd.s32 $0x8000, v16;
	v26 =	vadd.s32 $0x8000, v19  }
0x195: {  	[tilespmem:s0+$0x820] =	vst v3;
	v3 =	vshrl.u32 v5, $0x10;
	v27 =	vand.u32 $0xFFFF0000, v26  }
0x196: {  	v28 =	vld [tilespmem:s11+$0x830];
	v3 =	vor.u32 v3, v27;
	v29 =	vadd.s32 $0x8000, v21;
	v4 =	vadd.s32 $0x8000, v22  }
0x197: {  	v30 =	vld [tilespmem:s11+$0x1830];
	[tilespmem:s12+$0x820] =	vst v3;
	v3 =	vshrl.u32 v29, $0x10;
	v4 =	vand.u32 $0xFFFF0000, v4  }
0x198: {  	v31 =	vld [tilespmem:s4+$0x830];
	v3 =	vor.u32 v3, v4;
	v32 =	vadd.s32 $0x8000, v24;
	v33 =	vadd.s32 $0x8000, v25  }
0x199: {  	v34 =	vld [tilespmem:s4+$0x1830];
	[tilespmem:s14+$0x820] =	vst v3;
	v3 =	vshrl.u32 v32, $0x10;
	v35 =	vand.u32 $0xFFFF0000, v33  }
0x19a: {  	v36 =	vld [tilespmem:s1+$0x830];
	v3 =	vor.u32 v3, v35  }
0x19b: {  	v37 =	vld [tilespmem:s1+$0x1830];
	[tilespmem:s17+$0x820] =	vst v3  }
0x19c: {  	v3 =	vadd.s32 $0x8000, v28;
	v38 =	vadd.s32 $0x8000, v30;
	v39 =	vld [tilespmem:s13+$0x830]  }
0x19d: {  	v3 =	vshrl.u32 v3, $0x10;
	v6 =	vand.u32 $0xFFFF0000, v38;
	v40 =	vld [tilespmem:s13+$0x1830]  }
0x19e: {  	v3 =	vor.u32 v3, v6;
	v5 =	vadd.s32 $0x8000, v31;
	v41 =	vadd.s32 $0x8000, v34  }
0x19f: {  	[tilespmem:s0+$0x830] =	vst v3;
	v3 =	vshrl.u32 v5, $0x10;
	v42 =	vand.u32 $0xFFFF0000, v41  }
0x1a0: {  	v43 =	vld [tilespmem:s11+$0x840];
	v3 =	vor.u32 v3, v42;
	v44 =	vadd.s32 $0x8000, v36;
	v4 =	vadd.s32 $0x8000, v37  }
0x1a1: {  	v45 =	vld [tilespmem:s11+$0x1840];
	[tilespmem:s12+$0x830] =	vst v3;
	v3 =	vshrl.u32 v44, $0x10;
	v4 =	vand.u32 $0xFFFF0000, v4  }
0x1a2: {  	v46 =	vld [tilespmem:s4+$0x840];
	v3 =	vor.u32 v3, v4;
	v47 =	vadd.s32 $0x8000, v39;
	v48 =	vadd.s32 $0x8000, v40  }
0x1a3: {  	v49 =	vld [tilespmem:s4+$0x1840];
	[tilespmem:s14+$0x830] =	vst v3;
	v3 =	vshrl.u32 v47, $0x10;
	v50 =	vand.u32 $0xFFFF0000, v48  }
0x1a4: {  	v51 =	vld [tilespmem:s1+$0x840];
	v3 =	vor.u32 v3, v50  }
0x1a5: {  	v52 =	vld [tilespmem:s1+$0x1840];
	[tilespmem:s17+$0x830] =	vst v3  }
0x1a6: {  	v3 =	vadd.s32 $0x8000, v43;
	v53 =	vadd.s32 $0x8000, v45;
	v54 =	vld [tilespmem:s13+$0x840]  }
0x1a7: {  	v3 =	vshrl.u32 v3, $0x10;
	v6 =	vand.u32 $0xFFFF0000, v53;
	v55 =	vld [tilespmem:s13+$0x1840]  }
0x1a8: {  	v3 =	vor.u32 v3, v6;
	v5 =	vadd.s32 $0x8000, v46;
	v56 =	vadd.s32 $0x8000, v49  }
0x1a9: {  	[tilespmem:s0+$0x840] =	vst v3;
	v3 =	vshrl.u32 v5, $0x10;
	v57 =	vand.u32 $0xFFFF0000, v56  }
0x1aa: {  	v58 =	vld [tilespmem:s11+$0x850];
	v3 =	vor.u32 v3, v57;
	v59 =	vadd.s32 $0x8000, v51;
	v4 =	vadd.s32 $0x8000, v52  }
0x1ab: {  	v60 =	vld [tilespmem:s11+$0x1850];
	[tilespmem:s12+$0x840] =	vst v3;
	v3 =	vshrl.u32 v59, $0x10;
	v4 =	vand.u32 $0xFFFF0000, v4  }
0x1ac: {  	v61 =	vld [tilespmem:s4+$0x850];
	v3 =	vor.u32 v3, v4;
	v62 =	vadd.s32 $0x8000, v54;
	v63 =	vadd.s32 $0x8000, v55  }
0x1ad: {  	v12 =	vld [tilespmem:s4+$0x1850];
	[tilespmem:s14+$0x840] =	vst v3;
	v3 =	vshrl.u32 v62, $0x10;
	v13 =	vand.u32 $0xFFFF0000, v63  }
0x1ae: {  	v14 =	vld [tilespmem:s1+$0x850];
	v3 =	vor.u32 v3, v13  }
0x1af: {  	v15 =	vld [tilespmem:s1+$0x1850];
	[tilespmem:s17+$0x840] =	vst v3  }
0x1b0: {  	v3 =	vadd.s32 $0x8000, v58;
	v16 =	vadd.s32 $0x8000, v60;
	v17 =	vld [tilespmem:s13+$0x850]  }
0x1b1: {  	v3 =	vshrl.u32 v3, $0x10;
	v6 =	vand.u32 $0xFFFF0000, v16;
	v18 =	vld [tilespmem:s13+$0x1850]  }
0x1b2: {  	v3 =	vor.u32 v3, v6;
	v5 =	vadd.s32 $0x8000, v61;
	v19 =	vadd.s32 $0x8000, v12  }
0x1b3: {  	[tilespmem:s0+$0x850] =	vst v3;
	v3 =	vshrl.u32 v5, $0x10;
	v20 =	vand.u32 $0xFFFF0000, v19  }
0x1b4: {  	v21 =	vld [tilespmem:s11+$0x860];
	v3 =	vor.u32 v3, v20;
	v22 =	vadd.s32 $0x8000, v14;
	v4 =	vadd.s32 $0x8000, v15  }
0x1b5: {  	v23 =	vld [tilespmem:s11+$0x1860];
	[tilespmem:s12+$0x850] =	vst v3;
	v3 =	vshrl.u32 v22, $0x10;
	v4 =	vand.u32 $0xFFFF0000, v4  }
0x1b6: {  	v24 =	vld [tilespmem:s4+$0x860];
	v3 =	vor.u32 v3, v4;
	v25 =	vadd.s32 $0x8000, v17;
	v26 =	vadd.s32 $0x8000, v18  }
0x1b7: {  	v27 =	vld [tilespmem:s4+$0x1860];
	[tilespmem:s14+$0x850] =	vst v3;
	v3 =	vshrl.u32 v25, $0x10;
	v28 =	vand.u32 $0xFFFF0000, v26  }
0x1b8: {  	v29 =	vld [tilespmem:s1+$0x860];
	v3 =	vor.u32 v3, v28  }
0x1b9: {  	v30 =	vld [tilespmem:s1+$0x1860];
	[tilespmem:s17+$0x850] =	vst v3  }
0x1ba: {  	v3 =	vadd.s32 $0x8000, v21;
	v31 =	vadd.s32 $0x8000, v23;
	v32 =	vld [tilespmem:s13+$0x860]  }
0x1bb: {  	v3 =	vshrl.u32 v3, $0x10;
	v6 =	vand.u32 $0xFFFF0000, v31;
	v33 =	vld [tilespmem:s13+$0x1860]  }
0x1bc: {  	v3 =	vor.u32 v3, v6;
	v5 =	vadd.s32 $0x8000, v24;
	v34 =	vadd.s32 $0x8000, v27  }
0x1bd: {  	[tilespmem:s0+$0x860] =	vst v3;
	v3 =	vshrl.u32 v5, $0x10;
	v35 =	vand.u32 $0xFFFF0000, v34  }
0x1be: {  	v36 =	vld [tilespmem:s11+$0x870];
	v3 =	vor.u32 v3, v35;
	v37 =	vadd.s32 $0x8000, v29;
	v4 =	vadd.s32 $0x8000, v30  }
0x1bf: {  	v38 =	vld [tilespmem:s11+$0x1870];
	[tilespmem:s12+$0x860] =	vst v3;
	v3 =	vshrl.u32 v37, $0x10;
	v4 =	vand.u32 $0xFFFF0000, v4  }
0x1c0: {  	v39 =	vld [tilespmem:s4+$0x870];
	v3 =	vor.u32 v3, v4;
	v40 =	vadd.s32 $0x8000, v32;
	v41 =	vadd.s32 $0x8000, v33  }
0x1c1: {  	v42 =	vld [tilespmem:s4+$0x1870];
	[tilespmem:s14+$0x860] =	vst v3;
	v3 =	vshrl.u32 v40, $0x10;
	v43 =	vand.u32 $0xFFFF0000, v41  }
0x1c2: {  	v44 =	vld [tilespmem:s1+$0x870];
	v3 =	vor.u32 v3, v43  }
0x1c3: {  	v45 =	vld [tilespmem:s1+$0x1870];
	[tilespmem:s17+$0x860] =	vst v3  }
0x1c4: {  	v3 =	vadd.s32 $0x8000, v36;
	v46 =	vadd.s32 $0x8000, v38;
	v47 =	vld [tilespmem:s13+$0x870]  }
0x1c5: {  	v3 =	vshrl.u32 v3, $0x10;
	v6 =	vand.u32 $0xFFFF0000, v46;
	v48 =	vld [tilespmem:s13+$0x1870]  }
0x1c6: {  	v3 =	vor.u32 v3, v6;
	v5 =	vadd.s32 $0x8000, v39;
	v49 =	vadd.s32 $0x8000, v42  }
0x1c7: {  	[tilespmem:s0+$0x870] =	vst v3;
	v3 =	vshrl.u32 v5, $0x10;
	v50 =	vand.u32 $0xFFFF0000, v49  }
0x1c8: {  	v51 =	vld [tilespmem:s11+$0xC00];
	v3 =	vor.u32 v3, v50;
	v52 =	vadd.s32 $0x8000, v44;
	v4 =	vadd.s32 $0x8000, v45  }
0x1c9: {  	v53 =	vld [tilespmem:s11+$0x1C00];
	[tilespmem:s12+$0x870] =	vst v3;
	v3 =	vshrl.u32 v52, $0x10;
	v4 =	vand.u32 $0xFFFF0000, v4  }
0x1ca: {  	v54 =	vld [tilespmem:s4+$0xC00];
	v3 =	vor.u32 v3, v4;
	v55 =	vadd.s32 $0x8000, v47;
	v56 =	vadd.s32 $0x8000, v48  }
0x1cb: {  	v57 =	vld [tilespmem:s4+$0x1C00];
	[tilespmem:s14+$0x870] =	vst v3;
	v3 =	vshrl.u32 v55, $0x10;
	v58 =	vand.u32 $0xFFFF0000, v56  }
0x1cc: {  	v59 =	vld [tilespmem:s1+$0xC00];
	v3 =	vor.u32 v3, v58  }
0x1cd: {  	v60 =	vld [tilespmem:s1+$0x1C00];
	[tilespmem:s17+$0x870] =	vst v3  }
0x1ce: {  	v3 =	vadd.s32 $0x8000, v51;
	v61 =	vadd.s32 $0x8000, v53;
	v62 =	vld [tilespmem:s13+$0xC00]  }
0x1cf: {  	v3 =	vshrl.u32 v3, $0x10;
	v6 =	vand.u32 $0xFFFF0000, v61;
	v63 =	vld [tilespmem:s13+$0x1C00]  }
0x1d0: {  	v3 =	vor.u32 v3, v6;
	v5 =	vadd.s32 $0x8000, v54;
	v9 =	vadd.s32 $0x8000, v57  }
0x1d1: {  	[tilespmem:s0+$0xC00] =	vst v3;
	v3 =	vshrl.u32 v5, $0x10;
	v11 =	vand.u32 $0xFFFF0000, v9  }
0x1d2: {  	v12 =	vld [tilespmem:s11+$0xC10];
	v3 =	vor.u32 v3, v11;
	v13 =	vadd.s32 $0x8000, v59;
	v4 =	vadd.s32 $0x8000, v60  }
0x1d3: {  	v14 =	vld [tilespmem:s11+$0x1C10];
	[tilespmem:s12+$0xC00] =	vst v3;
	v3 =	vshrl.u32 v13, $0x10;
	v4 =	vand.u32 $0xFFFF0000, v4  }
0x1d4: {  	v15 =	vld [tilespmem:s4+$0xC10];
	v3 =	vor.u32 v3, v4;
	v16 =	vadd.s32 $0x8000, v62;
	v17 =	vadd.s32 $0x8000, v63  }
0x1d5: {  	v18 =	vld [tilespmem:s4+$0x1C10];
	[tilespmem:s14+$0xC00] =	vst v3;
	v3 =	vshrl.u32 v16, $0x10;
	v19 =	vand.u32 $0xFFFF0000, v17  }
0x1d6: {  	v20 =	vld [tilespmem:s1+$0xC10];
	v3 =	vor.u32 v3, v19  }
0x1d7: {  	v21 =	vld [tilespmem:s1+$0x1C10];
	[tilespmem:s17+$0xC00] =	vst v3  }
0x1d8: {  	v3 =	vadd.s32 $0x8000, v12;
	v22 =	vadd.s32 $0x8000, v14;
	v23 =	vld [tilespmem:s13+$0xC10]  }
0x1d9: {  	v3 =	vshrl.u32 v3, $0x10;
	v6 =	vand.u32 $0xFFFF0000, v22;
	v24 =	vld [tilespmem:s13+$0x1C10]  }
0x1da: {  	v3 =	vor.u32 v3, v6;
	v5 =	vadd.s32 $0x8000, v15;
	v25 =	vadd.s32 $0x8000, v18  }
0x1db: {  	[tilespmem:s0+$0xC10] =	vst v3;
	v3 =	vshrl.u32 v5, $0x10;
	v26 =	vand.u32 $0xFFFF0000, v25  }
0x1dc: {  	v27 =	vld [tilespmem:s11+$0xC20];
	v3 =	vor.u32 v3, v26;
	v28 =	vadd.s32 $0x8000, v20;
	v4 =	vadd.s32 $0x8000, v21  }
0x1dd: {  	v29 =	vld [tilespmem:s11+$0x1C20];
	[tilespmem:s12+$0xC10] =	vst v3;
	v3 =	vshrl.u32 v28, $0x10;
	v4 =	vand.u32 $0xFFFF0000, v4  }
0x1de: {  	v30 =	vld [tilespmem:s4+$0xC20];
	v3 =	vor.u32 v3, v4;
	v31 =	vadd.s32 $0x8000, v23;
	v32 =	vadd.s32 $0x8000, v24  }
0x1df: {  	v33 =	vld [tilespmem:s4+$0x1C20];
	[tilespmem:s14+$0xC10] =	vst v3;
	v3 =	vshrl.u32 v31, $0x10;
	v34 =	vand.u32 $0xFFFF0000, v32  }
0x1e0: {  	v35 =	vld [tilespmem:s1+$0xC20];
	v3 =	vor.u32 v3, v34  }
0x1e1: {  	v36 =	vld [tilespmem:s1+$0x1C20];
	[tilespmem:s17+$0xC10] =	vst v3  }
0x1e2: {  	v3 =	vadd.s32 $0x8000, v27;
	v37 =	vadd.s32 $0x8000, v29;
	v38 =	vld [tilespmem:s13+$0xC20]  }
0x1e3: {  	v3 =	vshrl.u32 v3, $0x10;
	v6 =	vand.u32 $0xFFFF0000, v37;
	v39 =	vld [tilespmem:s13+$0x1C20]  }
0x1e4: {  	v3 =	vor.u32 v3, v6;
	v5 =	vadd.s32 $0x8000, v30;
	v40 =	vadd.s32 $0x8000, v33  }
0x1e5: {  	[tilespmem:s0+$0xC20] =	vst v3;
	v3 =	vshrl.u32 v5, $0x10;
	v41 =	vand.u32 $0xFFFF0000, v40  }
0x1e6: {  	v42 =	vld [tilespmem:s11+$0xC30];
	v3 =	vor.u32 v3, v41;
	v43 =	vadd.s32 $0x8000, v35;
	v4 =	vadd.s32 $0x8000, v36  }
0x1e7: {  	v44 =	vld [tilespmem:s11+$0x1C30];
	[tilespmem:s12+$0xC20] =	vst v3;
	v3 =	vshrl.u32 v43, $0x10;
	v4 =	vand.u32 $0xFFFF0000, v4  }
0x1e8: {  	v45 =	vld [tilespmem:s4+$0xC30];
	v3 =	vor.u32 v3, v4;
	v46 =	vadd.s32 $0x8000, v38;
	v47 =	vadd.s32 $0x8000, v39  }
0x1e9: {  	v48 =	vld [tilespmem:s4+$0x1C30];
	[tilespmem:s14+$0xC20] =	vst v3;
	v3 =	vshrl.u32 v46, $0x10;
	v49 =	vand.u32 $0xFFFF0000, v47  }
0x1ea: {  	v50 =	vld [tilespmem:s1+$0xC30];
	v3 =	vor.u32 v3, v49  }
0x1eb: {  	v51 =	vld [tilespmem:s1+$0x1C30];
	[tilespmem:s17+$0xC20] =	vst v3  }
0x1ec: {  	v3 =	vadd.s32 $0x8000, v42;
	v52 =	vadd.s32 $0x8000, v44;
	v53 =	vld [tilespmem:s13+$0xC30]  }
0x1ed: {  	v3 =	vshrl.u32 v3, $0x10;
	v6 =	vand.u32 $0xFFFF0000, v52;
	v54 =	vld [tilespmem:s13+$0x1C30]  }
0x1ee: {  	v3 =	vor.u32 v3, v6;
	v5 =	vadd.s32 $0x8000, v45;
	v55 =	vadd.s32 $0x8000, v48  }
0x1ef: {  	[tilespmem:s0+$0xC30] =	vst v3;
	v3 =	vshrl.u32 v5, $0x10;
	v56 =	vand.u32 $0xFFFF0000, v55  }
0x1f0: {  	v57 =	vld [tilespmem:s11+$0xC40];
	v3 =	vor.u32 v3, v56;
	v58 =	vadd.s32 $0x8000, v50;
	v4 =	vadd.s32 $0x8000, v51  }
0x1f1: {  	v59 =	vld [tilespmem:s11+$0x1C40];
	[tilespmem:s12+$0xC30] =	vst v3;
	v3 =	vshrl.u32 v58, $0x10;
	v4 =	vand.u32 $0xFFFF0000, v4  }
0x1f2: {  	v60 =	vld [tilespmem:s4+$0xC40];
	v3 =	vor.u32 v3, v4;
	v61 =	vadd.s32 $0x8000, v53;
	v62 =	vadd.s32 $0x8000, v54  }
0x1f3: {  	v63 =	vld [tilespmem:s4+$0x1C40];
	[tilespmem:s14+$0xC30] =	vst v3;
	v3 =	vshrl.u32 v61, $0x10;
	v11 =	vand.u32 $0xFFFF0000, v62  }
0x1f4: {  	v12 =	vld [tilespmem:s1+$0xC40];
	v3 =	vor.u32 v3, v11  }
0x1f5: {  	v13 =	vld [tilespmem:s1+$0x1C40];
	[tilespmem:s17+$0xC30] =	vst v3  }
0x1f6: {  	v3 =	vadd.s32 $0x8000, v57;
	v14 =	vadd.s32 $0x8000, v59;
	v15 =	vld [tilespmem:s13+$0xC40]  }
0x1f7: {  	v3 =	vshrl.u32 v3, $0x10;
	v6 =	vand.u32 $0xFFFF0000, v14;
	v16 =	vld [tilespmem:s13+$0x1C40]  }
0x1f8: {  	v3 =	vor.u32 v3, v6;
	v5 =	vadd.s32 $0x8000, v60;
	v17 =	vadd.s32 $0x8000, v63  }
0x1f9: {  	[tilespmem:s0+$0xC40] =	vst v3;
	v3 =	vshrl.u32 v5, $0x10;
	v18 =	vand.u32 $0xFFFF0000, v17  }
0x1fa: {  	v19 =	vld [tilespmem:s11+$0xC50];
	v3 =	vor.u32 v3, v18;
	v20 =	vadd.s32 $0x8000, v12;
	v4 =	vadd.s32 $0x8000, v13  }
0x1fb: {  	v21 =	vld [tilespmem:s11+$0x1C50];
	[tilespmem:s12+$0xC40] =	vst v3;
	v3 =	vshrl.u32 v20, $0x10;
	v4 =	vand.u32 $0xFFFF0000, v4  }
0x1fc: {  	v22 =	vld [tilespmem:s4+$0xC50];
	v3 =	vor.u32 v3, v4;
	v23 =	vadd.s32 $0x8000, v15;
	v24 =	vadd.s32 $0x8000, v16  }
0x1fd: {  	v25 =	vld [tilespmem:s4+$0x1C50];
	[tilespmem:s14+$0xC40] =	vst v3;
	v3 =	vshrl.u32 v23, $0x10;
	v26 =	vand.u32 $0xFFFF0000, v24  }
0x1fe: {  	v27 =	vld [tilespmem:s1+$0xC50];
	v3 =	vor.u32 v3, v26  }
0x1ff: {  	v28 =	vld [tilespmem:s1+$0x1C50];
	[tilespmem:s17+$0xC40] =	vst v3  }
0x200: {  	v3 =	vadd.s32 $0x8000, v19;
	v29 =	vadd.s32 $0x8000, v21;
	v30 =	vld [tilespmem:s13+$0xC50]  }
0x201: {  	v3 =	vshrl.u32 v3, $0x10;
	v6 =	vand.u32 $0xFFFF0000, v29;
	v31 =	vld [tilespmem:s13+$0x1C50]  }
0x202: {  	v3 =	vor.u32 v3, v6;
	v5 =	vadd.s32 $0x8000, v22;
	v32 =	vadd.s32 $0x8000, v25  }
0x203: {  	[tilespmem:s0+$0xC50] =	vst v3;
	v3 =	vshrl.u32 v5, $0x10;
	v33 =	vand.u32 $0xFFFF0000, v32  }
0x204: {  	v34 =	vld [tilespmem:s11+$0xC60];
	v3 =	vor.u32 v3, v33;
	v35 =	vadd.s32 $0x8000, v27;
	v4 =	vadd.s32 $0x8000, v28  }
0x205: {  	v36 =	vld [tilespmem:s11+$0x1C60];
	[tilespmem:s12+$0xC50] =	vst v3;
	v3 =	vshrl.u32 v35, $0x10;
	v4 =	vand.u32 $0xFFFF0000, v4  }
0x206: {  	v37 =	vld [tilespmem:s4+$0xC60];
	v3 =	vor.u32 v3, v4;
	v38 =	vadd.s32 $0x8000, v30;
	v39 =	vadd.s32 $0x8000, v31  }
0x207: {  	v40 =	vld [tilespmem:s4+$0x1C60];
	[tilespmem:s14+$0xC50] =	vst v3;
	v3 =	vshrl.u32 v38, $0x10;
	v41 =	vand.u32 $0xFFFF0000, v39  }
0x208: {  	v42 =	vld [tilespmem:s1+$0xC60];
	v3 =	vor.u32 v3, v41  }
0x209: {  	v43 =	vld [tilespmem:s1+$0x1C60];
	[tilespmem:s17+$0xC50] =	vst v3  }
0x20a: {  	v3 =	vadd.s32 $0x8000, v34;
	v44 =	vadd.s32 $0x8000, v36;
	v45 =	vld [tilespmem:s13+$0xC60]  }
0x20b: {  	v3 =	vshrl.u32 v3, $0x10;
	v6 =	vand.u32 $0xFFFF0000, v44;
	v46 =	vld [tilespmem:s13+$0x1C60]  }
0x20c: {  	v3 =	vor.u32 v3, v6;
	v5 =	vadd.s32 $0x8000, v37;
	v47 =	vadd.s32 $0x8000, v40  }
0x20d: {  	[tilespmem:s0+$0xC60] =	vst v3;
	v3 =	vshrl.u32 v5, $0x10;
	v48 =	vand.u32 $0xFFFF0000, v47  }
0x20e: {  	v49 =	vld [tilespmem:s11+$0xC70];
	v3 =	vor.u32 v3, v48;
	v50 =	vadd.s32 $0x8000, v42;
	v4 =	vadd.s32 $0x8000, v43  }
0x20f: {  	v51 =	vld [tilespmem:s11+$0x1C70];
	[tilespmem:s12+$0xC60] =	vst v3;
	v3 =	vshrl.u32 v50, $0x10;
	v4 =	vand.u32 $0xFFFF0000, v4  }
0x210: {  	v52 =	vld [tilespmem:s4+$0xC70];
	v3 =	vor.u32 v3, v4;
	v53 =	vadd.s32 $0x8000, v45;
	v54 =	vadd.s32 $0x8000, v46  }
0x211: {  	v55 =	vld [tilespmem:s4+$0x1C70];
	[tilespmem:s14+$0xC60] =	vst v3;
	v3 =	vshrl.u32 v53, $0x10;
	v56 =	vand.u32 $0xFFFF0000, v54  }
0x212: {  	v57 =	vld [tilespmem:s1+$0xC70];
	v3 =	vor.u32 v3, v56  }
0x213: {  	v58 =	vld [tilespmem:s1+$0x1C70];
	[tilespmem:s17+$0xC60] =	vst v3  }
0x214: {  	v3 =	vld [tilespmem:s13+$0xC70]  }
0x215: {  	v6 =	vadd.s32 $0x8000, v49;
	v7 =	vadd.s32 $0x8000, v51;
	v59 =	vld [tilespmem:s13+$0x1C70]  }
0x216: {  	v6 =	vshrl.u32 v6, $0x10;
	v7 =	vand.u32 $0xFFFF0000, v7  }
0x217: {  	v6 =	vor.u32 v6, v7;
	v5 =	vadd.s32 $0x8000, v52;
	v60 =	vadd.s32 $0x8000, v55  }
0x218: {  	p1 =	slt.u32 s30, $0x1C;
	v5 =	vshrl.u32 v5, $0x10;
	v7 =	vand.u32 $0xFFFF0000, v60;
	v8 =	vadd.s32 $0x8000, v57  }
.Ltmp1:
0x219: {  	v5 =	vor.u32 v5, v7;
	v4 =	vadd.s32 $0x8000, v58;
	v61 =	vshrl.u32 v8, $0x10;
	(pc) =	sbr.rel @p1 .LBB2_5-.Ltmp1, $4  }
0x21a: {  	[tilespmem:s0+$0xC70] =	vst v6;
	v4 =	vand.u32 $0xFFFF0000, v4;
	v3 =	vadd.s32 $0x8000, v3;
	v62 =	vadd.s32 $0x8000, v59  }
0x21b: {  	[tilespmem:s12+$0xC70] =	vst v5;
	v4 =	vor.u32 v61, v4;
	v3 =	vshrl.u32 v3, $0x10;
	v63 =	vand.u32 $0xFFFF0000, v62  }
0x21c: {  	[tilespmem:s14+$0xC70] =	vst v4;
	v3 =	vor.u32 v3, v63  }
0x21d: {  	s31 =	sadd.s32 $0x200, s31;
	[tilespmem:s17+$0xC70] =	vst v3  }
0x21e: {  	p1 =	sne.s32 s28, $0x1F  }
.Ltmp2:
0x21f: {  	s0 =	sshll.u32 s28, $0xC;
	s1 =	sshll.u32 s28, $0x11;
	(pc) =	sbr.rel @p1 .LBB2_8-.Ltmp2, $4  }
0x220: {  	s0 =	sand.u32 $0x3000, s0;
	s1 =	sand.u32 $0x380000, s1  }
0x221: {  	s30 =	sor.u32 s10, s1;
	s0 =	sadd.s32 s5, s0  }
0x222: {  	s0 =	sadd.s32 s30, s0  }
0x223: {  	[hbm4b:s0+s3] =	stream.linear.scatter [tilespmem:s23], [sflag:$0x3], $0x4000, $0x38;
	[tilespmem:$0x19180] =	vst v63  }
.Ltmp3:
0x224: {  	(pc) =	sbr.rel .LBB2_9-.Ltmp3, $4  }
0x225: {  	_ = 	snop  }
0x226: {  	_ =	swait.ge [sflag:s24], $0x8000  }
0x227: {  	[sflag:s24] =	ssyncset.done $0x0  }
0x228: {  	[sflag:s24] =	ssyncadd.s32 $0xFFFF8000  }
.LBB2_8:
0x229: {  	s0 =	sshll.u32 s28, $0x6  }
0x22a: {  	s0 =	sand.u32 $0x3FFFFFC0, s0  }
0x22b: {  	v3 =	vld [tilespmem:s0+$0x9C0];
	_ =	sdelay $0x4  }
0x22c: {  	v4 =	vshll.u32 v3, $0x3  }
0x22d: {  	v3 =	vand.u32 $0x7, v3;
	v4 =	vand.u32 $0xFFFFFFC0, v4  }
0x22e: {  	v3 =	vor.u32 v3, v4  }
0x22f: {  	v4 =	vperm.xlane v3, v0;
	_ =	sdelay $0x1  }
0x230: {  	v4 =	vadd.s32 v1, v4;
	_ =	sdelay $0x3  }
0x231: {  	s1 =	simm.s32 $0x1180  }
0x232: {  	[tilespmem:s1], [sflag:$0x1] =	stream.indirect_vreg.gather [hbm4b:s2+s3], $0x80, v4, vm0, $0xb8;
	[tilespmem:$0x19180] =	vst v63  }
0x233: {  	s14 =	simm.s32 $0x1980;
	v3 =	vperm.xlane v3, v2  }
0x234: {  	[tilespmem:s14], [sflag:$0x1] =	stream.indirect_vreg.gather [hbm4b:s7+s3], $0x80, v4, vm0, $0xb8;
	[tilespmem:$0x19180] =	vst v63  }
0x235: {  	s15 =	simm.s32 $0x2180;
	v3 =	vadd.s32 v1, v3  }
0x236: {  	[tilespmem:s15], [sflag:$0x1] =	stream.indirect_vreg.gather [hbm4b:s8+s3], $0x80, v4, vm0, $0xb8;
	[tilespmem:$0x19180] =	vst v63  }
0x237: {  	s16 =	simm.s32 $0x2980  }
0x238: {  	[tilespmem:s16], [sflag:$0x1] =	stream.indirect_vreg.gather [hbm4b:s9+s3], $0x80, v4, vm0, $0xb8;
	[tilespmem:$0x19180] =	vst v63  }
0x239: {  	s17 =	simm.s32 $0x3180  }
0x23a: {  	[tilespmem:s17], [sflag:$0x1] =	stream.indirect_vreg.gather [hbm4b:s2+s3], $0x80, v3, vm0, $0xb8;
	[tilespmem:$0x19180] =	vst v63  }
0x23b: {  	s31 =	simm.s32 $0x3980  }
0x23c: {  	[tilespmem:s31], [sflag:$0x1] =	stream.indirect_vreg.gather [hbm4b:s7+s3], $0x80, v3, vm0, $0xb8;
	[tilespmem:$0x19180] =	vst v63  }
0x23d: {  	s4 =	simm.s32 $0x4180  }
0x23e: {  	[tilespmem:s4], [sflag:$0x1] =	stream.indirect_vreg.gather [hbm4b:s8+s3], $0x80, v3, vm0, $0xb8;
	[tilespmem:$0x19180] =	vst v63  }
0x23f: {  	s6 =	simm.s32 $0x4980  }
0x240: {  	[tilespmem:s6], [sflag:$0x1] =	stream.indirect_vreg.gather [hbm4b:s9+s3], $0x80, v3, vm0, $0xb8;
	[tilespmem:$0x19180] =	vst v63  }
0x241: {  	v3 =	vld [tilespmem:s0+$0x9D0];
	_ =	sdelay $0x4  }
0x242: {  	v63 =	vshll.u32 v3, $0x3  }
0x243: {  	v3 =	vand.u32 $0x7, v3;
	v4 =	vand.u32 $0xFFFFFFC0, v63  }
0x244: {  	v3 =	vor.u32 v3, v4  }
0x245: {  	v4 =	vperm.xlane v3, v0;
	_ =	sdelay $0x1  }
0x246: {  	v4 =	vadd.s32 v1, v4;
	_ =	sdelay $0x3  }
0x247: {  	s11 =	simm.s32 $0x5180  }
0x248: {  	[tilespmem:s11], [sflag:$0x1] =	stream.indirect_vreg.gather [hbm4b:s2+s3], $0x80, v4, vm0, $0xb8;
	[tilespmem:$0x19180] =	vst v63  }
0x249: {  	s12 =	simm.s32 $0x5980;
	v3 =	vperm.xlane v3, v2  }
0x24a: {  	[tilespmem:s12], [sflag:$0x1] =	stream.indirect_vreg.gather [hbm4b:s7+s3], $0x80, v4, vm0, $0xb8;
	[tilespmem:$0x19180] =	vst v63  }
0x24b: {  	s13 =	simm.s32 $0x6180;
	v3 =	vadd.s32 v1, v3  }
0x24c: {  	[tilespmem:s13], [sflag:$0x1] =	stream.indirect_vreg.gather [hbm4b:s8+s3], $0x80, v4, vm0, $0xb8;
	[tilespmem:$0x19180] =	vst v63  }
0x24d: {  	s14 =	simm.s32 $0x6980  }
0x24e: {  	[tilespmem:s14], [sflag:$0x1] =	stream.indirect_vreg.gather [hbm4b:s9+s3], $0x80, v4, vm0, $0xb8;
	[tilespmem:$0x19180] =	vst v63  }
0x24f: {  	s15 =	simm.s32 $0x7180  }
0x250: {  	[tilespmem:s15], [sflag:$0x1] =	stream.indirect_vreg.gather [hbm4b:s2+s3], $0x80, v3, vm0, $0xb8;
	[tilespmem:$0x19180] =	vst v63  }
0x251: {  	s16 =	simm.s32 $0x7980  }
0x252: {  	[tilespmem:s16], [sflag:$0x1] =	stream.indirect_vreg.gather [hbm4b:s7+s3], $0x80, v3, vm0, $0xb8;
	[tilespmem:$0x19180] =	vst v63  }
0x253: {  	s17 =	simm.s32 $0x8180  }
0x254: {  	[tilespmem:s17], [sflag:$0x1] =	stream.indirect_vreg.gather [hbm4b:s8+s3], $0x80, v3, vm0, $0xb8;
	[tilespmem:$0x19180] =	vst v63  }
.Ltmp4:
0x255: {  	s31 =	simm.s32 $0x8980;
	(pc) =	sbr.rel @p0 .LBB2_10-.Ltmp4, $4  }
0x256: {  	[tilespmem:s31], [sflag:$0x1] =	stream.indirect_vreg.gather [hbm4b:s9+s3], $0x80, v3, vm0, $0xb8;
	[tilespmem:$0x19180] =	vst v63  }
0x257: {  	_ =	swait.ge [sflag:s24], $0x8000  }
0x258: {  	[sflag:s24] =	ssyncset.done $0x0  }
0x259: {  	[sflag:s24] =	ssyncadd.s32 $0xFFFF8000  }
.LBB2_9:
0x25a: {  	_ =	swait.ge [sflag:s25], $0x4000  }
0x25b: {  	[sflag:s25] =	ssyncset.done $0x0  }
0x25c: {  	[sflag:s25] =	ssyncadd.s32 $0xFFFFC000  }
.LBB2_10:
0x25d: {  	s31 =	simm.s32 $0xFFFFFFFC;
	s0 =	simm.s32 $0x0  }
.LBB2_11:
0x25e: {  	s31 =	sadd.s32 $0x4, s31  }
0x25f: {  	s1 =	sshll.u32 s31, $0xA  }
0x260: {  	s1 =	sand.u32 $0x3FFFE000, s1  }
0x261: {  	s11 =	sand.u32 $0x200, s0;
	s1 =	sadd.s32 $0x9180, s1  }
0x262: {  	s12 =	sor.u32 s11, s1  }
0x263: {  	s14 =	sor.u32 $0x80, s11;
	v3 =	vld [tilespmem:s12+$0x0]  }
0x264: {  	s6 =	sadd.s32 s14, s1;
	v4 =	vld [tilespmem:s12+$0x1000]  }
0x265: {  	s15 =	sor.u32 $0x100, s11;
	v5 =	vld [tilespmem:s6+$0x0]  }
0x266: {  	s13 =	sadd.s32 s15, s1;
	v6 =	vld [tilespmem:s6+$0x1000]  }
0x267: {  	s16 =	sor.u32 $0x180, s11;
	v7 =	vld [tilespmem:s13+$0x0]  }
0x268: {  	s17 =	sshll.u32 s31, $0x9;
	s4 =	sadd.s32 s16, s1;
	v8 =	vld [tilespmem:s13+$0x1000]  }
0x269: {  	s17 =	sand.u32 $0x3FFFF000, s17;
	v9 =	vld [tilespmem:s4+$0x0];
	v3 =	vadd.s32 $0x8000, v3;
	v4 =	vadd.s32 $0x8000, v4  }
0x26a: {  	s17 =	sadd.s32 $0x15180, s17;
	v10 =	vld [tilespmem:s4+$0x1000];
	v3 =	vshrl.u32 v3, $0x10;
	v4 =	vand.u32 $0xFFFF0000, v4  }
0x26b: {  	s1 =	sor.u32 s11, s17;
	v15 =	vadd.s32 $0x8000, v5;
	v16 =	vadd.s32 $0x8000, v6;
	v3 =	vor.u32 v3, v4  }
0x26c: {  	v17 =	vand.u32 $0xFFFF0000, v16;
	[tilespmem:s1+$0x0] =	vst v3;
	v3 =	vshrl.u32 v15, $0x10  }
0x26d: {  	s14 =	sadd.s32 s14, s17;
	v19 =	vadd.s32 $0x8000, v7;
	v20 =	vadd.s32 $0x8000, v8;
	v18 =	vld [tilespmem:s12+$0x10];
	v3 =	vor.u32 v3, v17  }
0x26e: {  	v22 =	vand.u32 $0xFFFF0000, v20;
	v21 =	vld [tilespmem:s12+$0x1010];
	[tilespmem:s14+$0x0] =	vst v3;
	v3 =	vshrl.u32 v19, $0x10  }
0x26f: {  	s15 =	sadd.s32 s15, s17;
	v24 =	vadd.s32 $0x8000, v9;
	v25 =	vadd.s32 $0x8000, v10;
	v23 =	vld [tilespmem:s6+$0x10];
	v3 =	vor.u32 v3, v22  }
0x270: {  	v27 =	vand.u32 $0xFFFF0000, v25;
	v26 =	vld [tilespmem:s6+$0x1010];
	[tilespmem:s15+$0x0] =	vst v3;
	v3 =	vshrl.u32 v24, $0x10  }
0x271: {  	s17 =	sadd.s32 s16, s17;
	v28 =	vld [tilespmem:s13+$0x10];
	v3 =	vor.u32 v3, v27  }
0x272: {  	v29 =	vld [tilespmem:s13+$0x1010];
	[tilespmem:s17+$0x0] =	vst v3  }
0x273: {  	v3 =	vadd.s32 $0x8000, v18;
	v30 =	vadd.s32 $0x8000, v21;
	v31 =	vld [tilespmem:s4+$0x10]  }
0x274: {  	v3 =	vshrl.u32 v3, $0x10;
	v5 =	vand.u32 $0xFFFF0000, v30;
	v32 =	vld [tilespmem:s4+$0x1010]  }
0x275: {  	v3 =	vor.u32 v3, v5;
	v33 =	vadd.s32 $0x8000, v23;
	v34 =	vadd.s32 $0x8000, v26  }
0x276: {  	[tilespmem:s1+$0x10] =	vst v3;
	v3 =	vshrl.u32 v33, $0x10;
	v35 =	vand.u32 $0xFFFF0000, v34  }
0x277: {  	v36 =	vld [tilespmem:s12+$0x20];
	v3 =	vor.u32 v3, v35;
	v37 =	vadd.s32 $0x8000, v28;
	v4 =	vadd.s32 $0x8000, v29  }
0x278: {  	v38 =	vld [tilespmem:s12+$0x1020];
	[tilespmem:s14+$0x10] =	vst v3;
	v3 =	vshrl.u32 v37, $0x10;
	v4 =	vand.u32 $0xFFFF0000, v4  }
0x279: {  	v39 =	vld [tilespmem:s6+$0x20];
	v3 =	vor.u32 v3, v4;
	v40 =	vadd.s32 $0x8000, v31;
	v41 =	vadd.s32 $0x8000, v32  }
0x27a: {  	v42 =	vld [tilespmem:s6+$0x1020];
	[tilespmem:s15+$0x10] =	vst v3;
	v3 =	vshrl.u32 v40, $0x10;
	v43 =	vand.u32 $0xFFFF0000, v41  }
0x27b: {  	v44 =	vld [tilespmem:s13+$0x20];
	v3 =	vor.u32 v3, v43  }
0x27c: {  	v45 =	vld [tilespmem:s13+$0x1020];
	[tilespmem:s17+$0x10] =	vst v3  }
0x27d: {  	v3 =	vadd.s32 $0x8000, v36;
	v46 =	vadd.s32 $0x8000, v38;
	v47 =	vld [tilespmem:s4+$0x20]  }
0x27e: {  	v3 =	vshrl.u32 v3, $0x10;
	v6 =	vand.u32 $0xFFFF0000, v46;
	v48 =	vld [tilespmem:s4+$0x1020]  }
0x27f: {  	v3 =	vor.u32 v3, v6;
	v5 =	vadd.s32 $0x8000, v39;
	v49 =	vadd.s32 $0x8000, v42  }
0x280: {  	[tilespmem:s1+$0x20] =	vst v3;
	v3 =	vshrl.u32 v5, $0x10;
	v50 =	vand.u32 $0xFFFF0000, v49  }
0x281: {  	v51 =	vld [tilespmem:s12+$0x30];
	v3 =	vor.u32 v3, v50;
	v52 =	vadd.s32 $0x8000, v44;
	v4 =	vadd.s32 $0x8000, v45  }
0x282: {  	v53 =	vld [tilespmem:s12+$0x1030];
	[tilespmem:s14+$0x20] =	vst v3;
	v3 =	vshrl.u32 v52, $0x10;
	v4 =	vand.u32 $0xFFFF0000, v4  }
0x283: {  	v54 =	vld [tilespmem:s6+$0x30];
	v3 =	vor.u32 v3, v4;
	v55 =	vadd.s32 $0x8000, v47;
	v56 =	vadd.s32 $0x8000, v48  }
0x284: {  	v57 =	vld [tilespmem:s6+$0x1030];
	[tilespmem:s15+$0x20] =	vst v3;
	v3 =	vshrl.u32 v55, $0x10;
	v58 =	vand.u32 $0xFFFF0000, v56  }
0x285: {  	v59 =	vld [tilespmem:s13+$0x30];
	v3 =	vor.u32 v3, v58  }
0x286: {  	v60 =	vld [tilespmem:s13+$0x1030];
	[tilespmem:s17+$0x20] =	vst v3  }
0x287: {  	v3 =	vadd.s32 $0x8000, v51;
	v61 =	vadd.s32 $0x8000, v53;
	v62 =	vld [tilespmem:s4+$0x30]  }
0x288: {  	v3 =	vshrl.u32 v3, $0x10;
	v6 =	vand.u32 $0xFFFF0000, v61;
	v63 =	vld [tilespmem:s4+$0x1030]  }
0x289: {  	v3 =	vor.u32 v3, v6;
	v5 =	vadd.s32 $0x8000, v54;
	v11 =	vadd.s32 $0x8000, v57  }
0x28a: {  	[tilespmem:s1+$0x30] =	vst v3;
	v3 =	vshrl.u32 v5, $0x10;
	v12 =	vand.u32 $0xFFFF0000, v11  }
0x28b: {  	v13 =	vld [tilespmem:s12+$0x40];
	v3 =	vor.u32 v3, v12;
	v14 =	vadd.s32 $0x8000, v59;
	v4 =	vadd.s32 $0x8000, v60  }
0x28c: {  	v15 =	vld [tilespmem:s12+$0x1040];
	[tilespmem:s14+$0x30] =	vst v3;
	v3 =	vshrl.u32 v14, $0x10;
	v4 =	vand.u32 $0xFFFF0000, v4  }
0x28d: {  	v16 =	vld [tilespmem:s6+$0x40];
	v3 =	vor.u32 v3, v4;
	v17 =	vadd.s32 $0x8000, v62;
	v18 =	vadd.s32 $0x8000, v63  }
0x28e: {  	v19 =	vld [tilespmem:s6+$0x1040];
	[tilespmem:s15+$0x30] =	vst v3;
	v3 =	vshrl.u32 v17, $0x10;
	v20 =	vand.u32 $0xFFFF0000, v18  }
0x28f: {  	v21 =	vld [tilespmem:s13+$0x40];
	v3 =	vor.u32 v3, v20  }
0x290: {  	v22 =	vld [tilespmem:s13+$0x1040];
	[tilespmem:s17+$0x30] =	vst v3  }
0x291: {  	v3 =	vadd.s32 $0x8000, v13;
	v23 =	vadd.s32 $0x8000, v15;
	v24 =	vld [tilespmem:s4+$0x40]  }
0x292: {  	v3 =	vshrl.u32 v3, $0x10;
	v6 =	vand.u32 $0xFFFF0000, v23;
	v25 =	vld [tilespmem:s4+$0x1040]  }
0x293: {  	v3 =	vor.u32 v3, v6;
	v5 =	vadd.s32 $0x8000, v16;
	v26 =	vadd.s32 $0x8000, v19  }
0x294: {  	[tilespmem:s1+$0x40] =	vst v3;
	v3 =	vshrl.u32 v5, $0x10;
	v27 =	vand.u32 $0xFFFF0000, v26  }
0x295: {  	v28 =	vld [tilespmem:s12+$0x50];
	v3 =	vor.u32 v3, v27;
	v29 =	vadd.s32 $0x8000, v21;
	v4 =	vadd.s32 $0x8000, v22  }
0x296: {  	v30 =	vld [tilespmem:s12+$0x1050];
	[tilespmem:s14+$0x40] =	vst v3;
	v3 =	vshrl.u32 v29, $0x10;
	v4 =	vand.u32 $0xFFFF0000, v4  }
0x297: {  	v31 =	vld [tilespmem:s6+$0x50];
	v3 =	vor.u32 v3, v4;
	v32 =	vadd.s32 $0x8000, v24;
	v33 =	vadd.s32 $0x8000, v25  }
0x298: {  	v34 =	vld [tilespmem:s6+$0x1050];
	[tilespmem:s15+$0x40] =	vst v3;
	v3 =	vshrl.u32 v32, $0x10;
	v35 =	vand.u32 $0xFFFF0000, v33  }
0x299: {  	v36 =	vld [tilespmem:s13+$0x50];
	v3 =	vor.u32 v3, v35  }
0x29a: {  	v37 =	vld [tilespmem:s13+$0x1050];
	[tilespmem:s17+$0x40] =	vst v3  }
0x29b: {  	v3 =	vadd.s32 $0x8000, v28;
	v38 =	vadd.s32 $0x8000, v30;
	v39 =	vld [tilespmem:s4+$0x50]  }
0x29c: {  	v3 =	vshrl.u32 v3, $0x10;
	v6 =	vand.u32 $0xFFFF0000, v38;
	v40 =	vld [tilespmem:s4+$0x1050]  }
0x29d: {  	v3 =	vor.u32 v3, v6;
	v5 =	vadd.s32 $0x8000, v31;
	v41 =	vadd.s32 $0x8000, v34  }
0x29e: {  	[tilespmem:s1+$0x50] =	vst v3;
	v3 =	vshrl.u32 v5, $0x10;
	v42 =	vand.u32 $0xFFFF0000, v41  }
0x29f: {  	v43 =	vld [tilespmem:s12+$0x60];
	v3 =	vor.u32 v3, v42;
	v44 =	vadd.s32 $0x8000, v36;
	v4 =	vadd.s32 $0x8000, v37  }
0x2a0: {  	v45 =	vld [tilespmem:s12+$0x1060];
	[tilespmem:s14+$0x50] =	vst v3;
	v3 =	vshrl.u32 v44, $0x10;
	v4 =	vand.u32 $0xFFFF0000, v4  }
0x2a1: {  	v46 =	vld [tilespmem:s6+$0x60];
	v3 =	vor.u32 v3, v4;
	v47 =	vadd.s32 $0x8000, v39;
	v48 =	vadd.s32 $0x8000, v40  }
0x2a2: {  	v49 =	vld [tilespmem:s6+$0x1060];
	[tilespmem:s15+$0x50] =	vst v3;
	v3 =	vshrl.u32 v47, $0x10;
	v50 =	vand.u32 $0xFFFF0000, v48  }
0x2a3: {  	v51 =	vld [tilespmem:s13+$0x60];
	v3 =	vor.u32 v3, v50  }
0x2a4: {  	v52 =	vld [tilespmem:s13+$0x1060];
	[tilespmem:s17+$0x50] =	vst v3  }
0x2a5: {  	v3 =	vadd.s32 $0x8000, v43;
	v53 =	vadd.s32 $0x8000, v45;
	v54 =	vld [tilespmem:s4+$0x60]  }
0x2a6: {  	v3 =	vshrl.u32 v3, $0x10;
	v6 =	vand.u32 $0xFFFF0000, v53;
	v55 =	vld [tilespmem:s4+$0x1060]  }
0x2a7: {  	v3 =	vor.u32 v3, v6;
	v5 =	vadd.s32 $0x8000, v46;
	v56 =	vadd.s32 $0x8000, v49  }
0x2a8: {  	[tilespmem:s1+$0x60] =	vst v3;
	v3 =	vshrl.u32 v5, $0x10;
	v57 =	vand.u32 $0xFFFF0000, v56  }
0x2a9: {  	v58 =	vld [tilespmem:s12+$0x70];
	v3 =	vor.u32 v3, v57;
	v59 =	vadd.s32 $0x8000, v51;
	v4 =	vadd.s32 $0x8000, v52  }
0x2aa: {  	v60 =	vld [tilespmem:s12+$0x1070];
	[tilespmem:s14+$0x60] =	vst v3;
	v3 =	vshrl.u32 v59, $0x10;
	v4 =	vand.u32 $0xFFFF0000, v4  }
0x2ab: {  	v61 =	vld [tilespmem:s6+$0x70];
	v3 =	vor.u32 v3, v4;
	v62 =	vadd.s32 $0x8000, v54;
	v63 =	vadd.s32 $0x8000, v55  }
0x2ac: {  	v12 =	vld [tilespmem:s6+$0x1070];
	[tilespmem:s15+$0x60] =	vst v3;
	v3 =	vshrl.u32 v62, $0x10;
	v13 =	vand.u32 $0xFFFF0000, v63  }
0x2ad: {  	v14 =	vld [tilespmem:s13+$0x70];
	v3 =	vor.u32 v3, v13  }
0x2ae: {  	v15 =	vld [tilespmem:s13+$0x1070];
	[tilespmem:s17+$0x60] =	vst v3  }
0x2af: {  	v3 =	vadd.s32 $0x8000, v58;
	v16 =	vadd.s32 $0x8000, v60;
	v17 =	vld [tilespmem:s4+$0x70]  }
0x2b0: {  	v3 =	vshrl.u32 v3, $0x10;
	v6 =	vand.u32 $0xFFFF0000, v16;
	v18 =	vld [tilespmem:s4+$0x1070]  }
0x2b1: {  	v3 =	vor.u32 v3, v6;
	v5 =	vadd.s32 $0x8000, v61;
	v19 =	vadd.s32 $0x8000, v12  }
0x2b2: {  	[tilespmem:s1+$0x70] =	vst v3;
	v3 =	vshrl.u32 v5, $0x10;
	v20 =	vand.u32 $0xFFFF0000, v19  }
0x2b3: {  	v21 =	vld [tilespmem:s12+$0x400];
	v3 =	vor.u32 v3, v20;
	v22 =	vadd.s32 $0x8000, v14;
	v4 =	vadd.s32 $0x8000, v15  }
0x2b4: {  	v23 =	vld [tilespmem:s12+$0x1400];
	[tilespmem:s14+$0x70] =	vst v3;
	v3 =	vshrl.u32 v22, $0x10;
	v4 =	vand.u32 $0xFFFF0000, v4  }
0x2b5: {  	v24 =	vld [tilespmem:s6+$0x400];
	v3 =	vor.u32 v3, v4;
	v25 =	vadd.s32 $0x8000, v17;
	v26 =	vadd.s32 $0x8000, v18  }
0x2b6: {  	v27 =	vld [tilespmem:s6+$0x1400];
	[tilespmem:s15+$0x70] =	vst v3;
	v3 =	vshrl.u32 v25, $0x10;
	v28 =	vand.u32 $0xFFFF0000, v26  }
0x2b7: {  	v29 =	vld [tilespmem:s13+$0x400];
	v3 =	vor.u32 v3, v28  }
0x2b8: {  	v30 =	vld [tilespmem:s13+$0x1400];
	[tilespmem:s17+$0x70] =	vst v3  }
0x2b9: {  	v3 =	vadd.s32 $0x8000, v21;
	v31 =	vadd.s32 $0x8000, v23;
	v32 =	vld [tilespmem:s4+$0x400]  }
0x2ba: {  	v3 =	vshrl.u32 v3, $0x10;
	v6 =	vand.u32 $0xFFFF0000, v31;
	v33 =	vld [tilespmem:s4+$0x1400]  }
0x2bb: {  	v3 =	vor.u32 v3, v6;
	v5 =	vadd.s32 $0x8000, v24;
	v34 =	vadd.s32 $0x8000, v27  }
0x2bc: {  	[tilespmem:s1+$0x400] =	vst v3;
	v3 =	vshrl.u32 v5, $0x10;
	v35 =	vand.u32 $0xFFFF0000, v34  }
0x2bd: {  	v36 =	vld [tilespmem:s12+$0x410];
	v3 =	vor.u32 v3, v35;
	v37 =	vadd.s32 $0x8000, v29;
	v4 =	vadd.s32 $0x8000, v30  }
0x2be: {  	v38 =	vld [tilespmem:s12+$0x1410];
	[tilespmem:s14+$0x400] =	vst v3;
	v3 =	vshrl.u32 v37, $0x10;
	v4 =	vand.u32 $0xFFFF0000, v4  }
0x2bf: {  	v39 =	vld [tilespmem:s6+$0x410];
	v3 =	vor.u32 v3, v4;
	v40 =	vadd.s32 $0x8000, v32;
	v41 =	vadd.s32 $0x8000, v33  }
0x2c0: {  	v42 =	vld [tilespmem:s6+$0x1410];
	[tilespmem:s15+$0x400] =	vst v3;
	v3 =	vshrl.u32 v40, $0x10;
	v43 =	vand.u32 $0xFFFF0000, v41  }
0x2c1: {  	v44 =	vld [tilespmem:s13+$0x410];
	v3 =	vor.u32 v3, v43  }
0x2c2: {  	v45 =	vld [tilespmem:s13+$0x1410];
	[tilespmem:s17+$0x400] =	vst v3  }
0x2c3: {  	v3 =	vadd.s32 $0x8000, v36;
	v46 =	vadd.s32 $0x8000, v38;
	v47 =	vld [tilespmem:s4+$0x410]  }
0x2c4: {  	v3 =	vshrl.u32 v3, $0x10;
	v6 =	vand.u32 $0xFFFF0000, v46;
	v48 =	vld [tilespmem:s4+$0x1410]  }
0x2c5: {  	v3 =	vor.u32 v3, v6;
	v5 =	vadd.s32 $0x8000, v39;
	v49 =	vadd.s32 $0x8000, v42  }
0x2c6: {  	[tilespmem:s1+$0x410] =	vst v3;
	v3 =	vshrl.u32 v5, $0x10;
	v50 =	vand.u32 $0xFFFF0000, v49  }
0x2c7: {  	v51 =	vld [tilespmem:s12+$0x420];
	v3 =	vor.u32 v3, v50;
	v52 =	vadd.s32 $0x8000, v44;
	v4 =	vadd.s32 $0x8000, v45  }
0x2c8: {  	v53 =	vld [tilespmem:s12+$0x1420];
	[tilespmem:s14+$0x410] =	vst v3;
	v3 =	vshrl.u32 v52, $0x10;
	v4 =	vand.u32 $0xFFFF0000, v4  }
0x2c9: {  	v54 =	vld [tilespmem:s6+$0x420];
	v3 =	vor.u32 v3, v4;
	v55 =	vadd.s32 $0x8000, v47;
	v56 =	vadd.s32 $0x8000, v48  }
0x2ca: {  	v57 =	vld [tilespmem:s6+$0x1420];
	[tilespmem:s15+$0x410] =	vst v3;
	v3 =	vshrl.u32 v55, $0x10;
	v58 =	vand.u32 $0xFFFF0000, v56  }
0x2cb: {  	v59 =	vld [tilespmem:s13+$0x420];
	v3 =	vor.u32 v3, v58  }
0x2cc: {  	v60 =	vld [tilespmem:s13+$0x1420];
	[tilespmem:s17+$0x410] =	vst v3  }
0x2cd: {  	v3 =	vadd.s32 $0x8000, v51;
	v61 =	vadd.s32 $0x8000, v53;
	v62 =	vld [tilespmem:s4+$0x420]  }
0x2ce: {  	v3 =	vshrl.u32 v3, $0x10;
	v6 =	vand.u32 $0xFFFF0000, v61;
	v63 =	vld [tilespmem:s4+$0x1420]  }
0x2cf: {  	v3 =	vor.u32 v3, v6;
	v5 =	vadd.s32 $0x8000, v54;
	v11 =	vadd.s32 $0x8000, v57  }
0x2d0: {  	[tilespmem:s1+$0x420] =	vst v3;
	v3 =	vshrl.u32 v5, $0x10;
	v12 =	vand.u32 $0xFFFF0000, v11  }
0x2d1: {  	v13 =	vld [tilespmem:s12+$0x430];
	v3 =	vor.u32 v3, v12;
	v14 =	vadd.s32 $0x8000, v59;
	v4 =	vadd.s32 $0x8000, v60  }
0x2d2: {  	v15 =	vld [tilespmem:s12+$0x1430];
	[tilespmem:s14+$0x420] =	vst v3;
	v3 =	vshrl.u32 v14, $0x10;
	v4 =	vand.u32 $0xFFFF0000, v4  }
0x2d3: {  	v16 =	vld [tilespmem:s6+$0x430];
	v3 =	vor.u32 v3, v4;
	v17 =	vadd.s32 $0x8000, v62;
	v18 =	vadd.s32 $0x8000, v63  }
0x2d4: {  	v19 =	vld [tilespmem:s6+$0x1430];
	[tilespmem:s15+$0x420] =	vst v3;
	v3 =	vshrl.u32 v17, $0x10;
	v20 =	vand.u32 $0xFFFF0000, v18  }
0x2d5: {  	v21 =	vld [tilespmem:s13+$0x430];
	v3 =	vor.u32 v3, v20  }
0x2d6: {  	v22 =	vld [tilespmem:s13+$0x1430];
	[tilespmem:s17+$0x420] =	vst v3  }
0x2d7: {  	v3 =	vadd.s32 $0x8000, v13;
	v23 =	vadd.s32 $0x8000, v15;
	v24 =	vld [tilespmem:s4+$0x430]  }
0x2d8: {  	v3 =	vshrl.u32 v3, $0x10;
	v6 =	vand.u32 $0xFFFF0000, v23;
	v25 =	vld [tilespmem:s4+$0x1430]  }
0x2d9: {  	v3 =	vor.u32 v3, v6;
	v5 =	vadd.s32 $0x8000, v16;
	v26 =	vadd.s32 $0x8000, v19  }
0x2da: {  	[tilespmem:s1+$0x430] =	vst v3;
	v3 =	vshrl.u32 v5, $0x10;
	v27 =	vand.u32 $0xFFFF0000, v26  }
0x2db: {  	v28 =	vld [tilespmem:s12+$0x440];
	v3 =	vor.u32 v3, v27;
	v29 =	vadd.s32 $0x8000, v21;
	v4 =	vadd.s32 $0x8000, v22  }
0x2dc: {  	v30 =	vld [tilespmem:s12+$0x1440];
	[tilespmem:s14+$0x430] =	vst v3;
	v3 =	vshrl.u32 v29, $0x10;
	v4 =	vand.u32 $0xFFFF0000, v4  }
0x2dd: {  	v31 =	vld [tilespmem:s6+$0x440];
	v3 =	vor.u32 v3, v4;
	v32 =	vadd.s32 $0x8000, v24;
	v33 =	vadd.s32 $0x8000, v25  }
0x2de: {  	v34 =	vld [tilespmem:s6+$0x1440];
	[tilespmem:s15+$0x430] =	vst v3;
	v3 =	vshrl.u32 v32, $0x10;
	v35 =	vand.u32 $0xFFFF0000, v33  }
0x2df: {  	v36 =	vld [tilespmem:s13+$0x440];
	v3 =	vor.u32 v3, v35  }
0x2e0: {  	v37 =	vld [tilespmem:s13+$0x1440];
	[tilespmem:s17+$0x430] =	vst v3  }
0x2e1: {  	v3 =	vadd.s32 $0x8000, v28;
	v38 =	vadd.s32 $0x8000, v30;
	v39 =	vld [tilespmem:s4+$0x440]  }
0x2e2: {  	v3 =	vshrl.u32 v3, $0x10;
	v6 =	vand.u32 $0xFFFF0000, v38;
	v40 =	vld [tilespmem:s4+$0x1440]  }
0x2e3: {  	v3 =	vor.u32 v3, v6;
	v5 =	vadd.s32 $0x8000, v31;
	v41 =	vadd.s32 $0x8000, v34  }
0x2e4: {  	[tilespmem:s1+$0x440] =	vst v3;
	v3 =	vshrl.u32 v5, $0x10;
	v42 =	vand.u32 $0xFFFF0000, v41  }
0x2e5: {  	v43 =	vld [tilespmem:s12+$0x450];
	v3 =	vor.u32 v3, v42;
	v44 =	vadd.s32 $0x8000, v36;
	v4 =	vadd.s32 $0x8000, v37  }
0x2e6: {  	v45 =	vld [tilespmem:s12+$0x1450];
	[tilespmem:s14+$0x440] =	vst v3;
	v3 =	vshrl.u32 v44, $0x10;
	v4 =	vand.u32 $0xFFFF0000, v4  }
0x2e7: {  	v46 =	vld [tilespmem:s6+$0x450];
	v3 =	vor.u32 v3, v4;
	v47 =	vadd.s32 $0x8000, v39;
	v48 =	vadd.s32 $0x8000, v40  }
0x2e8: {  	v49 =	vld [tilespmem:s6+$0x1450];
	[tilespmem:s15+$0x440] =	vst v3;
	v3 =	vshrl.u32 v47, $0x10;
	v50 =	vand.u32 $0xFFFF0000, v48  }
0x2e9: {  	v51 =	vld [tilespmem:s13+$0x450];
	v3 =	vor.u32 v3, v50  }
0x2ea: {  	v52 =	vld [tilespmem:s13+$0x1450];
	[tilespmem:s17+$0x440] =	vst v3  }
0x2eb: {  	v3 =	vadd.s32 $0x8000, v43;
	v53 =	vadd.s32 $0x8000, v45;
	v54 =	vld [tilespmem:s4+$0x450]  }
0x2ec: {  	v3 =	vshrl.u32 v3, $0x10;
	v6 =	vand.u32 $0xFFFF0000, v53;
	v55 =	vld [tilespmem:s4+$0x1450]  }
0x2ed: {  	v3 =	vor.u32 v3, v6;
	v5 =	vadd.s32 $0x8000, v46;
	v56 =	vadd.s32 $0x8000, v49  }
0x2ee: {  	[tilespmem:s1+$0x450] =	vst v3;
	v3 =	vshrl.u32 v5, $0x10;
	v57 =	vand.u32 $0xFFFF0000, v56  }
0x2ef: {  	v58 =	vld [tilespmem:s12+$0x460];
	v3 =	vor.u32 v3, v57;
	v59 =	vadd.s32 $0x8000, v51;
	v4 =	vadd.s32 $0x8000, v52  }
0x2f0: {  	v60 =	vld [tilespmem:s12+$0x1460];
	[tilespmem:s14+$0x450] =	vst v3;
	v3 =	vshrl.u32 v59, $0x10;
	v4 =	vand.u32 $0xFFFF0000, v4  }
0x2f1: {  	v61 =	vld [tilespmem:s6+$0x460];
	v3 =	vor.u32 v3, v4;
	v62 =	vadd.s32 $0x8000, v54;
	v63 =	vadd.s32 $0x8000, v55  }
0x2f2: {  	v12 =	vld [tilespmem:s6+$0x1460];
	[tilespmem:s15+$0x450] =	vst v3;
	v3 =	vshrl.u32 v62, $0x10;
	v13 =	vand.u32 $0xFFFF0000, v63  }
0x2f3: {  	v14 =	vld [tilespmem:s13+$0x460];
	v3 =	vor.u32 v3, v13  }
0x2f4: {  	v15 =	vld [tilespmem:s13+$0x1460];
	[tilespmem:s17+$0x450] =	vst v3  }
0x2f5: {  	v3 =	vadd.s32 $0x8000, v58;
	v16 =	vadd.s32 $0x8000, v60;
	v17 =	vld [tilespmem:s4+$0x460]  }
0x2f6: {  	v3 =	vshrl.u32 v3, $0x10;
	v6 =	vand.u32 $0xFFFF0000, v16;
	v18 =	vld [tilespmem:s4+$0x1460]  }
0x2f7: {  	v3 =	vor.u32 v3, v6;
	v5 =	vadd.s32 $0x8000, v61;
	v19 =	vadd.s32 $0x8000, v12  }
0x2f8: {  	[tilespmem:s1+$0x460] =	vst v3;
	v3 =	vshrl.u32 v5, $0x10;
	v20 =	vand.u32 $0xFFFF0000, v19  }
0x2f9: {  	v21 =	vld [tilespmem:s12+$0x470];
	v3 =	vor.u32 v3, v20;
	v22 =	vadd.s32 $0x8000, v14;
	v4 =	vadd.s32 $0x8000, v15  }
0x2fa: {  	v23 =	vld [tilespmem:s12+$0x1470];
	[tilespmem:s14+$0x460] =	vst v3;
	v3 =	vshrl.u32 v22, $0x10;
	v4 =	vand.u32 $0xFFFF0000, v4  }
0x2fb: {  	v24 =	vld [tilespmem:s6+$0x470];
	v3 =	vor.u32 v3, v4;
	v25 =	vadd.s32 $0x8000, v17;
	v26 =	vadd.s32 $0x8000, v18  }
0x2fc: {  	v27 =	vld [tilespmem:s6+$0x1470];
	[tilespmem:s15+$0x460] =	vst v3;
	v3 =	vshrl.u32 v25, $0x10;
	v28 =	vand.u32 $0xFFFF0000, v26  }
0x2fd: {  	v29 =	vld [tilespmem:s13+$0x470];
	v3 =	vor.u32 v3, v28  }
0x2fe: {  	v30 =	vld [tilespmem:s13+$0x1470];
	[tilespmem:s17+$0x460] =	vst v3  }
0x2ff: {  	v3 =	vadd.s32 $0x8000, v21;
	v31 =	vadd.s32 $0x8000, v23;
	v32 =	vld [tilespmem:s4+$0x470]  }
0x300: {  	v3 =	vshrl.u32 v3, $0x10;
	v6 =	vand.u32 $0xFFFF0000, v31;
	v33 =	vld [tilespmem:s4+$0x1470]  }
0x301: {  	v3 =	vor.u32 v3, v6;
	v5 =	vadd.s32 $0x8000, v24;
	v34 =	vadd.s32 $0x8000, v27  }
0x302: {  	[tilespmem:s1+$0x470] =	vst v3;
	v3 =	vshrl.u32 v5, $0x10;
	v35 =	vand.u32 $0xFFFF0000, v34  }
0x303: {  	v36 =	vld [tilespmem:s12+$0x800];
	v3 =	vor.u32 v3, v35;
	v37 =	vadd.s32 $0x8000, v29;
	v4 =	vadd.s32 $0x8000, v30  }
0x304: {  	v38 =	vld [tilespmem:s12+$0x1800];
	[tilespmem:s14+$0x470] =	vst v3;
	v3 =	vshrl.u32 v37, $0x10;
	v4 =	vand.u32 $0xFFFF0000, v4  }
0x305: {  	v39 =	vld [tilespmem:s6+$0x800];
	v3 =	vor.u32 v3, v4;
	v40 =	vadd.s32 $0x8000, v32;
	v41 =	vadd.s32 $0x8000, v33  }
0x306: {  	v42 =	vld [tilespmem:s6+$0x1800];
	[tilespmem:s15+$0x470] =	vst v3;
	v3 =	vshrl.u32 v40, $0x10;
	v43 =	vand.u32 $0xFFFF0000, v41  }
0x307: {  	v44 =	vld [tilespmem:s13+$0x800];
	v3 =	vor.u32 v3, v43  }
0x308: {  	v45 =	vld [tilespmem:s13+$0x1800];
	[tilespmem:s17+$0x470] =	vst v3  }
0x309: {  	v3 =	vadd.s32 $0x8000, v36;
	v46 =	vadd.s32 $0x8000, v38;
	v47 =	vld [tilespmem:s4+$0x800]  }
0x30a: {  	v3 =	vshrl.u32 v3, $0x10;
	v6 =	vand.u32 $0xFFFF0000, v46;
	v48 =	vld [tilespmem:s4+$0x1800]  }
0x30b: {  	v3 =	vor.u32 v3, v6;
	v5 =	vadd.s32 $0x8000, v39;
	v49 =	vadd.s32 $0x8000, v42  }
0x30c: {  	[tilespmem:s1+$0x800] =	vst v3;
	v3 =	vshrl.u32 v5, $0x10;
	v50 =	vand.u32 $0xFFFF0000, v49  }
0x30d: {  	v51 =	vld [tilespmem:s12+$0x810];
	v3 =	vor.u32 v3, v50;
	v52 =	vadd.s32 $0x8000, v44;
	v4 =	vadd.s32 $0x8000, v45  }
0x30e: {  	v53 =	vld [tilespmem:s12+$0x1810];
	[tilespmem:s14+$0x800] =	vst v3;
	v3 =	vshrl.u32 v52, $0x10;
	v4 =	vand.u32 $0xFFFF0000, v4  }
0x30f: {  	v54 =	vld [tilespmem:s6+$0x810];
	v3 =	vor.u32 v3, v4;
	v55 =	vadd.s32 $0x8000, v47;
	v56 =	vadd.s32 $0x8000, v48  }
0x310: {  	v57 =	vld [tilespmem:s6+$0x1810];
	[tilespmem:s15+$0x800] =	vst v3;
	v3 =	vshrl.u32 v55, $0x10;
	v58 =	vand.u32 $0xFFFF0000, v56  }
0x311: {  	v59 =	vld [tilespmem:s13+$0x810];
	v3 =	vor.u32 v3, v58  }
0x312: {  	v60 =	vld [tilespmem:s13+$0x1810];
	[tilespmem:s17+$0x800] =	vst v3  }
0x313: {  	v3 =	vadd.s32 $0x8000, v51;
	v61 =	vadd.s32 $0x8000, v53;
	v62 =	vld [tilespmem:s4+$0x810]  }
0x314: {  	v3 =	vshrl.u32 v3, $0x10;
	v6 =	vand.u32 $0xFFFF0000, v61;
	v63 =	vld [tilespmem:s4+$0x1810]  }
0x315: {  	v3 =	vor.u32 v3, v6;
	v5 =	vadd.s32 $0x8000, v54;
	v11 =	vadd.s32 $0x8000, v57  }
0x316: {  	[tilespmem:s1+$0x810] =	vst v3;
	v3 =	vshrl.u32 v5, $0x10;
	v12 =	vand.u32 $0xFFFF0000, v11  }
0x317: {  	v13 =	vld [tilespmem:s12+$0x820];
	v3 =	vor.u32 v3, v12;
	v14 =	vadd.s32 $0x8000, v59;
	v4 =	vadd.s32 $0x8000, v60  }
0x318: {  	v15 =	vld [tilespmem:s12+$0x1820];
	[tilespmem:s14+$0x810] =	vst v3;
	v3 =	vshrl.u32 v14, $0x10;
	v4 =	vand.u32 $0xFFFF0000, v4  }
0x319: {  	v16 =	vld [tilespmem:s6+$0x820];
	v3 =	vor.u32 v3, v4;
	v17 =	vadd.s32 $0x8000, v62;
	v18 =	vadd.s32 $0x8000, v63  }
0x31a: {  	v19 =	vld [tilespmem:s6+$0x1820];
	[tilespmem:s15+$0x810] =	vst v3;
	v3 =	vshrl.u32 v17, $0x10;
	v20 =	vand.u32 $0xFFFF0000, v18  }
0x31b: {  	v21 =	vld [tilespmem:s13+$0x820];
	v3 =	vor.u32 v3, v20  }
0x31c: {  	v22 =	vld [tilespmem:s13+$0x1820];
	[tilespmem:s17+$0x810] =	vst v3  }
0x31d: {  	v3 =	vadd.s32 $0x8000, v13;
	v23 =	vadd.s32 $0x8000, v15;
	v24 =	vld [tilespmem:s4+$0x820]  }
0x31e: {  	v3 =	vshrl.u32 v3, $0x10;
	v6 =	vand.u32 $0xFFFF0000, v23;
	v25 =	vld [tilespmem:s4+$0x1820]  }
0x31f: {  	v3 =	vor.u32 v3, v6;
	v5 =	vadd.s32 $0x8000, v16;
	v26 =	vadd.s32 $0x8000, v19  }
0x320: {  	[tilespmem:s1+$0x820] =	vst v3;
	v3 =	vshrl.u32 v5, $0x10;
	v27 =	vand.u32 $0xFFFF0000, v26  }
0x321: {  	v28 =	vld [tilespmem:s12+$0x830];
	v3 =	vor.u32 v3, v27;
	v29 =	vadd.s32 $0x8000, v21;
	v4 =	vadd.s32 $0x8000, v22  }
0x322: {  	v30 =	vld [tilespmem:s12+$0x1830];
	[tilespmem:s14+$0x820] =	vst v3;
	v3 =	vshrl.u32 v29, $0x10;
	v4 =	vand.u32 $0xFFFF0000, v4  }
0x323: {  	v31 =	vld [tilespmem:s6+$0x830];
	v3 =	vor.u32 v3, v4;
	v32 =	vadd.s32 $0x8000, v24;
	v33 =	vadd.s32 $0x8000, v25  }
0x324: {  	v34 =	vld [tilespmem:s6+$0x1830];
	[tilespmem:s15+$0x820] =	vst v3;
	v3 =	vshrl.u32 v32, $0x10;
	v35 =	vand.u32 $0xFFFF0000, v33  }
0x325: {  	v36 =	vld [tilespmem:s13+$0x830];
	v3 =	vor.u32 v3, v35  }
0x326: {  	v37 =	vld [tilespmem:s13+$0x1830];
	[tilespmem:s17+$0x820] =	vst v3  }
0x327: {  	v3 =	vadd.s32 $0x8000, v28;
	v38 =	vadd.s32 $0x8000, v30;
	v39 =	vld [tilespmem:s4+$0x830]  }
0x328: {  	v3 =	vshrl.u32 v3, $0x10;
	v6 =	vand.u32 $0xFFFF0000, v38;
	v40 =	vld [tilespmem:s4+$0x1830]  }
0x329: {  	v3 =	vor.u32 v3, v6;
	v5 =	vadd.s32 $0x8000, v31;
	v41 =	vadd.s32 $0x8000, v34  }
0x32a: {  	[tilespmem:s1+$0x830] =	vst v3;
	v3 =	vshrl.u32 v5, $0x10;
	v42 =	vand.u32 $0xFFFF0000, v41  }
0x32b: {  	v43 =	vld [tilespmem:s12+$0x840];
	v3 =	vor.u32 v3, v42;
	v44 =	vadd.s32 $0x8000, v36;
	v4 =	vadd.s32 $0x8000, v37  }
0x32c: {  	v45 =	vld [tilespmem:s12+$0x1840];
	[tilespmem:s14+$0x830] =	vst v3;
	v3 =	vshrl.u32 v44, $0x10;
	v4 =	vand.u32 $0xFFFF0000, v4  }
0x32d: {  	v46 =	vld [tilespmem:s6+$0x840];
	v3 =	vor.u32 v3, v4;
	v47 =	vadd.s32 $0x8000, v39;
	v48 =	vadd.s32 $0x8000, v40  }
0x32e: {  	v49 =	vld [tilespmem:s6+$0x1840];
	[tilespmem:s15+$0x830] =	vst v3;
	v3 =	vshrl.u32 v47, $0x10;
	v50 =	vand.u32 $0xFFFF0000, v48  }
0x32f: {  	v51 =	vld [tilespmem:s13+$0x840];
	v3 =	vor.u32 v3, v50  }
0x330: {  	v52 =	vld [tilespmem:s13+$0x1840];
	[tilespmem:s17+$0x830] =	vst v3  }
0x331: {  	v3 =	vadd.s32 $0x8000, v43;
	v53 =	vadd.s32 $0x8000, v45;
	v54 =	vld [tilespmem:s4+$0x840]  }
0x332: {  	v3 =	vshrl.u32 v3, $0x10;
	v6 =	vand.u32 $0xFFFF0000, v53;
	v55 =	vld [tilespmem:s4+$0x1840]  }
0x333: {  	v3 =	vor.u32 v3, v6;
	v5 =	vadd.s32 $0x8000, v46;
	v56 =	vadd.s32 $0x8000, v49  }
0x334: {  	[tilespmem:s1+$0x840] =	vst v3;
	v3 =	vshrl.u32 v5, $0x10;
	v57 =	vand.u32 $0xFFFF0000, v56  }
0x335: {  	v58 =	vld [tilespmem:s12+$0x850];
	v3 =	vor.u32 v3, v57;
	v59 =	vadd.s32 $0x8000, v51;
	v4 =	vadd.s32 $0x8000, v52  }
0x336: {  	v60 =	vld [tilespmem:s12+$0x1850];
	[tilespmem:s14+$0x840] =	vst v3;
	v3 =	vshrl.u32 v59, $0x10;
	v4 =	vand.u32 $0xFFFF0000, v4  }
0x337: {  	v61 =	vld [tilespmem:s6+$0x850];
	v3 =	vor.u32 v3, v4;
	v62 =	vadd.s32 $0x8000, v54;
	v63 =	vadd.s32 $0x8000, v55  }
0x338: {  	v12 =	vld [tilespmem:s6+$0x1850];
	[tilespmem:s15+$0x840] =	vst v3;
	v3 =	vshrl.u32 v62, $0x10;
	v13 =	vand.u32 $0xFFFF0000, v63  }
0x339: {  	v14 =	vld [tilespmem:s13+$0x850];
	v3 =	vor.u32 v3, v13  }
0x33a: {  	v15 =	vld [tilespmem:s13+$0x1850];
	[tilespmem:s17+$0x840] =	vst v3  }
0x33b: {  	v3 =	vadd.s32 $0x8000, v58;
	v16 =	vadd.s32 $0x8000, v60;
	v17 =	vld [tilespmem:s4+$0x850]  }
0x33c: {  	v3 =	vshrl.u32 v3, $0x10;
	v6 =	vand.u32 $0xFFFF0000, v16;
	v18 =	vld [tilespmem:s4+$0x1850]  }
0x33d: {  	v3 =	vor.u32 v3, v6;
	v5 =	vadd.s32 $0x8000, v61;
	v19 =	vadd.s32 $0x8000, v12  }
0x33e: {  	[tilespmem:s1+$0x850] =	vst v3;
	v3 =	vshrl.u32 v5, $0x10;
	v20 =	vand.u32 $0xFFFF0000, v19  }
0x33f: {  	v21 =	vld [tilespmem:s12+$0x860];
	v3 =	vor.u32 v3, v20;
	v22 =	vadd.s32 $0x8000, v14;
	v4 =	vadd.s32 $0x8000, v15  }
0x340: {  	v23 =	vld [tilespmem:s12+$0x1860];
	[tilespmem:s14+$0x850] =	vst v3;
	v3 =	vshrl.u32 v22, $0x10;
	v4 =	vand.u32 $0xFFFF0000, v4  }
0x341: {  	v24 =	vld [tilespmem:s6+$0x860];
	v3 =	vor.u32 v3, v4;
	v25 =	vadd.s32 $0x8000, v17;
	v26 =	vadd.s32 $0x8000, v18  }
0x342: {  	v27 =	vld [tilespmem:s6+$0x1860];
	[tilespmem:s15+$0x850] =	vst v3;
	v3 =	vshrl.u32 v25, $0x10;
	v28 =	vand.u32 $0xFFFF0000, v26  }
0x343: {  	v29 =	vld [tilespmem:s13+$0x860];
	v3 =	vor.u32 v3, v28  }
0x344: {  	v30 =	vld [tilespmem:s13+$0x1860];
	[tilespmem:s17+$0x850] =	vst v3  }
0x345: {  	v3 =	vadd.s32 $0x8000, v21;
	v31 =	vadd.s32 $0x8000, v23;
	v32 =	vld [tilespmem:s4+$0x860]  }
0x346: {  	v3 =	vshrl.u32 v3, $0x10;
	v6 =	vand.u32 $0xFFFF0000, v31;
	v33 =	vld [tilespmem:s4+$0x1860]  }
0x347: {  	v3 =	vor.u32 v3, v6;
	v5 =	vadd.s32 $0x8000, v24;
	v34 =	vadd.s32 $0x8000, v27  }
0x348: {  	[tilespmem:s1+$0x860] =	vst v3;
	v3 =	vshrl.u32 v5, $0x10;
	v35 =	vand.u32 $0xFFFF0000, v34  }
0x349: {  	v36 =	vld [tilespmem:s12+$0x870];
	v3 =	vor.u32 v3, v35;
	v37 =	vadd.s32 $0x8000, v29;
	v4 =	vadd.s32 $0x8000, v30  }
0x34a: {  	v38 =	vld [tilespmem:s12+$0x1870];
	[tilespmem:s14+$0x860] =	vst v3;
	v3 =	vshrl.u32 v37, $0x10;
	v4 =	vand.u32 $0xFFFF0000, v4  }
0x34b: {  	v39 =	vld [tilespmem:s6+$0x870];
	v3 =	vor.u32 v3, v4;
	v40 =	vadd.s32 $0x8000, v32;
	v41 =	vadd.s32 $0x8000, v33  }
0x34c: {  	v42 =	vld [tilespmem:s6+$0x1870];
	[tilespmem:s15+$0x860] =	vst v3;
	v3 =	vshrl.u32 v40, $0x10;
	v43 =	vand.u32 $0xFFFF0000, v41  }
0x34d: {  	v44 =	vld [tilespmem:s13+$0x870];
	v3 =	vor.u32 v3, v43  }
0x34e: {  	v45 =	vld [tilespmem:s13+$0x1870];
	[tilespmem:s17+$0x860] =	vst v3  }
0x34f: {  	v3 =	vadd.s32 $0x8000, v36;
	v46 =	vadd.s32 $0x8000, v38;
	v47 =	vld [tilespmem:s4+$0x870]  }
0x350: {  	v3 =	vshrl.u32 v3, $0x10;
	v6 =	vand.u32 $0xFFFF0000, v46;
	v48 =	vld [tilespmem:s4+$0x1870]  }
0x351: {  	v3 =	vor.u32 v3, v6;
	v5 =	vadd.s32 $0x8000, v39;
	v49 =	vadd.s32 $0x8000, v42  }
0x352: {  	[tilespmem:s1+$0x870] =	vst v3;
	v3 =	vshrl.u32 v5, $0x10;
	v50 =	vand.u32 $0xFFFF0000, v49  }
0x353: {  	v51 =	vld [tilespmem:s12+$0xC00];
	v3 =	vor.u32 v3, v50;
	v52 =	vadd.s32 $0x8000, v44;
	v4 =	vadd.s32 $0x8000, v45  }
0x354: {  	v53 =	vld [tilespmem:s12+$0x1C00];
	[tilespmem:s14+$0x870] =	vst v3;
	v3 =	vshrl.u32 v52, $0x10;
	v4 =	vand.u32 $0xFFFF0000, v4  }
0x355: {  	v54 =	vld [tilespmem:s6+$0xC00];
	v3 =	vor.u32 v3, v4;
	v55 =	vadd.s32 $0x8000, v47;
	v56 =	vadd.s32 $0x8000, v48  }
0x356: {  	v57 =	vld [tilespmem:s6+$0x1C00];
	[tilespmem:s15+$0x870] =	vst v3;
	v3 =	vshrl.u32 v55, $0x10;
	v58 =	vand.u32 $0xFFFF0000, v56  }
0x357: {  	v59 =	vld [tilespmem:s13+$0xC00];
	v3 =	vor.u32 v3, v58  }
0x358: {  	v60 =	vld [tilespmem:s13+$0x1C00];
	[tilespmem:s17+$0x870] =	vst v3  }
0x359: {  	v3 =	vadd.s32 $0x8000, v51;
	v61 =	vadd.s32 $0x8000, v53;
	v62 =	vld [tilespmem:s4+$0xC00]  }
0x35a: {  	v3 =	vshrl.u32 v3, $0x10;
	v6 =	vand.u32 $0xFFFF0000, v61;
	v63 =	vld [tilespmem:s4+$0x1C00]  }
0x35b: {  	v3 =	vor.u32 v3, v6;
	v5 =	vadd.s32 $0x8000, v54;
	v9 =	vadd.s32 $0x8000, v57  }
0x35c: {  	[tilespmem:s1+$0xC00] =	vst v3;
	v3 =	vshrl.u32 v5, $0x10;
	v11 =	vand.u32 $0xFFFF0000, v9  }
0x35d: {  	v12 =	vld [tilespmem:s12+$0xC10];
	v3 =	vor.u32 v3, v11;
	v13 =	vadd.s32 $0x8000, v59;
	v4 =	vadd.s32 $0x8000, v60  }
0x35e: {  	v14 =	vld [tilespmem:s12+$0x1C10];
	[tilespmem:s14+$0xC00] =	vst v3;
	v3 =	vshrl.u32 v13, $0x10;
	v4 =	vand.u32 $0xFFFF0000, v4  }
0x35f: {  	v15 =	vld [tilespmem:s6+$0xC10];
	v3 =	vor.u32 v3, v4;
	v16 =	vadd.s32 $0x8000, v62;
	v17 =	vadd.s32 $0x8000, v63  }
0x360: {  	v18 =	vld [tilespmem:s6+$0x1C10];
	[tilespmem:s15+$0xC00] =	vst v3;
	v3 =	vshrl.u32 v16, $0x10;
	v19 =	vand.u32 $0xFFFF0000, v17  }
0x361: {  	v20 =	vld [tilespmem:s13+$0xC10];
	v3 =	vor.u32 v3, v19  }
0x362: {  	v21 =	vld [tilespmem:s13+$0x1C10];
	[tilespmem:s17+$0xC00] =	vst v3  }
0x363: {  	v3 =	vadd.s32 $0x8000, v12;
	v22 =	vadd.s32 $0x8000, v14;
	v23 =	vld [tilespmem:s4+$0xC10]  }
0x364: {  	v3 =	vshrl.u32 v3, $0x10;
	v6 =	vand.u32 $0xFFFF0000, v22;
	v24 =	vld [tilespmem:s4+$0x1C10]  }
0x365: {  	v3 =	vor.u32 v3, v6;
	v5 =	vadd.s32 $0x8000, v15;
	v25 =	vadd.s32 $0x8000, v18  }
0x366: {  	[tilespmem:s1+$0xC10] =	vst v3;
	v3 =	vshrl.u32 v5, $0x10;
	v26 =	vand.u32 $0xFFFF0000, v25  }
0x367: {  	v27 =	vld [tilespmem:s12+$0xC20];
	v3 =	vor.u32 v3, v26;
	v28 =	vadd.s32 $0x8000, v20;
	v4 =	vadd.s32 $0x8000, v21  }
0x368: {  	v29 =	vld [tilespmem:s12+$0x1C20];
	[tilespmem:s14+$0xC10] =	vst v3;
	v3 =	vshrl.u32 v28, $0x10;
	v4 =	vand.u32 $0xFFFF0000, v4  }
0x369: {  	v30 =	vld [tilespmem:s6+$0xC20];
	v3 =	vor.u32 v3, v4;
	v31 =	vadd.s32 $0x8000, v23;
	v32 =	vadd.s32 $0x8000, v24  }
0x36a: {  	v33 =	vld [tilespmem:s6+$0x1C20];
	[tilespmem:s15+$0xC10] =	vst v3;
	v3 =	vshrl.u32 v31, $0x10;
	v34 =	vand.u32 $0xFFFF0000, v32  }
0x36b: {  	v35 =	vld [tilespmem:s13+$0xC20];
	v3 =	vor.u32 v3, v34  }
0x36c: {  	v36 =	vld [tilespmem:s13+$0x1C20];
	[tilespmem:s17+$0xC10] =	vst v3  }
0x36d: {  	v3 =	vadd.s32 $0x8000, v27;
	v37 =	vadd.s32 $0x8000, v29;
	v38 =	vld [tilespmem:s4+$0xC20]  }
0x36e: {  	v3 =	vshrl.u32 v3, $0x10;
	v6 =	vand.u32 $0xFFFF0000, v37;
	v39 =	vld [tilespmem:s4+$0x1C20]  }
0x36f: {  	v3 =	vor.u32 v3, v6;
	v5 =	vadd.s32 $0x8000, v30;
	v40 =	vadd.s32 $0x8000, v33  }
0x370: {  	[tilespmem:s1+$0xC20] =	vst v3;
	v3 =	vshrl.u32 v5, $0x10;
	v41 =	vand.u32 $0xFFFF0000, v40  }
0x371: {  	v42 =	vld [tilespmem:s12+$0xC30];
	v3 =	vor.u32 v3, v41;
	v43 =	vadd.s32 $0x8000, v35;
	v4 =	vadd.s32 $0x8000, v36  }
0x372: {  	v44 =	vld [tilespmem:s12+$0x1C30];
	[tilespmem:s14+$0xC20] =	vst v3;
	v3 =	vshrl.u32 v43, $0x10;
	v4 =	vand.u32 $0xFFFF0000, v4  }
0x373: {  	v45 =	vld [tilespmem:s6+$0xC30];
	v3 =	vor.u32 v3, v4;
	v46 =	vadd.s32 $0x8000, v38;
	v47 =	vadd.s32 $0x8000, v39  }
0x374: {  	v48 =	vld [tilespmem:s6+$0x1C30];
	[tilespmem:s15+$0xC20] =	vst v3;
	v3 =	vshrl.u32 v46, $0x10;
	v49 =	vand.u32 $0xFFFF0000, v47  }
0x375: {  	v50 =	vld [tilespmem:s13+$0xC30];
	v3 =	vor.u32 v3, v49  }
0x376: {  	v51 =	vld [tilespmem:s13+$0x1C30];
	[tilespmem:s17+$0xC20] =	vst v3  }
0x377: {  	v3 =	vadd.s32 $0x8000, v42;
	v52 =	vadd.s32 $0x8000, v44;
	v53 =	vld [tilespmem:s4+$0xC30]  }
0x378: {  	v3 =	vshrl.u32 v3, $0x10;
	v6 =	vand.u32 $0xFFFF0000, v52;
	v54 =	vld [tilespmem:s4+$0x1C30]  }
0x379: {  	v3 =	vor.u32 v3, v6;
	v5 =	vadd.s32 $0x8000, v45;
	v55 =	vadd.s32 $0x8000, v48  }
0x37a: {  	[tilespmem:s1+$0xC30] =	vst v3;
	v3 =	vshrl.u32 v5, $0x10;
	v56 =	vand.u32 $0xFFFF0000, v55  }
0x37b: {  	v57 =	vld [tilespmem:s12+$0xC40];
	v3 =	vor.u32 v3, v56;
	v58 =	vadd.s32 $0x8000, v50;
	v4 =	vadd.s32 $0x8000, v51  }
0x37c: {  	v59 =	vld [tilespmem:s12+$0x1C40];
	[tilespmem:s14+$0xC30] =	vst v3;
	v3 =	vshrl.u32 v58, $0x10;
	v4 =	vand.u32 $0xFFFF0000, v4  }
0x37d: {  	v60 =	vld [tilespmem:s6+$0xC40];
	v3 =	vor.u32 v3, v4;
	v61 =	vadd.s32 $0x8000, v53;
	v62 =	vadd.s32 $0x8000, v54  }
0x37e: {  	v63 =	vld [tilespmem:s6+$0x1C40];
	[tilespmem:s15+$0xC30] =	vst v3;
	v3 =	vshrl.u32 v61, $0x10;
	v11 =	vand.u32 $0xFFFF0000, v62  }
0x37f: {  	v12 =	vld [tilespmem:s13+$0xC40];
	v3 =	vor.u32 v3, v11  }
0x380: {  	v13 =	vld [tilespmem:s13+$0x1C40];
	[tilespmem:s17+$0xC30] =	vst v3  }
0x381: {  	v3 =	vadd.s32 $0x8000, v57;
	v14 =	vadd.s32 $0x8000, v59;
	v15 =	vld [tilespmem:s4+$0xC40]  }
0x382: {  	v3 =	vshrl.u32 v3, $0x10;
	v6 =	vand.u32 $0xFFFF0000, v14;
	v16 =	vld [tilespmem:s4+$0x1C40]  }
0x383: {  	v3 =	vor.u32 v3, v6;
	v5 =	vadd.s32 $0x8000, v60;
	v17 =	vadd.s32 $0x8000, v63  }
0x384: {  	[tilespmem:s1+$0xC40] =	vst v3;
	v3 =	vshrl.u32 v5, $0x10;
	v18 =	vand.u32 $0xFFFF0000, v17  }
0x385: {  	v19 =	vld [tilespmem:s12+$0xC50];
	v3 =	vor.u32 v3, v18;
	v20 =	vadd.s32 $0x8000, v12;
	v4 =	vadd.s32 $0x8000, v13  }
0x386: {  	v21 =	vld [tilespmem:s12+$0x1C50];
	[tilespmem:s14+$0xC40] =	vst v3;
	v3 =	vshrl.u32 v20, $0x10;
	v4 =	vand.u32 $0xFFFF0000, v4  }
0x387: {  	v22 =	vld [tilespmem:s6+$0xC50];
	v3 =	vor.u32 v3, v4;
	v23 =	vadd.s32 $0x8000, v15;
	v24 =	vadd.s32 $0x8000, v16  }
0x388: {  	v25 =	vld [tilespmem:s6+$0x1C50];
	[tilespmem:s15+$0xC40] =	vst v3;
	v3 =	vshrl.u32 v23, $0x10;
	v26 =	vand.u32 $0xFFFF0000, v24  }
0x389: {  	v27 =	vld [tilespmem:s13+$0xC50];
	v3 =	vor.u32 v3, v26  }
0x38a: {  	v28 =	vld [tilespmem:s13+$0x1C50];
	[tilespmem:s17+$0xC40] =	vst v3  }
0x38b: {  	v3 =	vadd.s32 $0x8000, v19;
	v29 =	vadd.s32 $0x8000, v21;
	v30 =	vld [tilespmem:s4+$0xC50]  }
0x38c: {  	v3 =	vshrl.u32 v3, $0x10;
	v6 =	vand.u32 $0xFFFF0000, v29;
	v31 =	vld [tilespmem:s4+$0x1C50]  }
0x38d: {  	v3 =	vor.u32 v3, v6;
	v5 =	vadd.s32 $0x8000, v22;
	v32 =	vadd.s32 $0x8000, v25  }
0x38e: {  	[tilespmem:s1+$0xC50] =	vst v3;
	v3 =	vshrl.u32 v5, $0x10;
	v33 =	vand.u32 $0xFFFF0000, v32  }
0x38f: {  	v34 =	vld [tilespmem:s12+$0xC60];
	v3 =	vor.u32 v3, v33;
	v35 =	vadd.s32 $0x8000, v27;
	v4 =	vadd.s32 $0x8000, v28  }
0x390: {  	v36 =	vld [tilespmem:s12+$0x1C60];
	[tilespmem:s14+$0xC50] =	vst v3;
	v3 =	vshrl.u32 v35, $0x10;
	v4 =	vand.u32 $0xFFFF0000, v4  }
0x391: {  	v37 =	vld [tilespmem:s6+$0xC60];
	v3 =	vor.u32 v3, v4;
	v38 =	vadd.s32 $0x8000, v30;
	v39 =	vadd.s32 $0x8000, v31  }
0x392: {  	v40 =	vld [tilespmem:s6+$0x1C60];
	[tilespmem:s15+$0xC50] =	vst v3;
	v3 =	vshrl.u32 v38, $0x10;
	v41 =	vand.u32 $0xFFFF0000, v39  }
0x393: {  	v42 =	vld [tilespmem:s13+$0xC60];
	v3 =	vor.u32 v3, v41  }
0x394: {  	v43 =	vld [tilespmem:s13+$0x1C60];
	[tilespmem:s17+$0xC50] =	vst v3  }
0x395: {  	v3 =	vadd.s32 $0x8000, v34;
	v44 =	vadd.s32 $0x8000, v36;
	v45 =	vld [tilespmem:s4+$0xC60]  }
0x396: {  	v3 =	vshrl.u32 v3, $0x10;
	v6 =	vand.u32 $0xFFFF0000, v44;
	v46 =	vld [tilespmem:s4+$0x1C60]  }
0x397: {  	v3 =	vor.u32 v3, v6;
	v5 =	vadd.s32 $0x8000, v37;
	v47 =	vadd.s32 $0x8000, v40  }
0x398: {  	[tilespmem:s1+$0xC60] =	vst v3;
	v3 =	vshrl.u32 v5, $0x10;
	v48 =	vand.u32 $0xFFFF0000, v47  }
0x399: {  	v49 =	vld [tilespmem:s12+$0xC70];
	v3 =	vor.u32 v3, v48;
	v50 =	vadd.s32 $0x8000, v42;
	v4 =	vadd.s32 $0x8000, v43  }
0x39a: {  	v51 =	vld [tilespmem:s12+$0x1C70];
	[tilespmem:s14+$0xC60] =	vst v3;
	v3 =	vshrl.u32 v50, $0x10;
	v4 =	vand.u32 $0xFFFF0000, v4  }
0x39b: {  	v52 =	vld [tilespmem:s6+$0xC70];
	v3 =	vor.u32 v3, v4;
	v53 =	vadd.s32 $0x8000, v45;
	v54 =	vadd.s32 $0x8000, v46  }
0x39c: {  	v55 =	vld [tilespmem:s6+$0x1C70];
	[tilespmem:s15+$0xC60] =	vst v3;
	v3 =	vshrl.u32 v53, $0x10;
	v56 =	vand.u32 $0xFFFF0000, v54  }
0x39d: {  	v57 =	vld [tilespmem:s13+$0xC70];
	v3 =	vor.u32 v3, v56  }
0x39e: {  	v58 =	vld [tilespmem:s13+$0x1C70];
	[tilespmem:s17+$0xC60] =	vst v3  }
0x39f: {  	v3 =	vld [tilespmem:s4+$0xC70]  }
0x3a0: {  	v6 =	vadd.s32 $0x8000, v49;
	v7 =	vadd.s32 $0x8000, v51;
	v59 =	vld [tilespmem:s4+$0x1C70]  }
0x3a1: {  	v6 =	vshrl.u32 v6, $0x10;
	v7 =	vand.u32 $0xFFFF0000, v7  }
0x3a2: {  	v6 =	vor.u32 v6, v7;
	v5 =	vadd.s32 $0x8000, v52;
	v60 =	vadd.s32 $0x8000, v55  }
0x3a3: {  	p0 =	slt.u32 s31, $0x1C;
	v5 =	vshrl.u32 v5, $0x10;
	v7 =	vand.u32 $0xFFFF0000, v60;
	v8 =	vadd.s32 $0x8000, v57  }
.Ltmp5:
0x3a4: {  	v5 =	vor.u32 v5, v7;
	v4 =	vadd.s32 $0x8000, v58;
	v61 =	vshrl.u32 v8, $0x10;
	(pc) =	sbr.rel @p0 .LBB2_11-.Ltmp5, $4  }
0x3a5: {  	[tilespmem:s1+$0xC70] =	vst v6;
	v4 =	vand.u32 $0xFFFF0000, v4;
	v3 =	vadd.s32 $0x8000, v3;
	v62 =	vadd.s32 $0x8000, v59  }
0x3a6: {  	[tilespmem:s14+$0xC70] =	vst v5;
	v4 =	vor.u32 v61, v4;
	v3 =	vshrl.u32 v3, $0x10;
	v63 =	vand.u32 $0xFFFF0000, v62  }
0x3a7: {  	[tilespmem:s15+$0xC70] =	vst v4;
	v3 =	vor.u32 v3, v63  }
0x3a8: {  	s0 =	sadd.s32 $0x200, s0;
	[tilespmem:s17+$0xC70] =	vst v3  }
0x3a9: {  	s28 =	sadd.s32 $0x1, s28  }
0x3aa: {  	p0 =	sne.s32 s28, $0x20  }
.Ltmp6:
0x3ab: {  	_ = 	snop;
	(pc) =	sbr.rel @p0 .LBB2_4-.Ltmp6, $4  }
0x3ac: {  	s0 =	sshll.u32 s29, $0xB  }
0x3ad: {  	s1 =	sadd.s32 s5, s30;
	s0 =	sand.u32 $0x3800, s0  }
0x3ae: {  	s0 =	sadd.s32 s0, s1  }
0x3af: {  	[hbm4b:s0+s3] =	stream.linear.scatter [tilespmem:s26], [sflag:$0x4], $0x4000, $0x38;
	[tilespmem:$0x19180] =	vst v63  }
0x3b0: {  	s0 =	simm.s32 $0x3  }
0x3b1: {  	_ =	swait.ge [sflag:s0], $0x4000  }
0x3b2: {  	[sflag:s0] =	ssyncset.done $0x0  }
0x3b3: {  	[sflag:s0] =	ssyncadd.s32 $0xFFFFC000  }
0x3b4: {  	_ =	swait.ge [sflag:s25], $0x4000  }
0x3b5: {  	s1 =	rddreg [dreg:$0x7]  }
0x3b6: {  	s31 =	rddreg [dreg:$0x6];
	s1 =	sadd.s32 $0x1, s1  }
0x3b7: {  	p0 =	sne.s32 s1, s31  }
.Ltmp7:
0x3b8: {  	_ = 	snop;
	(pc) =	sbr.rel @p0 .LBB2_1-.Ltmp7, $3  }
0x3b9: {  	_ =	sdelay $0x1  }
0x3ba: {  	[sflag:s25] =	ssyncset.done $0x0  }
0x3bb: {  	[sflag:s25] =	ssyncadd.s32 $0xFFFFC000  }
0x3bc: {  	_ =	sfence.sel $0x180000  }
0x3bd: {  	[bflag:$0x0] =	sbarrier.arrive $0xFFFF  }
0x3be: {  	_ =	strace $0x90000047  }
0x3bf: {  	s0 =	stileid.u32;
	[bflag:$0x2] =	sbarrier.arrive $0xFFFF  }
0x3c0: {  	p0 =	sne.s32 s0, $0x0;
	s0 =	rddreg [dreg:$0x3]  }
0x3c1: {  	s0 =	sadd.s32 @!p0 $0x100000, s0  }
0x3c2: {  	[sflag:s0] =	ssyncadd.tile.s32 @!p0 $0x1;
	_ =	shalt  }
.Lfunc_end2:
_tile_overlayer_lowered:
.L_overlay_start_2:
0x3c3: {  	(tag) =	ssettag $0x2  }
0x3c4: {  	s0 =	rddreg [dreg:$0x0];
	s2 =	stileid.u32  }
0x3c5: {  	s1 =	rddreg [dreg:$0x1];
	p0 =	sne.s32 s2, $0x0  }
0x3c6: {  	s3 =	rddreg [dreg:$0x2];
	[bflag:$0x3] =	sbarrier.arrive $0xFFFF;
	s2 =	simm.s32 @!p0 $0x1C05  }
0x3c7: {  	[timem:s3], [sflag:s2] =	dma.local @!p0 [hbm:s0], s1  }
0x3c8: {  	s0 =	simm.s32 @!p0 $0x5  }
0x3c9: {  	_ =	swait.ge @!p0 [sflag:s0], s1  }
0x3ca: {  	s1 =	ssub.s32 @!p0 $0x0, s1;
	[sflag:s0] =	ssyncset.done @!p0 $0x0  }
0x3cb: {  	[sflag:s0] =	ssyncadd.s32 @!p0 s1  }
0x3cc: {  	[bflag:$0x3] =	sbarrier.arrive $0xFFFF  }
0x3cd: {  	_ =	shalt  }

</sc_bundles>
